<compile_context>
chip_gen: v7x
topology: tpu7x:2x2x1
jax: 0.10.2.dev20260603
libtpu: 0.0.44.dev20260713+nightly
codegen_flags: <defaults>
</compile_context>

<pallas_src>
import functools

import jax
import jax.numpy as jnp
from jax import lax
from jax.experimental import pallas as pl
from jax.experimental.pallas import tpu as pltpu
from jax.experimental.pallas import tpu_sc as plsc

N_ROWS = 2_000_000
C = 10
NC, NS = 2, 16
NW = NC * NS
BASE = (N_ROWS // (NW * 128)) * 128
TAIL = N_ROWS - NW * BASE
TSTART = NW * BASE
NTW = TAIL // 128
R = 1024
NCH = BASE // R
NPAIR = NCH // 2
G = R // 16

LOWERS = (0.0, 0.06666667014360428, 0.13333334028720856, 0.20000001788139343,
          0.2666666805744171, 0.3333333432674408, 0.40000003576278687,
          0.46666669845581055, 0.5333333611488342, 0.6000000238418579,
          0.6666666865348816, 0.7333333492279053, 0.8000000715255737,
          0.8666667342185974, 0.9333333969116211)

_mesh = plsc.VectorSubcoreMesh(core_axis_name="c", subcore_axis_name="s",
                               num_cores=NC, num_subcores=NS)
_params = pltpu.CompilerParams(needs_layout_passes=False,
                               use_tc_tiling_on_sc=True)


@functools.partial(
    pl.kernel,
    out_type=jax.ShapeDtypeStruct((NW * 64,), jnp.float32),
    mesh=_mesh,
    scratch_types=[
        pltpu.VMEM((C, R), jnp.float32),
        pltpu.VMEM((C, R), jnp.float32),
        pltpu.VMEM((R,), jnp.int32),
        pltpu.VMEM((R,), jnp.int32),
        pltpu.VMEM((C, 128), jnp.float32),
        pltpu.VMEM((128,), jnp.int32),
        pltpu.VMEM((256,), jnp.float32),
        pltpu.VMEM((256,), jnp.float32),
        pltpu.VMEM((256,), jnp.float32),
        pltpu.VMEM((16,), jnp.float32),
        pltpu.VMEM((64,), jnp.float32),
        pltpu.SemaphoreType.DMA,
        pltpu.SemaphoreType.DMA,
        pltpu.SemaphoreType.DMA,
        pltpu.SemaphoreType.DMA,
    ],
    compiler_params=_params,
)
def _partials_kernel(pt_hbm, labels_hbm, out_hbm,
                     pbuf0, pbuf1, lbuf0, lbuf1, tbuf, tlbuf,
                     cnt_acc, conf_acc, acc_acc, bri_acc, partial,
                     psem0, psem1, lsem0, lsem1):
    wid = lax.axis_index("s") * NC + lax.axis_index("c")
    row0 = wid * BASE
    lane = lax.iota(jnp.int32, 16)
    zeros = jnp.zeros((16,), jnp.float32)
    ones = jnp.ones((16,), jnp.float32)

    for off in range(0, 256, 16):
        cnt_acc[pl.ds(off, 16)] = zeros
        conf_acc[pl.ds(off, 16)] = zeros
        acc_acc[pl.ds(off, 16)] = zeros
    bri_acc[...] = zeros

    def issue(pb, lb, ps, ls, ci):
        r0 = pl.multiple_of(row0 + ci * R, 128)
        pltpu.make_async_copy(pt_hbm.at[:, pl.ds(r0, R)], pb, ps).start()
        pltpu.make_async_copy(labels_hbm.at[pl.ds(r0, R)], lb, ls).start()

    def wait(pb, lb, ps, ls, ci):
        r0 = pl.multiple_of(row0 + ci * R, 128)
        pltpu.make_async_copy(pt_hbm.at[:, pl.ds(r0, R)], pb, ps).wait()
        pltpu.make_async_copy(labels_hbm.at[pl.ds(r0, R)], lb, ls).wait()

    def consume(pb, lb, ngroups):
        def group(o):
            rows = o + lane
            lab = lb[pl.ds(o, 16)]
            v = pb[0, pl.ds(o, 16)]
            s = v
            m = v
            sq = v * v
            for c in range(1, C):
                v = pb[c, pl.ds(o, 16)]
                s = s + v
                m = jnp.maximum(m, v)
                sq = sq + v * v
            sel = plsc.load_gather(pb, [lab, rows])
            inv = 1.0 / s
            conf = m * inv
            accv = (sel == m).astype(jnp.float32)
            bri_t = sq * inv * inv - 2.0 * sel * inv + 1.0
            b = (conf > LOWERS[1]).astype(jnp.int32)
            for k in range(2, 15):
                b = b + (conf > LOWERS[k]).astype(jnp.int32)
            return conf, accv, bri_t, lane * 16 + b

        def body(j, carry):
            o = pl.multiple_of(j * 64, 64)
            res = [group(o + 16 * u) for u in range(4)]
            bri_acc[...] = bri_acc[...] + ((res[0][2] + res[1][2])
                                           + (res[2][2] + res[3][2]))
            for conf_u, acc_u, _, idx_u in res:
                plsc.addupdate_scatter(cnt_acc, [idx_u], ones)
                plsc.addupdate_scatter(conf_acc, [idx_u], conf_u)
                plsc.addupdate_scatter(acc_acc, [idx_u], acc_u)
            return carry
        lax.fori_loop(0, ngroups // 4, body, 0)

    issue(pbuf0, lbuf0, psem0, lsem0, 0)

    def pair(j, carry):
        c0 = 2 * j
        issue(pbuf1, lbuf1, psem1, lsem1, c0 + 1)
        wait(pbuf0, lbuf0, psem0, lsem0, c0)
        consume(pbuf0, lbuf0, G)
        issue(pbuf0, lbuf0, psem0, lsem0, c0 + 2)
        wait(pbuf1, lbuf1, psem1, lsem1, c0 + 1)
        consume(pbuf1, lbuf1, G)
        return carry

    lax.fori_loop(0, NPAIR, pair, 0)
    wait(pbuf0, lbuf0, psem0, lsem0, NCH - 1)
    consume(pbuf0, lbuf0, G)

    if TAIL:
        @pl.when(wid < NTW)
        def _():
            t0 = pl.multiple_of(TSTART + wid * 128, 128)
            pltpu.make_async_copy(pt_hbm.at[:, pl.ds(t0, 128)], tbuf,
                                  psem1).start()
            pltpu.make_async_copy(labels_hbm.at[pl.ds(t0, 128)], tlbuf,
                                  lsem1).start()
            pltpu.make_async_copy(pt_hbm.at[:, pl.ds(t0, 128)], tbuf,
                                  psem1).wait()
            pltpu.make_async_copy(labels_hbm.at[pl.ds(t0, 128)], tlbuf,
                                  lsem1).wait()
            consume(tbuf, tlbuf, 8)

    cnt = cnt_acc[pl.ds(0, 16)]
    cf = conf_acc[pl.ds(0, 16)]
    ac = acc_acc[pl.ds(0, 16)]
    for l in range(1, 16):
        cnt = cnt + cnt_acc[pl.ds(16 * l, 16)]
        cf = cf + conf_acc[pl.ds(16 * l, 16)]
        ac = ac + acc_acc[pl.ds(16 * l, 16)]
    partial[pl.ds(0, 16)] = cnt
    partial[pl.ds(16, 16)] = cf
    partial[pl.ds(32, 16)] = ac
    partial[pl.ds(48, 16)] = bri_acc[...]
    off = pl.multiple_of(wid * 64, 8)
    pltpu.sync_copy(partial, out_hbm.at[pl.ds(off, 64)])


@functools.partial(
    pl.kernel,
    out_type=jax.ShapeDtypeStruct((16,), jnp.float32),
    mesh=_mesh,
    scratch_types=[
        pltpu.VMEM((NW * 64,), jnp.float32),
        pltpu.VMEM((16,), jnp.float32),
    ],
    compiler_params=_params,
)
def _finalize_kernel(partials_hbm, out_hbm, buf, obuf):
    wid = lax.axis_index("s") * NC + lax.axis_index("c")

    @pl.when(wid == 0)
    def _():
        pltpu.sync_copy(partials_hbm, buf)
        cnt = buf[pl.ds(0, 16)]
        cf = buf[pl.ds(16, 16)]
        ac = buf[pl.ds(32, 16)]
        bri = buf[pl.ds(48, 16)]
        for w in range(1, NW):
            o = w * 64
            cnt = cnt + buf[pl.ds(o, 16)]
            cf = cf + buf[pl.ds(o + 16, 16)]
            ac = ac + buf[pl.ds(o + 32, 16)]
            bri = bri + buf[pl.ds(o + 48, 16)]
        n = jnp.float32(N_ROWS)
        prop = cnt / n
        safe = jnp.maximum(cnt, 1.0)
        gap = jnp.abs(cf / safe - ac / safe)
        gapv = jnp.where(cnt > 0.0, gap, 0.0)
        ece = jnp.sum(gapv * prop)
        max_err = jnp.max(gapv)
        brim = jnp.sum(bri / n)
        lane = lax.iota(jnp.int32, 16)
        obuf[...] = (jnp.where(lane == 0, ece, 0.0)
                     + jnp.where(lane == 1, max_err, 0.0)
                     + jnp.where(lane == 2, brim, 0.0))
        pltpu.sync_copy(obuf, out_hbm)


def kernel(probs, labels):
    pt = probs.T
    lab = labels.astype(jnp.int32)
    partials = _partials_kernel(pt, lab)
    res = _finalize_kernel(partials)
    return (res[0:1], res[1:2], res[2])

# --- scband reference (transcript-rebuilt; emitter-appended) ---
"""Pipeline reference for scband-eceloss-26740466385000 (READ-ONLY COPY).

The authoritative reference and input builder live on the scoring server;
editing this copy changes nothing except your own understanding.
"""

import jax, jax.numpy as jnp
import numpy as np

N_BINS = 15
TEMP = 1.0


def setup_inputs(seed: int = 0) -> dict:
    key = jax.random.key(seed)
    k1, k2 = jax.random.split(key)
    N, C = 2000000, 10
    probs = jax.random.uniform(k1, (N, C), dtype=jnp.float32)
    labels = jax.random.randint(k2, (N,), 0, C, dtype=jnp.int64) if jax.config.jax_enable_x64 else jax.random.randint(k2, (N,), 0, C, dtype=jnp.int32)
    return {"probs": probs, "labels": labels}


def reference(probs, labels):
    # apply_log=True branch: softmax(log(probs)/temp)
    p = jax.nn.softmax(jnp.log(probs) / TEMP, axis=-1)
    confidences = jnp.max(p, axis=1)
    predictions = jnp.argmax(p, axis=1)
    accuracies = (predictions == labels).astype(p.dtype)
    y_one_hot = jax.nn.one_hot(labels, p.shape[1], dtype=p.dtype)
    # bri = mean over rows of squared L2 norm of (probs - one_hot)
    bri = jnp.mean(jnp.sum((p - y_one_hot) ** 2, axis=1))

    bin_boundaries = jnp.linspace(0.0, 1.0, N_BINS + 1)
    bin_lowers = bin_boundaries[:-1]
    bin_uppers = bin_boundaries[1:]
    # membership mask per bin: (conf > lower) & (conf <= upper), shape [n_bins, N]
    in_bin = (confidences[None, :] > bin_lowers[:, None]) & (confidences[None, :] <= bin_uppers[:, None])
    in_bin_f = in_bin.astype(p.dtype)
    counts = jnp.sum(in_bin_f, axis=1)
    n = jnp.asarray(confidences.shape[0], p.dtype)
    prop_in_bin = counts / n
    safe_counts = jnp.maximum(counts, 1.0)
    accuracy_in_bin = (in_bin_f @ accuracies) / safe_counts
    avg_confidence_in_bin = (in_bin_f @ confidences) / safe_counts
    gap = jnp.abs(avg_confidence_in_bin - accuracy_in_bin)
    valid = counts > 0
    ece = jnp.sum(jnp.where(valid, gap * prop_in_bin, 0.0)).reshape(1)
    # max_err starts at 0.0 in the original code
    max_err = jnp.max(jnp.where(valid, gap, 0.0)).reshape(1)
    return (ece, max_err, bri)

if __name__ == "__main__":
    import jax
    _d = setup_inputs()
    print(jax.jit(kernel)(*tuple(_d.values())))

</pallas_src>

<mosaic_0001>
#map = affine_map<(d0, d1) -> (0, 0)>
#map1 = affine_map<(d0, d1) -> (0)>
module attributes {stable_mosaic.version = 14 : i64} {
  func.func @_partials_kernel(%arg0: i32, %arg1: i32, %arg2: memref<10x2000000xf32, #tpu.memory_space<hbm>>, %arg3: memref<2000000xi32, #tpu.memory_space<hbm>>, %arg4: memref<2048xf32, #tpu.memory_space<hbm>>, %arg5: memref<10x1024xf32, #tpu.memory_space<vmem>>, %arg6: memref<10x1024xf32, #tpu.memory_space<vmem>>, %arg7: memref<1024xi32, #tpu.memory_space<vmem>>, %arg8: memref<1024xi32, #tpu.memory_space<vmem>>, %arg9: memref<10x128xf32, #tpu.memory_space<vmem>>, %arg10: memref<128xi32, #tpu.memory_space<vmem>>, %arg11: memref<256xf32, #tpu.memory_space<vmem>>, %arg12: memref<256xf32, #tpu.memory_space<vmem>>, %arg13: memref<256xf32, #tpu.memory_space<vmem>>, %arg14: memref<16xf32, #tpu.memory_space<vmem>>, %arg15: memref<64xf32, #tpu.memory_space<vmem>>, %arg16: memref<!tpu.dma_semaphore, #tpu.memory_space<semaphore_mem>>, %arg17: memref<!tpu.dma_semaphore, #tpu.memory_space<semaphore_mem>>, %arg18: memref<!tpu.dma_semaphore, #tpu.memory_space<semaphore_mem>>, %arg19: memref<!tpu.dma_semaphore, #tpu.memory_space<semaphore_mem>>) attributes {dimension_semantics = [#tpu.dimension_semantics<core_parallel>, #tpu.dimension_semantics<subcore_parallel>], iteration_bounds = array<i64: 2, 16>, scalar_prefetch = 0 : i64, scratch_operands = 15 : i64, tpu.core_type = #tpu.core_type<sc_vector_subcore>, window_params = [{transform_indices = #map}, {transform_indices = #map1}, {transform_indices = #map1}]} {
    %mul3A = arith.constant 2 : i32
    %mul3A_0 = arith.muli %arg1, %mul3A : i32
    %add3A = arith.addi %mul3A_0, %arg0 : i32
    %mul3A_1 = arith.constant 62464 : i32
    %mul3A_2 = arith.muli %add3A, %mul3A_1 : i32
    %iota3A = tpu.iota {dimensions = array<i32: 0>} : vector<16xi32>
    %broadcast_in_dim3A = arith.constant 0.000000e+00 : f32
    %broadcast_in_dim3A_3 = vector.broadcast %broadcast_in_dim3A : f32 to vector<16xf32>
    %broadcast_in_dim3A_4 = arith.constant 1.000000e+00 : f32
    %broadcast_in_dim3A_5 = vector.broadcast %broadcast_in_dim3A_4 : f32 to vector<16xf32>
    %swap3A = arith.constant 0 : index
    %swap3A_6 = tpu.vector_load %arg11[%swap3A] {strides = array<i32>} : memref<256xf32, #tpu.memory_space<vmem>>, vector<16xf32>,
    tpu.vector_store %arg11[%swap3A], %broadcast_in_dim3A_3 {strides = array<i32>} : memref<256xf32, #tpu.memory_space<vmem>>, vector<16xf32>,
    %swap3A_7 = arith.constant 0 : index
    %swap3A_8 = tpu.vector_load %arg12[%swap3A_7] {strides = array<i32>} : memref<256xf32, #tpu.memory_space<vmem>>, vector<16xf32>,
    tpu.vector_store %arg12[%swap3A_7], %broadcast_in_dim3A_3 {strides = array<i32>} : memref<256xf32, #tpu.memory_space<vmem>>, vector<16xf32>,
    %swap3A_9 = arith.constant 0 : index
    %swap3A_10 = tpu.vector_load %arg13[%swap3A_9] {strides = array<i32>} : memref<256xf32, #tpu.memory_space<vmem>>, vector<16xf32>,
    tpu.vector_store %arg13[%swap3A_9], %broadcast_in_dim3A_3 {strides = array<i32>} : memref<256xf32, #tpu.memory_space<vmem>>, vector<16xf32>,
    %swap3A_11 = arith.constant 16 : index
    %swap3A_12 = tpu.vector_load %arg11[%swap3A_11] {strides = array<i32>} : memref<256xf32, #tpu.memory_space<vmem>>, vector<16xf32>,
    tpu.vector_store %arg11[%swap3A_11], %broadcast_in_dim3A_3 {strides = array<i32>} : memref<256xf32, #tpu.memory_space<vmem>>, vector<16xf32>,
    %swap3A_13 = arith.constant 16 : index
    %swap3A_14 = tpu.vector_load %arg12[%swap3A_13] {strides = array<i32>} : memref<256xf32, #tpu.memory_space<vmem>>, vector<16xf32>,
    tpu.vector_store %arg12[%swap3A_13], %broadcast_in_dim3A_3 {strides = array<i32>} : memref<256xf32, #tpu.memory_space<vmem>>, vector<16xf32>,
    %swap3A_15 = arith.constant 16 : index
    %swap3A_16 = tpu.vector_load %arg13[%swap3A_15] {strides = array<i32>} : memref<256xf32, #tpu.memory_space<vmem>>, vector<16xf32>,
    tpu.vector_store %arg13[%swap3A_15], %broadcast_in_dim3A_3 {strides = array<i32>} : memref<256xf32, #tpu.memory_space<vmem>>, vector<16xf32>,
    %swap3A_17 = arith.constant 32 : index
    %swap3A_18 = tpu.vector_load %arg11[%swap3A_17] {strides = array<i32>} : memref<256xf32, #tpu.memory_space<vmem>>, vector<16xf32>,
    tpu.vector_store %arg11[%swap3A_17], %broadcast_in_dim3A_3 {strides = array<i32>} : memref<256xf32, #tpu.memory_space<vmem>>, vector<16xf32>,
    %swap3A_19 = arith.constant 32 : index
    %swap3A_20 = tpu.vector_load %arg12[%swap3A_19] {strides = array<i32>} : memref<256xf32, #tpu.memory_space<vmem>>, vector<16xf32>,
    tpu.vector_store %arg12[%swap3A_19], %broadcast_in_dim3A_3 {strides = array<i32>} : memref<256xf32, #tpu.memory_space<vmem>>, vector<16xf32>,
    %swap3A_21 = arith.constant 32 : index
    %swap3A_22 = tpu.vector_load %arg13[%swap3A_21] {strides = array<i32>} : memref<256xf32, #tpu.memory_space<vmem>>, vector<16xf32>,
    tpu.vector_store %arg13[%swap3A_21], %broadcast_in_dim3A_3 {strides = array<i32>} : memref<256xf32, #tpu.memory_space<vmem>>, vector<16xf32>,
    %swap3A_23 = arith.constant 48 : index
    %swap3A_24 = tpu.vector_load %arg11[%swap3A_23] {strides = array<i32>} : memref<256xf32, #tpu.memory_space<vmem>>, vector<16xf32>,
    tpu.vector_store %arg11[%swap3A_23], %broadcast_in_dim3A_3 {strides = array<i32>} : memref<256xf32, #tpu.memory_space<vmem>>, vector<16xf32>,
    %swap3A_25 = arith.constant 48 : index
    %swap3A_26 = tpu.vector_load %arg12[%swap3A_25] {strides = array<i32>} : memref<256xf32, #tpu.memory_space<vmem>>, vector<16xf32>,
    tpu.vector_store %arg12[%swap3A_25], %broadcast_in_dim3A_3 {strides = array<i32>} : memref<256xf32, #tpu.memory_space<vmem>>, vector<16xf32>,
    %swap3A_27 = arith.constant 48 : index
    %swap3A_28 = tpu.vector_load %arg13[%swap3A_27] {strides = array<i32>} : memref<256xf32, #tpu.memory_space<vmem>>, vector<16xf32>,
    tpu.vector_store %arg13[%swap3A_27], %broadcast_in_dim3A_3 {strides = array<i32>} : memref<256xf32, #tpu.memory_space<vmem>>, vector<16xf32>,
    %swap3A_29 = arith.constant 64 : index
    %swap3A_30 = tpu.vector_load %arg11[%swap3A_29] {strides = array<i32>} : memref<256xf32, #tpu.memory_space<vmem>>, vector<16xf32>,
    tpu.vector_store %arg11[%swap3A_29], %broadcast_in_dim3A_3 {strides = array<i32>} : memref<256xf32, #tpu.memory_space<vmem>>, vector<16xf32>,
    %swap3A_31 = arith.constant 64 : index
    %swap3A_32 = tpu.vector_load %arg12[%swap3A_31] {strides = array<i32>} : memref<256xf32, #tpu.memory_space<vmem>>, vector<16xf32>,
    tpu.vector_store %arg12[%swap3A_31], %broadcast_in_dim3A_3 {strides = array<i32>} : memref<256xf32, #tpu.memory_space<vmem>>, vector<16xf32>,
    %swap3A_33 = arith.constant 64 : index
    %swap3A_34 = tpu.vector_load %arg13[%swap3A_33] {strides = array<i32>} : memref<256xf32, #tpu.memory_space<vmem>>, vector<16xf32>,
    tpu.vector_store %arg13[%swap3A_33], %broadcast_in_dim3A_3 {strides = array<i32>} : memref<256xf32, #tpu.memory_space<vmem>>, vector<16xf32>,
    %swap3A_35 = arith.constant 80 : index
    %swap3A_36 = tpu.vector_load %arg11[%swap3A_35] {strides = array<i32>} : memref<256xf32, #tpu.memory_space<vmem>>, vector<16xf32>,
    tpu.vector_store %arg11[%swap3A_35], %broadcast_in_dim3A_3 {strides = array<i32>} : memref<256xf32, #tpu.memory_space<vmem>>, vector<16xf32>,
    %swap3A_37 = arith.constant 80 : index
    %swap3A_38 = tpu.vector_load %arg12[%swap3A_37] {strides = array<i32>} : memref<256xf32, #tpu.memory_space<vmem>>, vector<16xf32>,
    tpu.vector_store %arg12[%swap3A_37], %broadcast_in_dim3A_3 {strides = array<i32>} : memref<256xf32, #tpu.memory_space<vmem>>, vector<16xf32>,
    %swap3A_39 = arith.constant 80 : index
    %swap3A_40 = tpu.vector_load %arg13[%swap3A_39] {strides = array<i32>} : memref<256xf32, #tpu.memory_space<vmem>>, vector<16xf32>,
    tpu.vector_store %arg13[%swap3A_39], %broadcast_in_dim3A_3 {strides = array<i32>} : memref<256xf32, #tpu.memory_space<vmem>>, vector<16xf32>,
    %swap3A_41 = arith.constant 96 : index
    %swap3A_42 = tpu.vector_load %arg11[%swap3A_41] {strides = array<i32>} : memref<256xf32, #tpu.memory_space<vmem>>, vector<16xf32>,
    tpu.vector_store %arg11[%swap3A_41], %broadcast_in_dim3A_3 {strides = array<i32>} : memref<256xf32, #tpu.memory_space<vmem>>, vector<16xf32>,
    %swap3A_43 = arith.constant 96 : index
    %swap3A_44 = tpu.vector_load %arg12[%swap3A_43] {strides = array<i32>} : memref<256xf32, #tpu.memory_space<vmem>>, vector<16xf32>,
    tpu.vector_store %arg12[%swap3A_43], %broadcast_in_dim3A_3 {strides = array<i32>} : memref<256xf32, #tpu.memory_space<vmem>>, vector<16xf32>,
    %swap3A_45 = arith.constant 96 : index
    %swap3A_46 = tpu.vector_load %arg13[%swap3A_45] {strides = array<i32>} : memref<256xf32, #tpu.memory_space<vmem>>, vector<16xf32>,
    tpu.vector_store %arg13[%swap3A_45], %broadcast_in_dim3A_3 {strides = array<i32>} : memref<256xf32, #tpu.memory_space<vmem>>, vector<16xf32>,
    %swap3A_47 = arith.constant 112 : index
    %swap3A_48 = tpu.vector_load %arg11[%swap3A_47] {strides = array<i32>} : memref<256xf32, #tpu.memory_space<vmem>>, vector<16xf32>,
    tpu.vector_store %arg11[%swap3A_47], %broadcast_in_dim3A_3 {strides = array<i32>} : memref<256xf32, #tpu.memory_space<vmem>>, vector<16xf32>,
    %swap3A_49 = arith.constant 112 : index
    %swap3A_50 = tpu.vector_load %arg12[%swap3A_49] {strides = array<i32>} : memref<256xf32, #tpu.memory_space<vmem>>, vector<16xf32>,
    tpu.vector_store %arg12[%swap3A_49], %broadcast_in_dim3A_3 {strides = array<i32>} : memref<256xf32, #tpu.memory_space<vmem>>, vector<16xf32>,
    %swap3A_51 = arith.constant 112 : index
    %swap3A_52 = tpu.vector_load %arg13[%swap3A_51] {strides = array<i32>} : memref<256xf32, #tpu.memory_space<vmem>>, vector<16xf32>,
    tpu.vector_store %arg13[%swap3A_51], %broadcast_in_dim3A_3 {strides = array<i32>} : memref<256xf32, #tpu.memory_space<vmem>>, vector<16xf32>,
    %swap3A_53 = arith.constant 128 : index
    %swap3A_54 = tpu.vector_load %arg11[%swap3A_53] {strides = array<i32>} : memref<256xf32, #tpu.memory_space<vmem>>, vector<16xf32>,
    tpu.vector_store %arg11[%swap3A_53], %broadcast_in_dim3A_3 {strides = array<i32>} : memref<256xf32, #tpu.memory_space<vmem>>, vector<16xf32>,
    %swap3A_55 = arith.constant 128 : index
    %swap3A_56 = tpu.vector_load %arg12[%swap3A_55] {strides = array<i32>} : memref<256xf32, #tpu.memory_space<vmem>>, vector<16xf32>,
    tpu.vector_store %arg12[%swap3A_55], %broadcast_in_dim3A_3 {strides = array<i32>} : memref<256xf32, #tpu.memory_space<vmem>>, vector<16xf32>,
    %swap3A_57 = arith.constant 128 : index
    %swap3A_58 = tpu.vector_load %arg13[%swap3A_57] {strides = array<i32>} : memref<256xf32, #tpu.memory_space<vmem>>, vector<16xf32>,
    tpu.vector_store %arg13[%swap3A_57], %broadcast_in_dim3A_3 {strides = array<i32>} : memref<256xf32, #tpu.memory_space<vmem>>, vector<16xf32>,
    %swap3A_59 = arith.constant 144 : index
    %swap3A_60 = tpu.vector_load %arg11[%swap3A_59] {strides = array<i32>} : memref<256xf32, #tpu.memory_space<vmem>>, vector<16xf32>,
    tpu.vector_store %arg11[%swap3A_59], %broadcast_in_dim3A_3 {strides = array<i32>} : memref<256xf32, #tpu.memory_space<vmem>>, vector<16xf32>,
    %swap3A_61 = arith.constant 144 : index
    %swap3A_62 = tpu.vector_load %arg12[%swap3A_61] {strides = array<i32>} : memref<256xf32, #tpu.memory_space<vmem>>, vector<16xf32>,
    tpu.vector_store %arg12[%swap3A_61], %broadcast_in_dim3A_3 {strides = array<i32>} : memref<256xf32, #tpu.memory_space<vmem>>, vector<16xf32>,
    %swap3A_63 = arith.constant 144 : index
    %swap3A_64 = tpu.vector_load %arg13[%swap3A_63] {strides = array<i32>} : memref<256xf32, #tpu.memory_space<vmem>>, vector<16xf32>,
    tpu.vector_store %arg13[%swap3A_63], %broadcast_in_dim3A_3 {strides = array<i32>} : memref<256xf32, #tpu.memory_space<vmem>>, vector<16xf32>,
    %swap3A_65 = arith.constant 160 : index
    %swap3A_66 = tpu.vector_load %arg11[%swap3A_65] {strides = array<i32>} : memref<256xf32, #tpu.memory_space<vmem>>, vector<16xf32>,
    tpu.vector_store %arg11[%swap3A_65], %broadcast_in_dim3A_3 {strides = array<i32>} : memref<256xf32, #tpu.memory_space<vmem>>, vector<16xf32>,
    %swap3A_67 = arith.constant 160 : index
    %swap3A_68 = tpu.vector_load %arg12[%swap3A_67] {strides = array<i32>} : memref<256xf32, #tpu.memory_space<vmem>>, vector<16xf32>,
    tpu.vector_store %arg12[%swap3A_67], %broadcast_in_dim3A_3 {strides = array<i32>} : memref<256xf32, #tpu.memory_space<vmem>>, vector<16xf32>,
    %swap3A_69 = arith.constant 160 : index
    %swap3A_70 = tpu.vector_load %arg13[%swap3A_69] {strides = array<i32>} : memref<256xf32, #tpu.memory_space<vmem>>, vector<16xf32>,
    tpu.vector_store %arg13[%swap3A_69], %broadcast_in_dim3A_3 {strides = array<i32>} : memref<256xf32, #tpu.memory_space<vmem>>, vector<16xf32>,
    %swap3A_71 = arith.constant 176 : index
    %swap3A_72 = tpu.vector_load %arg11[%swap3A_71] {strides = array<i32>} : memref<256xf32, #tpu.memory_space<vmem>>, vector<16xf32>,
    tpu.vector_store %arg11[%swap3A_71], %broadcast_in_dim3A_3 {strides = array<i32>} : memref<256xf32, #tpu.memory_space<vmem>>, vector<16xf32>,
    %swap3A_73 = arith.constant 176 : index
    %swap3A_74 = tpu.vector_load %arg12[%swap3A_73] {strides = array<i32>} : memref<256xf32, #tpu.memory_space<vmem>>, vector<16xf32>,
    tpu.vector_store %arg12[%swap3A_73], %broadcast_in_dim3A_3 {strides = array<i32>} : memref<256xf32, #tpu.memory_space<vmem>>, vector<16xf32>,
    %swap3A_75 = arith.constant 176 : index
    %swap3A_76 = tpu.vector_load %arg13[%swap3A_75] {strides = array<i32>} : memref<256xf32, #tpu.memory_space<vmem>>, vector<16xf32>,
    tpu.vector_store %arg13[%swap3A_75], %broadcast_in_dim3A_3 {strides = array<i32>} : memref<256xf32, #tpu.memory_space<vmem>>, vector<16xf32>,
    %swap3A_77 = arith.constant 192 : index
    %swap3A_78 = tpu.vector_load %arg11[%swap3A_77] {strides = array<i32>} : memref<256xf32, #tpu.memory_space<vmem>>, vector<16xf32>,
    tpu.vector_store %arg11[%swap3A_77], %broadcast_in_dim3A_3 {strides = array<i32>} : memref<256xf32, #tpu.memory_space<vmem>>, vector<16xf32>,
    %swap3A_79 = arith.constant 192 : index
    %swap3A_80 = tpu.vector_load %arg12[%swap3A_79] {strides = array<i32>} : memref<256xf32, #tpu.memory_space<vmem>>, vector<16xf32>,
    tpu.vector_store %arg12[%swap3A_79], %broadcast_in_dim3A_3 {strides = array<i32>} : memref<256xf32, #tpu.memory_space<vmem>>, vector<16xf32>,
    %swap3A_81 = arith.constant 192 : index
    %swap3A_82 = tpu.vector_load %arg13[%swap3A_81] {strides = array<i32>} : memref<256xf32, #tpu.memory_space<vmem>>, vector<16xf32>,
    tpu.vector_store %arg13[%swap3A_81], %broadcast_in_dim3A_3 {strides = array<i32>} : memref<256xf32, #tpu.memory_space<vmem>>, vector<16xf32>,
    %swap3A_83 = arith.constant 208 : index
    %swap3A_84 = tpu.vector_load %arg11[%swap3A_83] {strides = array<i32>} : memref<256xf32, #tpu.memory_space<vmem>>, vector<16xf32>,
    tpu.vector_store %arg11[%swap3A_83], %broadcast_in_dim3A_3 {strides = array<i32>} : memref<256xf32, #tpu.memory_space<vmem>>, vector<16xf32>,
    %swap3A_85 = arith.constant 208 : index
    %swap3A_86 = tpu.vector_load %arg12[%swap3A_85] {strides = array<i32>} : memref<256xf32, #tpu.memory_space<vmem>>, vector<16xf32>,
    tpu.vector_store %arg12[%swap3A_85], %broadcast_in_dim3A_3 {strides = array<i32>} : memref<256xf32, #tpu.memory_space<vmem>>, vector<16xf32>,
    %swap3A_87 = arith.constant 208 : index
    %swap3A_88 = tpu.vector_load %arg13[%swap3A_87] {strides = array<i32>} : memref<256xf32, #tpu.memory_space<vmem>>, vector<16xf32>,
    tpu.vector_store %arg13[%swap3A_87], %broadcast_in_dim3A_3 {strides = array<i32>} : memref<256xf32, #tpu.memory_space<vmem>>, vector<16xf32>,
    %swap3A_89 = arith.constant 224 : index
    %swap3A_90 = tpu.vector_load %arg11[%swap3A_89] {strides = array<i32>} : memref<256xf32, #tpu.memory_space<vmem>>, vector<16xf32>,
    tpu.vector_store %arg11[%swap3A_89], %broadcast_in_dim3A_3 {strides = array<i32>} : memref<256xf32, #tpu.memory_space<vmem>>, vector<16xf32>,
    %swap3A_91 = arith.constant 224 : index
    %swap3A_92 = tpu.vector_load %arg12[%swap3A_91] {strides = array<i32>} : memref<256xf32, #tpu.memory_space<vmem>>, vector<16xf32>,
    tpu.vector_store %arg12[%swap3A_91], %broadcast_in_dim3A_3 {strides = array<i32>} : memref<256xf32, #tpu.memory_space<vmem>>, vector<16xf32>,
    %swap3A_93 = arith.constant 224 : index
    %swap3A_94 = tpu.vector_load %arg13[%swap3A_93] {strides = array<i32>} : memref<256xf32, #tpu.memory_space<vmem>>, vector<16xf32>,
    tpu.vector_store %arg13[%swap3A_93], %broadcast_in_dim3A_3 {strides = array<i32>} : memref<256xf32, #tpu.memory_space<vmem>>, vector<16xf32>,
    %swap3A_95 = arith.constant 240 : index
    %swap3A_96 = tpu.vector_load %arg11[%swap3A_95] {strides = array<i32>} : memref<256xf32, #tpu.memory_space<vmem>>, vector<16xf32>,
    tpu.vector_store %arg11[%swap3A_95], %broadcast_in_dim3A_3 {strides = array<i32>} : memref<256xf32, #tpu.memory_space<vmem>>, vector<16xf32>,
    %swap3A_97 = arith.constant 240 : index
    %swap3A_98 = tpu.vector_load %arg12[%swap3A_97] {strides = array<i32>} : memref<256xf32, #tpu.memory_space<vmem>>, vector<16xf32>,
    tpu.vector_store %arg12[%swap3A_97], %broadcast_in_dim3A_3 {strides = array<i32>} : memref<256xf32, #tpu.memory_space<vmem>>, vector<16xf32>,
    %swap3A_99 = arith.constant 240 : index
    %swap3A_100 = tpu.vector_load %arg13[%swap3A_99] {strides = array<i32>} : memref<256xf32, #tpu.memory_space<vmem>>, vector<16xf32>,
    tpu.vector_store %arg13[%swap3A_99], %broadcast_in_dim3A_3 {strides = array<i32>} : memref<256xf32, #tpu.memory_space<vmem>>, vector<16xf32>,
    %swap3A_101 = arith.constant 0 : index
    %swap3A_102 = tpu.vector_load %arg14[%swap3A_101] {strides = array<i32>} : memref<16xf32, #tpu.memory_space<vmem>>, vector<16xf32>,
    tpu.vector_store %arg14[%swap3A_101], %broadcast_in_dim3A_3 {strides = array<i32>} : memref<16xf32, #tpu.memory_space<vmem>>, vector<16xf32>,
    %add3A_103 = arith.constant 0 : i32
    %add3A_104 = arith.addi %mul3A_2, %add3A_103 : i32
    %multiple_of3A = tpu.assume_multiple %add3A_104, 128 : i32
    %dma_start3A = arith.constant 0 : i32
    %dma_start3A_105 = tpu.memref_slice %arg2[%dma_start3A, %multiple_of3A] : memref<10x2000000xf32, #tpu.memory_space<hbm>> -> memref<10x1024xf32, #tpu.memory_space<hbm>>
    %dma_start3A_106 = arith.constant 0 : i32
    %dma_start3A_107 = tpu.memref_slice %arg2[%dma_start3A_106, %multiple_of3A] : memref<10x2000000xf32, #tpu.memory_space<hbm>> -> memref<10x1024xf32, #tpu.memory_space<hbm>>
    tpu.enqueue_dma source(%dma_start3A_107 : memref<10x1024xf32, #tpu.memory_space<hbm>>) target(%arg5 : memref<10x1024xf32, #tpu.memory_space<vmem>>) target_semaphore(%arg16 : memref<!tpu.dma_semaphore, #tpu.memory_space<semaphore_mem>>)
    %dma_start3A_108 = tpu.memref_slice %arg3[%multiple_of3A] : memref<2000000xi32, #tpu.memory_space<hbm>> -> memref<1024xi32, #tpu.memory_space<hbm>>
    %dma_start3A_109 = tpu.memref_slice %arg3[%multiple_of3A] : memref<2000000xi32, #tpu.memory_space<hbm>> -> memref<1024xi32, #tpu.memory_space<hbm>>
    tpu.enqueue_dma source(%dma_start3A_109 : memref<1024xi32, #tpu.memory_space<hbm>>) target(%arg7 : memref<1024xi32, #tpu.memory_space<vmem>>) target_semaphore(%arg18 : memref<!tpu.dma_semaphore, #tpu.memory_space<semaphore_mem>>)
    %scan3A = arith.constant 0 : i32
    %scan3A_110 = arith.constant 0 : i32
    %scan3A_111 = arith.constant 30 : i32
    %scan3A_112 = arith.addi %scan3A_110, %scan3A_111 : i32
    %scan3A_113 = arith.constant 1 : i32
    scf.for %scan3A_284 = %scan3A_110 to %scan3A_112 step %scan3A_113  : i32 {
      %mul3A_285 = arith.constant 2 : i32
      %mul3A_286 = arith.muli %mul3A_285, %scan3A_284 : i32
      %add3A_287 = arith.constant 1 : i32
      %add3A_288 = arith.addi %mul3A_286, %add3A_287 : i32
      %mul3A_289 = arith.constant 1024 : i32
      %mul3A_290 = arith.muli %add3A_288, %mul3A_289 : i32
      %add3A_291 = arith.addi %mul3A_2, %mul3A_290 : i32
      %multiple_of3A_292 = tpu.assume_multiple %add3A_291, 128 : i32
      %dma_start3A_293 = arith.constant 0 : i32
      %dma_start3A_294 = tpu.memref_slice %arg2[%dma_start3A_293, %multiple_of3A_292] : memref<10x2000000xf32, #tpu.memory_space<hbm>> -> memref<10x1024xf32, #tpu.memory_space<hbm>>
      %dma_start3A_295 = arith.constant 0 : i32
      %dma_start3A_296 = tpu.memref_slice %arg2[%dma_start3A_295, %multiple_of3A_292] : memref<10x2000000xf32, #tpu.memory_space<hbm>> -> memref<10x1024xf32, #tpu.memory_space<hbm>>
      tpu.enqueue_dma source(%dma_start3A_296 : memref<10x1024xf32, #tpu.memory_space<hbm>>) target(%arg6 : memref<10x1024xf32, #tpu.memory_space<vmem>>) target_semaphore(%arg17 : memref<!tpu.dma_semaphore, #tpu.memory_space<semaphore_mem>>)
      %dma_start3A_297 = tpu.memref_slice %arg3[%multiple_of3A_292] : memref<2000000xi32, #tpu.memory_space<hbm>> -> memref<1024xi32, #tpu.memory_space<hbm>>
      %dma_start3A_298 = tpu.memref_slice %arg3[%multiple_of3A_292] : memref<2000000xi32, #tpu.memory_space<hbm>> -> memref<1024xi32, #tpu.memory_space<hbm>>
      tpu.enqueue_dma source(%dma_start3A_298 : memref<1024xi32, #tpu.memory_space<hbm>>) target(%arg8 : memref<1024xi32, #tpu.memory_space<vmem>>) target_semaphore(%arg19 : memref<!tpu.dma_semaphore, #tpu.memory_space<semaphore_mem>>)
      %mul3A_299 = arith.constant 1024 : i32
      %mul3A_300 = arith.muli %mul3A_286, %mul3A_299 : i32
      %add3A_301 = arith.addi %mul3A_2, %mul3A_300 : i32
      %multiple_of3A_302 = tpu.assume_multiple %add3A_301, 128 : i32
      %dma_wait3A_303 = arith.constant 0 : i32
      %dma_wait3A_304 = tpu.memref_slice %arg2[%dma_wait3A_303, %multiple_of3A_302] : memref<10x2000000xf32, #tpu.memory_space<hbm>> -> memref<10x1024xf32, #tpu.memory_space<hbm>>
      %dma_wait3A_305 = arith.constant 0 : i32
      %dma_wait3A_306 = tpu.memref_slice %arg2[%dma_wait3A_305, %multiple_of3A_302] : memref<10x2000000xf32, #tpu.memory_space<hbm>> -> memref<10x1024xf32, #tpu.memory_space<hbm>>
      tpu.wait_dma2 semaphore(%arg16 : memref<!tpu.dma_semaphore, #tpu.memory_space<semaphore_mem>>) src(%dma_wait3A_306 : memref<10x1024xf32, #tpu.memory_space<hbm>>) dst(%arg5 : memref<10x1024xf32, #tpu.memory_space<vmem>>)
      %dma_wait3A_307 = tpu.memref_slice %arg3[%multiple_of3A_302] : memref<2000000xi32, #tpu.memory_space<hbm>> -> memref<1024xi32, #tpu.memory_space<hbm>>
      %dma_wait3A_308 = tpu.memref_slice %arg3[%multiple_of3A_302] : memref<2000000xi32, #tpu.memory_space<hbm>> -> memref<1024xi32, #tpu.memory_space<hbm>>
      tpu.wait_dma2 semaphore(%arg18 : memref<!tpu.dma_semaphore, #tpu.memory_space<semaphore_mem>>) src(%dma_wait3A_308 : memref<1024xi32, #tpu.memory_space<hbm>>) dst(%arg7 : memref<1024xi32, #tpu.memory_space<vmem>>)
      %scan3A_309 = arith.constant 0 : i32
      %scan3A_310 = arith.constant 0 : i32
      %scan3A_311 = arith.constant 16 : i32
      %scan3A_312 = arith.addi %scan3A_310, %scan3A_311 : i32
      %scan3A_313 = arith.constant 1 : i32
      scf.for %scan3A_345 = %scan3A_310 to %scan3A_312 step %scan3A_313  : i32 {
        %mul3A_346 = arith.constant 64 : i32
        %mul3A_347 = arith.muli %scan3A_345, %mul3A_346 : i32
        %multiple_of3A_348 = tpu.assume_multiple %mul3A_347, 64 : i32
        %add3A_349 = arith.constant 0 : i32
        %add3A_350 = arith.addi %multiple_of3A_348, %add3A_349 : i32
        %add3A_351 = vector.broadcast %add3A_350 : i32 to vector<16xi32>
        %add3A_352 = arith.addi %add3A_351, %iota3A : vector<16xi32>
        %get3A_353 = arith.index_cast %add3A_350 : i32 to index
        %get3A_354 = tpu.vector_load %arg7[%get3A_353] {strides = array<i32>} : memref<1024xi32, #tpu.memory_space<vmem>>, vector<16xi32>,
        %get3A_355 = arith.constant 0 : i32
        %get3A_356 = arith.index_cast %get3A_355 : i32 to index
        %get3A_357 = arith.index_cast %add3A_350 : i32 to index
        %get3A_358 = tpu.vector_load %arg5[%get3A_356, %get3A_357] {strides = array<i32>} : memref<10x1024xf32, #tpu.memory_space<vmem>>, vector<16xf32>,
        %mul3A_359 = arith.mulf %get3A_358, %get3A_358 : vector<16xf32>
        %get3A_360 = arith.constant 1 : i32
        %get3A_361 = arith.index_cast %get3A_360 : i32 to index
        %get3A_362 = arith.index_cast %add3A_350 : i32 to index
        %get3A_363 = tpu.vector_load %arg5[%get3A_361, %get3A_362] {strides = array<i32>} : memref<10x1024xf32, #tpu.memory_space<vmem>>, vector<16xf32>,
        %add3A_364 = arith.addf %get3A_358, %get3A_363 : vector<16xf32>
        %max3A = arith.maximumf %get3A_358, %get3A_363 : vector<16xf32>
        %mul3A_365 = arith.mulf %get3A_363, %get3A_363 : vector<16xf32>
        %add3A_366 = arith.addf %mul3A_359, %mul3A_365 : vector<16xf32>
        %get3A_367 = arith.constant 2 : i32
        %get3A_368 = arith.index_cast %get3A_367 : i32 to index
        %get3A_369 = arith.index_cast %add3A_350 : i32 to index
        %get3A_370 = tpu.vector_load %arg5[%get3A_368, %get3A_369] {strides = array<i32>} : memref<10x1024xf32, #tpu.memory_space<vmem>>, vector<16xf32>,
        %add3A_371 = arith.addf %add3A_364, %get3A_370 : vector<16xf32>
        %max3A_372 = arith.maximumf %max3A, %get3A_370 : vector<16xf32>
        %mul3A_373 = arith.mulf %get3A_370, %get3A_370 : vector<16xf32>
        %add3A_374 = arith.addf %add3A_366, %mul3A_373 : vector<16xf32>
        %get3A_375 = arith.constant 3 : i32
        %get3A_376 = arith.index_cast %get3A_375 : i32 to index
        %get3A_377 = arith.index_cast %add3A_350 : i32 to index
        %get3A_378 = tpu.vector_load %arg5[%get3A_376, %get3A_377] {strides = array<i32>} : memref<10x1024xf32, #tpu.memory_space<vmem>>, vector<16xf32>,
        %add3A_379 = arith.addf %add3A_371, %get3A_378 : vector<16xf32>
        %max3A_380 = arith.maximumf %max3A_372, %get3A_378 : vector<16xf32>
        %mul3A_381 = arith.mulf %get3A_378, %get3A_378 : vector<16xf32>
        %add3A_382 = arith.addf %add3A_374, %mul3A_381 : vector<16xf32>
        %get3A_383 = arith.constant 4 : i32
        %get3A_384 = arith.index_cast %get3A_383 : i32 to index
        %get3A_385 = arith.index_cast %add3A_350 : i32 to index
        %get3A_386 = tpu.vector_load %arg5[%get3A_384, %get3A_385] {strides = array<i32>} : memref<10x1024xf32, #tpu.memory_space<vmem>>, vector<16xf32>,
        %add3A_387 = arith.addf %add3A_379, %get3A_386 : vector<16xf32>
        %max3A_388 = arith.maximumf %max3A_380, %get3A_386 : vector<16xf32>
        %mul3A_389 = arith.mulf %get3A_386, %get3A_386 : vector<16xf32>
        %add3A_390 = arith.addf %add3A_382, %mul3A_389 : vector<16xf32>
        %get3A_391 = arith.constant 5 : i32
        %get3A_392 = arith.index_cast %get3A_391 : i32 to index
        %get3A_393 = arith.index_cast %add3A_350 : i32 to index
        %get3A_394 = tpu.vector_load %arg5[%get3A_392, %get3A_393] {strides = array<i32>} : memref<10x1024xf32, #tpu.memory_space<vmem>>, vector<16xf32>,
        %add3A_395 = arith.addf %add3A_387, %get3A_394 : vector<16xf32>
        %max3A_396 = arith.maximumf %max3A_388, %get3A_394 : vector<16xf32>
        %mul3A_397 = arith.mulf %get3A_394, %get3A_394 : vector<16xf32>
        %add3A_398 = arith.addf %add3A_390, %mul3A_397 : vector<16xf32>
        %get3A_399 = arith.constant 6 : i32
        %get3A_400 = arith.index_cast %get3A_399 : i32 to index
        %get3A_401 = arith.index_cast %add3A_350 : i32 to index
        %get3A_402 = tpu.vector_load %arg5[%get3A_400, %get3A_401] {strides = array<i32>} : memref<10x1024xf32, #tpu.memory_space<vmem>>, vector<16xf32>,
        %add3A_403 = arith.addf %add3A_395, %get3A_402 : vector<16xf32>
        %max3A_404 = arith.maximumf %max3A_396, %get3A_402 : vector<16xf32>
        %mul3A_405 = arith.mulf %get3A_402, %get3A_402 : vector<16xf32>
        %add3A_406 = arith.addf %add3A_398, %mul3A_405 : vector<16xf32>
        %get3A_407 = arith.constant 7 : i32
        %get3A_408 = arith.index_cast %get3A_407 : i32 to index
        %get3A_409 = arith.index_cast %add3A_350 : i32 to index
        %get3A_410 = tpu.vector_load %arg5[%get3A_408, %get3A_409] {strides = array<i32>} : memref<10x1024xf32, #tpu.memory_space<vmem>>, vector<16xf32>,
        %add3A_411 = arith.addf %add3A_403, %get3A_410 : vector<16xf32>
        %max3A_412 = arith.maximumf %max3A_404, %get3A_410 : vector<16xf32>
        %mul3A_413 = arith.mulf %get3A_410, %get3A_410 : vector<16xf32>
        %add3A_414 = arith.addf %add3A_406, %mul3A_413 : vector<16xf32>
        %get3A_415 = arith.constant 8 : i32
        %get3A_416 = arith.index_cast %get3A_415 : i32 to index
        %get3A_417 = arith.index_cast %add3A_350 : i32 to index
        %get3A_418 = tpu.vector_load %arg5[%get3A_416, %get3A_417] {strides = array<i32>} : memref<10x1024xf32, #tpu.memory_space<vmem>>, vector<16xf32>,
        %add3A_419 = arith.addf %add3A_411, %get3A_418 : vector<16xf32>
        %max3A_420 = arith.maximumf %max3A_412, %get3A_418 : vector<16xf32>
        %mul3A_421 = arith.mulf %get3A_418, %get3A_418 : vector<16xf32>
        %add3A_422 = arith.addf %add3A_414, %mul3A_421 : vector<16xf32>
        %get3A_423 = arith.constant 9 : i32
        %get3A_424 = arith.index_cast %get3A_423 : i32 to index
        %get3A_425 = arith.index_cast %add3A_350 : i32 to index
        %get3A_426 = tpu.vector_load %arg5[%get3A_424, %get3A_425] {strides = array<i32>} : memref<10x1024xf32, #tpu.memory_space<vmem>>, vector<16xf32>,
        %add3A_427 = arith.addf %add3A_419, %get3A_426 : vector<16xf32>
        %max3A_428 = arith.maximumf %max3A_420, %get3A_426 : vector<16xf32>
        %mul3A_429 = arith.mulf %get3A_426, %get3A_426 : vector<16xf32>
        %add3A_430 = arith.addf %add3A_422, %mul3A_429 : vector<16xf32>
        %gather3A = tpu.vector_load_idx %arg5[%get3A_354, %add3A_352] : memref<10x1024xf32, #tpu.memory_space<vmem>>[vector<16xi32>, vector<16xi32>], vector<16xf32>,
        %div3A = arith.constant 1.000000e+00 : f32
        %div3A_431 = vector.broadcast %div3A : f32 to vector<16xf32>
        %div3A_432 = arith.divf %div3A_431, %add3A_427 : vector<16xf32>
        %mul3A_433 = arith.mulf %max3A_428, %div3A_432 : vector<16xf32>
        %eq3A = arith.cmpf oeq, %gather3A, %max3A_428 : vector<16xf32>
        %convert_element_type3A_434 = arith.extui %eq3A : vector<16xi1> to vector<16xi32>
        %convert_element_type3A_435 = arith.sitofp %convert_element_type3A_434 : vector<16xi32> to vector<16xf32>
        %mul3A_436 = arith.mulf %add3A_430, %div3A_432 : vector<16xf32>
        %mul3A_437 = arith.mulf %mul3A_436, %div3A_432 : vector<16xf32>
        %mul3A_438 = arith.constant 2.000000e+00 : f32
        %mul3A_439 = vector.broadcast %mul3A_438 : f32 to vector<16xf32>
        %mul3A_440 = arith.mulf %mul3A_439, %gather3A : vector<16xf32>
        %mul3A_441 = arith.mulf %mul3A_440, %div3A_432 : vector<16xf32>
        %sub3A = arith.subf %mul3A_437, %mul3A_441 : vector<16xf32>
        %add3A_442 = arith.constant 1.000000e+00 : f32
        %add3A_443 = vector.broadcast %add3A_442 : f32 to vector<16xf32>
        %add3A_444 = arith.addf %sub3A, %add3A_443 : vector<16xf32>
        %gt3A = arith.constant 0.0666666701 : f32
        %gt3A_445 = vector.broadcast %gt3A : f32 to vector<16xf32>
        %gt3A_446 = arith.cmpf ogt, %mul3A_433, %gt3A_445 : vector<16xf32>
        %convert_element_type3A_447 = arith.extui %gt3A_446 : vector<16xi1> to vector<16xi32>
        %gt3A_448 = arith.constant 0.13333334 : f32
        %gt3A_449 = vector.broadcast %gt3A_448 : f32 to vector<16xf32>
        %gt3A_450 = arith.cmpf ogt, %mul3A_433, %gt3A_449 : vector<16xf32>
        %convert_element_type3A_451 = arith.extui %gt3A_450 : vector<16xi1> to vector<16xi32>
        %add3A_452 = arith.addi %convert_element_type3A_447, %convert_element_type3A_451 : vector<16xi32>
        %gt3A_453 = arith.constant 0.200000018 : f32
        %gt3A_454 = vector.broadcast %gt3A_453 : f32 to vector<16xf32>
        %gt3A_455 = arith.cmpf ogt, %mul3A_433, %gt3A_454 : vector<16xf32>
        %convert_element_type3A_456 = arith.extui %gt3A_455 : vector<16xi1> to vector<16xi32>
        %add3A_457 = arith.addi %add3A_452, %convert_element_type3A_456 : vector<16xi32>
        %gt3A_458 = arith.constant 0.266666681 : f32
        %gt3A_459 = vector.broadcast %gt3A_458 : f32 to vector<16xf32>
        %gt3A_460 = arith.cmpf ogt, %mul3A_433, %gt3A_459 : vector<16xf32>
        %convert_element_type3A_461 = arith.extui %gt3A_460 : vector<16xi1> to vector<16xi32>
        %add3A_462 = arith.addi %add3A_457, %convert_element_type3A_461 : vector<16xi32>
        %gt3A_463 = arith.constant 0.333333343 : f32
        %gt3A_464 = vector.broadcast %gt3A_463 : f32 to vector<16xf32>
        %gt3A_465 = arith.cmpf ogt, %mul3A_433, %gt3A_464 : vector<16xf32>
        %convert_element_type3A_466 = arith.extui %gt3A_465 : vector<16xi1> to vector<16xi32>
        %add3A_467 = arith.addi %add3A_462, %convert_element_type3A_466 : vector<16xi32>
        %gt3A_468 = arith.constant 0.400000036 : f32
        %gt3A_469 = vector.broadcast %gt3A_468 : f32 to vector<16xf32>
        %gt3A_470 = arith.cmpf ogt, %mul3A_433, %gt3A_469 : vector<16xf32>
        %convert_element_type3A_471 = arith.extui %gt3A_470 : vector<16xi1> to vector<16xi32>
        %add3A_472 = arith.addi %add3A_467, %convert_element_type3A_471 : vector<16xi32>
        %gt3A_473 = arith.constant 0.466666698 : f32
        %gt3A_474 = vector.broadcast %gt3A_473 : f32 to vector<16xf32>
        %gt3A_475 = arith.cmpf ogt, %mul3A_433, %gt3A_474 : vector<16xf32>
        %convert_element_type3A_476 = arith.extui %gt3A_475 : vector<16xi1> to vector<16xi32>
        %add3A_477 = arith.addi %add3A_472, %convert_element_type3A_476 : vector<16xi32>
        %gt3A_478 = arith.constant 0.533333361 : f32
        %gt3A_479 = vector.broadcast %gt3A_478 : f32 to vector<16xf32>
        %gt3A_480 = arith.cmpf ogt, %mul3A_433, %gt3A_479 : vector<16xf32>
        %convert_element_type3A_481 = arith.extui %gt3A_480 : vector<16xi1> to vector<16xi32>
        %add3A_482 = arith.addi %add3A_477, %convert_element_type3A_481 : vector<16xi32>
        %gt3A_483 = arith.constant 6.000000e-01 : f32
        %gt3A_484 = vector.broadcast %gt3A_483 : f32 to vector<16xf32>
        %gt3A_485 = arith.cmpf ogt, %mul3A_433, %gt3A_484 : vector<16xf32>
        %convert_element_type3A_486 = arith.extui %gt3A_485 : vector<16xi1> to vector<16xi32>
        %add3A_487 = arith.addi %add3A_482, %convert_element_type3A_486 : vector<16xi32>
        %gt3A_488 = arith.constant 0.666666686 : f32
        %gt3A_489 = vector.broadcast %gt3A_488 : f32 to vector<16xf32>
        %gt3A_490 = arith.cmpf ogt, %mul3A_433, %gt3A_489 : vector<16xf32>
        %convert_element_type3A_491 = arith.extui %gt3A_490 : vector<16xi1> to vector<16xi32>
        %add3A_492 = arith.addi %add3A_487, %convert_element_type3A_491 : vector<16xi32>
        %gt3A_493 = arith.constant 0.733333349 : f32
        %gt3A_494 = vector.broadcast %gt3A_493 : f32 to vector<16xf32>
        %gt3A_495 = arith.cmpf ogt, %mul3A_433, %gt3A_494 : vector<16xf32>
        %convert_element_type3A_496 = arith.extui %gt3A_495 : vector<16xi1> to vector<16xi32>
        %add3A_497 = arith.addi %add3A_492, %convert_element_type3A_496 : vector<16xi32>
        %gt3A_498 = arith.constant 0.800000071 : f32
        %gt3A_499 = vector.broadcast %gt3A_498 : f32 to vector<16xf32>
        %gt3A_500 = arith.cmpf ogt, %mul3A_433, %gt3A_499 : vector<16xf32>
        %convert_element_type3A_501 = arith.extui %gt3A_500 : vector<16xi1> to vector<16xi32>
        %add3A_502 = arith.addi %add3A_497, %convert_element_type3A_501 : vector<16xi32>
        %gt3A_503 = arith.constant 0.866666734 : f32
        %gt3A_504 = vector.broadcast %gt3A_503 : f32 to vector<16xf32>
        %gt3A_505 = arith.cmpf ogt, %mul3A_433, %gt3A_504 : vector<16xf32>
        %convert_element_type3A_506 = arith.extui %gt3A_505 : vector<16xi1> to vector<16xi32>
        %add3A_507 = arith.addi %add3A_502, %convert_element_type3A_506 : vector<16xi32>
        %gt3A_508 = arith.constant 0.933333396 : f32
        %gt3A_509 = vector.broadcast %gt3A_508 : f32 to vector<16xf32>
        %gt3A_510 = arith.cmpf ogt, %mul3A_433, %gt3A_509 : vector<16xf32>
        %convert_element_type3A_511 = arith.extui %gt3A_510 : vector<16xi1> to vector<16xi32>
        %add3A_512 = arith.addi %add3A_507, %convert_element_type3A_511 : vector<16xi32>
        %mul3A_513 = arith.constant 16 : i32
        %mul3A_514 = vector.broadcast %mul3A_513 : i32 to vector<16xi32>
        %mul3A_515 = arith.muli %iota3A, %mul3A_514 : vector<16xi32>
        %add3A_516 = arith.addi %mul3A_515, %add3A_512 : vector<16xi32>
        %add3A_517 = arith.constant 16 : i32
        %add3A_518 = arith.addi %multiple_of3A_348, %add3A_517 : i32
        %add3A_519 = vector.broadcast %add3A_518 : i32 to vector<16xi32>
        %add3A_520 = arith.addi %add3A_519, %iota3A : vector<16xi32>
        %get3A_521 = arith.index_cast %add3A_518 : i32 to index
        %get3A_522 = tpu.vector_load %arg7[%get3A_521] {strides = array<i32>} : memref<1024xi32, #tpu.memory_space<vmem>>, vector<16xi32>,
        %get3A_523 = arith.constant 0 : i32
        %get3A_524 = arith.index_cast %get3A_523 : i32 to index
        %get3A_525 = arith.index_cast %add3A_518 : i32 to index
        %get3A_526 = tpu.vector_load %arg5[%get3A_524, %get3A_525] {strides = array<i32>} : memref<10x1024xf32, #tpu.memory_space<vmem>>, vector<16xf32>,
        %mul3A_527 = arith.mulf %get3A_526, %get3A_526 : vector<16xf32>
        %get3A_528 = arith.constant 1 : i32
        %get3A_529 = arith.index_cast %get3A_528 : i32 to index
        %get3A_530 = arith.index_cast %add3A_518 : i32 to index
        %get3A_531 = tpu.vector_load %arg5[%get3A_529, %get3A_530] {strides = array<i32>} : memref<10x1024xf32, #tpu.memory_space<vmem>>, vector<16xf32>,
        %add3A_532 = arith.addf %get3A_526, %get3A_531 : vector<16xf32>
        %max3A_533 = arith.maximumf %get3A_526, %get3A_531 : vector<16xf32>
        %mul3A_534 = arith.mulf %get3A_531, %get3A_531 : vector<16xf32>
        %add3A_535 = arith.addf %mul3A_527, %mul3A_534 : vector<16xf32>
        %get3A_536 = arith.constant 2 : i32
        %get3A_537 = arith.index_cast %get3A_536 : i32 to index
        %get3A_538 = arith.index_cast %add3A_518 : i32 to index
        %get3A_539 = tpu.vector_load %arg5[%get3A_537, %get3A_538] {strides = array<i32>} : memref<10x1024xf32, #tpu.memory_space<vmem>>, vector<16xf32>,
        %add3A_540 = arith.addf %add3A_532, %get3A_539 : vector<16xf32>
        %max3A_541 = arith.maximumf %max3A_533, %get3A_539 : vector<16xf32>
        %mul3A_542 = arith.mulf %get3A_539, %get3A_539 : vector<16xf32>
        %add3A_543 = arith.addf %add3A_535, %mul3A_542 : vector<16xf32>
        %get3A_544 = arith.constant 3 : i32
        %get3A_545 = arith.index_cast %get3A_544 : i32 to index
        %get3A_546 = arith.index_cast %add3A_518 : i32 to index
        %get3A_547 = tpu.vector_load %arg5[%get3A_545, %get3A_546] {strides = array<i32>} : memref<10x1024xf32, #tpu.memory_space<vmem>>, vector<16xf32>,
        %add3A_548 = arith.addf %add3A_540, %get3A_547 : vector<16xf32>
        %max3A_549 = arith.maximumf %max3A_541, %get3A_547 : vector<16xf32>
        %mul3A_550 = arith.mulf %get3A_547, %get3A_547 : vector<16xf32>
        %add3A_551 = arith.addf %add3A_543, %mul3A_550 : vector<16xf32>
        %get3A_552 = arith.constant 4 : i32
        %get3A_553 = arith.index_cast %get3A_552 : i32 to index
        %get3A_554 = arith.index_cast %add3A_518 : i32 to index
        %get3A_555 = tpu.vector_load %arg5[%get3A_553, %get3A_554] {strides = array<i32>} : memref<10x1024xf32, #tpu.memory_space<vmem>>, vector<16xf32>,
        %add3A_556 = arith.addf %add3A_548, %get3A_555 : vector<16xf32>
        %max3A_557 = arith.maximumf %max3A_549, %get3A_555 : vector<16xf32>
        %mul3A_558 = arith.mulf %get3A_555, %get3A_555 : vector<16xf32>
        %add3A_559 = arith.addf %add3A_551, %mul3A_558 : vector<16xf32>
        %get3A_560 = arith.constant 5 : i32
        %get3A_561 = arith.index_cast %get3A_560 : i32 to index
        %get3A_562 = arith.index_cast %add3A_518 : i32 to index
        %get3A_563 = tpu.vector_load %arg5[%get3A_561, %get3A_562] {strides = array<i32>} : memref<10x1024xf32, #tpu.memory_space<vmem>>, vector<16xf32>,
        %add3A_564 = arith.addf %add3A_556, %get3A_563 : vector<16xf32>
        %max3A_565 = arith.maximumf %max3A_557, %get3A_563 : vector<16xf32>
        %mul3A_566 = arith.mulf %get3A_563, %get3A_563 : vector<16xf32>
        %add3A_567 = arith.addf %add3A_559, %mul3A_566 : vector<16xf32>
        %get3A_568 = arith.constant 6 : i32
        %get3A_569 = arith.index_cast %get3A_568 : i32 to index
        %get3A_570 = arith.index_cast %add3A_518 : i32 to index
        %get3A_571 = tpu.vector_load %arg5[%get3A_569, %get3A_570] {strides = array<i32>} : memref<10x1024xf32, #tpu.memory_space<vmem>>, vector<16xf32>,
        %add3A_572 = arith.addf %add3A_564, %get3A_571 : vector<16xf32>
        %max3A_573 = arith.maximumf %max3A_565, %get3A_571 : vector<16xf32>
        %mul3A_574 = arith.mulf %get3A_571, %get3A_571 : vector<16xf32>
        %add3A_575 = arith.addf %add3A_567, %mul3A_574 : vector<16xf32>
        %get3A_576 = arith.constant 7 : i32
        %get3A_577 = arith.index_cast %get3A_576 : i32 to index
        %get3A_578 = arith.index_cast %add3A_518 : i32 to index
        %get3A_579 = tpu.vector_load %arg5[%get3A_577, %get3A_578] {strides = array<i32>} : memref<10x1024xf32, #tpu.memory_space<vmem>>, vector<16xf32>,
        %add3A_580 = arith.addf %add3A_572, %get3A_579 : vector<16xf32>
        %max3A_581 = arith.maximumf %max3A_573, %get3A_579 : vector<16xf32>
        %mul3A_582 = arith.mulf %get3A_579, %get3A_579 : vector<16xf32>
        %add3A_583 = arith.addf %add3A_575, %mul3A_582 : vector<16xf32>
        %get3A_584 = arith.constant 8 : i32
        %get3A_585 = arith.index_cast %get3A_584 : i32 to index
        %get3A_586 = arith.index_cast %add3A_518 : i32 to index
        %get3A_587 = tpu.vector_load %arg5[%get3A_585, %get3A_586] {strides = array<i32>} : memref<10x1024xf32, #tpu.memory_space<vmem>>, vector<16xf32>,
        %add3A_588 = arith.addf %add3A_580, %get3A_587 : vector<16xf32>
        %max3A_589 = arith.maximumf %max3A_581, %get3A_587 : vector<16xf32>
        %mul3A_590 = arith.mulf %get3A_587, %get3A_587 : vector<16xf32>
        %add3A_591 = arith.addf %add3A_583, %mul3A_590 : vector<16xf32>
        %get3A_592 = arith.constant 9 : i32
        %get3A_593 = arith.index_cast %get3A_592 : i32 to index
        %get3A_594 = arith.index_cast %add3A_518 : i32 to index
        %get3A_595 = tpu.vector_load %arg5[%get3A_593, %get3A_594] {strides = array<i32>} : memref<10x1024xf32, #tpu.memory_space<vmem>>, vector<16xf32>,
        %add3A_596 = arith.addf %add3A_588, %get3A_595 : vector<16xf32>
        %max3A_597 = arith.maximumf %max3A_589, %get3A_595 : vector<16xf32>
        %mul3A_598 = arith.mulf %get3A_595, %get3A_595 : vector<16xf32>
        %add3A_599 = arith.addf %add3A_591, %mul3A_598 : vector<16xf32>
        %gather3A_600 = tpu.vector_load_idx %arg5[%get3A_522, %add3A_520] : memref<10x1024xf32, #tpu.memory_space<vmem>>[vector<16xi32>, vector<16xi32>], vector<16xf32>,
        %div3A_601 = arith.constant 1.000000e+00 : f32
        %div3A_602 = vector.broadcast %div3A_601 : f32 to vector<16xf32>
        %div3A_603 = arith.divf %div3A_602, %add3A_596 : vector<16xf32>
        %mul3A_604 = arith.mulf %max3A_597, %div3A_603 : vector<16xf32>
        %eq3A_605 = arith.cmpf oeq, %gather3A_600, %max3A_597 : vector<16xf32>
        %convert_element_type3A_606 = arith.extui %eq3A_605 : vector<16xi1> to vector<16xi32>
        %convert_element_type3A_607 = arith.sitofp %convert_element_type3A_606 : vector<16xi32> to vector<16xf32>
        %mul3A_608 = arith.mulf %add3A_599, %div3A_603 : vector<16xf32>
        %mul3A_609 = arith.mulf %mul3A_608, %div3A_603 : vector<16xf32>
        %mul3A_610 = arith.constant 2.000000e+00 : f32
        %mul3A_611 = vector.broadcast %mul3A_610 : f32 to vector<16xf32>
        %mul3A_612 = arith.mulf %mul3A_611, %gather3A_600 : vector<16xf32>
        %mul3A_613 = arith.mulf %mul3A_612, %div3A_603 : vector<16xf32>
        %sub3A_614 = arith.subf %mul3A_609, %mul3A_613 : vector<16xf32>
        %add3A_615 = arith.constant 1.000000e+00 : f32
        %add3A_616 = vector.broadcast %add3A_615 : f32 to vector<16xf32>
        %add3A_617 = arith.addf %sub3A_614, %add3A_616 : vector<16xf32>
        %gt3A_618 = arith.constant 0.0666666701 : f32
        %gt3A_619 = vector.broadcast %gt3A_618 : f32 to vector<16xf32>
        %gt3A_620 = arith.cmpf ogt, %mul3A_604, %gt3A_619 : vector<16xf32>
        %convert_element_type3A_621 = arith.extui %gt3A_620 : vector<16xi1> to vector<16xi32>
        %gt3A_622 = arith.constant 0.13333334 : f32
        %gt3A_623 = vector.broadcast %gt3A_622 : f32 to vector<16xf32>
        %gt3A_624 = arith.cmpf ogt, %mul3A_604, %gt3A_623 : vector<16xf32>
        %convert_element_type3A_625 = arith.extui %gt3A_624 : vector<16xi1> to vector<16xi32>
        %add3A_626 = arith.addi %convert_element_type3A_621, %convert_element_type3A_625 : vector<16xi32>
        %gt3A_627 = arith.constant 0.200000018 : f32
        %gt3A_628 = vector.broadcast %gt3A_627 : f32 to vector<16xf32>
        %gt3A_629 = arith.cmpf ogt, %mul3A_604, %gt3A_628 : vector<16xf32>
        %convert_element_type3A_630 = arith.extui %gt3A_629 : vector<16xi1> to vector<16xi32>
        %add3A_631 = arith.addi %add3A_626, %convert_element_type3A_630 : vector<16xi32>
        %gt3A_632 = arith.constant 0.266666681 : f32
        %gt3A_633 = vector.broadcast %gt3A_632 : f32 to vector<16xf32>
        %gt3A_634 = arith.cmpf ogt, %mul3A_604, %gt3A_633 : vector<16xf32>
        %convert_element_type3A_635 = arith.extui %gt3A_634 : vector<16xi1> to vector<16xi32>
        %add3A_636 = arith.addi %add3A_631, %convert_element_type3A_635 : vector<16xi32>
        %gt3A_637 = arith.constant 0.333333343 : f32
        %gt3A_638 = vector.broadcast %gt3A_637 : f32 to vector<16xf32>
        %gt3A_639 = arith.cmpf ogt, %mul3A_604, %gt3A_638 : vector<16xf32>
        %convert_element_type3A_640 = arith.extui %gt3A_639 : vector<16xi1> to vector<16xi32>
        %add3A_641 = arith.addi %add3A_636, %convert_element_type3A_640 : vector<16xi32>
        %gt3A_642 = arith.constant 0.400000036 : f32
        %gt3A_643 = vector.broadcast %gt3A_642 : f32 to vector<16xf32>
        %gt3A_644 = arith.cmpf ogt, %mul3A_604, %gt3A_643 : vector<16xf32>
        %convert_element_type3A_645 = arith.extui %gt3A_644 : vector<16xi1> to vector<16xi32>
        %add3A_646 = arith.addi %add3A_641, %convert_element_type3A_645 : vector<16xi32>
        %gt3A_647 = arith.constant 0.466666698 : f32
        %gt3A_648 = vector.broadcast %gt3A_647 : f32 to vector<16xf32>
        %gt3A_649 = arith.cmpf ogt, %mul3A_604, %gt3A_648 : vector<16xf32>
        %convert_element_type3A_650 = arith.extui %gt3A_649 : vector<16xi1> to vector<16xi32>
        %add3A_651 = arith.addi %add3A_646, %convert_element_type3A_650 : vector<16xi32>
        %gt3A_652 = arith.constant 0.533333361 : f32
        %gt3A_653 = vector.broadcast %gt3A_652 : f32 to vector<16xf32>
        %gt3A_654 = arith.cmpf ogt, %mul3A_604, %gt3A_653 : vector<16xf32>
        %convert_element_type3A_655 = arith.extui %gt3A_654 : vector<16xi1> to vector<16xi32>
        %add3A_656 = arith.addi %add3A_651, %convert_element_type3A_655 : vector<16xi32>
        %gt3A_657 = arith.constant 6.000000e-01 : f32
        %gt3A_658 = vector.broadcast %gt3A_657 : f32 to vector<16xf32>
        %gt3A_659 = arith.cmpf ogt, %mul3A_604, %gt3A_658 : vector<16xf32>
        %convert_element_type3A_660 = arith.extui %gt3A_659 : vector<16xi1> to vector<16xi32>
        %add3A_661 = arith.addi %add3A_656, %convert_element_type3A_660 : vector<16xi32>
        %gt3A_662 = arith.constant 0.666666686 : f32
        %gt3A_663 = vector.broadcast %gt3A_662 : f32 to vector<16xf32>
        %gt3A_664 = arith.cmpf ogt, %mul3A_604, %gt3A_663 : vector<16xf32>
        %convert_element_type3A_665 = arith.extui %gt3A_664 : vector<16xi1> to vector<16xi32>
        %add3A_666 = arith.addi %add3A_661, %convert_element_type3A_665 : vector<16xi32>
        %gt3A_667 = arith.constant 0.733333349 : f32
        %gt3A_668 = vector.broadcast %gt3A_667 : f32 to vector<16xf32>
        %gt3A_669 = arith.cmpf ogt, %mul3A_604, %gt3A_668 : vector<16xf32>
        %convert_element_type3A_670 = arith.extui %gt3A_669 : vector<16xi1> to vector<16xi32>
        %add3A_671 = arith.addi %add3A_666, %convert_element_type3A_670 : vector<16xi32>
        %gt3A_672 = arith.constant 0.800000071 : f32
        %gt3A_673 = vector.broadcast %gt3A_672 : f32 to vector<16xf32>
        %gt3A_674 = arith.cmpf ogt, %mul3A_604, %gt3A_673 : vector<16xf32>
        %convert_element_type3A_675 = arith.extui %gt3A_674 : vector<16xi1> to vector<16xi32>
        %add3A_676 = arith.addi %add3A_671, %convert_element_type3A_675 : vector<16xi32>
        %gt3A_677 = arith.constant 0.866666734 : f32
        %gt3A_678 = vector.broadcast %gt3A_677 : f32 to vector<16xf32>
        %gt3A_679 = arith.cmpf ogt, %mul3A_604, %gt3A_678 : vector<16xf32>
        %convert_element_type3A_680 = arith.extui %gt3A_679 : vector<16xi1> to vector<16xi32>
        %add3A_681 = arith.addi %add3A_676, %convert_element_type3A_680 : vector<16xi32>
        %gt3A_682 = arith.constant 0.933333396 : f32
        %gt3A_683 = vector.broadcast %gt3A_682 : f32 to vector<16xf32>
        %gt3A_684 = arith.cmpf ogt, %mul3A_604, %gt3A_683 : vector<16xf32>
        %convert_element_type3A_685 = arith.extui %gt3A_684 : vector<16xi1> to vector<16xi32>
        %add3A_686 = arith.addi %add3A_681, %convert_element_type3A_685 : vector<16xi32>
        %mul3A_687 = arith.constant 16 : i32
        %mul3A_688 = vector.broadcast %mul3A_687 : i32 to vector<16xi32>
        %mul3A_689 = arith.muli %iota3A, %mul3A_688 : vector<16xi32>
        %add3A_690 = arith.addi %mul3A_689, %add3A_686 : vector<16xi32>
        %add3A_691 = arith.constant 32 : i32
        %add3A_692 = arith.addi %multiple_of3A_348, %add3A_691 : i32
        %add3A_693 = vector.broadcast %add3A_692 : i32 to vector<16xi32>
        %add3A_694 = arith.addi %add3A_693, %iota3A : vector<16xi32>
        %get3A_695 = arith.index_cast %add3A_692 : i32 to index
        %get3A_696 = tpu.vector_load %arg7[%get3A_695] {strides = array<i32>} : memref<1024xi32, #tpu.memory_space<vmem>>, vector<16xi32>,
        %get3A_697 = arith.constant 0 : i32
        %get3A_698 = arith.index_cast %get3A_697 : i32 to index
        %get3A_699 = arith.index_cast %add3A_692 : i32 to index
        %get3A_700 = tpu.vector_load %arg5[%get3A_698, %get3A_699] {strides = array<i32>} : memref<10x1024xf32, #tpu.memory_space<vmem>>, vector<16xf32>,
        %mul3A_701 = arith.mulf %get3A_700, %get3A_700 : vector<16xf32>
        %get3A_702 = arith.constant 1 : i32
        %get3A_703 = arith.index_cast %get3A_702 : i32 to index
        %get3A_704 = arith.index_cast %add3A_692 : i32 to index
        %get3A_705 = tpu.vector_load %arg5[%get3A_703, %get3A_704] {strides = array<i32>} : memref<10x1024xf32, #tpu.memory_space<vmem>>, vector<16xf32>,
        %add3A_706 = arith.addf %get3A_700, %get3A_705 : vector<16xf32>
        %max3A_707 = arith.maximumf %get3A_700, %get3A_705 : vector<16xf32>
        %mul3A_708 = arith.mulf %get3A_705, %get3A_705 : vector<16xf32>
        %add3A_709 = arith.addf %mul3A_701, %mul3A_708 : vector<16xf32>
        %get3A_710 = arith.constant 2 : i32
        %get3A_711 = arith.index_cast %get3A_710 : i32 to index
        %get3A_712 = arith.index_cast %add3A_692 : i32 to index
        %get3A_713 = tpu.vector_load %arg5[%get3A_711, %get3A_712] {strides = array<i32>} : memref<10x1024xf32, #tpu.memory_space<vmem>>, vector<16xf32>,
        %add3A_714 = arith.addf %add3A_706, %get3A_713 : vector<16xf32>
        %max3A_715 = arith.maximumf %max3A_707, %get3A_713 : vector<16xf32>
        %mul3A_716 = arith.mulf %get3A_713, %get3A_713 : vector<16xf32>
        %add3A_717 = arith.addf %add3A_709, %mul3A_716 : vector<16xf32>
        %get3A_718 = arith.constant 3 : i32
        %get3A_719 = arith.index_cast %get3A_718 : i32 to index
        %get3A_720 = arith.index_cast %add3A_692 : i32 to index
        %get3A_721 = tpu.vector_load %arg5[%get3A_719, %get3A_720] {strides = array<i32>} : memref<10x1024xf32, #tpu.memory_space<vmem>>, vector<16xf32>,
        %add3A_722 = arith.addf %add3A_714, %get3A_721 : vector<16xf32>
        %max3A_723 = arith.maximumf %max3A_715, %get3A_721 : vector<16xf32>
        %mul3A_724 = arith.mulf %get3A_721, %get3A_721 : vector<16xf32>
        %add3A_725 = arith.addf %add3A_717, %mul3A_724 : vector<16xf32>
        %get3A_726 = arith.constant 4 : i32
        %get3A_727 = arith.index_cast %get3A_726 : i32 to index
        %get3A_728 = arith.index_cast %add3A_692 : i32 to index
        %get3A_729 = tpu.vector_load %arg5[%get3A_727, %get3A_728] {strides = array<i32>} : memref<10x1024xf32, #tpu.memory_space<vmem>>, vector<16xf32>,
        %add3A_730 = arith.addf %add3A_722, %get3A_729 : vector<16xf32>
        %max3A_731 = arith.maximumf %max3A_723, %get3A_729 : vector<16xf32>
        %mul3A_732 = arith.mulf %get3A_729, %get3A_729 : vector<16xf32>
        %add3A_733 = arith.addf %add3A_725, %mul3A_732 : vector<16xf32>
        %get3A_734 = arith.constant 5 : i32
        %get3A_735 = arith.index_cast %get3A_734 : i32 to index
        %get3A_736 = arith.index_cast %add3A_692 : i32 to index
        %get3A_737 = tpu.vector_load %arg5[%get3A_735, %get3A_736] {strides = array<i32>} : memref<10x1024xf32, #tpu.memory_space<vmem>>, vector<16xf32>,
        %add3A_738 = arith.addf %add3A_730, %get3A_737 : vector<16xf32>
        %max3A_739 = arith.maximumf %max3A_731, %get3A_737 : vector<16xf32>
        %mul3A_740 = arith.mulf %get3A_737, %get3A_737 : vector<16xf32>
        %add3A_741 = arith.addf %add3A_733, %mul3A_740 : vector<16xf32>
        %get3A_742 = arith.constant 6 : i32
        %get3A_743 = arith.index_cast %get3A_742 : i32 to index
        %get3A_744 = arith.index_cast %add3A_692 : i32 to index
        %get3A_745 = tpu.vector_load %arg5[%get3A_743, %get3A_744] {strides = array<i32>} : memref<10x1024xf32, #tpu.memory_space<vmem>>, vector<16xf32>,
        %add3A_746 = arith.addf %add3A_738, %get3A_745 : vector<16xf32>
        %max3A_747 = arith.maximumf %max3A_739, %get3A_745 : vector<16xf32>
        %mul3A_748 = arith.mulf %get3A_745, %get3A_745 : vector<16xf32>
        %add3A_749 = arith.addf %add3A_741, %mul3A_748 : vector<16xf32>
        %get3A_750 = arith.constant 7 : i32
        %get3A_751 = arith.index_cast %get3A_750 : i32 to index
        %get3A_752 = arith.index_cast %add3A_692 : i32 to index
        %get3A_753 = tpu.vector_load %arg5[%get3A_751, %get3A_752] {strides = array<i32>} : memref<10x1024xf32, #tpu.memory_space<vmem>>, vector<16xf32>,
        %add3A_754 = arith.addf %add3A_746, %get3A_753 : vector<16xf32>
        %max3A_755 = arith.maximumf %max3A_747, %get3A_753 : vector<16xf32>
        %mul3A_756 = arith.mulf %get3A_753, %get3A_753 : vector<16xf32>
        %add3A_757 = arith.addf %add3A_749, %mul3A_756 : vector<16xf32>
        %get3A_758 = arith.constant 8 : i32
        %get3A_759 = arith.index_cast %get3A_758 : i32 to index
        %get3A_760 = arith.index_cast %add3A_692 : i32 to index
        %get3A_761 = tpu.vector_load %arg5[%get3A_759, %get3A_760] {strides = array<i32>} : memref<10x1024xf32, #tpu.memory_space<vmem>>, vector<16xf32>,
        %add3A_762 = arith.addf %add3A_754, %get3A_761 : vector<16xf32>
        %max3A_763 = arith.maximumf %max3A_755, %get3A_761 : vector<16xf32>
        %mul3A_764 = arith.mulf %get3A_761, %get3A_761 : vector<16xf32>
        %add3A_765 = arith.addf %add3A_757, %mul3A_764 : vector<16xf32>
        %get3A_766 = arith.constant 9 : i32
        %get3A_767 = arith.index_cast %get3A_766 : i32 to index
        %get3A_768 = arith.index_cast %add3A_692 : i32 to index
        %get3A_769 = tpu.vector_load %arg5[%get3A_767, %get3A_768] {strides = array<i32>} : memref<10x1024xf32, #tpu.memory_space<vmem>>, vector<16xf32>,
        %add3A_770 = arith.addf %add3A_762, %get3A_769 : vector<16xf32>
        %max3A_771 = arith.maximumf %max3A_763, %get3A_769 : vector<16xf32>
        %mul3A_772 = arith.mulf %get3A_769, %get3A_769 : vector<16xf32>
        %add3A_773 = arith.addf %add3A_765, %mul3A_772 : vector<16xf32>
        %gather3A_774 = tpu.vector_load_idx %arg5[%get3A_696, %add3A_694] : memref<10x1024xf32, #tpu.memory_space<vmem>>[vector<16xi32>, vector<16xi32>], vector<16xf32>,
        %div3A_775 = arith.constant 1.000000e+00 : f32
        %div3A_776 = vector.broadcast %div3A_775 : f32 to vector<16xf32>
        %div3A_777 = arith.divf %div3A_776, %add3A_770 : vector<16xf32>
        %mul3A_778 = arith.mulf %max3A_771, %div3A_777 : vector<16xf32>
        %eq3A_779 = arith.cmpf oeq, %gather3A_774, %max3A_771 : vector<16xf32>
        %convert_element_type3A_780 = arith.extui %eq3A_779 : vector<16xi1> to vector<16xi32>
        %convert_element_type3A_781 = arith.sitofp %convert_element_type3A_780 : vector<16xi32> to vector<16xf32>
        %mul3A_782 = arith.mulf %add3A_773, %div3A_777 : vector<16xf32>
        %mul3A_783 = arith.mulf %mul3A_782, %div3A_777 : vector<16xf32>
        %mul3A_784 = arith.constant 2.000000e+00 : f32
        %mul3A_785 = vector.broadcast %mul3A_784 : f32 to vector<16xf32>
        %mul3A_786 = arith.mulf %mul3A_785, %gather3A_774 : vector<16xf32>
        %mul3A_787 = arith.mulf %mul3A_786, %div3A_777 : vector<16xf32>
        %sub3A_788 = arith.subf %mul3A_783, %mul3A_787 : vector<16xf32>
        %add3A_789 = arith.constant 1.000000e+00 : f32
        %add3A_790 = vector.broadcast %add3A_789 : f32 to vector<16xf32>
        %add3A_791 = arith.addf %sub3A_788, %add3A_790 : vector<16xf32>
        %gt3A_792 = arith.constant 0.0666666701 : f32
        %gt3A_793 = vector.broadcast %gt3A_792 : f32 to vector<16xf32>
        %gt3A_794 = arith.cmpf ogt, %mul3A_778, %gt3A_793 : vector<16xf32>
        %convert_element_type3A_795 = arith.extui %gt3A_794 : vector<16xi1> to vector<16xi32>
        %gt3A_796 = arith.constant 0.13333334 : f32
        %gt3A_797 = vector.broadcast %gt3A_796 : f32 to vector<16xf32>
        %gt3A_798 = arith.cmpf ogt, %mul3A_778, %gt3A_797 : vector<16xf32>
        %convert_element_type3A_799 = arith.extui %gt3A_798 : vector<16xi1> to vector<16xi32>
        %add3A_800 = arith.addi %convert_element_type3A_795, %convert_element_type3A_799 : vector<16xi32>
        %gt3A_801 = arith.constant 0.200000018 : f32
        %gt3A_802 = vector.broadcast %gt3A_801 : f32 to vector<16xf32>
        %gt3A_803 = arith.cmpf ogt, %mul3A_778, %gt3A_802 : vector<16xf32>
        %convert_element_type3A_804 = arith.extui %gt3A_803 : vector<16xi1> to vector<16xi32>
        %add3A_805 = arith.addi %add3A_800, %convert_element_type3A_804 : vector<16xi32>
        %gt3A_806 = arith.constant 0.266666681 : f32
        %gt3A_807 = vector.broadcast %gt3A_806 : f32 to vector<16xf32>
        %gt3A_808 = arith.cmpf ogt, %mul3A_778, %gt3A_807 : vector<16xf32>
        %convert_element_type3A_809 = arith.extui %gt3A_808 : vector<16xi1> to vector<16xi32>
        %add3A_810 = arith.addi %add3A_805, %convert_element_type3A_809 : vector<16xi32>
        %gt3A_811 = arith.constant 0.333333343 : f32
        %gt3A_812 = vector.broadcast %gt3A_811 : f32 to vector<16xf32>
        %gt3A_813 = arith.cmpf ogt, %mul3A_778, %gt3A_812 : vector<16xf32>
        %convert_element_type3A_814 = arith.extui %gt3A_813 : vector<16xi1> to vector<16xi32>
        %add3A_815 = arith.addi %add3A_810, %convert_element_type3A_814 : vector<16xi32>
        %gt3A_816 = arith.constant 0.400000036 : f32
        %gt3A_817 = vector.broadcast %gt3A_816 : f32 to vector<16xf32>
        %gt3A_818 = arith.cmpf ogt, %mul3A_778, %gt3A_817 : vector<16xf32>
        %convert_element_type3A_819 = arith.extui %gt3A_818 : vector<16xi1> to vector<16xi32>
        %add3A_820 = arith.addi %add3A_815, %convert_element_type3A_819 : vector<16xi32>
        %gt3A_821 = arith.constant 0.466666698 : f32
        %gt3A_822 = vector.broadcast %gt3A_821 : f32 to vector<16xf32>
        %gt3A_823 = arith.cmpf ogt, %mul3A_778, %gt3A_822 : vector<16xf32>
        %convert_element_type3A_824 = arith.extui %gt3A_823 : vector<16xi1> to vector<16xi32>
        %add3A_825 = arith.addi %add3A_820, %convert_element_type3A_824 : vector<16xi32>
        %gt3A_826 = arith.constant 0.533333361 : f32
        %gt3A_827 = vector.broadcast %gt3A_826 : f32 to vector<16xf32>
        %gt3A_828 = arith.cmpf ogt, %mul3A_778, %gt3A_827 : vector<16xf32>
        %convert_element_type3A_829 = arith.extui %gt3A_828 : vector<16xi1> to vector<16xi32>
        %add3A_830 = arith.addi %add3A_825, %convert_element_type3A_829 : vector<16xi32>
        %gt3A_831 = arith.constant 6.000000e-01 : f32
        %gt3A_832 = vector.broadcast %gt3A_831 : f32 to vector<16xf32>
        %gt3A_833 = arith.cmpf ogt, %mul3A_778, %gt3A_832 : vector<16xf32>
        %convert_element_type3A_834 = arith.extui %gt3A_833 : vector<16xi1> to vector<16xi32>
        %add3A_835 = arith.addi %add3A_830, %convert_element_type3A_834 : vector<16xi32>
        %gt3A_836 = arith.constant 0.666666686 : f32
        %gt3A_837 = vector.broadcast %gt3A_836 : f32 to vector<16xf32>
        %gt3A_838 = arith.cmpf ogt, %mul3A_778, %gt3A_837 : vector<16xf32>
        %convert_element_type3A_839 = arith.extui %gt3A_838 : vector<16xi1> to vector<16xi32>
        %add3A_840 = arith.addi %add3A_835, %convert_element_type3A_839 : vector<16xi32>
        %gt3A_841 = arith.constant 0.733333349 : f32
        %gt3A_842 = vector.broadcast %gt3A_841 : f32 to vector<16xf32>
        %gt3A_843 = arith.cmpf ogt, %mul3A_778, %gt3A_842 : vector<16xf32>
        %convert_element_type3A_844 = arith.extui %gt3A_843 : vector<16xi1> to vector<16xi32>
        %add3A_845 = arith.addi %add3A_840, %convert_element_type3A_844 : vector<16xi32>
        %gt3A_846 = arith.constant 0.800000071 : f32
        %gt3A_847 = vector.broadcast %gt3A_846 : f32 to vector<16xf32>
        %gt3A_848 = arith.cmpf ogt, %mul3A_778, %gt3A_847 : vector<16xf32>
        %convert_element_type3A_849 = arith.extui %gt3A_848 : vector<16xi1> to vector<16xi32>
        %add3A_850 = arith.addi %add3A_845, %convert_element_type3A_849 : vector<16xi32>
        %gt3A_851 = arith.constant 0.866666734 : f32
        %gt3A_852 = vector.broadcast %gt3A_851 : f32 to vector<16xf32>
        %gt3A_853 = arith.cmpf ogt, %mul3A_778, %gt3A_852 : vector<16xf32>
        %convert_element_type3A_854 = arith.extui %gt3A_853 : vector<16xi1> to vector<16xi32>
        %add3A_855 = arith.addi %add3A_850, %convert_element_type3A_854 : vector<16xi32>
        %gt3A_856 = arith.constant 0.933333396 : f32
        %gt3A_857 = vector.broadcast %gt3A_856 : f32 to vector<16xf32>
        %gt3A_858 = arith.cmpf ogt, %mul3A_778, %gt3A_857 : vector<16xf32>
        %convert_element_type3A_859 = arith.extui %gt3A_858 : vector<16xi1> to vector<16xi32>
        %add3A_860 = arith.addi %add3A_855, %convert_element_type3A_859 : vector<16xi32>
        %mul3A_861 = arith.constant 16 : i32
        %mul3A_862 = vector.broadcast %mul3A_861 : i32 to vector<16xi32>
        %mul3A_863 = arith.muli %iota3A, %mul3A_862 : vector<16xi32>
        %add3A_864 = arith.addi %mul3A_863, %add3A_860 : vector<16xi32>
        %add3A_865 = arith.constant 48 : i32
        %add3A_866 = arith.addi %multiple_of3A_348, %add3A_865 : i32
        %add3A_867 = vector.broadcast %add3A_866 : i32 to vector<16xi32>
        %add3A_868 = arith.addi %add3A_867, %iota3A : vector<16xi32>
        %get3A_869 = arith.index_cast %add3A_866 : i32 to index
        %get3A_870 = tpu.vector_load %arg7[%get3A_869] {strides = array<i32>} : memref<1024xi32, #tpu.memory_space<vmem>>, vector<16xi32>,
        %get3A_871 = arith.constant 0 : i32
        %get3A_872 = arith.index_cast %get3A_871 : i32 to index
        %get3A_873 = arith.index_cast %add3A_866 : i32 to index
        %get3A_874 = tpu.vector_load %arg5[%get3A_872, %get3A_873] {strides = array<i32>} : memref<10x1024xf32, #tpu.memory_space<vmem>>, vector<16xf32>,
        %mul3A_875 = arith.mulf %get3A_874, %get3A_874 : vector<16xf32>
        %get3A_876 = arith.constant 1 : i32
        %get3A_877 = arith.index_cast %get3A_876 : i32 to index
        %get3A_878 = arith.index_cast %add3A_866 : i32 to index
        %get3A_879 = tpu.vector_load %arg5[%get3A_877, %get3A_878] {strides = array<i32>} : memref<10x1024xf32, #tpu.memory_space<vmem>>, vector<16xf32>,
        %add3A_880 = arith.addf %get3A_874, %get3A_879 : vector<16xf32>
        %max3A_881 = arith.maximumf %get3A_874, %get3A_879 : vector<16xf32>
        %mul3A_882 = arith.mulf %get3A_879, %get3A_879 : vector<16xf32>
        %add3A_883 = arith.addf %mul3A_875, %mul3A_882 : vector<16xf32>
        %get3A_884 = arith.constant 2 : i32
        %get3A_885 = arith.index_cast %get3A_884 : i32 to index
        %get3A_886 = arith.index_cast %add3A_866 : i32 to index
        %get3A_887 = tpu.vector_load %arg5[%get3A_885, %get3A_886] {strides = array<i32>} : memref<10x1024xf32, #tpu.memory_space<vmem>>, vector<16xf32>,
        %add3A_888 = arith.addf %add3A_880, %get3A_887 : vector<16xf32>
        %max3A_889 = arith.maximumf %max3A_881, %get3A_887 : vector<16xf32>
        %mul3A_890 = arith.mulf %get3A_887, %get3A_887 : vector<16xf32>
        %add3A_891 = arith.addf %add3A_883, %mul3A_890 : vector<16xf32>
        %get3A_892 = arith.constant 3 : i32
        %get3A_893 = arith.index_cast %get3A_892 : i32 to index
        %get3A_894 = arith.index_cast %add3A_866 : i32 to index
        %get3A_895 = tpu.vector_load %arg5[%get3A_893, %get3A_894] {strides = array<i32>} : memref<10x1024xf32, #tpu.memory_space<vmem>>, vector<16xf32>,
        %add3A_896 = arith.addf %add3A_888, %get3A_895 : vector<16xf32>
        %max3A_897 = arith.maximumf %max3A_889, %get3A_895 : vector<16xf32>
        %mul3A_898 = arith.mulf %get3A_895, %get3A_895 : vector<16xf32>
        %add3A_899 = arith.addf %add3A_891, %mul3A_898 : vector<16xf32>
        %get3A_900 = arith.constant 4 : i32
        %get3A_901 = arith.index_cast %get3A_900 : i32 to index
        %get3A_902 = arith.index_cast %add3A_866 : i32 to index
        %get3A_903 = tpu.vector_load %arg5[%get3A_901, %get3A_902] {strides = array<i32>} : memref<10x1024xf32, #tpu.memory_space<vmem>>, vector<16xf32>,
        %add3A_904 = arith.addf %add3A_896, %get3A_903 : vector<16xf32>
        %max3A_905 = arith.maximumf %max3A_897, %get3A_903 : vector<16xf32>
        %mul3A_906 = arith.mulf %get3A_903, %get3A_903 : vector<16xf32>
        %add3A_907 = arith.addf %add3A_899, %mul3A_906 : vector<16xf32>
        %get3A_908 = arith.constant 5 : i32
        %get3A_909 = arith.index_cast %get3A_908 : i32 to index
        %get3A_910 = arith.index_cast %add3A_866 : i32 to index
        %get3A_911 = tpu.vector_load %arg5[%get3A_909, %get3A_910] {strides = array<i32>} : memref<10x1024xf32, #tpu.memory_space<vmem>>, vector<16xf32>,
        %add3A_912 = arith.addf %add3A_904, %get3A_911 : vector<16xf32>
        %max3A_913 = arith.maximumf %max3A_905, %get3A_911 : vector<16xf32>
        %mul3A_914 = arith.mulf %get3A_911, %get3A_911 : vector<16xf32>
        %add3A_915 = arith.addf %add3A_907, %mul3A_914 : vector<16xf32>
        %get3A_916 = arith.constant 6 : i32
        %get3A_917 = arith.index_cast %get3A_916 : i32 to index
        %get3A_918 = arith.index_cast %add3A_866 : i32 to index
        %get3A_919 = tpu.vector_load %arg5[%get3A_917, %get3A_918] {strides = array<i32>} : memref<10x1024xf32, #tpu.memory_space<vmem>>, vector<16xf32>,
        %add3A_920 = arith.addf %add3A_912, %get3A_919 : vector<16xf32>
        %max3A_921 = arith.maximumf %max3A_913, %get3A_919 : vector<16xf32>
        %mul3A_922 = arith.mulf %get3A_919, %get3A_919 : vector<16xf32>
        %add3A_923 = arith.addf %add3A_915, %mul3A_922 : vector<16xf32>
        %get3A_924 = arith.constant 7 : i32
        %get3A_925 = arith.index_cast %get3A_924 : i32 to index
        %get3A_926 = arith.index_cast %add3A_866 : i32 to index
        %get3A_927 = tpu.vector_load %arg5[%get3A_925, %get3A_926] {strides = array<i32>} : memref<10x1024xf32, #tpu.memory_space<vmem>>, vector<16xf32>,
        %add3A_928 = arith.addf %add3A_920, %get3A_927 : vector<16xf32>
        %max3A_929 = arith.maximumf %max3A_921, %get3A_927 : vector<16xf32>
        %mul3A_930 = arith.mulf %get3A_927, %get3A_927 : vector<16xf32>
        %add3A_931 = arith.addf %add3A_923, %mul3A_930 : vector<16xf32>
        %get3A_932 = arith.constant 8 : i32
        %get3A_933 = arith.index_cast %get3A_932 : i32 to index
        %get3A_934 = arith.index_cast %add3A_866 : i32 to index
        %get3A_935 = tpu.vector_load %arg5[%get3A_933, %get3A_934] {strides = array<i32>} : memref<10x1024xf32, #tpu.memory_space<vmem>>, vector<16xf32>,
        %add3A_936 = arith.addf %add3A_928, %get3A_935 : vector<16xf32>
        %max3A_937 = arith.maximumf %max3A_929, %get3A_935 : vector<16xf32>
        %mul3A_938 = arith.mulf %get3A_935, %get3A_935 : vector<16xf32>
        %add3A_939 = arith.addf %add3A_931, %mul3A_938 : vector<16xf32>
        %get3A_940 = arith.constant 9 : i32
        %get3A_941 = arith.index_cast %get3A_940 : i32 to index
        %get3A_942 = arith.index_cast %add3A_866 : i32 to index
        %get3A_943 = tpu.vector_load %arg5[%get3A_941, %get3A_942] {strides = array<i32>} : memref<10x1024xf32, #tpu.memory_space<vmem>>, vector<16xf32>,
        %add3A_944 = arith.addf %add3A_936, %get3A_943 : vector<16xf32>
        %max3A_945 = arith.maximumf %max3A_937, %get3A_943 : vector<16xf32>
        %mul3A_946 = arith.mulf %get3A_943, %get3A_943 : vector<16xf32>
        %add3A_947 = arith.addf %add3A_939, %mul3A_946 : vector<16xf32>
        %gather3A_948 = tpu.vector_load_idx %arg5[%get3A_870, %add3A_868] : memref<10x1024xf32, #tpu.memory_space<vmem>>[vector<16xi32>, vector<16xi32>], vector<16xf32>,
        %div3A_949 = arith.constant 1.000000e+00 : f32
        %div3A_950 = vector.broadcast %div3A_949 : f32 to vector<16xf32>
        %div3A_951 = arith.divf %div3A_950, %add3A_944 : vector<16xf32>
        %mul3A_952 = arith.mulf %max3A_945, %div3A_951 : vector<16xf32>
        %eq3A_953 = arith.cmpf oeq, %gather3A_948, %max3A_945 : vector<16xf32>
        %convert_element_type3A_954 = arith.extui %eq3A_953 : vector<16xi1> to vector<16xi32>
        %convert_element_type3A_955 = arith.sitofp %convert_element_type3A_954 : vector<16xi32> to vector<16xf32>
        %mul3A_956 = arith.mulf %add3A_947, %div3A_951 : vector<16xf32>
        %mul3A_957 = arith.mulf %mul3A_956, %div3A_951 : vector<16xf32>
        %mul3A_958 = arith.constant 2.000000e+00 : f32
        %mul3A_959 = vector.broadcast %mul3A_958 : f32 to vector<16xf32>
        %mul3A_960 = arith.mulf %mul3A_959, %gather3A_948 : vector<16xf32>
        %mul3A_961 = arith.mulf %mul3A_960, %div3A_951 : vector<16xf32>
        %sub3A_962 = arith.subf %mul3A_957, %mul3A_961 : vector<16xf32>
        %add3A_963 = arith.constant 1.000000e+00 : f32
        %add3A_964 = vector.broadcast %add3A_963 : f32 to vector<16xf32>
        %add3A_965 = arith.addf %sub3A_962, %add3A_964 : vector<16xf32>
        %gt3A_966 = arith.constant 0.0666666701 : f32
        %gt3A_967 = vector.broadcast %gt3A_966 : f32 to vector<16xf32>
        %gt3A_968 = arith.cmpf ogt, %mul3A_952, %gt3A_967 : vector<16xf32>
        %convert_element_type3A_969 = arith.extui %gt3A_968 : vector<16xi1> to vector<16xi32>
        %gt3A_970 = arith.constant 0.13333334 : f32
        %gt3A_971 = vector.broadcast %gt3A_970 : f32 to vector<16xf32>
        %gt3A_972 = arith.cmpf ogt, %mul3A_952, %gt3A_971 : vector<16xf32>
        %convert_element_type3A_973 = arith.extui %gt3A_972 : vector<16xi1> to vector<16xi32>
        %add3A_974 = arith.addi %convert_element_type3A_969, %convert_element_type3A_973 : vector<16xi32>
        %gt3A_975 = arith.constant 0.200000018 : f32
        %gt3A_976 = vector.broadcast %gt3A_975 : f32 to vector<16xf32>
        %gt3A_977 = arith.cmpf ogt, %mul3A_952, %gt3A_976 : vector<16xf32>
        %convert_element_type3A_978 = arith.extui %gt3A_977 : vector<16xi1> to vector<16xi32>
        %add3A_979 = arith.addi %add3A_974, %convert_element_type3A_978 : vector<16xi32>
        %gt3A_980 = arith.constant 0.266666681 : f32
        %gt3A_981 = vector.broadcast %gt3A_980 : f32 to vector<16xf32>
        %gt3A_982 = arith.cmpf ogt, %mul3A_952, %gt3A_981 : vector<16xf32>
        %convert_element_type3A_983 = arith.extui %gt3A_982 : vector<16xi1> to vector<16xi32>
        %add3A_984 = arith.addi %add3A_979, %convert_element_type3A_983 : vector<16xi32>
        %gt3A_985 = arith.constant 0.333333343 : f32
        %gt3A_986 = vector.broadcast %gt3A_985 : f32 to vector<16xf32>
        %gt3A_987 = arith.cmpf ogt, %mul3A_952, %gt3A_986 : vector<16xf32>
        %convert_element_type3A_988 = arith.extui %gt3A_987 : vector<16xi1> to vector<16xi32>
        %add3A_989 = arith.addi %add3A_984, %convert_element_type3A_988 : vector<16xi32>
        %gt3A_990 = arith.constant 0.400000036 : f32
        %gt3A_991 = vector.broadcast %gt3A_990 : f32 to vector<16xf32>
        %gt3A_992 = arith.cmpf ogt, %mul3A_952, %gt3A_991 : vector<16xf32>
        %convert_element_type3A_993 = arith.extui %gt3A_992 : vector<16xi1> to vector<16xi32>
        %add3A_994 = arith.addi %add3A_989, %convert_element_type3A_993 : vector<16xi32>
        %gt3A_995 = arith.constant 0.466666698 : f32
        %gt3A_996 = vector.broadcast %gt3A_995 : f32 to vector<16xf32>
        %gt3A_997 = arith.cmpf ogt, %mul3A_952, %gt3A_996 : vector<16xf32>
        %convert_element_type3A_998 = arith.extui %gt3A_997 : vector<16xi1> to vector<16xi32>
        %add3A_999 = arith.addi %add3A_994, %convert_element_type3A_998 : vector<16xi32>
        %gt3A_1000 = arith.constant 0.533333361 : f32
        %gt3A_1001 = vector.broadcast %gt3A_1000 : f32 to vector<16xf32>
        %gt3A_1002 = arith.cmpf ogt, %mul3A_952, %gt3A_1001 : vector<16xf32>
        %convert_element_type3A_1003 = arith.extui %gt3A_1002 : vector<16xi1> to vector<16xi32>
        %add3A_1004 = arith.addi %add3A_999, %convert_element_type3A_1003 : vector<16xi32>
        %gt3A_1005 = arith.constant 6.000000e-01 : f32
        %gt3A_1006 = vector.broadcast %gt3A_1005 : f32 to vector<16xf32>
        %gt3A_1007 = arith.cmpf ogt, %mul3A_952, %gt3A_1006 : vector<16xf32>
        %convert_element_type3A_1008 = arith.extui %gt3A_1007 : vector<16xi1> to vector<16xi32>
        %add3A_1009 = arith.addi %add3A_1004, %convert_element_type3A_1008 : vector<16xi32>
        %gt3A_1010 = arith.constant 0.666666686 : f32
        %gt3A_1011 = vector.broadcast %gt3A_1010 : f32 to vector<16xf32>
        %gt3A_1012 = arith.cmpf ogt, %mul3A_952, %gt3A_1011 : vector<16xf32>
        %convert_element_type3A_1013 = arith.extui %gt3A_1012 : vector<16xi1> to vector<16xi32>
        %add3A_1014 = arith.addi %add3A_1009, %convert_element_type3A_1013 : vector<16xi32>
        %gt3A_1015 = arith.constant 0.733333349 : f32
        %gt3A_1016 = vector.broadcast %gt3A_1015 : f32 to vector<16xf32>
        %gt3A_1017 = arith.cmpf ogt, %mul3A_952, %gt3A_1016 : vector<16xf32>
        %convert_element_type3A_1018 = arith.extui %gt3A_1017 : vector<16xi1> to vector<16xi32>
        %add3A_1019 = arith.addi %add3A_1014, %convert_element_type3A_1018 : vector<16xi32>
        %gt3A_1020 = arith.constant 0.800000071 : f32
        %gt3A_1021 = vector.broadcast %gt3A_1020 : f32 to vector<16xf32>
        %gt3A_1022 = arith.cmpf ogt, %mul3A_952, %gt3A_1021 : vector<16xf32>
        %convert_element_type3A_1023 = arith.extui %gt3A_1022 : vector<16xi1> to vector<16xi32>
        %add3A_1024 = arith.addi %add3A_1019, %convert_element_type3A_1023 : vector<16xi32>
        %gt3A_1025 = arith.constant 0.866666734 : f32
        %gt3A_1026 = vector.broadcast %gt3A_1025 : f32 to vector<16xf32>
        %gt3A_1027 = arith.cmpf ogt, %mul3A_952, %gt3A_1026 : vector<16xf32>
        %convert_element_type3A_1028 = arith.extui %gt3A_1027 : vector<16xi1> to vector<16xi32>
        %add3A_1029 = arith.addi %add3A_1024, %convert_element_type3A_1028 : vector<16xi32>
        %gt3A_1030 = arith.constant 0.933333396 : f32
        %gt3A_1031 = vector.broadcast %gt3A_1030 : f32 to vector<16xf32>
        %gt3A_1032 = arith.cmpf ogt, %mul3A_952, %gt3A_1031 : vector<16xf32>
        %convert_element_type3A_1033 = arith.extui %gt3A_1032 : vector<16xi1> to vector<16xi32>
        %add3A_1034 = arith.addi %add3A_1029, %convert_element_type3A_1033 : vector<16xi32>
        %mul3A_1035 = arith.constant 16 : i32
        %mul3A_1036 = vector.broadcast %mul3A_1035 : i32 to vector<16xi32>
        %mul3A_1037 = arith.muli %iota3A, %mul3A_1036 : vector<16xi32>
        %add3A_1038 = arith.addi %mul3A_1037, %add3A_1034 : vector<16xi32>
        %get3A_1039 = arith.constant 0 : index
        %get3A_1040 = tpu.vector_load %arg14[%get3A_1039] {strides = array<i32>} : memref<16xf32, #tpu.memory_space<vmem>>, vector<16xf32>,
        %add3A_1041 = arith.addf %add3A_444, %add3A_617 : vector<16xf32>
        %add3A_1042 = arith.addf %add3A_791, %add3A_965 : vector<16xf32>
        %add3A_1043 = arith.addf %add3A_1041, %add3A_1042 : vector<16xf32>
        %add3A_1044 = arith.addf %get3A_1040, %add3A_1043 : vector<16xf32>
        %swap3A_1045 = arith.constant 0 : index
        %swap3A_1046 = tpu.vector_load %arg14[%swap3A_1045] {strides = array<i32>} : memref<16xf32, #tpu.memory_space<vmem>>, vector<16xf32>,
        tpu.vector_store %arg14[%swap3A_1045], %add3A_1044 {strides = array<i32>} : memref<16xf32, #tpu.memory_space<vmem>>, vector<16xf32>,
        tpu.vector_store_idx %arg11[%add3A_516], %broadcast_in_dim3A_5 {add = true} : memref<256xf32, #tpu.memory_space<vmem>>[vector<16xi32>], vector<16xf32>,
        tpu.vector_store_idx %arg12[%add3A_516], %mul3A_433 {add = true} : memref<256xf32, #tpu.memory_space<vmem>>[vector<16xi32>], vector<16xf32>,
        tpu.vector_store_idx %arg13[%add3A_516], %convert_element_type3A_435 {add = true} : memref<256xf32, #tpu.memory_space<vmem>>[vector<16xi32>], vector<16xf32>,
        tpu.vector_store_idx %arg11[%add3A_690], %broadcast_in_dim3A_5 {add = true} : memref<256xf32, #tpu.memory_space<vmem>>[vector<16xi32>], vector<16xf32>,
        tpu.vector_store_idx %arg12[%add3A_690], %mul3A_604 {add = true} : memref<256xf32, #tpu.memory_space<vmem>>[vector<16xi32>], vector<16xf32>,
        tpu.vector_store_idx %arg13[%add3A_690], %convert_element_type3A_607 {add = true} : memref<256xf32, #tpu.memory_space<vmem>>[vector<16xi32>], vector<16xf32>,
        tpu.vector_store_idx %arg11[%add3A_864], %broadcast_in_dim3A_5 {add = true} : memref<256xf32, #tpu.memory_space<vmem>>[vector<16xi32>], vector<16xf32>,
        tpu.vector_store_idx %arg12[%add3A_864], %mul3A_778 {add = true} : memref<256xf32, #tpu.memory_space<vmem>>[vector<16xi32>], vector<16xf32>,
        tpu.vector_store_idx %arg13[%add3A_864], %convert_element_type3A_781 {add = true} : memref<256xf32, #tpu.memory_space<vmem>>[vector<16xi32>], vector<16xf32>,
        tpu.vector_store_idx %arg11[%add3A_1038], %broadcast_in_dim3A_5 {add = true} : memref<256xf32, #tpu.memory_space<vmem>>[vector<16xi32>], vector<16xf32>,
        tpu.vector_store_idx %arg12[%add3A_1038], %mul3A_952 {add = true} : memref<256xf32, #tpu.memory_space<vmem>>[vector<16xi32>], vector<16xf32>,
        tpu.vector_store_idx %arg13[%add3A_1038], %convert_element_type3A_955 {add = true} : memref<256xf32, #tpu.memory_space<vmem>>[vector<16xi32>], vector<16xf32>,
      }
      %scan3A_314 = arith.constant 16 : i32
      %add3A_315 = arith.constant 2 : i32
      %add3A_316 = arith.addi %mul3A_286, %add3A_315 : i32
      %mul3A_317 = arith.constant 1024 : i32
      %mul3A_318 = arith.muli %add3A_316, %mul3A_317 : i32
      %add3A_319 = arith.addi %mul3A_2, %mul3A_318 : i32
      %multiple_of3A_320 = tpu.assume_multiple %add3A_319, 128 : i32
      %dma_start3A_321 = arith.constant 0 : i32
      %dma_start3A_322 = tpu.memref_slice %arg2[%dma_start3A_321, %multiple_of3A_320] : memref<10x2000000xf32, #tpu.memory_space<hbm>> -> memref<10x1024xf32, #tpu.memory_space<hbm>>
      %dma_start3A_323 = arith.constant 0 : i32
      %dma_start3A_324 = tpu.memref_slice %arg2[%dma_start3A_323, %multiple_of3A_320] : memref<10x2000000xf32, #tpu.memory_space<hbm>> -> memref<10x1024xf32, #tpu.memory_space<hbm>>
      tpu.enqueue_dma source(%dma_start3A_324 : memref<10x1024xf32, #tpu.memory_space<hbm>>) target(%arg5 : memref<10x1024xf32, #tpu.memory_space<vmem>>) target_semaphore(%arg16 : memref<!tpu.dma_semaphore, #tpu.memory_space<semaphore_mem>>)
      %dma_start3A_325 = tpu.memref_slice %arg3[%multiple_of3A_320] : memref<2000000xi32, #tpu.memory_space<hbm>> -> memref<1024xi32, #tpu.memory_space<hbm>>
      %dma_start3A_326 = tpu.memref_slice %arg3[%multiple_of3A_320] : memref<2000000xi32, #tpu.memory_space<hbm>> -> memref<1024xi32, #tpu.memory_space<hbm>>
      tpu.enqueue_dma source(%dma_start3A_326 : memref<1024xi32, #tpu.memory_space<hbm>>) target(%arg7 : memref<1024xi32, #tpu.memory_space<vmem>>) target_semaphore(%arg18 : memref<!tpu.dma_semaphore, #tpu.memory_space<semaphore_mem>>)
      %add3A_327 = arith.constant 1 : i32
      %add3A_328 = arith.addi %mul3A_286, %add3A_327 : i32
      %mul3A_329 = arith.constant 1024 : i32
      %mul3A_330 = arith.muli %add3A_328, %mul3A_329 : i32
      %add3A_331 = arith.addi %mul3A_2, %mul3A_330 : i32
      %multiple_of3A_332 = tpu.assume_multiple %add3A_331, 128 : i32
      %dma_wait3A_333 = arith.constant 0 : i32
      %dma_wait3A_334 = tpu.memref_slice %arg2[%dma_wait3A_333, %multiple_of3A_332] : memref<10x2000000xf32, #tpu.memory_space<hbm>> -> memref<10x1024xf32, #tpu.memory_space<hbm>>
      %dma_wait3A_335 = arith.constant 0 : i32
      %dma_wait3A_336 = tpu.memref_slice %arg2[%dma_wait3A_335, %multiple_of3A_332] : memref<10x2000000xf32, #tpu.memory_space<hbm>> -> memref<10x1024xf32, #tpu.memory_space<hbm>>
      tpu.wait_dma2 semaphore(%arg17 : memref<!tpu.dma_semaphore, #tpu.memory_space<semaphore_mem>>) src(%dma_wait3A_336 : memref<10x1024xf32, #tpu.memory_space<hbm>>) dst(%arg6 : memref<10x1024xf32, #tpu.memory_space<vmem>>)
      %dma_wait3A_337 = tpu.memref_slice %arg3[%multiple_of3A_332] : memref<2000000xi32, #tpu.memory_space<hbm>> -> memref<1024xi32, #tpu.memory_space<hbm>>
      %dma_wait3A_338 = tpu.memref_slice %arg3[%multiple_of3A_332] : memref<2000000xi32, #tpu.memory_space<hbm>> -> memref<1024xi32, #tpu.memory_space<hbm>>
      tpu.wait_dma2 semaphore(%arg19 : memref<!tpu.dma_semaphore, #tpu.memory_space<semaphore_mem>>) src(%dma_wait3A_338 : memref<1024xi32, #tpu.memory_space<hbm>>) dst(%arg8 : memref<1024xi32, #tpu.memory_space<vmem>>)
      %scan3A_339 = arith.constant 0 : i32
      %scan3A_340 = arith.constant 0 : i32
      %scan3A_341 = arith.constant 16 : i32
      %scan3A_342 = arith.addi %scan3A_340, %scan3A_341 : i32
      %scan3A_343 = arith.constant 1 : i32
      scf.for %scan3A_345 = %scan3A_340 to %scan3A_342 step %scan3A_343  : i32 {
        %mul3A_346 = arith.constant 64 : i32
        %mul3A_347 = arith.muli %scan3A_345, %mul3A_346 : i32
        %multiple_of3A_348 = tpu.assume_multiple %mul3A_347, 64 : i32
        %add3A_349 = arith.constant 0 : i32
        %add3A_350 = arith.addi %multiple_of3A_348, %add3A_349 : i32
        %add3A_351 = vector.broadcast %add3A_350 : i32 to vector<16xi32>
        %add3A_352 = arith.addi %add3A_351, %iota3A : vector<16xi32>
        %get3A_353 = arith.index_cast %add3A_350 : i32 to index
        %get3A_354 = tpu.vector_load %arg8[%get3A_353] {strides = array<i32>} : memref<1024xi32, #tpu.memory_space<vmem>>, vector<16xi32>,
        %get3A_355 = arith.constant 0 : i32
        %get3A_356 = arith.index_cast %get3A_355 : i32 to index
        %get3A_357 = arith.index_cast %add3A_350 : i32 to index
        %get3A_358 = tpu.vector_load %arg6[%get3A_356, %get3A_357] {strides = array<i32>} : memref<10x1024xf32, #tpu.memory_space<vmem>>, vector<16xf32>,
        %mul3A_359 = arith.mulf %get3A_358, %get3A_358 : vector<16xf32>
        %get3A_360 = arith.constant 1 : i32
        %get3A_361 = arith.index_cast %get3A_360 : i32 to index
        %get3A_362 = arith.index_cast %add3A_350 : i32 to index
        %get3A_363 = tpu.vector_load %arg6[%get3A_361, %get3A_362] {strides = array<i32>} : memref<10x1024xf32, #tpu.memory_space<vmem>>, vector<16xf32>,
        %add3A_364 = arith.addf %get3A_358, %get3A_363 : vector<16xf32>
        %max3A = arith.maximumf %get3A_358, %get3A_363 : vector<16xf32>
        %mul3A_365 = arith.mulf %get3A_363, %get3A_363 : vector<16xf32>
        %add3A_366 = arith.addf %mul3A_359, %mul3A_365 : vector<16xf32>
        %get3A_367 = arith.constant 2 : i32
        %get3A_368 = arith.index_cast %get3A_367 : i32 to index
        %get3A_369 = arith.index_cast %add3A_350 : i32 to index
        %get3A_370 = tpu.vector_load %arg6[%get3A_368, %get3A_369] {strides = array<i32>} : memref<10x1024xf32, #tpu.memory_space<vmem>>, vector<16xf32>,
        %add3A_371 = arith.addf %add3A_364, %get3A_370 : vector<16xf32>
        %max3A_372 = arith.maximumf %max3A, %get3A_370 : vector<16xf32>
        %mul3A_373 = arith.mulf %get3A_370, %get3A_370 : vector<16xf32>
        %add3A_374 = arith.addf %add3A_366, %mul3A_373 : vector<16xf32>
        %get3A_375 = arith.constant 3 : i32
        %get3A_376 = arith.index_cast %get3A_375 : i32 to index
        %get3A_377 = arith.index_cast %add3A_350 : i32 to index
        %get3A_378 = tpu.vector_load %arg6[%get3A_376, %get3A_377] {strides = array<i32>} : memref<10x1024xf32, #tpu.memory_space<vmem>>, vector<16xf32>,
        %add3A_379 = arith.addf %add3A_371, %get3A_378 : vector<16xf32>
        %max3A_380 = arith.maximumf %max3A_372, %get3A_378 : vector<16xf32>
        %mul3A_381 = arith.mulf %get3A_378, %get3A_378 : vector<16xf32>
        %add3A_382 = arith.addf %add3A_374, %mul3A_381 : vector<16xf32>
        %get3A_383 = arith.constant 4 : i32
        %get3A_384 = arith.index_cast %get3A_383 : i32 to index
        %get3A_385 = arith.index_cast %add3A_350 : i32 to index
        %get3A_386 = tpu.vector_load %arg6[%get3A_384, %get3A_385] {strides = array<i32>} : memref<10x1024xf32, #tpu.memory_space<vmem>>, vector<16xf32>,
        %add3A_387 = arith.addf %add3A_379, %get3A_386 : vector<16xf32>
        %max3A_388 = arith.maximumf %max3A_380, %get3A_386 : vector<16xf32>
        %mul3A_389 = arith.mulf %get3A_386, %get3A_386 : vector<16xf32>
        %add3A_390 = arith.addf %add3A_382, %mul3A_389 : vector<16xf32>
        %get3A_391 = arith.constant 5 : i32
        %get3A_392 = arith.index_cast %get3A_391 : i32 to index
        %get3A_393 = arith.index_cast %add3A_350 : i32 to index
        %get3A_394 = tpu.vector_load %arg6[%get3A_392, %get3A_393] {strides = array<i32>} : memref<10x1024xf32, #tpu.memory_space<vmem>>, vector<16xf32>,
        %add3A_395 = arith.addf %add3A_387, %get3A_394 : vector<16xf32>
        %max3A_396 = arith.maximumf %max3A_388, %get3A_394 : vector<16xf32>
        %mul3A_397 = arith.mulf %get3A_394, %get3A_394 : vector<16xf32>
        %add3A_398 = arith.addf %add3A_390, %mul3A_397 : vector<16xf32>
        %get3A_399 = arith.constant 6 : i32
        %get3A_400 = arith.index_cast %get3A_399 : i32 to index
        %get3A_401 = arith.index_cast %add3A_350 : i32 to index
        %get3A_402 = tpu.vector_load %arg6[%get3A_400, %get3A_401] {strides = array<i32>} : memref<10x1024xf32, #tpu.memory_space<vmem>>, vector<16xf32>,
        %add3A_403 = arith.addf %add3A_395, %get3A_402 : vector<16xf32>
        %max3A_404 = arith.maximumf %max3A_396, %get3A_402 : vector<16xf32>
        %mul3A_405 = arith.mulf %get3A_402, %get3A_402 : vector<16xf32>
        %add3A_406 = arith.addf %add3A_398, %mul3A_405 : vector<16xf32>
        %get3A_407 = arith.constant 7 : i32
        %get3A_408 = arith.index_cast %get3A_407 : i32 to index
        %get3A_409 = arith.index_cast %add3A_350 : i32 to index
        %get3A_410 = tpu.vector_load %arg6[%get3A_408, %get3A_409] {strides = array<i32>} : memref<10x1024xf32, #tpu.memory_space<vmem>>, vector<16xf32>,
        %add3A_411 = arith.addf %add3A_403, %get3A_410 : vector<16xf32>
        %max3A_412 = arith.maximumf %max3A_404, %get3A_410 : vector<16xf32>
        %mul3A_413 = arith.mulf %get3A_410, %get3A_410 : vector<16xf32>
        %add3A_414 = arith.addf %add3A_406, %mul3A_413 : vector<16xf32>
        %get3A_415 = arith.constant 8 : i32
        %get3A_416 = arith.index_cast %get3A_415 : i32 to index
        %get3A_417 = arith.index_cast %add3A_350 : i32 to index
        %get3A_418 = tpu.vector_load %arg6[%get3A_416, %get3A_417] {strides = array<i32>} : memref<10x1024xf32, #tpu.memory_space<vmem>>, vector<16xf32>,
        %add3A_419 = arith.addf %add3A_411, %get3A_418 : vector<16xf32>
        %max3A_420 = arith.maximumf %max3A_412, %get3A_418 : vector<16xf32>
        %mul3A_421 = arith.mulf %get3A_418, %get3A_418 : vector<16xf32>
        %add3A_422 = arith.addf %add3A_414, %mul3A_421 : vector<16xf32>
        %get3A_423 = arith.constant 9 : i32
        %get3A_424 = arith.index_cast %get3A_423 : i32 to index
        %get3A_425 = arith.index_cast %add3A_350 : i32 to index
        %get3A_426 = tpu.vector_load %arg6[%get3A_424, %get3A_425] {strides = array<i32>} : memref<10x1024xf32, #tpu.memory_space<vmem>>, vector<16xf32>,
        %add3A_427 = arith.addf %add3A_419, %get3A_426 : vector<16xf32>
        %max3A_428 = arith.maximumf %max3A_420, %get3A_426 : vector<16xf32>
        %mul3A_429 = arith.mulf %get3A_426, %get3A_426 : vector<16xf32>
        %add3A_430 = arith.addf %add3A_422, %mul3A_429 : vector<16xf32>
        %gather3A = tpu.vector_load_idx %arg6[%get3A_354, %add3A_352] : memref<10x1024xf32, #tpu.memory_space<vmem>>[vector<16xi32>, vector<16xi32>], vector<16xf32>,
        %div3A = arith.constant 1.000000e+00 : f32
        %div3A_431 = vector.broadcast %div3A : f32 to vector<16xf32>
        %div3A_432 = arith.divf %div3A_431, %add3A_427 : vector<16xf32>
        %mul3A_433 = arith.mulf %max3A_428, %div3A_432 : vector<16xf32>
        %eq3A = arith.cmpf oeq, %gather3A, %max3A_428 : vector<16xf32>
        %convert_element_type3A_434 = arith.extui %eq3A : vector<16xi1> to vector<16xi32>
        %convert_element_type3A_435 = arith.sitofp %convert_element_type3A_434 : vector<16xi32> to vector<16xf32>
        %mul3A_436 = arith.mulf %add3A_430, %div3A_432 : vector<16xf32>
        %mul3A_437 = arith.mulf %mul3A_436, %div3A_432 : vector<16xf32>
        %mul3A_438 = arith.constant 2.000000e+00 : f32
        %mul3A_439 = vector.broadcast %mul3A_438 : f32 to vector<16xf32>
        %mul3A_440 = arith.mulf %mul3A_439, %gather3A : vector<16xf32>
        %mul3A_441 = arith.mulf %mul3A_440, %div3A_432 : vector<16xf32>
        %sub3A = arith.subf %mul3A_437, %mul3A_441 : vector<16xf32>
        %add3A_442 = arith.constant 1.000000e+00 : f32
        %add3A_443 = vector.broadcast %add3A_442 : f32 to vector<16xf32>
        %add3A_444 = arith.addf %sub3A, %add3A_443 : vector<16xf32>
        %gt3A = arith.constant 0.0666666701 : f32
        %gt3A_445 = vector.broadcast %gt3A : f32 to vector<16xf32>
        %gt3A_446 = arith.cmpf ogt, %mul3A_433, %gt3A_445 : vector<16xf32>
        %convert_element_type3A_447 = arith.extui %gt3A_446 : vector<16xi1> to vector<16xi32>
        %gt3A_448 = arith.constant 0.13333334 : f32
        %gt3A_449 = vector.broadcast %gt3A_448 : f32 to vector<16xf32>
        %gt3A_450 = arith.cmpf ogt, %mul3A_433, %gt3A_449 : vector<16xf32>
        %convert_element_type3A_451 = arith.extui %gt3A_450 : vector<16xi1> to vector<16xi32>
        %add3A_452 = arith.addi %convert_element_type3A_447, %convert_element_type3A_451 : vector<16xi32>
        %gt3A_453 = arith.constant 0.200000018 : f32
        %gt3A_454 = vector.broadcast %gt3A_453 : f32 to vector<16xf32>
        %gt3A_455 = arith.cmpf ogt, %mul3A_433, %gt3A_454 : vector<16xf32>
        %convert_element_type3A_456 = arith.extui %gt3A_455 : vector<16xi1> to vector<16xi32>
        %add3A_457 = arith.addi %add3A_452, %convert_element_type3A_456 : vector<16xi32>
        %gt3A_458 = arith.constant 0.266666681 : f32
        %gt3A_459 = vector.broadcast %gt3A_458 : f32 to vector<16xf32>
        %gt3A_460 = arith.cmpf ogt, %mul3A_433, %gt3A_459 : vector<16xf32>
        %convert_element_type3A_461 = arith.extui %gt3A_460 : vector<16xi1> to vector<16xi32>
        %add3A_462 = arith.addi %add3A_457, %convert_element_type3A_461 : vector<16xi32>
        %gt3A_463 = arith.constant 0.333333343 : f32
        %gt3A_464 = vector.broadcast %gt3A_463 : f32 to vector<16xf32>
        %gt3A_465 = arith.cmpf ogt, %mul3A_433, %gt3A_464 : vector<16xf32>
        %convert_element_type3A_466 = arith.extui %gt3A_465 : vector<16xi1> to vector<16xi32>
        %add3A_467 = arith.addi %add3A_462, %convert_element_type3A_466 : vector<16xi32>
        %gt3A_468 = arith.constant 0.400000036 : f32
        %gt3A_469 = vector.broadcast %gt3A_468 : f32 to vector<16xf32>
        %gt3A_470 = arith.cmpf ogt, %mul3A_433, %gt3A_469 : vector<16xf32>
        %convert_element_type3A_471 = arith.extui %gt3A_470 : vector<16xi1> to vector<16xi32>
        %add3A_472 = arith.addi %add3A_467, %convert_element_type3A_471 : vector<16xi32>
        %gt3A_473 = arith.constant 0.466666698 : f32
        %gt3A_474 = vector.broadcast %gt3A_473 : f32 to vector<16xf32>
        %gt3A_475 = arith.cmpf ogt, %mul3A_433, %gt3A_474 : vector<16xf32>
        %convert_element_type3A_476 = arith.extui %gt3A_475 : vector<16xi1> to vector<16xi32>
        %add3A_477 = arith.addi %add3A_472, %convert_element_type3A_476 : vector<16xi32>
        %gt3A_478 = arith.constant 0.533333361 : f32
        %gt3A_479 = vector.broadcast %gt3A_478 : f32 to vector<16xf32>
        %gt3A_480 = arith.cmpf ogt, %mul3A_433, %gt3A_479 : vector<16xf32>
        %convert_element_type3A_481 = arith.extui %gt3A_480 : vector<16xi1> to vector<16xi32>
        %add3A_482 = arith.addi %add3A_477, %convert_element_type3A_481 : vector<16xi32>
        %gt3A_483 = arith.constant 6.000000e-01 : f32
        %gt3A_484 = vector.broadcast %gt3A_483 : f32 to vector<16xf32>
        %gt3A_485 = arith.cmpf ogt, %mul3A_433, %gt3A_484 : vector<16xf32>
        %convert_element_type3A_486 = arith.extui %gt3A_485 : vector<16xi1> to vector<16xi32>
        %add3A_487 = arith.addi %add3A_482, %convert_element_type3A_486 : vector<16xi32>
        %gt3A_488 = arith.constant 0.666666686 : f32
        %gt3A_489 = vector.broadcast %gt3A_488 : f32 to vector<16xf32>
        %gt3A_490 = arith.cmpf ogt, %mul3A_433, %gt3A_489 : vector<16xf32>
        %convert_element_type3A_491 = arith.extui %gt3A_490 : vector<16xi1> to vector<16xi32>
        %add3A_492 = arith.addi %add3A_487, %convert_element_type3A_491 : vector<16xi32>
        %gt3A_493 = arith.constant 0.733333349 : f32
        %gt3A_494 = vector.broadcast %gt3A_493 : f32 to vector<16xf32>
        %gt3A_495 = arith.cmpf ogt, %mul3A_433, %gt3A_494 : vector<16xf32>
        %convert_element_type3A_496 = arith.extui %gt3A_495 : vector<16xi1> to vector<16xi32>
        %add3A_497 = arith.addi %add3A_492, %convert_element_type3A_496 : vector<16xi32>
        %gt3A_498 = arith.constant 0.800000071 : f32
        %gt3A_499 = vector.broadcast %gt3A_498 : f32 to vector<16xf32>
        %gt3A_500 = arith.cmpf ogt, %mul3A_433, %gt3A_499 : vector<16xf32>
        %convert_element_type3A_501 = arith.extui %gt3A_500 : vector<16xi1> to vector<16xi32>
        %add3A_502 = arith.addi %add3A_497, %convert_element_type3A_501 : vector<16xi32>
        %gt3A_503 = arith.constant 0.866666734 : f32
        %gt3A_504 = vector.broadcast %gt3A_503 : f32 to vector<16xf32>
        %gt3A_505 = arith.cmpf ogt, %mul3A_433, %gt3A_504 : vector<16xf32>
        %convert_element_type3A_506 = arith.extui %gt3A_505 : vector<16xi1> to vector<16xi32>
        %add3A_507 = arith.addi %add3A_502, %convert_element_type3A_506 : vector<16xi32>
        %gt3A_508 = arith.constant 0.933333396 : f32
        %gt3A_509 = vector.broadcast %gt3A_508 : f32 to vector<16xf32>
        %gt3A_510 = arith.cmpf ogt, %mul3A_433, %gt3A_509 : vector<16xf32>
        %convert_element_type3A_511 = arith.extui %gt3A_510 : vector<16xi1> to vector<16xi32>
        %add3A_512 = arith.addi %add3A_507, %convert_element_type3A_511 : vector<16xi32>
        %mul3A_513 = arith.constant 16 : i32
        %mul3A_514 = vector.broadcast %mul3A_513 : i32 to vector<16xi32>
        %mul3A_515 = arith.muli %iota3A, %mul3A_514 : vector<16xi32>
        %add3A_516 = arith.addi %mul3A_515, %add3A_512 : vector<16xi32>
        %add3A_517 = arith.constant 16 : i32
        %add3A_518 = arith.addi %multiple_of3A_348, %add3A_517 : i32
        %add3A_519 = vector.broadcast %add3A_518 : i32 to vector<16xi32>
        %add3A_520 = arith.addi %add3A_519, %iota3A : vector<16xi32>
        %get3A_521 = arith.index_cast %add3A_518 : i32 to index
        %get3A_522 = tpu.vector_load %arg8[%get3A_521] {strides = array<i32>} : memref<1024xi32, #tpu.memory_space<vmem>>, vector<16xi32>,
        %get3A_523 = arith.constant 0 : i32
        %get3A_524 = arith.index_cast %get3A_523 : i32 to index
        %get3A_525 = arith.index_cast %add3A_518 : i32 to index
        %get3A_526 = tpu.vector_load %arg6[%get3A_524, %get3A_525] {strides = array<i32>} : memref<10x1024xf32, #tpu.memory_space<vmem>>, vector<16xf32>,
        %mul3A_527 = arith.mulf %get3A_526, %get3A_526 : vector<16xf32>
        %get3A_528 = arith.constant 1 : i32
        %get3A_529 = arith.index_cast %get3A_528 : i32 to index
        %get3A_530 = arith.index_cast %add3A_518 : i32 to index
        %get3A_531 = tpu.vector_load %arg6[%get3A_529, %get3A_530] {strides = array<i32>} : memref<10x1024xf32, #tpu.memory_space<vmem>>, vector<16xf32>,
        %add3A_532 = arith.addf %get3A_526, %get3A_531 : vector<16xf32>
        %max3A_533 = arith.maximumf %get3A_526, %get3A_531 : vector<16xf32>
        %mul3A_534 = arith.mulf %get3A_531, %get3A_531 : vector<16xf32>
        %add3A_535 = arith.addf %mul3A_527, %mul3A_534 : vector<16xf32>
        %get3A_536 = arith.constant 2 : i32
        %get3A_537 = arith.index_cast %get3A_536 : i32 to index
        %get3A_538 = arith.index_cast %add3A_518 : i32 to index
        %get3A_539 = tpu.vector_load %arg6[%get3A_537, %get3A_538] {strides = array<i32>} : memref<10x1024xf32, #tpu.memory_space<vmem>>, vector<16xf32>,
        %add3A_540 = arith.addf %add3A_532, %get3A_539 : vector<16xf32>
        %max3A_541 = arith.maximumf %max3A_533, %get3A_539 : vector<16xf32>
        %mul3A_542 = arith.mulf %get3A_539, %get3A_539 : vector<16xf32>
        %add3A_543 = arith.addf %add3A_535, %mul3A_542 : vector<16xf32>
        %get3A_544 = arith.constant 3 : i32
        %get3A_545 = arith.index_cast %get3A_544 : i32 to index
        %get3A_546 = arith.index_cast %add3A_518 : i32 to index
        %get3A_547 = tpu.vector_load %arg6[%get3A_545, %get3A_546] {strides = array<i32>} : memref<10x1024xf32, #tpu.memory_space<vmem>>, vector<16xf32>,
        %add3A_548 = arith.addf %add3A_540, %get3A_547 : vector<16xf32>
        %max3A_549 = arith.maximumf %max3A_541, %get3A_547 : vector<16xf32>
        %mul3A_550 = arith.mulf %get3A_547, %get3A_547 : vector<16xf32>
        %add3A_551 = arith.addf %add3A_543, %mul3A_550 : vector<16xf32>
        %get3A_552 = arith.constant 4 : i32
        %get3A_553 = arith.index_cast %get3A_552 : i32 to index
        %get3A_554 = arith.index_cast %add3A_518 : i32 to index
        %get3A_555 = tpu.vector_load %arg6[%get3A_553, %get3A_554] {strides = array<i32>} : memref<10x1024xf32, #tpu.memory_space<vmem>>, vector<16xf32>,
        %add3A_556 = arith.addf %add3A_548, %get3A_555 : vector<16xf32>
        %max3A_557 = arith.maximumf %max3A_549, %get3A_555 : vector<16xf32>
        %mul3A_558 = arith.mulf %get3A_555, %get3A_555 : vector<16xf32>
        %add3A_559 = arith.addf %add3A_551, %mul3A_558 : vector<16xf32>
        %get3A_560 = arith.constant 5 : i32
        %get3A_561 = arith.index_cast %get3A_560 : i32 to index
        %get3A_562 = arith.index_cast %add3A_518 : i32 to index
        %get3A_563 = tpu.vector_load %arg6[%get3A_561, %get3A_562] {strides = array<i32>} : memref<10x1024xf32, #tpu.memory_space<vmem>>, vector<16xf32>,
        %add3A_564 = arith.addf %add3A_556, %get3A_563 : vector<16xf32>
        %max3A_565 = arith.maximumf %max3A_557, %get3A_563 : vector<16xf32>
        %mul3A_566 = arith.mulf %get3A_563, %get3A_563 : vector<16xf32>
        %add3A_567 = arith.addf %add3A_559, %mul3A_566 : vector<16xf32>
        %get3A_568 = arith.constant 6 : i32
        %get3A_569 = arith.index_cast %get3A_568 : i32 to index
        %get3A_570 = arith.index_cast %add3A_518 : i32 to index
        %get3A_571 = tpu.vector_load %arg6[%get3A_569, %get3A_570] {strides = array<i32>} : memref<10x1024xf32, #tpu.memory_space<vmem>>, vector<16xf32>,
        %add3A_572 = arith.addf %add3A_564, %get3A_571 : vector<16xf32>
        %max3A_573 = arith.maximumf %max3A_565, %get3A_571 : vector<16xf32>
        %mul3A_574 = arith.mulf %get3A_571, %get3A_571 : vector<16xf32>
        %add3A_575 = arith.addf %add3A_567, %mul3A_574 : vector<16xf32>
        %get3A_576 = arith.constant 7 : i32
        %get3A_577 = arith.index_cast %get3A_576 : i32 to index
        %get3A_578 = arith.index_cast %add3A_518 : i32 to index
        %get3A_579 = tpu.vector_load %arg6[%get3A_577, %get3A_578] {strides = array<i32>} : memref<10x1024xf32, #tpu.memory_space<vmem>>, vector<16xf32>,
        %add3A_580 = arith.addf %add3A_572, %get3A_579 : vector<16xf32>
        %max3A_581 = arith.maximumf %max3A_573, %get3A_579 : vector<16xf32>
        %mul3A_582 = arith.mulf %get3A_579, %get3A_579 : vector<16xf32>
        %add3A_583 = arith.addf %add3A_575, %mul3A_582 : vector<16xf32>
        %get3A_584 = arith.constant 8 : i32
        %get3A_585 = arith.index_cast %get3A_584 : i32 to index
        %get3A_586 = arith.index_cast %add3A_518 : i32 to index
        %get3A_587 = tpu.vector_load %arg6[%get3A_585, %get3A_586] {strides = array<i32>} : memref<10x1024xf32, #tpu.memory_space<vmem>>, vector<16xf32>,
        %add3A_588 = arith.addf %add3A_580, %get3A_587 : vector<16xf32>
        %max3A_589 = arith.maximumf %max3A_581, %get3A_587 : vector<16xf32>
        %mul3A_590 = arith.mulf %get3A_587, %get3A_587 : vector<16xf32>
        %add3A_591 = arith.addf %add3A_583, %mul3A_590 : vector<16xf32>
        %get3A_592 = arith.constant 9 : i32
        %get3A_593 = arith.index_cast %get3A_592 : i32 to index
        %get3A_594 = arith.index_cast %add3A_518 : i32 to index
        %get3A_595 = tpu.vector_load %arg6[%get3A_593, %get3A_594] {strides = array<i32>} : memref<10x1024xf32, #tpu.memory_space<vmem>>, vector<16xf32>,
        %add3A_596 = arith.addf %add3A_588, %get3A_595 : vector<16xf32>
        %max3A_597 = arith.maximumf %max3A_589, %get3A_595 : vector<16xf32>
        %mul3A_598 = arith.mulf %get3A_595, %get3A_595 : vector<16xf32>
        %add3A_599 = arith.addf %add3A_591, %mul3A_598 : vector<16xf32>
        %gather3A_600 = tpu.vector_load_idx %arg6[%get3A_522, %add3A_520] : memref<10x1024xf32, #tpu.memory_space<vmem>>[vector<16xi32>, vector<16xi32>], vector<16xf32>,
        %div3A_601 = arith.constant 1.000000e+00 : f32
        %div3A_602 = vector.broadcast %div3A_601 : f32 to vector<16xf32>
        %div3A_603 = arith.divf %div3A_602, %add3A_596 : vector<16xf32>
        %mul3A_604 = arith.mulf %max3A_597, %div3A_603 : vector<16xf32>
        %eq3A_605 = arith.cmpf oeq, %gather3A_600, %max3A_597 : vector<16xf32>
        %convert_element_type3A_606 = arith.extui %eq3A_605 : vector<16xi1> to vector<16xi32>
        %convert_element_type3A_607 = arith.sitofp %convert_element_type3A_606 : vector<16xi32> to vector<16xf32>
        %mul3A_608 = arith.mulf %add3A_599, %div3A_603 : vector<16xf32>
        %mul3A_609 = arith.mulf %mul3A_608, %div3A_603 : vector<16xf32>
        %mul3A_610 = arith.constant 2.000000e+00 : f32
        %mul3A_611 = vector.broadcast %mul3A_610 : f32 to vector<16xf32>
        %mul3A_612 = arith.mulf %mul3A_611, %gather3A_600 : vector<16xf32>
        %mul3A_613 = arith.mulf %mul3A_612, %div3A_603 : vector<16xf32>
        %sub3A_614 = arith.subf %mul3A_609, %mul3A_613 : vector<16xf32>
        %add3A_615 = arith.constant 1.000000e+00 : f32
        %add3A_616 = vector.broadcast %add3A_615 : f32 to vector<16xf32>
        %add3A_617 = arith.addf %sub3A_614, %add3A_616 : vector<16xf32>
        %gt3A_618 = arith.constant 0.0666666701 : f32
        %gt3A_619 = vector.broadcast %gt3A_618 : f32 to vector<16xf32>
        %gt3A_620 = arith.cmpf ogt, %mul3A_604, %gt3A_619 : vector<16xf32>
        %convert_element_type3A_621 = arith.extui %gt3A_620 : vector<16xi1> to vector<16xi32>
        %gt3A_622 = arith.constant 0.13333334 : f32
        %gt3A_623 = vector.broadcast %gt3A_622 : f32 to vector<16xf32>
        %gt3A_624 = arith.cmpf ogt, %mul3A_604, %gt3A_623 : vector<16xf32>
        %convert_element_type3A_625 = arith.extui %gt3A_624 : vector<16xi1> to vector<16xi32>
        %add3A_626 = arith.addi %convert_element_type3A_621, %convert_element_type3A_625 : vector<16xi32>
        %gt3A_627 = arith.constant 0.200000018 : f32
        %gt3A_628 = vector.broadcast %gt3A_627 : f32 to vector<16xf32>
        %gt3A_629 = arith.cmpf ogt, %mul3A_604, %gt3A_628 : vector<16xf32>
        %convert_element_type3A_630 = arith.extui %gt3A_629 : vector<16xi1> to vector<16xi32>
        %add3A_631 = arith.addi %add3A_626, %convert_element_type3A_630 : vector<16xi32>
        %gt3A_632 = arith.constant 0.266666681 : f32
        %gt3A_633 = vector.broadcast %gt3A_632 : f32 to vector<16xf32>
        %gt3A_634 = arith.cmpf ogt, %mul3A_604, %gt3A_633 : vector<16xf32>
        %convert_element_type3A_635 = arith.extui %gt3A_634 : vector<16xi1> to vector<16xi32>
        %add3A_636 = arith.addi %add3A_631, %convert_element_type3A_635 : vector<16xi32>
        %gt3A_637 = arith.constant 0.333333343 : f32
        %gt3A_638 = vector.broadcast %gt3A_637 : f32 to vector<16xf32>
        %gt3A_639 = arith.cmpf ogt, %mul3A_604, %gt3A_638 : vector<16xf32>
        %convert_element_type3A_640 = arith.extui %gt3A_639 : vector<16xi1> to vector<16xi32>
        %add3A_641 = arith.addi %add3A_636, %convert_element_type3A_640 : vector<16xi32>
        %gt3A_642 = arith.constant 0.400000036 : f32
        %gt3A_643 = vector.broadcast %gt3A_642 : f32 to vector<16xf32>
        %gt3A_644 = arith.cmpf ogt, %mul3A_604, %gt3A_643 : vector<16xf32>
        %convert_element_type3A_645 = arith.extui %gt3A_644 : vector<16xi1> to vector<16xi32>
        %add3A_646 = arith.addi %add3A_641, %convert_element_type3A_645 : vector<16xi32>
        %gt3A_647 = arith.constant 0.466666698 : f32
        %gt3A_648 = vector.broadcast %gt3A_647 : f32 to vector<16xf32>
        %gt3A_649 = arith.cmpf ogt, %mul3A_604, %gt3A_648 : vector<16xf32>
        %convert_element_type3A_650 = arith.extui %gt3A_649 : vector<16xi1> to vector<16xi32>
        %add3A_651 = arith.addi %add3A_646, %convert_element_type3A_650 : vector<16xi32>
        %gt3A_652 = arith.constant 0.533333361 : f32
        %gt3A_653 = vector.broadcast %gt3A_652 : f32 to vector<16xf32>
        %gt3A_654 = arith.cmpf ogt, %mul3A_604, %gt3A_653 : vector<16xf32>
        %convert_element_type3A_655 = arith.extui %gt3A_654 : vector<16xi1> to vector<16xi32>
        %add3A_656 = arith.addi %add3A_651, %convert_element_type3A_655 : vector<16xi32>
        %gt3A_657 = arith.constant 6.000000e-01 : f32
        %gt3A_658 = vector.broadcast %gt3A_657 : f32 to vector<16xf32>
        %gt3A_659 = arith.cmpf ogt, %mul3A_604, %gt3A_658 : vector<16xf32>
        %convert_element_type3A_660 = arith.extui %gt3A_659 : vector<16xi1> to vector<16xi32>
        %add3A_661 = arith.addi %add3A_656, %convert_element_type3A_660 : vector<16xi32>
        %gt3A_662 = arith.constant 0.666666686 : f32
        %gt3A_663 = vector.broadcast %gt3A_662 : f32 to vector<16xf32>
        %gt3A_664 = arith.cmpf ogt, %mul3A_604, %gt3A_663 : vector<16xf32>
        %convert_element_type3A_665 = arith.extui %gt3A_664 : vector<16xi1> to vector<16xi32>
        %add3A_666 = arith.addi %add3A_661, %convert_element_type3A_665 : vector<16xi32>
        %gt3A_667 = arith.constant 0.733333349 : f32
        %gt3A_668 = vector.broadcast %gt3A_667 : f32 to vector<16xf32>
        %gt3A_669 = arith.cmpf ogt, %mul3A_604, %gt3A_668 : vector<16xf32>
        %convert_element_type3A_670 = arith.extui %gt3A_669 : vector<16xi1> to vector<16xi32>
        %add3A_671 = arith.addi %add3A_666, %convert_element_type3A_670 : vector<16xi32>
        %gt3A_672 = arith.constant 0.800000071 : f32
        %gt3A_673 = vector.broadcast %gt3A_672 : f32 to vector<16xf32>
        %gt3A_674 = arith.cmpf ogt, %mul3A_604, %gt3A_673 : vector<16xf32>
        %convert_element_type3A_675 = arith.extui %gt3A_674 : vector<16xi1> to vector<16xi32>
        %add3A_676 = arith.addi %add3A_671, %convert_element_type3A_675 : vector<16xi32>
        %gt3A_677 = arith.constant 0.866666734 : f32
        %gt3A_678 = vector.broadcast %gt3A_677 : f32 to vector<16xf32>
        %gt3A_679 = arith.cmpf ogt, %mul3A_604, %gt3A_678 : vector<16xf32>
        %convert_element_type3A_680 = arith.extui %gt3A_679 : vector<16xi1> to vector<16xi32>
        %add3A_681 = arith.addi %add3A_676, %convert_element_type3A_680 : vector<16xi32>
        %gt3A_682 = arith.constant 0.933333396 : f32
        %gt3A_683 = vector.broadcast %gt3A_682 : f32 to vector<16xf32>
        %gt3A_684 = arith.cmpf ogt, %mul3A_604, %gt3A_683 : vector<16xf32>
        %convert_element_type3A_685 = arith.extui %gt3A_684 : vector<16xi1> to vector<16xi32>
        %add3A_686 = arith.addi %add3A_681, %convert_element_type3A_685 : vector<16xi32>
        %mul3A_687 = arith.constant 16 : i32
        %mul3A_688 = vector.broadcast %mul3A_687 : i32 to vector<16xi32>
        %mul3A_689 = arith.muli %iota3A, %mul3A_688 : vector<16xi32>
        %add3A_690 = arith.addi %mul3A_689, %add3A_686 : vector<16xi32>
        %add3A_691 = arith.constant 32 : i32
        %add3A_692 = arith.addi %multiple_of3A_348, %add3A_691 : i32
        %add3A_693 = vector.broadcast %add3A_692 : i32 to vector<16xi32>
        %add3A_694 = arith.addi %add3A_693, %iota3A : vector<16xi32>
        %get3A_695 = arith.index_cast %add3A_692 : i32 to index
        %get3A_696 = tpu.vector_load %arg8[%get3A_695] {strides = array<i32>} : memref<1024xi32, #tpu.memory_space<vmem>>, vector<16xi32>,
        %get3A_697 = arith.constant 0 : i32
        %get3A_698 = arith.index_cast %get3A_697 : i32 to index
        %get3A_699 = arith.index_cast %add3A_692 : i32 to index
        %get3A_700 = tpu.vector_load %arg6[%get3A_698, %get3A_699] {strides = array<i32>} : memref<10x1024xf32, #tpu.memory_space<vmem>>, vector<16xf32>,
        %mul3A_701 = arith.mulf %get3A_700, %get3A_700 : vector<16xf32>
        %get3A_702 = arith.constant 1 : i32
        %get3A_703 = arith.index_cast %get3A_702 : i32 to index
        %get3A_704 = arith.index_cast %add3A_692 : i32 to index
        %get3A_705 = tpu.vector_load %arg6[%get3A_703, %get3A_704] {strides = array<i32>} : memref<10x1024xf32, #tpu.memory_space<vmem>>, vector<16xf32>,
        %add3A_706 = arith.addf %get3A_700, %get3A_705 : vector<16xf32>
        %max3A_707 = arith.maximumf %get3A_700, %get3A_705 : vector<16xf32>
        %mul3A_708 = arith.mulf %get3A_705, %get3A_705 : vector<16xf32>
        %add3A_709 = arith.addf %mul3A_701, %mul3A_708 : vector<16xf32>
        %get3A_710 = arith.constant 2 : i32
        %get3A_711 = arith.index_cast %get3A_710 : i32 to index
        %get3A_712 = arith.index_cast %add3A_692 : i32 to index
        %get3A_713 = tpu.vector_load %arg6[%get3A_711, %get3A_712] {strides = array<i32>} : memref<10x1024xf32, #tpu.memory_space<vmem>>, vector<16xf32>,
        %add3A_714 = arith.addf %add3A_706, %get3A_713 : vector<16xf32>
        %max3A_715 = arith.maximumf %max3A_707, %get3A_713 : vector<16xf32>
        %mul3A_716 = arith.mulf %get3A_713, %get3A_713 : vector<16xf32>
        %add3A_717 = arith.addf %add3A_709, %mul3A_716 : vector<16xf32>
        %get3A_718 = arith.constant 3 : i32
        %get3A_719 = arith.index_cast %get3A_718 : i32 to index
        %get3A_720 = arith.index_cast %add3A_692 : i32 to index
        %get3A_721 = tpu.vector_load %arg6[%get3A_719, %get3A_720] {strides = array<i32>} : memref<10x1024xf32, #tpu.memory_space<vmem>>, vector<16xf32>,
        %add3A_722 = arith.addf %add3A_714, %get3A_721 : vector<16xf32>
        %max3A_723 = arith.maximumf %max3A_715, %get3A_721 : vector<16xf32>
        %mul3A_724 = arith.mulf %get3A_721, %get3A_721 : vector<16xf32>
        %add3A_725 = arith.addf %add3A_717, %mul3A_724 : vector<16xf32>
        %get3A_726 = arith.constant 4 : i32
        %get3A_727 = arith.index_cast %get3A_726 : i32 to index
        %get3A_728 = arith.index_cast %add3A_692 : i32 to index
        %get3A_729 = tpu.vector_load %arg6[%get3A_727, %get3A_728] {strides = array<i32>} : memref<10x1024xf32, #tpu.memory_space<vmem>>, vector<16xf32>,
        %add3A_730 = arith.addf %add3A_722, %get3A_729 : vector<16xf32>
        %max3A_731 = arith.maximumf %max3A_723, %get3A_729 : vector<16xf32>
        %mul3A_732 = arith.mulf %get3A_729, %get3A_729 : vector<16xf32>
        %add3A_733 = arith.addf %add3A_725, %mul3A_732 : vector<16xf32>
        %get3A_734 = arith.constant 5 : i32
        %get3A_735 = arith.index_cast %get3A_734 : i32 to index
        %get3A_736 = arith.index_cast %add3A_692 : i32 to index
        %get3A_737 = tpu.vector_load %arg6[%get3A_735, %get3A_736] {strides = array<i32>} : memref<10x1024xf32, #tpu.memory_space<vmem>>, vector<16xf32>,
        %add3A_738 = arith.addf %add3A_730, %get3A_737 : vector<16xf32>
        %max3A_739 = arith.maximumf %max3A_731, %get3A_737 : vector<16xf32>
        %mul3A_740 = arith.mulf %get3A_737, %get3A_737 : vector<16xf32>
        %add3A_741 = arith.addf %add3A_733, %mul3A_740 : vector<16xf32>
        %get3A_742 = arith.constant 6 : i32
        %get3A_743 = arith.index_cast %get3A_742 : i32 to index
        %get3A_744 = arith.index_cast %add3A_692 : i32 to index
        %get3A_745 = tpu.vector_load %arg6[%get3A_743, %get3A_744] {strides = array<i32>} : memref<10x1024xf32, #tpu.memory_space<vmem>>, vector<16xf32>,
        %add3A_746 = arith.addf %add3A_738, %get3A_745 : vector<16xf32>
        %max3A_747 = arith.maximumf %max3A_739, %get3A_745 : vector<16xf32>
        %mul3A_748 = arith.mulf %get3A_745, %get3A_745 : vector<16xf32>
        %add3A_749 = arith.addf %add3A_741, %mul3A_748 : vector<16xf32>
        %get3A_750 = arith.constant 7 : i32
        %get3A_751 = arith.index_cast %get3A_750 : i32 to index
        %get3A_752 = arith.index_cast %add3A_692 : i32 to index
        %get3A_753 = tpu.vector_load %arg6[%get3A_751, %get3A_752] {strides = array<i32>} : memref<10x1024xf32, #tpu.memory_space<vmem>>, vector<16xf32>,
        %add3A_754 = arith.addf %add3A_746, %get3A_753 : vector<16xf32>
        %max3A_755 = arith.maximumf %max3A_747, %get3A_753 : vector<16xf32>
        %mul3A_756 = arith.mulf %get3A_753, %get3A_753 : vector<16xf32>
        %add3A_757 = arith.addf %add3A_749, %mul3A_756 : vector<16xf32>
        %get3A_758 = arith.constant 8 : i32
        %get3A_759 = arith.index_cast %get3A_758 : i32 to index
        %get3A_760 = arith.index_cast %add3A_692 : i32 to index
        %get3A_761 = tpu.vector_load %arg6[%get3A_759, %get3A_760] {strides = array<i32>} : memref<10x1024xf32, #tpu.memory_space<vmem>>, vector<16xf32>,
        %add3A_762 = arith.addf %add3A_754, %get3A_761 : vector<16xf32>
        %max3A_763 = arith.maximumf %max3A_755, %get3A_761 : vector<16xf32>
        %mul3A_764 = arith.mulf %get3A_761, %get3A_761 : vector<16xf32>
        %add3A_765 = arith.addf %add3A_757, %mul3A_764 : vector<16xf32>
        %get3A_766 = arith.constant 9 : i32
        %get3A_767 = arith.index_cast %get3A_766 : i32 to index
        %get3A_768 = arith.index_cast %add3A_692 : i32 to index
        %get3A_769 = tpu.vector_load %arg6[%get3A_767, %get3A_768] {strides = array<i32>} : memref<10x1024xf32, #tpu.memory_space<vmem>>, vector<16xf32>,
        %add3A_770 = arith.addf %add3A_762, %get3A_769 : vector<16xf32>
        %max3A_771 = arith.maximumf %max3A_763, %get3A_769 : vector<16xf32>
        %mul3A_772 = arith.mulf %get3A_769, %get3A_769 : vector<16xf32>
        %add3A_773 = arith.addf %add3A_765, %mul3A_772 : vector<16xf32>
        %gather3A_774 = tpu.vector_load_idx %arg6[%get3A_696, %add3A_694] : memref<10x1024xf32, #tpu.memory_space<vmem>>[vector<16xi32>, vector<16xi32>], vector<16xf32>,
        %div3A_775 = arith.constant 1.000000e+00 : f32
        %div3A_776 = vector.broadcast %div3A_775 : f32 to vector<16xf32>
        %div3A_777 = arith.divf %div3A_776, %add3A_770 : vector<16xf32>
        %mul3A_778 = arith.mulf %max3A_771, %div3A_777 : vector<16xf32>
        %eq3A_779 = arith.cmpf oeq, %gather3A_774, %max3A_771 : vector<16xf32>
        %convert_element_type3A_780 = arith.extui %eq3A_779 : vector<16xi1> to vector<16xi32>
        %convert_element_type3A_781 = arith.sitofp %convert_element_type3A_780 : vector<16xi32> to vector<16xf32>
        %mul3A_782 = arith.mulf %add3A_773, %div3A_777 : vector<16xf32>
        %mul3A_783 = arith.mulf %mul3A_782, %div3A_777 : vector<16xf32>
        %mul3A_784 = arith.constant 2.000000e+00 : f32
        %mul3A_785 = vector.broadcast %mul3A_784 : f32 to vector<16xf32>
        %mul3A_786 = arith.mulf %mul3A_785, %gather3A_774 : vector<16xf32>
        %mul3A_787 = arith.mulf %mul3A_786, %div3A_777 : vector<16xf32>
        %sub3A_788 = arith.subf %mul3A_783, %mul3A_787 : vector<16xf32>
        %add3A_789 = arith.constant 1.000000e+00 : f32
        %add3A_790 = vector.broadcast %add3A_789 : f32 to vector<16xf32>
        %add3A_791 = arith.addf %sub3A_788, %add3A_790 : vector<16xf32>
        %gt3A_792 = arith.constant 0.0666666701 : f32
        %gt3A_793 = vector.broadcast %gt3A_792 : f32 to vector<16xf32>
        %gt3A_794 = arith.cmpf ogt, %mul3A_778, %gt3A_793 : vector<16xf32>
        %convert_element_type3A_795 = arith.extui %gt3A_794 : vector<16xi1> to vector<16xi32>
        %gt3A_796 = arith.constant 0.13333334 : f32
        %gt3A_797 = vector.broadcast %gt3A_796 : f32 to vector<16xf32>
        %gt3A_798 = arith.cmpf ogt, %mul3A_778, %gt3A_797 : vector<16xf32>
        %convert_element_type3A_799 = arith.extui %gt3A_798 : vector<16xi1> to vector<16xi32>
        %add3A_800 = arith.addi %convert_element_type3A_795, %convert_element_type3A_799 : vector<16xi32>
        %gt3A_801 = arith.constant 0.200000018 : f32
        %gt3A_802 = vector.broadcast %gt3A_801 : f32 to vector<16xf32>
        %gt3A_803 = arith.cmpf ogt, %mul3A_778, %gt3A_802 : vector<16xf32>
        %convert_element_type3A_804 = arith.extui %gt3A_803 : vector<16xi1> to vector<16xi32>
        %add3A_805 = arith.addi %add3A_800, %convert_element_type3A_804 : vector<16xi32>
        %gt3A_806 = arith.constant 0.266666681 : f32
        %gt3A_807 = vector.broadcast %gt3A_806 : f32 to vector<16xf32>
        %gt3A_808 = arith.cmpf ogt, %mul3A_778, %gt3A_807 : vector<16xf32>
        %convert_element_type3A_809 = arith.extui %gt3A_808 : vector<16xi1> to vector<16xi32>
        %add3A_810 = arith.addi %add3A_805, %convert_element_type3A_809 : vector<16xi32>
        %gt3A_811 = arith.constant 0.333333343 : f32
        %gt3A_812 = vector.broadcast %gt3A_811 : f32 to vector<16xf32>
        %gt3A_813 = arith.cmpf ogt, %mul3A_778, %gt3A_812 : vector<16xf32>
        %convert_element_type3A_814 = arith.extui %gt3A_813 : vector<16xi1> to vector<16xi32>
        %add3A_815 = arith.addi %add3A_810, %convert_element_type3A_814 : vector<16xi32>
        %gt3A_816 = arith.constant 0.400000036 : f32
        %gt3A_817 = vector.broadcast %gt3A_816 : f32 to vector<16xf32>
        %gt3A_818 = arith.cmpf ogt, %mul3A_778, %gt3A_817 : vector<16xf32>
        %convert_element_type3A_819 = arith.extui %gt3A_818 : vector<16xi1> to vector<16xi32>
        %add3A_820 = arith.addi %add3A_815, %convert_element_type3A_819 : vector<16xi32>
        %gt3A_821 = arith.constant 0.466666698 : f32
        %gt3A_822 = vector.broadcast %gt3A_821 : f32 to vector<16xf32>
        %gt3A_823 = arith.cmpf ogt, %mul3A_778, %gt3A_822 : vector<16xf32>
        %convert_element_type3A_824 = arith.extui %gt3A_823 : vector<16xi1> to vector<16xi32>
        %add3A_825 = arith.addi %add3A_820, %convert_element_type3A_824 : vector<16xi32>
        %gt3A_826 = arith.constant 0.533333361 : f32
        %gt3A_827 = vector.broadcast %gt3A_826 : f32 to vector<16xf32>
        %gt3A_828 = arith.cmpf ogt, %mul3A_778, %gt3A_827 : vector<16xf32>
        %convert_element_type3A_829 = arith.extui %gt3A_828 : vector<16xi1> to vector<16xi32>
        %add3A_830 = arith.addi %add3A_825, %convert_element_type3A_829 : vector<16xi32>
        %gt3A_831 = arith.constant 6.000000e-01 : f32
        %gt3A_832 = vector.broadcast %gt3A_831 : f32 to vector<16xf32>
        %gt3A_833 = arith.cmpf ogt, %mul3A_778, %gt3A_832 : vector<16xf32>
        %convert_element_type3A_834 = arith.extui %gt3A_833 : vector<16xi1> to vector<16xi32>
        %add3A_835 = arith.addi %add3A_830, %convert_element_type3A_834 : vector<16xi32>
        %gt3A_836 = arith.constant 0.666666686 : f32
        %gt3A_837 = vector.broadcast %gt3A_836 : f32 to vector<16xf32>
        %gt3A_838 = arith.cmpf ogt, %mul3A_778, %gt3A_837 : vector<16xf32>
        %convert_element_type3A_839 = arith.extui %gt3A_838 : vector<16xi1> to vector<16xi32>
        %add3A_840 = arith.addi %add3A_835, %convert_element_type3A_839 : vector<16xi32>
        %gt3A_841 = arith.constant 0.733333349 : f32
        %gt3A_842 = vector.broadcast %gt3A_841 : f32 to vector<16xf32>
        %gt3A_843 = arith.cmpf ogt, %mul3A_778, %gt3A_842 : vector<16xf32>
        %convert_element_type3A_844 = arith.extui %gt3A_843 : vector<16xi1> to vector<16xi32>
        %add3A_845 = arith.addi %add3A_840, %convert_element_type3A_844 : vector<16xi32>
        %gt3A_846 = arith.constant 0.800000071 : f32
        %gt3A_847 = vector.broadcast %gt3A_846 : f32 to vector<16xf32>
        %gt3A_848 = arith.cmpf ogt, %mul3A_778, %gt3A_847 : vector<16xf32>
        %convert_element_type3A_849 = arith.extui %gt3A_848 : vector<16xi1> to vector<16xi32>
        %add3A_850 = arith.addi %add3A_845, %convert_element_type3A_849 : vector<16xi32>
        %gt3A_851 = arith.constant 0.866666734 : f32
        %gt3A_852 = vector.broadcast %gt3A_851 : f32 to vector<16xf32>
        %gt3A_853 = arith.cmpf ogt, %mul3A_778, %gt3A_852 : vector<16xf32>
        %convert_element_type3A_854 = arith.extui %gt3A_853 : vector<16xi1> to vector<16xi32>
        %add3A_855 = arith.addi %add3A_850, %convert_element_type3A_854 : vector<16xi32>
        %gt3A_856 = arith.constant 0.933333396 : f32
        %gt3A_857 = vector.broadcast %gt3A_856 : f32 to vector<16xf32>
        %gt3A_858 = arith.cmpf ogt, %mul3A_778, %gt3A_857 : vector<16xf32>
        %convert_element_type3A_859 = arith.extui %gt3A_858 : vector<16xi1> to vector<16xi32>
        %add3A_860 = arith.addi %add3A_855, %convert_element_type3A_859 : vector<16xi32>
        %mul3A_861 = arith.constant 16 : i32
        %mul3A_862 = vector.broadcast %mul3A_861 : i32 to vector<16xi32>
        %mul3A_863 = arith.muli %iota3A, %mul3A_862 : vector<16xi32>
        %add3A_864 = arith.addi %mul3A_863, %add3A_860 : vector<16xi32>
        %add3A_865 = arith.constant 48 : i32
        %add3A_866 = arith.addi %multiple_of3A_348, %add3A_865 : i32
        %add3A_867 = vector.broadcast %add3A_866 : i32 to vector<16xi32>
        %add3A_868 = arith.addi %add3A_867, %iota3A : vector<16xi32>
        %get3A_869 = arith.index_cast %add3A_866 : i32 to index
        %get3A_870 = tpu.vector_load %arg8[%get3A_869] {strides = array<i32>} : memref<1024xi32, #tpu.memory_space<vmem>>, vector<16xi32>,
        %get3A_871 = arith.constant 0 : i32
        %get3A_872 = arith.index_cast %get3A_871 : i32 to index
        %get3A_873 = arith.index_cast %add3A_866 : i32 to index
        %get3A_874 = tpu.vector_load %arg6[%get3A_872, %get3A_873] {strides = array<i32>} : memref<10x1024xf32, #tpu.memory_space<vmem>>, vector<16xf32>,
        %mul3A_875 = arith.mulf %get3A_874, %get3A_874 : vector<16xf32>
        %get3A_876 = arith.constant 1 : i32
        %get3A_877 = arith.index_cast %get3A_876 : i32 to index
        %get3A_878 = arith.index_cast %add3A_866 : i32 to index
        %get3A_879 = tpu.vector_load %arg6[%get3A_877, %get3A_878] {strides = array<i32>} : memref<10x1024xf32, #tpu.memory_space<vmem>>, vector<16xf32>,
        %add3A_880 = arith.addf %get3A_874, %get3A_879 : vector<16xf32>
        %max3A_881 = arith.maximumf %get3A_874, %get3A_879 : vector<16xf32>
        %mul3A_882 = arith.mulf %get3A_879, %get3A_879 : vector<16xf32>
        %add3A_883 = arith.addf %mul3A_875, %mul3A_882 : vector<16xf32>
        %get3A_884 = arith.constant 2 : i32
        %get3A_885 = arith.index_cast %get3A_884 : i32 to index
        %get3A_886 = arith.index_cast %add3A_866 : i32 to index
        %get3A_887 = tpu.vector_load %arg6[%get3A_885, %get3A_886] {strides = array<i32>} : memref<10x1024xf32, #tpu.memory_space<vmem>>, vector<16xf32>,
        %add3A_888 = arith.addf %add3A_880, %get3A_887 : vector<16xf32>
        %max3A_889 = arith.maximumf %max3A_881, %get3A_887 : vector<16xf32>
        %mul3A_890 = arith.mulf %get3A_887, %get3A_887 : vector<16xf32>
        %add3A_891 = arith.addf %add3A_883, %mul3A_890 : vector<16xf32>
        %get3A_892 = arith.constant 3 : i32
        %get3A_893 = arith.index_cast %get3A_892 : i32 to index
        %get3A_894 = arith.index_cast %add3A_866 : i32 to index
        %get3A_895 = tpu.vector_load %arg6[%get3A_893, %get3A_894] {strides = array<i32>} : memref<10x1024xf32, #tpu.memory_space<vmem>>, vector<16xf32>,
        %add3A_896 = arith.addf %add3A_888, %get3A_895 : vector<16xf32>
        %max3A_897 = arith.maximumf %max3A_889, %get3A_895 : vector<16xf32>
        %mul3A_898 = arith.mulf %get3A_895, %get3A_895 : vector<16xf32>
        %add3A_899 = arith.addf %add3A_891, %mul3A_898 : vector<16xf32>
        %get3A_900 = arith.constant 4 : i32
        %get3A_901 = arith.index_cast %get3A_900 : i32 to index
        %get3A_902 = arith.index_cast %add3A_866 : i32 to index
        %get3A_903 = tpu.vector_load %arg6[%get3A_901, %get3A_902] {strides = array<i32>} : memref<10x1024xf32, #tpu.memory_space<vmem>>, vector<16xf32>,
        %add3A_904 = arith.addf %add3A_896, %get3A_903 : vector<16xf32>
        %max3A_905 = arith.maximumf %max3A_897, %get3A_903 : vector<16xf32>
        %mul3A_906 = arith.mulf %get3A_903, %get3A_903 : vector<16xf32>
        %add3A_907 = arith.addf %add3A_899, %mul3A_906 : vector<16xf32>
        %get3A_908 = arith.constant 5 : i32
        %get3A_909 = arith.index_cast %get3A_908 : i32 to index
        %get3A_910 = arith.index_cast %add3A_866 : i32 to index
        %get3A_911 = tpu.vector_load %arg6[%get3A_909, %get3A_910] {strides = array<i32>} : memref<10x1024xf32, #tpu.memory_space<vmem>>, vector<16xf32>,
        %add3A_912 = arith.addf %add3A_904, %get3A_911 : vector<16xf32>
        %max3A_913 = arith.maximumf %max3A_905, %get3A_911 : vector<16xf32>
        %mul3A_914 = arith.mulf %get3A_911, %get3A_911 : vector<16xf32>
        %add3A_915 = arith.addf %add3A_907, %mul3A_914 : vector<16xf32>
        %get3A_916 = arith.constant 6 : i32
        %get3A_917 = arith.index_cast %get3A_916 : i32 to index
        %get3A_918 = arith.index_cast %add3A_866 : i32 to index
        %get3A_919 = tpu.vector_load %arg6[%get3A_917, %get3A_918] {strides = array<i32>} : memref<10x1024xf32, #tpu.memory_space<vmem>>, vector<16xf32>,
        %add3A_920 = arith.addf %add3A_912, %get3A_919 : vector<16xf32>
        %max3A_921 = arith.maximumf %max3A_913, %get3A_919 : vector<16xf32>
        %mul3A_922 = arith.mulf %get3A_919, %get3A_919 : vector<16xf32>
        %add3A_923 = arith.addf %add3A_915, %mul3A_922 : vector<16xf32>
        %get3A_924 = arith.constant 7 : i32
        %get3A_925 = arith.index_cast %get3A_924 : i32 to index
        %get3A_926 = arith.index_cast %add3A_866 : i32 to index
        %get3A_927 = tpu.vector_load %arg6[%get3A_925, %get3A_926] {strides = array<i32>} : memref<10x1024xf32, #tpu.memory_space<vmem>>, vector<16xf32>,
        %add3A_928 = arith.addf %add3A_920, %get3A_927 : vector<16xf32>
        %max3A_929 = arith.maximumf %max3A_921, %get3A_927 : vector<16xf32>
        %mul3A_930 = arith.mulf %get3A_927, %get3A_927 : vector<16xf32>
        %add3A_931 = arith.addf %add3A_923, %mul3A_930 : vector<16xf32>
        %get3A_932 = arith.constant 8 : i32
        %get3A_933 = arith.index_cast %get3A_932 : i32 to index
        %get3A_934 = arith.index_cast %add3A_866 : i32 to index
        %get3A_935 = tpu.vector_load %arg6[%get3A_933, %get3A_934] {strides = array<i32>} : memref<10x1024xf32, #tpu.memory_space<vmem>>, vector<16xf32>,
        %add3A_936 = arith.addf %add3A_928, %get3A_935 : vector<16xf32>
        %max3A_937 = arith.maximumf %max3A_929, %get3A_935 : vector<16xf32>
        %mul3A_938 = arith.mulf %get3A_935, %get3A_935 : vector<16xf32>
        %add3A_939 = arith.addf %add3A_931, %mul3A_938 : vector<16xf32>
        %get3A_940 = arith.constant 9 : i32
        %get3A_941 = arith.index_cast %get3A_940 : i32 to index
        %get3A_942 = arith.index_cast %add3A_866 : i32 to index
        %get3A_943 = tpu.vector_load %arg6[%get3A_941, %get3A_942] {strides = array<i32>} : memref<10x1024xf32, #tpu.memory_space<vmem>>, vector<16xf32>,
        %add3A_944 = arith.addf %add3A_936, %get3A_943 : vector<16xf32>
        %max3A_945 = arith.maximumf %max3A_937, %get3A_943 : vector<16xf32>
        %mul3A_946 = arith.mulf %get3A_943, %get3A_943 : vector<16xf32>
        %add3A_947 = arith.addf %add3A_939, %mul3A_946 : vector<16xf32>
        %gather3A_948 = tpu.vector_load_idx %arg6[%get3A_870, %add3A_868] : memref<10x1024xf32, #tpu.memory_space<vmem>>[vector<16xi32>, vector<16xi32>], vector<16xf32>,
        %div3A_949 = arith.constant 1.000000e+00 : f32
        %div3A_950 = vector.broadcast %div3A_949 : f32 to vector<16xf32>
        %div3A_951 = arith.divf %div3A_950, %add3A_944 : vector<16xf32>
        %mul3A_952 = arith.mulf %max3A_945, %div3A_951 : vector<16xf32>
        %eq3A_953 = arith.cmpf oeq, %gather3A_948, %max3A_945 : vector<16xf32>
        %convert_element_type3A_954 = arith.extui %eq3A_953 : vector<16xi1> to vector<16xi32>
        %convert_element_type3A_955 = arith.sitofp %convert_element_type3A_954 : vector<16xi32> to vector<16xf32>
        %mul3A_956 = arith.mulf %add3A_947, %div3A_951 : vector<16xf32>
        %mul3A_957 = arith.mulf %mul3A_956, %div3A_951 : vector<16xf32>
        %mul3A_958 = arith.constant 2.000000e+00 : f32
        %mul3A_959 = vector.broadcast %mul3A_958 : f32 to vector<16xf32>
        %mul3A_960 = arith.mulf %mul3A_959, %gather3A_948 : vector<16xf32>
        %mul3A_961 = arith.mulf %mul3A_960, %div3A_951 : vector<16xf32>
        %sub3A_962 = arith.subf %mul3A_957, %mul3A_961 : vector<16xf32>
        %add3A_963 = arith.constant 1.000000e+00 : f32
        %add3A_964 = vector.broadcast %add3A_963 : f32 to vector<16xf32>
        %add3A_965 = arith.addf %sub3A_962, %add3A_964 : vector<16xf32>
        %gt3A_966 = arith.constant 0.0666666701 : f32
        %gt3A_967 = vector.broadcast %gt3A_966 : f32 to vector<16xf32>
        %gt3A_968 = arith.cmpf ogt, %mul3A_952, %gt3A_967 : vector<16xf32>
        %convert_element_type3A_969 = arith.extui %gt3A_968 : vector<16xi1> to vector<16xi32>
        %gt3A_970 = arith.constant 0.13333334 : f32
        %gt3A_971 = vector.broadcast %gt3A_970 : f32 to vector<16xf32>
        %gt3A_972 = arith.cmpf ogt, %mul3A_952, %gt3A_971 : vector<16xf32>
        %convert_element_type3A_973 = arith.extui %gt3A_972 : vector<16xi1> to vector<16xi32>
        %add3A_974 = arith.addi %convert_element_type3A_969, %convert_element_type3A_973 : vector<16xi32>
        %gt3A_975 = arith.constant 0.200000018 : f32
        %gt3A_976 = vector.broadcast %gt3A_975 : f32 to vector<16xf32>
        %gt3A_977 = arith.cmpf ogt, %mul3A_952, %gt3A_976 : vector<16xf32>
        %convert_element_type3A_978 = arith.extui %gt3A_977 : vector<16xi1> to vector<16xi32>
        %add3A_979 = arith.addi %add3A_974, %convert_element_type3A_978 : vector<16xi32>
        %gt3A_980 = arith.constant 0.266666681 : f32
        %gt3A_981 = vector.broadcast %gt3A_980 : f32 to vector<16xf32>
        %gt3A_982 = arith.cmpf ogt, %mul3A_952, %gt3A_981 : vector<16xf32>
        %convert_element_type3A_983 = arith.extui %gt3A_982 : vector<16xi1> to vector<16xi32>
        %add3A_984 = arith.addi %add3A_979, %convert_element_type3A_983 : vector<16xi32>
        %gt3A_985 = arith.constant 0.333333343 : f32
        %gt3A_986 = vector.broadcast %gt3A_985 : f32 to vector<16xf32>
        %gt3A_987 = arith.cmpf ogt, %mul3A_952, %gt3A_986 : vector<16xf32>
        %convert_element_type3A_988 = arith.extui %gt3A_987 : vector<16xi1> to vector<16xi32>
        %add3A_989 = arith.addi %add3A_984, %convert_element_type3A_988 : vector<16xi32>
        %gt3A_990 = arith.constant 0.400000036 : f32
        %gt3A_991 = vector.broadcast %gt3A_990 : f32 to vector<16xf32>
        %gt3A_992 = arith.cmpf ogt, %mul3A_952, %gt3A_991 : vector<16xf32>
        %convert_element_type3A_993 = arith.extui %gt3A_992 : vector<16xi1> to vector<16xi32>
        %add3A_994 = arith.addi %add3A_989, %convert_element_type3A_993 : vector<16xi32>
        %gt3A_995 = arith.constant 0.466666698 : f32
        %gt3A_996 = vector.broadcast %gt3A_995 : f32 to vector<16xf32>
        %gt3A_997 = arith.cmpf ogt, %mul3A_952, %gt3A_996 : vector<16xf32>
        %convert_element_type3A_998 = arith.extui %gt3A_997 : vector<16xi1> to vector<16xi32>
        %add3A_999 = arith.addi %add3A_994, %convert_element_type3A_998 : vector<16xi32>
        %gt3A_1000 = arith.constant 0.533333361 : f32
        %gt3A_1001 = vector.broadcast %gt3A_1000 : f32 to vector<16xf32>
        %gt3A_1002 = arith.cmpf ogt, %mul3A_952, %gt3A_1001 : vector<16xf32>
        %convert_element_type3A_1003 = arith.extui %gt3A_1002 : vector<16xi1> to vector<16xi32>
        %add3A_1004 = arith.addi %add3A_999, %convert_element_type3A_1003 : vector<16xi32>
        %gt3A_1005 = arith.constant 6.000000e-01 : f32
        %gt3A_1006 = vector.broadcast %gt3A_1005 : f32 to vector<16xf32>
        %gt3A_1007 = arith.cmpf ogt, %mul3A_952, %gt3A_1006 : vector<16xf32>
        %convert_element_type3A_1008 = arith.extui %gt3A_1007 : vector<16xi1> to vector<16xi32>
        %add3A_1009 = arith.addi %add3A_1004, %convert_element_type3A_1008 : vector<16xi32>
        %gt3A_1010 = arith.constant 0.666666686 : f32
        %gt3A_1011 = vector.broadcast %gt3A_1010 : f32 to vector<16xf32>
        %gt3A_1012 = arith.cmpf ogt, %mul3A_952, %gt3A_1011 : vector<16xf32>
        %convert_element_type3A_1013 = arith.extui %gt3A_1012 : vector<16xi1> to vector<16xi32>
        %add3A_1014 = arith.addi %add3A_1009, %convert_element_type3A_1013 : vector<16xi32>
        %gt3A_1015 = arith.constant 0.733333349 : f32
        %gt3A_1016 = vector.broadcast %gt3A_1015 : f32 to vector<16xf32>
        %gt3A_1017 = arith.cmpf ogt, %mul3A_952, %gt3A_1016 : vector<16xf32>
        %convert_element_type3A_1018 = arith.extui %gt3A_1017 : vector<16xi1> to vector<16xi32>
        %add3A_1019 = arith.addi %add3A_1014, %convert_element_type3A_1018 : vector<16xi32>
        %gt3A_1020 = arith.constant 0.800000071 : f32
        %gt3A_1021 = vector.broadcast %gt3A_1020 : f32 to vector<16xf32>
        %gt3A_1022 = arith.cmpf ogt, %mul3A_952, %gt3A_1021 : vector<16xf32>
        %convert_element_type3A_1023 = arith.extui %gt3A_1022 : vector<16xi1> to vector<16xi32>
        %add3A_1024 = arith.addi %add3A_1019, %convert_element_type3A_1023 : vector<16xi32>
        %gt3A_1025 = arith.constant 0.866666734 : f32
        %gt3A_1026 = vector.broadcast %gt3A_1025 : f32 to vector<16xf32>
        %gt3A_1027 = arith.cmpf ogt, %mul3A_952, %gt3A_1026 : vector<16xf32>
        %convert_element_type3A_1028 = arith.extui %gt3A_1027 : vector<16xi1> to vector<16xi32>
        %add3A_1029 = arith.addi %add3A_1024, %convert_element_type3A_1028 : vector<16xi32>
        %gt3A_1030 = arith.constant 0.933333396 : f32
        %gt3A_1031 = vector.broadcast %gt3A_1030 : f32 to vector<16xf32>
        %gt3A_1032 = arith.cmpf ogt, %mul3A_952, %gt3A_1031 : vector<16xf32>
        %convert_element_type3A_1033 = arith.extui %gt3A_1032 : vector<16xi1> to vector<16xi32>
        %add3A_1034 = arith.addi %add3A_1029, %convert_element_type3A_1033 : vector<16xi32>
        %mul3A_1035 = arith.constant 16 : i32
        %mul3A_1036 = vector.broadcast %mul3A_1035 : i32 to vector<16xi32>
        %mul3A_1037 = arith.muli %iota3A, %mul3A_1036 : vector<16xi32>
        %add3A_1038 = arith.addi %mul3A_1037, %add3A_1034 : vector<16xi32>
        %get3A_1039 = arith.constant 0 : index
        %get3A_1040 = tpu.vector_load %arg14[%get3A_1039] {strides = array<i32>} : memref<16xf32, #tpu.memory_space<vmem>>, vector<16xf32>,
        %add3A_1041 = arith.addf %add3A_444, %add3A_617 : vector<16xf32>
        %add3A_1042 = arith.addf %add3A_791, %add3A_965 : vector<16xf32>
        %add3A_1043 = arith.addf %add3A_1041, %add3A_1042 : vector<16xf32>
        %add3A_1044 = arith.addf %get3A_1040, %add3A_1043 : vector<16xf32>
        %swap3A_1045 = arith.constant 0 : index
        %swap3A_1046 = tpu.vector_load %arg14[%swap3A_1045] {strides = array<i32>} : memref<16xf32, #tpu.memory_space<vmem>>, vector<16xf32>,
        tpu.vector_store %arg14[%swap3A_1045], %add3A_1044 {strides = array<i32>} : memref<16xf32, #tpu.memory_space<vmem>>, vector<16xf32>,
        tpu.vector_store_idx %arg11[%add3A_516], %broadcast_in_dim3A_5 {add = true} : memref<256xf32, #tpu.memory_space<vmem>>[vector<16xi32>], vector<16xf32>,
        tpu.vector_store_idx %arg12[%add3A_516], %mul3A_433 {add = true} : memref<256xf32, #tpu.memory_space<vmem>>[vector<16xi32>], vector<16xf32>,
        tpu.vector_store_idx %arg13[%add3A_516], %convert_element_type3A_435 {add = true} : memref<256xf32, #tpu.memory_space<vmem>>[vector<16xi32>], vector<16xf32>,
        tpu.vector_store_idx %arg11[%add3A_690], %broadcast_in_dim3A_5 {add = true} : memref<256xf32, #tpu.memory_space<vmem>>[vector<16xi32>], vector<16xf32>,
        tpu.vector_store_idx %arg12[%add3A_690], %mul3A_604 {add = true} : memref<256xf32, #tpu.memory_space<vmem>>[vector<16xi32>], vector<16xf32>,
        tpu.vector_store_idx %arg13[%add3A_690], %convert_element_type3A_607 {add = true} : memref<256xf32, #tpu.memory_space<vmem>>[vector<16xi32>], vector<16xf32>,
        tpu.vector_store_idx %arg11[%add3A_864], %broadcast_in_dim3A_5 {add = true} : memref<256xf32, #tpu.memory_space<vmem>>[vector<16xi32>], vector<16xf32>,
        tpu.vector_store_idx %arg12[%add3A_864], %mul3A_778 {add = true} : memref<256xf32, #tpu.memory_space<vmem>>[vector<16xi32>], vector<16xf32>,
        tpu.vector_store_idx %arg13[%add3A_864], %convert_element_type3A_781 {add = true} : memref<256xf32, #tpu.memory_space<vmem>>[vector<16xi32>], vector<16xf32>,
        tpu.vector_store_idx %arg11[%add3A_1038], %broadcast_in_dim3A_5 {add = true} : memref<256xf32, #tpu.memory_space<vmem>>[vector<16xi32>], vector<16xf32>,
        tpu.vector_store_idx %arg12[%add3A_1038], %mul3A_952 {add = true} : memref<256xf32, #tpu.memory_space<vmem>>[vector<16xi32>], vector<16xf32>,
        tpu.vector_store_idx %arg13[%add3A_1038], %convert_element_type3A_955 {add = true} : memref<256xf32, #tpu.memory_space<vmem>>[vector<16xi32>], vector<16xf32>,
      }
      %scan3A_344 = arith.constant 16 : i32
    }
    %scan3A_114 = arith.constant 30 : i32
    %add3A_115 = arith.constant 61440 : i32
    %add3A_116 = arith.addi %mul3A_2, %add3A_115 : i32
    %multiple_of3A_117 = tpu.assume_multiple %add3A_116, 128 : i32
    %dma_wait3A = arith.constant 0 : i32
    %dma_wait3A_118 = tpu.memref_slice %arg2[%dma_wait3A, %multiple_of3A_117] : memref<10x2000000xf32, #tpu.memory_space<hbm>> -> memref<10x1024xf32, #tpu.memory_space<hbm>>
    %dma_wait3A_119 = arith.constant 0 : i32
    %dma_wait3A_120 = tpu.memref_slice %arg2[%dma_wait3A_119, %multiple_of3A_117] : memref<10x2000000xf32, #tpu.memory_space<hbm>> -> memref<10x1024xf32, #tpu.memory_space<hbm>>
    tpu.wait_dma2 semaphore(%arg16 : memref<!tpu.dma_semaphore, #tpu.memory_space<semaphore_mem>>) src(%dma_wait3A_120 : memref<10x1024xf32, #tpu.memory_space<hbm>>) dst(%arg5 : memref<10x1024xf32, #tpu.memory_space<vmem>>)
    %dma_wait3A_121 = tpu.memref_slice %arg3[%multiple_of3A_117] : memref<2000000xi32, #tpu.memory_space<hbm>> -> memref<1024xi32, #tpu.memory_space<hbm>>
    %dma_wait3A_122 = tpu.memref_slice %arg3[%multiple_of3A_117] : memref<2000000xi32, #tpu.memory_space<hbm>> -> memref<1024xi32, #tpu.memory_space<hbm>>
    tpu.wait_dma2 semaphore(%arg18 : memref<!tpu.dma_semaphore, #tpu.memory_space<semaphore_mem>>) src(%dma_wait3A_122 : memref<1024xi32, #tpu.memory_space<hbm>>) dst(%arg7 : memref<1024xi32, #tpu.memory_space<vmem>>)
    %scan3A_123 = arith.constant 0 : i32
    %scan3A_124 = arith.constant 0 : i32
    %scan3A_125 = arith.constant 16 : i32
    %scan3A_126 = arith.addi %scan3A_124, %scan3A_125 : i32
    %scan3A_127 = arith.constant 1 : i32
    scf.for %scan3A_284 = %scan3A_124 to %scan3A_126 step %scan3A_127  : i32 {
      %mul3A_285 = arith.constant 64 : i32
      %mul3A_286 = arith.muli %scan3A_284, %mul3A_285 : i32
      %multiple_of3A_287 = tpu.assume_multiple %mul3A_286, 64 : i32
      %add3A_288 = arith.constant 0 : i32
      %add3A_289 = arith.addi %multiple_of3A_287, %add3A_288 : i32
      %add3A_290 = vector.broadcast %add3A_289 : i32 to vector<16xi32>
      %add3A_291 = arith.addi %add3A_290, %iota3A : vector<16xi32>
      %get3A_292 = arith.index_cast %add3A_289 : i32 to index
      %get3A_293 = tpu.vector_load %arg7[%get3A_292] {strides = array<i32>} : memref<1024xi32, #tpu.memory_space<vmem>>, vector<16xi32>,
      %get3A_294 = arith.constant 0 : i32
      %get3A_295 = arith.index_cast %get3A_294 : i32 to index
      %get3A_296 = arith.index_cast %add3A_289 : i32 to index
      %get3A_297 = tpu.vector_load %arg5[%get3A_295, %get3A_296] {strides = array<i32>} : memref<10x1024xf32, #tpu.memory_space<vmem>>, vector<16xf32>,
      %mul3A_298 = arith.mulf %get3A_297, %get3A_297 : vector<16xf32>
      %get3A_299 = arith.constant 1 : i32
      %get3A_300 = arith.index_cast %get3A_299 : i32 to index
      %get3A_301 = arith.index_cast %add3A_289 : i32 to index
      %get3A_302 = tpu.vector_load %arg5[%get3A_300, %get3A_301] {strides = array<i32>} : memref<10x1024xf32, #tpu.memory_space<vmem>>, vector<16xf32>,
      %add3A_303 = arith.addf %get3A_297, %get3A_302 : vector<16xf32>
      %max3A = arith.maximumf %get3A_297, %get3A_302 : vector<16xf32>
      %mul3A_304 = arith.mulf %get3A_302, %get3A_302 : vector<16xf32>
      %add3A_305 = arith.addf %mul3A_298, %mul3A_304 : vector<16xf32>
      %get3A_306 = arith.constant 2 : i32
      %get3A_307 = arith.index_cast %get3A_306 : i32 to index
      %get3A_308 = arith.index_cast %add3A_289 : i32 to index
      %get3A_309 = tpu.vector_load %arg5[%get3A_307, %get3A_308] {strides = array<i32>} : memref<10x1024xf32, #tpu.memory_space<vmem>>, vector<16xf32>,
      %add3A_310 = arith.addf %add3A_303, %get3A_309 : vector<16xf32>
      %max3A_311 = arith.maximumf %max3A, %get3A_309 : vector<16xf32>
      %mul3A_312 = arith.mulf %get3A_309, %get3A_309 : vector<16xf32>
      %add3A_313 = arith.addf %add3A_305, %mul3A_312 : vector<16xf32>
      %get3A_314 = arith.constant 3 : i32
      %get3A_315 = arith.index_cast %get3A_314 : i32 to index
      %get3A_316 = arith.index_cast %add3A_289 : i32 to index
      %get3A_317 = tpu.vector_load %arg5[%get3A_315, %get3A_316] {strides = array<i32>} : memref<10x1024xf32, #tpu.memory_space<vmem>>, vector<16xf32>,
      %add3A_318 = arith.addf %add3A_310, %get3A_317 : vector<16xf32>
      %max3A_319 = arith.maximumf %max3A_311, %get3A_317 : vector<16xf32>
      %mul3A_320 = arith.mulf %get3A_317, %get3A_317 : vector<16xf32>
      %add3A_321 = arith.addf %add3A_313, %mul3A_320 : vector<16xf32>
      %get3A_322 = arith.constant 4 : i32
      %get3A_323 = arith.index_cast %get3A_322 : i32 to index
      %get3A_324 = arith.index_cast %add3A_289 : i32 to index
      %get3A_325 = tpu.vector_load %arg5[%get3A_323, %get3A_324] {strides = array<i32>} : memref<10x1024xf32, #tpu.memory_space<vmem>>, vector<16xf32>,
      %add3A_326 = arith.addf %add3A_318, %get3A_325 : vector<16xf32>
      %max3A_327 = arith.maximumf %max3A_319, %get3A_325 : vector<16xf32>
      %mul3A_328 = arith.mulf %get3A_325, %get3A_325 : vector<16xf32>
      %add3A_329 = arith.addf %add3A_321, %mul3A_328 : vector<16xf32>
      %get3A_330 = arith.constant 5 : i32
      %get3A_331 = arith.index_cast %get3A_330 : i32 to index
      %get3A_332 = arith.index_cast %add3A_289 : i32 to index
      %get3A_333 = tpu.vector_load %arg5[%get3A_331, %get3A_332] {strides = array<i32>} : memref<10x1024xf32, #tpu.memory_space<vmem>>, vector<16xf32>,
      %add3A_334 = arith.addf %add3A_326, %get3A_333 : vector<16xf32>
      %max3A_335 = arith.maximumf %max3A_327, %get3A_333 : vector<16xf32>
      %mul3A_336 = arith.mulf %get3A_333, %get3A_333 : vector<16xf32>
      %add3A_337 = arith.addf %add3A_329, %mul3A_336 : vector<16xf32>
      %get3A_338 = arith.constant 6 : i32
      %get3A_339 = arith.index_cast %get3A_338 : i32 to index
      %get3A_340 = arith.index_cast %add3A_289 : i32 to index
      %get3A_341 = tpu.vector_load %arg5[%get3A_339, %get3A_340] {strides = array<i32>} : memref<10x1024xf32, #tpu.memory_space<vmem>>, vector<16xf32>,
      %add3A_342 = arith.addf %add3A_334, %get3A_341 : vector<16xf32>
      %max3A_343 = arith.maximumf %max3A_335, %get3A_341 : vector<16xf32>
      %mul3A_344 = arith.mulf %get3A_341, %get3A_341 : vector<16xf32>
      %add3A_345 = arith.addf %add3A_337, %mul3A_344 : vector<16xf32>
      %get3A_346 = arith.constant 7 : i32
      %get3A_347 = arith.index_cast %get3A_346 : i32 to index
      %get3A_348 = arith.index_cast %add3A_289 : i32 to index
      %get3A_349 = tpu.vector_load %arg5[%get3A_347, %get3A_348] {strides = array<i32>} : memref<10x1024xf32, #tpu.memory_space<vmem>>, vector<16xf32>,
      %add3A_350 = arith.addf %add3A_342, %get3A_349 : vector<16xf32>
      %max3A_351 = arith.maximumf %max3A_343, %get3A_349 : vector<16xf32>
      %mul3A_352 = arith.mulf %get3A_349, %get3A_349 : vector<16xf32>
      %add3A_353 = arith.addf %add3A_345, %mul3A_352 : vector<16xf32>
      %get3A_354 = arith.constant 8 : i32
      %get3A_355 = arith.index_cast %get3A_354 : i32 to index
      %get3A_356 = arith.index_cast %add3A_289 : i32 to index
      %get3A_357 = tpu.vector_load %arg5[%get3A_355, %get3A_356] {strides = array<i32>} : memref<10x1024xf32, #tpu.memory_space<vmem>>, vector<16xf32>,
      %add3A_358 = arith.addf %add3A_350, %get3A_357 : vector<16xf32>
      %max3A_359 = arith.maximumf %max3A_351, %get3A_357 : vector<16xf32>
      %mul3A_360 = arith.mulf %get3A_357, %get3A_357 : vector<16xf32>
      %add3A_361 = arith.addf %add3A_353, %mul3A_360 : vector<16xf32>
      %get3A_362 = arith.constant 9 : i32
      %get3A_363 = arith.index_cast %get3A_362 : i32 to index
      %get3A_364 = arith.index_cast %add3A_289 : i32 to index
      %get3A_365 = tpu.vector_load %arg5[%get3A_363, %get3A_364] {strides = array<i32>} : memref<10x1024xf32, #tpu.memory_space<vmem>>, vector<16xf32>,
      %add3A_366 = arith.addf %add3A_358, %get3A_365 : vector<16xf32>
      %max3A_367 = arith.maximumf %max3A_359, %get3A_365 : vector<16xf32>
      %mul3A_368 = arith.mulf %get3A_365, %get3A_365 : vector<16xf32>
      %add3A_369 = arith.addf %add3A_361, %mul3A_368 : vector<16xf32>
      %gather3A = tpu.vector_load_idx %arg5[%get3A_293, %add3A_291] : memref<10x1024xf32, #tpu.memory_space<vmem>>[vector<16xi32>, vector<16xi32>], vector<16xf32>,
      %div3A = arith.constant 1.000000e+00 : f32
      %div3A_370 = vector.broadcast %div3A : f32 to vector<16xf32>
      %div3A_371 = arith.divf %div3A_370, %add3A_366 : vector<16xf32>
      %mul3A_372 = arith.mulf %max3A_367, %div3A_371 : vector<16xf32>
      %eq3A = arith.cmpf oeq, %gather3A, %max3A_367 : vector<16xf32>
      %convert_element_type3A_373 = arith.extui %eq3A : vector<16xi1> to vector<16xi32>
      %convert_element_type3A_374 = arith.sitofp %convert_element_type3A_373 : vector<16xi32> to vector<16xf32>
      %mul3A_375 = arith.mulf %add3A_369, %div3A_371 : vector<16xf32>
      %mul3A_376 = arith.mulf %mul3A_375, %div3A_371 : vector<16xf32>
      %mul3A_377 = arith.constant 2.000000e+00 : f32
      %mul3A_378 = vector.broadcast %mul3A_377 : f32 to vector<16xf32>
      %mul3A_379 = arith.mulf %mul3A_378, %gather3A : vector<16xf32>
      %mul3A_380 = arith.mulf %mul3A_379, %div3A_371 : vector<16xf32>
      %sub3A = arith.subf %mul3A_376, %mul3A_380 : vector<16xf32>
      %add3A_381 = arith.constant 1.000000e+00 : f32
      %add3A_382 = vector.broadcast %add3A_381 : f32 to vector<16xf32>
      %add3A_383 = arith.addf %sub3A, %add3A_382 : vector<16xf32>
      %gt3A = arith.constant 0.0666666701 : f32
      %gt3A_384 = vector.broadcast %gt3A : f32 to vector<16xf32>
      %gt3A_385 = arith.cmpf ogt, %mul3A_372, %gt3A_384 : vector<16xf32>
      %convert_element_type3A_386 = arith.extui %gt3A_385 : vector<16xi1> to vector<16xi32>
      %gt3A_387 = arith.constant 0.13333334 : f32
      %gt3A_388 = vector.broadcast %gt3A_387 : f32 to vector<16xf32>
      %gt3A_389 = arith.cmpf ogt, %mul3A_372, %gt3A_388 : vector<16xf32>
      %convert_element_type3A_390 = arith.extui %gt3A_389 : vector<16xi1> to vector<16xi32>
      %add3A_391 = arith.addi %convert_element_type3A_386, %convert_element_type3A_390 : vector<16xi32>
      %gt3A_392 = arith.constant 0.200000018 : f32
      %gt3A_393 = vector.broadcast %gt3A_392 : f32 to vector<16xf32>
      %gt3A_394 = arith.cmpf ogt, %mul3A_372, %gt3A_393 : vector<16xf32>
      %convert_element_type3A_395 = arith.extui %gt3A_394 : vector<16xi1> to vector<16xi32>
      %add3A_396 = arith.addi %add3A_391, %convert_element_type3A_395 : vector<16xi32>
      %gt3A_397 = arith.constant 0.266666681 : f32
      %gt3A_398 = vector.broadcast %gt3A_397 : f32 to vector<16xf32>
      %gt3A_399 = arith.cmpf ogt, %mul3A_372, %gt3A_398 : vector<16xf32>
      %convert_element_type3A_400 = arith.extui %gt3A_399 : vector<16xi1> to vector<16xi32>
      %add3A_401 = arith.addi %add3A_396, %convert_element_type3A_400 : vector<16xi32>
      %gt3A_402 = arith.constant 0.333333343 : f32
      %gt3A_403 = vector.broadcast %gt3A_402 : f32 to vector<16xf32>
      %gt3A_404 = arith.cmpf ogt, %mul3A_372, %gt3A_403 : vector<16xf32>
      %convert_element_type3A_405 = arith.extui %gt3A_404 : vector<16xi1> to vector<16xi32>
      %add3A_406 = arith.addi %add3A_401, %convert_element_type3A_405 : vector<16xi32>
      %gt3A_407 = arith.constant 0.400000036 : f32
      %gt3A_408 = vector.broadcast %gt3A_407 : f32 to vector<16xf32>
      %gt3A_409 = arith.cmpf ogt, %mul3A_372, %gt3A_408 : vector<16xf32>
      %convert_element_type3A_410 = arith.extui %gt3A_409 : vector<16xi1> to vector<16xi32>
      %add3A_411 = arith.addi %add3A_406, %convert_element_type3A_410 : vector<16xi32>
      %gt3A_412 = arith.constant 0.466666698 : f32
      %gt3A_413 = vector.broadcast %gt3A_412 : f32 to vector<16xf32>
      %gt3A_414 = arith.cmpf ogt, %mul3A_372, %gt3A_413 : vector<16xf32>
      %convert_element_type3A_415 = arith.extui %gt3A_414 : vector<16xi1> to vector<16xi32>
      %add3A_416 = arith.addi %add3A_411, %convert_element_type3A_415 : vector<16xi32>
      %gt3A_417 = arith.constant 0.533333361 : f32
      %gt3A_418 = vector.broadcast %gt3A_417 : f32 to vector<16xf32>
      %gt3A_419 = arith.cmpf ogt, %mul3A_372, %gt3A_418 : vector<16xf32>
      %convert_element_type3A_420 = arith.extui %gt3A_419 : vector<16xi1> to vector<16xi32>
      %add3A_421 = arith.addi %add3A_416, %convert_element_type3A_420 : vector<16xi32>
      %gt3A_422 = arith.constant 6.000000e-01 : f32
      %gt3A_423 = vector.broadcast %gt3A_422 : f32 to vector<16xf32>
      %gt3A_424 = arith.cmpf ogt, %mul3A_372, %gt3A_423 : vector<16xf32>
      %convert_element_type3A_425 = arith.extui %gt3A_424 : vector<16xi1> to vector<16xi32>
      %add3A_426 = arith.addi %add3A_421, %convert_element_type3A_425 : vector<16xi32>
      %gt3A_427 = arith.constant 0.666666686 : f32
      %gt3A_428 = vector.broadcast %gt3A_427 : f32 to vector<16xf32>
      %gt3A_429 = arith.cmpf ogt, %mul3A_372, %gt3A_428 : vector<16xf32>
      %convert_element_type3A_430 = arith.extui %gt3A_429 : vector<16xi1> to vector<16xi32>
      %add3A_431 = arith.addi %add3A_426, %convert_element_type3A_430 : vector<16xi32>
      %gt3A_432 = arith.constant 0.733333349 : f32
      %gt3A_433 = vector.broadcast %gt3A_432 : f32 to vector<16xf32>
      %gt3A_434 = arith.cmpf ogt, %mul3A_372, %gt3A_433 : vector<16xf32>
      %convert_element_type3A_435 = arith.extui %gt3A_434 : vector<16xi1> to vector<16xi32>
      %add3A_436 = arith.addi %add3A_431, %convert_element_type3A_435 : vector<16xi32>
      %gt3A_437 = arith.constant 0.800000071 : f32
      %gt3A_438 = vector.broadcast %gt3A_437 : f32 to vector<16xf32>
      %gt3A_439 = arith.cmpf ogt, %mul3A_372, %gt3A_438 : vector<16xf32>
      %convert_element_type3A_440 = arith.extui %gt3A_439 : vector<16xi1> to vector<16xi32>
      %add3A_441 = arith.addi %add3A_436, %convert_element_type3A_440 : vector<16xi32>
      %gt3A_442 = arith.constant 0.866666734 : f32
      %gt3A_443 = vector.broadcast %gt3A_442 : f32 to vector<16xf32>
      %gt3A_444 = arith.cmpf ogt, %mul3A_372, %gt3A_443 : vector<16xf32>
      %convert_element_type3A_445 = arith.extui %gt3A_444 : vector<16xi1> to vector<16xi32>
      %add3A_446 = arith.addi %add3A_441, %convert_element_type3A_445 : vector<16xi32>
      %gt3A_447 = arith.constant 0.933333396 : f32
      %gt3A_448 = vector.broadcast %gt3A_447 : f32 to vector<16xf32>
      %gt3A_449 = arith.cmpf ogt, %mul3A_372, %gt3A_448 : vector<16xf32>
      %convert_element_type3A_450 = arith.extui %gt3A_449 : vector<16xi1> to vector<16xi32>
      %add3A_451 = arith.addi %add3A_446, %convert_element_type3A_450 : vector<16xi32>
      %mul3A_452 = arith.constant 16 : i32
      %mul3A_453 = vector.broadcast %mul3A_452 : i32 to vector<16xi32>
      %mul3A_454 = arith.muli %iota3A, %mul3A_453 : vector<16xi32>
      %add3A_455 = arith.addi %mul3A_454, %add3A_451 : vector<16xi32>
      %add3A_456 = arith.constant 16 : i32
      %add3A_457 = arith.addi %multiple_of3A_287, %add3A_456 : i32
      %add3A_458 = vector.broadcast %add3A_457 : i32 to vector<16xi32>
      %add3A_459 = arith.addi %add3A_458, %iota3A : vector<16xi32>
      %get3A_460 = arith.index_cast %add3A_457 : i32 to index
      %get3A_461 = tpu.vector_load %arg7[%get3A_460] {strides = array<i32>} : memref<1024xi32, #tpu.memory_space<vmem>>, vector<16xi32>,
      %get3A_462 = arith.constant 0 : i32
      %get3A_463 = arith.index_cast %get3A_462 : i32 to index
      %get3A_464 = arith.index_cast %add3A_457 : i32 to index
      %get3A_465 = tpu.vector_load %arg5[%get3A_463, %get3A_464] {strides = array<i32>} : memref<10x1024xf32, #tpu.memory_space<vmem>>, vector<16xf32>,
      %mul3A_466 = arith.mulf %get3A_465, %get3A_465 : vector<16xf32>
      %get3A_467 = arith.constant 1 : i32
      %get3A_468 = arith.index_cast %get3A_467 : i32 to index
      %get3A_469 = arith.index_cast %add3A_457 : i32 to index
      %get3A_470 = tpu.vector_load %arg5[%get3A_468, %get3A_469] {strides = array<i32>} : memref<10x1024xf32, #tpu.memory_space<vmem>>, vector<16xf32>,
      %add3A_471 = arith.addf %get3A_465, %get3A_470 : vector<16xf32>
      %max3A_472 = arith.maximumf %get3A_465, %get3A_470 : vector<16xf32>
      %mul3A_473 = arith.mulf %get3A_470, %get3A_470 : vector<16xf32>
      %add3A_474 = arith.addf %mul3A_466, %mul3A_473 : vector<16xf32>
      %get3A_475 = arith.constant 2 : i32
      %get3A_476 = arith.index_cast %get3A_475 : i32 to index
      %get3A_477 = arith.index_cast %add3A_457 : i32 to index
      %get3A_478 = tpu.vector_load %arg5[%get3A_476, %get3A_477] {strides = array<i32>} : memref<10x1024xf32, #tpu.memory_space<vmem>>, vector<16xf32>,
      %add3A_479 = arith.addf %add3A_471, %get3A_478 : vector<16xf32>
      %max3A_480 = arith.maximumf %max3A_472, %get3A_478 : vector<16xf32>
      %mul3A_481 = arith.mulf %get3A_478, %get3A_478 : vector<16xf32>
      %add3A_482 = arith.addf %add3A_474, %mul3A_481 : vector<16xf32>
      %get3A_483 = arith.constant 3 : i32
      %get3A_484 = arith.index_cast %get3A_483 : i32 to index
      %get3A_485 = arith.index_cast %add3A_457 : i32 to index
      %get3A_486 = tpu.vector_load %arg5[%get3A_484, %get3A_485] {strides = array<i32>} : memref<10x1024xf32, #tpu.memory_space<vmem>>, vector<16xf32>,
      %add3A_487 = arith.addf %add3A_479, %get3A_486 : vector<16xf32>
      %max3A_488 = arith.maximumf %max3A_480, %get3A_486 : vector<16xf32>
      %mul3A_489 = arith.mulf %get3A_486, %get3A_486 : vector<16xf32>
      %add3A_490 = arith.addf %add3A_482, %mul3A_489 : vector<16xf32>
      %get3A_491 = arith.constant 4 : i32
      %get3A_492 = arith.index_cast %get3A_491 : i32 to index
      %get3A_493 = arith.index_cast %add3A_457 : i32 to index
      %get3A_494 = tpu.vector_load %arg5[%get3A_492, %get3A_493] {strides = array<i32>} : memref<10x1024xf32, #tpu.memory_space<vmem>>, vector<16xf32>,
      %add3A_495 = arith.addf %add3A_487, %get3A_494 : vector<16xf32>
      %max3A_496 = arith.maximumf %max3A_488, %get3A_494 : vector<16xf32>
      %mul3A_497 = arith.mulf %get3A_494, %get3A_494 : vector<16xf32>
      %add3A_498 = arith.addf %add3A_490, %mul3A_497 : vector<16xf32>
      %get3A_499 = arith.constant 5 : i32
      %get3A_500 = arith.index_cast %get3A_499 : i32 to index
      %get3A_501 = arith.index_cast %add3A_457 : i32 to index
      %get3A_502 = tpu.vector_load %arg5[%get3A_500, %get3A_501] {strides = array<i32>} : memref<10x1024xf32, #tpu.memory_space<vmem>>, vector<16xf32>,
      %add3A_503 = arith.addf %add3A_495, %get3A_502 : vector<16xf32>
      %max3A_504 = arith.maximumf %max3A_496, %get3A_502 : vector<16xf32>
      %mul3A_505 = arith.mulf %get3A_502, %get3A_502 : vector<16xf32>
      %add3A_506 = arith.addf %add3A_498, %mul3A_505 : vector<16xf32>
      %get3A_507 = arith.constant 6 : i32
      %get3A_508 = arith.index_cast %get3A_507 : i32 to index
      %get3A_509 = arith.index_cast %add3A_457 : i32 to index
      %get3A_510 = tpu.vector_load %arg5[%get3A_508, %get3A_509] {strides = array<i32>} : memref<10x1024xf32, #tpu.memory_space<vmem>>, vector<16xf32>,
      %add3A_511 = arith.addf %add3A_503, %get3A_510 : vector<16xf32>
      %max3A_512 = arith.maximumf %max3A_504, %get3A_510 : vector<16xf32>
      %mul3A_513 = arith.mulf %get3A_510, %get3A_510 : vector<16xf32>
      %add3A_514 = arith.addf %add3A_506, %mul3A_513 : vector<16xf32>
      %get3A_515 = arith.constant 7 : i32
      %get3A_516 = arith.index_cast %get3A_515 : i32 to index
      %get3A_517 = arith.index_cast %add3A_457 : i32 to index
      %get3A_518 = tpu.vector_load %arg5[%get3A_516, %get3A_517] {strides = array<i32>} : memref<10x1024xf32, #tpu.memory_space<vmem>>, vector<16xf32>,
      %add3A_519 = arith.addf %add3A_511, %get3A_518 : vector<16xf32>
      %max3A_520 = arith.maximumf %max3A_512, %get3A_518 : vector<16xf32>
      %mul3A_521 = arith.mulf %get3A_518, %get3A_518 : vector<16xf32>
      %add3A_522 = arith.addf %add3A_514, %mul3A_521 : vector<16xf32>
      %get3A_523 = arith.constant 8 : i32
      %get3A_524 = arith.index_cast %get3A_523 : i32 to index
      %get3A_525 = arith.index_cast %add3A_457 : i32 to index
      %get3A_526 = tpu.vector_load %arg5[%get3A_524, %get3A_525] {strides = array<i32>} : memref<10x1024xf32, #tpu.memory_space<vmem>>, vector<16xf32>,
      %add3A_527 = arith.addf %add3A_519, %get3A_526 : vector<16xf32>
      %max3A_528 = arith.maximumf %max3A_520, %get3A_526 : vector<16xf32>
      %mul3A_529 = arith.mulf %get3A_526, %get3A_526 : vector<16xf32>
      %add3A_530 = arith.addf %add3A_522, %mul3A_529 : vector<16xf32>
      %get3A_531 = arith.constant 9 : i32
      %get3A_532 = arith.index_cast %get3A_531 : i32 to index
      %get3A_533 = arith.index_cast %add3A_457 : i32 to index
      %get3A_534 = tpu.vector_load %arg5[%get3A_532, %get3A_533] {strides = array<i32>} : memref<10x1024xf32, #tpu.memory_space<vmem>>, vector<16xf32>,
      %add3A_535 = arith.addf %add3A_527, %get3A_534 : vector<16xf32>
      %max3A_536 = arith.maximumf %max3A_528, %get3A_534 : vector<16xf32>
      %mul3A_537 = arith.mulf %get3A_534, %get3A_534 : vector<16xf32>
      %add3A_538 = arith.addf %add3A_530, %mul3A_537 : vector<16xf32>
      %gather3A_539 = tpu.vector_load_idx %arg5[%get3A_461, %add3A_459] : memref<10x1024xf32, #tpu.memory_space<vmem>>[vector<16xi32>, vector<16xi32>], vector<16xf32>,
      %div3A_540 = arith.constant 1.000000e+00 : f32
      %div3A_541 = vector.broadcast %div3A_540 : f32 to vector<16xf32>
      %div3A_542 = arith.divf %div3A_541, %add3A_535 : vector<16xf32>
      %mul3A_543 = arith.mulf %max3A_536, %div3A_542 : vector<16xf32>
      %eq3A_544 = arith.cmpf oeq, %gather3A_539, %max3A_536 : vector<16xf32>
      %convert_element_type3A_545 = arith.extui %eq3A_544 : vector<16xi1> to vector<16xi32>
      %convert_element_type3A_546 = arith.sitofp %convert_element_type3A_545 : vector<16xi32> to vector<16xf32>
      %mul3A_547 = arith.mulf %add3A_538, %div3A_542 : vector<16xf32>
      %mul3A_548 = arith.mulf %mul3A_547, %div3A_542 : vector<16xf32>
      %mul3A_549 = arith.constant 2.000000e+00 : f32
      %mul3A_550 = vector.broadcast %mul3A_549 : f32 to vector<16xf32>
      %mul3A_551 = arith.mulf %mul3A_550, %gather3A_539 : vector<16xf32>
      %mul3A_552 = arith.mulf %mul3A_551, %div3A_542 : vector<16xf32>
      %sub3A_553 = arith.subf %mul3A_548, %mul3A_552 : vector<16xf32>
      %add3A_554 = arith.constant 1.000000e+00 : f32
      %add3A_555 = vector.broadcast %add3A_554 : f32 to vector<16xf32>
      %add3A_556 = arith.addf %sub3A_553, %add3A_555 : vector<16xf32>
      %gt3A_557 = arith.constant 0.0666666701 : f32
      %gt3A_558 = vector.broadcast %gt3A_557 : f32 to vector<16xf32>
      %gt3A_559 = arith.cmpf ogt, %mul3A_543, %gt3A_558 : vector<16xf32>
      %convert_element_type3A_560 = arith.extui %gt3A_559 : vector<16xi1> to vector<16xi32>
      %gt3A_561 = arith.constant 0.13333334 : f32
      %gt3A_562 = vector.broadcast %gt3A_561 : f32 to vector<16xf32>
      %gt3A_563 = arith.cmpf ogt, %mul3A_543, %gt3A_562 : vector<16xf32>
      %convert_element_type3A_564 = arith.extui %gt3A_563 : vector<16xi1> to vector<16xi32>
      %add3A_565 = arith.addi %convert_element_type3A_560, %convert_element_type3A_564 : vector<16xi32>
      %gt3A_566 = arith.constant 0.200000018 : f32
      %gt3A_567 = vector.broadcast %gt3A_566 : f32 to vector<16xf32>
      %gt3A_568 = arith.cmpf ogt, %mul3A_543, %gt3A_567 : vector<16xf32>
      %convert_element_type3A_569 = arith.extui %gt3A_568 : vector<16xi1> to vector<16xi32>
      %add3A_570 = arith.addi %add3A_565, %convert_element_type3A_569 : vector<16xi32>
      %gt3A_571 = arith.constant 0.266666681 : f32
      %gt3A_572 = vector.broadcast %gt3A_571 : f32 to vector<16xf32>
      %gt3A_573 = arith.cmpf ogt, %mul3A_543, %gt3A_572 : vector<16xf32>
      %convert_element_type3A_574 = arith.extui %gt3A_573 : vector<16xi1> to vector<16xi32>
      %add3A_575 = arith.addi %add3A_570, %convert_element_type3A_574 : vector<16xi32>
      %gt3A_576 = arith.constant 0.333333343 : f32
      %gt3A_577 = vector.broadcast %gt3A_576 : f32 to vector<16xf32>
      %gt3A_578 = arith.cmpf ogt, %mul3A_543, %gt3A_577 : vector<16xf32>
      %convert_element_type3A_579 = arith.extui %gt3A_578 : vector<16xi1> to vector<16xi32>
      %add3A_580 = arith.addi %add3A_575, %convert_element_type3A_579 : vector<16xi32>
      %gt3A_581 = arith.constant 0.400000036 : f32
      %gt3A_582 = vector.broadcast %gt3A_581 : f32 to vector<16xf32>
      %gt3A_583 = arith.cmpf ogt, %mul3A_543, %gt3A_582 : vector<16xf32>
      %convert_element_type3A_584 = arith.extui %gt3A_583 : vector<16xi1> to vector<16xi32>
      %add3A_585 = arith.addi %add3A_580, %convert_element_type3A_584 : vector<16xi32>
      %gt3A_586 = arith.constant 0.466666698 : f32
      %gt3A_587 = vector.broadcast %gt3A_586 : f32 to vector<16xf32>
      %gt3A_588 = arith.cmpf ogt, %mul3A_543, %gt3A_587 : vector<16xf32>
      %convert_element_type3A_589 = arith.extui %gt3A_588 : vector<16xi1> to vector<16xi32>
      %add3A_590 = arith.addi %add3A_585, %convert_element_type3A_589 : vector<16xi32>
      %gt3A_591 = arith.constant 0.533333361 : f32
      %gt3A_592 = vector.broadcast %gt3A_591 : f32 to vector<16xf32>
      %gt3A_593 = arith.cmpf ogt, %mul3A_543, %gt3A_592 : vector<16xf32>
      %convert_element_type3A_594 = arith.extui %gt3A_593 : vector<16xi1> to vector<16xi32>
      %add3A_595 = arith.addi %add3A_590, %convert_element_type3A_594 : vector<16xi32>
      %gt3A_596 = arith.constant 6.000000e-01 : f32
      %gt3A_597 = vector.broadcast %gt3A_596 : f32 to vector<16xf32>
      %gt3A_598 = arith.cmpf ogt, %mul3A_543, %gt3A_597 : vector<16xf32>
      %convert_element_type3A_599 = arith.extui %gt3A_598 : vector<16xi1> to vector<16xi32>
      %add3A_600 = arith.addi %add3A_595, %convert_element_type3A_599 : vector<16xi32>
      %gt3A_601 = arith.constant 0.666666686 : f32
      %gt3A_602 = vector.broadcast %gt3A_601 : f32 to vector<16xf32>
      %gt3A_603 = arith.cmpf ogt, %mul3A_543, %gt3A_602 : vector<16xf32>
      %convert_element_type3A_604 = arith.extui %gt3A_603 : vector<16xi1> to vector<16xi32>
      %add3A_605 = arith.addi %add3A_600, %convert_element_type3A_604 : vector<16xi32>
      %gt3A_606 = arith.constant 0.733333349 : f32
      %gt3A_607 = vector.broadcast %gt3A_606 : f32 to vector<16xf32>
      %gt3A_608 = arith.cmpf ogt, %mul3A_543, %gt3A_607 : vector<16xf32>
      %convert_element_type3A_609 = arith.extui %gt3A_608 : vector<16xi1> to vector<16xi32>
      %add3A_610 = arith.addi %add3A_605, %convert_element_type3A_609 : vector<16xi32>
      %gt3A_611 = arith.constant 0.800000071 : f32
      %gt3A_612 = vector.broadcast %gt3A_611 : f32 to vector<16xf32>
      %gt3A_613 = arith.cmpf ogt, %mul3A_543, %gt3A_612 : vector<16xf32>
      %convert_element_type3A_614 = arith.extui %gt3A_613 : vector<16xi1> to vector<16xi32>
      %add3A_615 = arith.addi %add3A_610, %convert_element_type3A_614 : vector<16xi32>
      %gt3A_616 = arith.constant 0.866666734 : f32
      %gt3A_617 = vector.broadcast %gt3A_616 : f32 to vector<16xf32>
      %gt3A_618 = arith.cmpf ogt, %mul3A_543, %gt3A_617 : vector<16xf32>
      %convert_element_type3A_619 = arith.extui %gt3A_618 : vector<16xi1> to vector<16xi32>
      %add3A_620 = arith.addi %add3A_615, %convert_element_type3A_619 : vector<16xi32>
      %gt3A_621 = arith.constant 0.933333396 : f32
      %gt3A_622 = vector.broadcast %gt3A_621 : f32 to vector<16xf32>
      %gt3A_623 = arith.cmpf ogt, %mul3A_543, %gt3A_622 : vector<16xf32>
      %convert_element_type3A_624 = arith.extui %gt3A_623 : vector<16xi1> to vector<16xi32>
      %add3A_625 = arith.addi %add3A_620, %convert_element_type3A_624 : vector<16xi32>
      %mul3A_626 = arith.constant 16 : i32
      %mul3A_627 = vector.broadcast %mul3A_626 : i32 to vector<16xi32>
      %mul3A_628 = arith.muli %iota3A, %mul3A_627 : vector<16xi32>
      %add3A_629 = arith.addi %mul3A_628, %add3A_625 : vector<16xi32>
      %add3A_630 = arith.constant 32 : i32
      %add3A_631 = arith.addi %multiple_of3A_287, %add3A_630 : i32
      %add3A_632 = vector.broadcast %add3A_631 : i32 to vector<16xi32>
      %add3A_633 = arith.addi %add3A_632, %iota3A : vector<16xi32>
      %get3A_634 = arith.index_cast %add3A_631 : i32 to index
      %get3A_635 = tpu.vector_load %arg7[%get3A_634] {strides = array<i32>} : memref<1024xi32, #tpu.memory_space<vmem>>, vector<16xi32>,
      %get3A_636 = arith.constant 0 : i32
      %get3A_637 = arith.index_cast %get3A_636 : i32 to index
      %get3A_638 = arith.index_cast %add3A_631 : i32 to index
      %get3A_639 = tpu.vector_load %arg5[%get3A_637, %get3A_638] {strides = array<i32>} : memref<10x1024xf32, #tpu.memory_space<vmem>>, vector<16xf32>,
      %mul3A_640 = arith.mulf %get3A_639, %get3A_639 : vector<16xf32>
      %get3A_641 = arith.constant 1 : i32
      %get3A_642 = arith.index_cast %get3A_641 : i32 to index
      %get3A_643 = arith.index_cast %add3A_631 : i32 to index
      %get3A_644 = tpu.vector_load %arg5[%get3A_642, %get3A_643] {strides = array<i32>} : memref<10x1024xf32, #tpu.memory_space<vmem>>, vector<16xf32>,
      %add3A_645 = arith.addf %get3A_639, %get3A_644 : vector<16xf32>
      %max3A_646 = arith.maximumf %get3A_639, %get3A_644 : vector<16xf32>
      %mul3A_647 = arith.mulf %get3A_644, %get3A_644 : vector<16xf32>
      %add3A_648 = arith.addf %mul3A_640, %mul3A_647 : vector<16xf32>
      %get3A_649 = arith.constant 2 : i32
      %get3A_650 = arith.index_cast %get3A_649 : i32 to index
      %get3A_651 = arith.index_cast %add3A_631 : i32 to index
      %get3A_652 = tpu.vector_load %arg5[%get3A_650, %get3A_651] {strides = array<i32>} : memref<10x1024xf32, #tpu.memory_space<vmem>>, vector<16xf32>,
      %add3A_653 = arith.addf %add3A_645, %get3A_652 : vector<16xf32>
      %max3A_654 = arith.maximumf %max3A_646, %get3A_652 : vector<16xf32>
      %mul3A_655 = arith.mulf %get3A_652, %get3A_652 : vector<16xf32>
      %add3A_656 = arith.addf %add3A_648, %mul3A_655 : vector<16xf32>
      %get3A_657 = arith.constant 3 : i32
      %get3A_658 = arith.index_cast %get3A_657 : i32 to index
      %get3A_659 = arith.index_cast %add3A_631 : i32 to index
      %get3A_660 = tpu.vector_load %arg5[%get3A_658, %get3A_659] {strides = array<i32>} : memref<10x1024xf32, #tpu.memory_space<vmem>>, vector<16xf32>,
      %add3A_661 = arith.addf %add3A_653, %get3A_660 : vector<16xf32>
      %max3A_662 = arith.maximumf %max3A_654, %get3A_660 : vector<16xf32>
      %mul3A_663 = arith.mulf %get3A_660, %get3A_660 : vector<16xf32>
      %add3A_664 = arith.addf %add3A_656, %mul3A_663 : vector<16xf32>
      %get3A_665 = arith.constant 4 : i32
      %get3A_666 = arith.index_cast %get3A_665 : i32 to index
      %get3A_667 = arith.index_cast %add3A_631 : i32 to index
      %get3A_668 = tpu.vector_load %arg5[%get3A_666, %get3A_667] {strides = array<i32>} : memref<10x1024xf32, #tpu.memory_space<vmem>>, vector<16xf32>,
      %add3A_669 = arith.addf %add3A_661, %get3A_668 : vector<16xf32>
      %max3A_670 = arith.maximumf %max3A_662, %get3A_668 : vector<16xf32>
      %mul3A_671 = arith.mulf %get3A_668, %get3A_668 : vector<16xf32>
      %add3A_672 = arith.addf %add3A_664, %mul3A_671 : vector<16xf32>
      %get3A_673 = arith.constant 5 : i32
      %get3A_674 = arith.index_cast %get3A_673 : i32 to index
      %get3A_675 = arith.index_cast %add3A_631 : i32 to index
      %get3A_676 = tpu.vector_load %arg5[%get3A_674, %get3A_675] {strides = array<i32>} : memref<10x1024xf32, #tpu.memory_space<vmem>>, vector<16xf32>,
      %add3A_677 = arith.addf %add3A_669, %get3A_676 : vector<16xf32>
      %max3A_678 = arith.maximumf %max3A_670, %get3A_676 : vector<16xf32>
      %mul3A_679 = arith.mulf %get3A_676, %get3A_676 : vector<16xf32>
      %add3A_680 = arith.addf %add3A_672, %mul3A_679 : vector<16xf32>
      %get3A_681 = arith.constant 6 : i32
      %get3A_682 = arith.index_cast %get3A_681 : i32 to index
      %get3A_683 = arith.index_cast %add3A_631 : i32 to index
      %get3A_684 = tpu.vector_load %arg5[%get3A_682, %get3A_683] {strides = array<i32>} : memref<10x1024xf32, #tpu.memory_space<vmem>>, vector<16xf32>,
      %add3A_685 = arith.addf %add3A_677, %get3A_684 : vector<16xf32>
      %max3A_686 = arith.maximumf %max3A_678, %get3A_684 : vector<16xf32>
      %mul3A_687 = arith.mulf %get3A_684, %get3A_684 : vector<16xf32>
      %add3A_688 = arith.addf %add3A_680, %mul3A_687 : vector<16xf32>
      %get3A_689 = arith.constant 7 : i32
      %get3A_690 = arith.index_cast %get3A_689 : i32 to index
      %get3A_691 = arith.index_cast %add3A_631 : i32 to index
      %get3A_692 = tpu.vector_load %arg5[%get3A_690, %get3A_691] {strides = array<i32>} : memref<10x1024xf32, #tpu.memory_space<vmem>>, vector<16xf32>,
      %add3A_693 = arith.addf %add3A_685, %get3A_692 : vector<16xf32>
      %max3A_694 = arith.maximumf %max3A_686, %get3A_692 : vector<16xf32>
      %mul3A_695 = arith.mulf %get3A_692, %get3A_692 : vector<16xf32>
      %add3A_696 = arith.addf %add3A_688, %mul3A_695 : vector<16xf32>
      %get3A_697 = arith.constant 8 : i32
      %get3A_698 = arith.index_cast %get3A_697 : i32 to index
      %get3A_699 = arith.index_cast %add3A_631 : i32 to index
      %get3A_700 = tpu.vector_load %arg5[%get3A_698, %get3A_699] {strides = array<i32>} : memref<10x1024xf32, #tpu.memory_space<vmem>>, vector<16xf32>,
      %add3A_701 = arith.addf %add3A_693, %get3A_700 : vector<16xf32>
      %max3A_702 = arith.maximumf %max3A_694, %get3A_700 : vector<16xf32>
      %mul3A_703 = arith.mulf %get3A_700, %get3A_700 : vector<16xf32>
      %add3A_704 = arith.addf %add3A_696, %mul3A_703 : vector<16xf32>
      %get3A_705 = arith.constant 9 : i32
      %get3A_706 = arith.index_cast %get3A_705 : i32 to index
      %get3A_707 = arith.index_cast %add3A_631 : i32 to index
      %get3A_708 = tpu.vector_load %arg5[%get3A_706, %get3A_707] {strides = array<i32>} : memref<10x1024xf32, #tpu.memory_space<vmem>>, vector<16xf32>,
      %add3A_709 = arith.addf %add3A_701, %get3A_708 : vector<16xf32>
      %max3A_710 = arith.maximumf %max3A_702, %get3A_708 : vector<16xf32>
      %mul3A_711 = arith.mulf %get3A_708, %get3A_708 : vector<16xf32>
      %add3A_712 = arith.addf %add3A_704, %mul3A_711 : vector<16xf32>
      %gather3A_713 = tpu.vector_load_idx %arg5[%get3A_635, %add3A_633] : memref<10x1024xf32, #tpu.memory_space<vmem>>[vector<16xi32>, vector<16xi32>], vector<16xf32>,
      %div3A_714 = arith.constant 1.000000e+00 : f32
      %div3A_715 = vector.broadcast %div3A_714 : f32 to vector<16xf32>
      %div3A_716 = arith.divf %div3A_715, %add3A_709 : vector<16xf32>
      %mul3A_717 = arith.mulf %max3A_710, %div3A_716 : vector<16xf32>
      %eq3A_718 = arith.cmpf oeq, %gather3A_713, %max3A_710 : vector<16xf32>
      %convert_element_type3A_719 = arith.extui %eq3A_718 : vector<16xi1> to vector<16xi32>
      %convert_element_type3A_720 = arith.sitofp %convert_element_type3A_719 : vector<16xi32> to vector<16xf32>
      %mul3A_721 = arith.mulf %add3A_712, %div3A_716 : vector<16xf32>
      %mul3A_722 = arith.mulf %mul3A_721, %div3A_716 : vector<16xf32>
      %mul3A_723 = arith.constant 2.000000e+00 : f32
      %mul3A_724 = vector.broadcast %mul3A_723 : f32 to vector<16xf32>
      %mul3A_725 = arith.mulf %mul3A_724, %gather3A_713 : vector<16xf32>
      %mul3A_726 = arith.mulf %mul3A_725, %div3A_716 : vector<16xf32>
      %sub3A_727 = arith.subf %mul3A_722, %mul3A_726 : vector<16xf32>
      %add3A_728 = arith.constant 1.000000e+00 : f32
      %add3A_729 = vector.broadcast %add3A_728 : f32 to vector<16xf32>
      %add3A_730 = arith.addf %sub3A_727, %add3A_729 : vector<16xf32>
      %gt3A_731 = arith.constant 0.0666666701 : f32
      %gt3A_732 = vector.broadcast %gt3A_731 : f32 to vector<16xf32>
      %gt3A_733 = arith.cmpf ogt, %mul3A_717, %gt3A_732 : vector<16xf32>
      %convert_element_type3A_734 = arith.extui %gt3A_733 : vector<16xi1> to vector<16xi32>
      %gt3A_735 = arith.constant 0.13333334 : f32
      %gt3A_736 = vector.broadcast %gt3A_735 : f32 to vector<16xf32>
      %gt3A_737 = arith.cmpf ogt, %mul3A_717, %gt3A_736 : vector<16xf32>
      %convert_element_type3A_738 = arith.extui %gt3A_737 : vector<16xi1> to vector<16xi32>
      %add3A_739 = arith.addi %convert_element_type3A_734, %convert_element_type3A_738 : vector<16xi32>
      %gt3A_740 = arith.constant 0.200000018 : f32
      %gt3A_741 = vector.broadcast %gt3A_740 : f32 to vector<16xf32>
      %gt3A_742 = arith.cmpf ogt, %mul3A_717, %gt3A_741 : vector<16xf32>
      %convert_element_type3A_743 = arith.extui %gt3A_742 : vector<16xi1> to vector<16xi32>
      %add3A_744 = arith.addi %add3A_739, %convert_element_type3A_743 : vector<16xi32>
      %gt3A_745 = arith.constant 0.266666681 : f32
      %gt3A_746 = vector.broadcast %gt3A_745 : f32 to vector<16xf32>
      %gt3A_747 = arith.cmpf ogt, %mul3A_717, %gt3A_746 : vector<16xf32>
      %convert_element_type3A_748 = arith.extui %gt3A_747 : vector<16xi1> to vector<16xi32>
      %add3A_749 = arith.addi %add3A_744, %convert_element_type3A_748 : vector<16xi32>
      %gt3A_750 = arith.constant 0.333333343 : f32
      %gt3A_751 = vector.broadcast %gt3A_750 : f32 to vector<16xf32>
      %gt3A_752 = arith.cmpf ogt, %mul3A_717, %gt3A_751 : vector<16xf32>
      %convert_element_type3A_753 = arith.extui %gt3A_752 : vector<16xi1> to vector<16xi32>
      %add3A_754 = arith.addi %add3A_749, %convert_element_type3A_753 : vector<16xi32>
      %gt3A_755 = arith.constant 0.400000036 : f32
      %gt3A_756 = vector.broadcast %gt3A_755 : f32 to vector<16xf32>
      %gt3A_757 = arith.cmpf ogt, %mul3A_717, %gt3A_756 : vector<16xf32>
      %convert_element_type3A_758 = arith.extui %gt3A_757 : vector<16xi1> to vector<16xi32>
      %add3A_759 = arith.addi %add3A_754, %convert_element_type3A_758 : vector<16xi32>
      %gt3A_760 = arith.constant 0.466666698 : f32
      %gt3A_761 = vector.broadcast %gt3A_760 : f32 to vector<16xf32>
      %gt3A_762 = arith.cmpf ogt, %mul3A_717, %gt3A_761 : vector<16xf32>
      %convert_element_type3A_763 = arith.extui %gt3A_762 : vector<16xi1> to vector<16xi32>
      %add3A_764 = arith.addi %add3A_759, %convert_element_type3A_763 : vector<16xi32>
      %gt3A_765 = arith.constant 0.533333361 : f32
      %gt3A_766 = vector.broadcast %gt3A_765 : f32 to vector<16xf32>
      %gt3A_767 = arith.cmpf ogt, %mul3A_717, %gt3A_766 : vector<16xf32>
      %convert_element_type3A_768 = arith.extui %gt3A_767 : vector<16xi1> to vector<16xi32>
      %add3A_769 = arith.addi %add3A_764, %convert_element_type3A_768 : vector<16xi32>
      %gt3A_770 = arith.constant 6.000000e-01 : f32
      %gt3A_771 = vector.broadcast %gt3A_770 : f32 to vector<16xf32>
      %gt3A_772 = arith.cmpf ogt, %mul3A_717, %gt3A_771 : vector<16xf32>
      %convert_element_type3A_773 = arith.extui %gt3A_772 : vector<16xi1> to vector<16xi32>
      %add3A_774 = arith.addi %add3A_769, %convert_element_type3A_773 : vector<16xi32>
      %gt3A_775 = arith.constant 0.666666686 : f32
      %gt3A_776 = vector.broadcast %gt3A_775 : f32 to vector<16xf32>
      %gt3A_777 = arith.cmpf ogt, %mul3A_717, %gt3A_776 : vector<16xf32>
      %convert_element_type3A_778 = arith.extui %gt3A_777 : vector<16xi1> to vector<16xi32>
      %add3A_779 = arith.addi %add3A_774, %convert_element_type3A_778 : vector<16xi32>
      %gt3A_780 = arith.constant 0.733333349 : f32
      %gt3A_781 = vector.broadcast %gt3A_780 : f32 to vector<16xf32>
      %gt3A_782 = arith.cmpf ogt, %mul3A_717, %gt3A_781 : vector<16xf32>
      %convert_element_type3A_783 = arith.extui %gt3A_782 : vector<16xi1> to vector<16xi32>
      %add3A_784 = arith.addi %add3A_779, %convert_element_type3A_783 : vector<16xi32>
      %gt3A_785 = arith.constant 0.800000071 : f32
      %gt3A_786 = vector.broadcast %gt3A_785 : f32 to vector<16xf32>
      %gt3A_787 = arith.cmpf ogt, %mul3A_717, %gt3A_786 : vector<16xf32>
      %convert_element_type3A_788 = arith.extui %gt3A_787 : vector<16xi1> to vector<16xi32>
      %add3A_789 = arith.addi %add3A_784, %convert_element_type3A_788 : vector<16xi32>
      %gt3A_790 = arith.constant 0.866666734 : f32
      %gt3A_791 = vector.broadcast %gt3A_790 : f32 to vector<16xf32>
      %gt3A_792 = arith.cmpf ogt, %mul3A_717, %gt3A_791 : vector<16xf32>
      %convert_element_type3A_793 = arith.extui %gt3A_792 : vector<16xi1> to vector<16xi32>
      %add3A_794 = arith.addi %add3A_789, %convert_element_type3A_793 : vector<16xi32>
      %gt3A_795 = arith.constant 0.933333396 : f32
      %gt3A_796 = vector.broadcast %gt3A_795 : f32 to vector<16xf32>
      %gt3A_797 = arith.cmpf ogt, %mul3A_717, %gt3A_796 : vector<16xf32>
      %convert_element_type3A_798 = arith.extui %gt3A_797 : vector<16xi1> to vector<16xi32>
      %add3A_799 = arith.addi %add3A_794, %convert_element_type3A_798 : vector<16xi32>
      %mul3A_800 = arith.constant 16 : i32
      %mul3A_801 = vector.broadcast %mul3A_800 : i32 to vector<16xi32>
      %mul3A_802 = arith.muli %iota3A, %mul3A_801 : vector<16xi32>
      %add3A_803 = arith.addi %mul3A_802, %add3A_799 : vector<16xi32>
      %add3A_804 = arith.constant 48 : i32
      %add3A_805 = arith.addi %multiple_of3A_287, %add3A_804 : i32
      %add3A_806 = vector.broadcast %add3A_805 : i32 to vector<16xi32>
      %add3A_807 = arith.addi %add3A_806, %iota3A : vector<16xi32>
      %get3A_808 = arith.index_cast %add3A_805 : i32 to index
      %get3A_809 = tpu.vector_load %arg7[%get3A_808] {strides = array<i32>} : memref<1024xi32, #tpu.memory_space<vmem>>, vector<16xi32>,
      %get3A_810 = arith.constant 0 : i32
      %get3A_811 = arith.index_cast %get3A_810 : i32 to index
      %get3A_812 = arith.index_cast %add3A_805 : i32 to index
      %get3A_813 = tpu.vector_load %arg5[%get3A_811, %get3A_812] {strides = array<i32>} : memref<10x1024xf32, #tpu.memory_space<vmem>>, vector<16xf32>,
      %mul3A_814 = arith.mulf %get3A_813, %get3A_813 : vector<16xf32>
      %get3A_815 = arith.constant 1 : i32
      %get3A_816 = arith.index_cast %get3A_815 : i32 to index
      %get3A_817 = arith.index_cast %add3A_805 : i32 to index
      %get3A_818 = tpu.vector_load %arg5[%get3A_816, %get3A_817] {strides = array<i32>} : memref<10x1024xf32, #tpu.memory_space<vmem>>, vector<16xf32>,
      %add3A_819 = arith.addf %get3A_813, %get3A_818 : vector<16xf32>
      %max3A_820 = arith.maximumf %get3A_813, %get3A_818 : vector<16xf32>
      %mul3A_821 = arith.mulf %get3A_818, %get3A_818 : vector<16xf32>
      %add3A_822 = arith.addf %mul3A_814, %mul3A_821 : vector<16xf32>
      %get3A_823 = arith.constant 2 : i32
      %get3A_824 = arith.index_cast %get3A_823 : i32 to index
      %get3A_825 = arith.index_cast %add3A_805 : i32 to index
      %get3A_826 = tpu.vector_load %arg5[%get3A_824, %get3A_825] {strides = array<i32>} : memref<10x1024xf32, #tpu.memory_space<vmem>>, vector<16xf32>,
      %add3A_827 = arith.addf %add3A_819, %get3A_826 : vector<16xf32>
      %max3A_828 = arith.maximumf %max3A_820, %get3A_826 : vector<16xf32>
      %mul3A_829 = arith.mulf %get3A_826, %get3A_826 : vector<16xf32>
      %add3A_830 = arith.addf %add3A_822, %mul3A_829 : vector<16xf32>
      %get3A_831 = arith.constant 3 : i32
      %get3A_832 = arith.index_cast %get3A_831 : i32 to index
      %get3A_833 = arith.index_cast %add3A_805 : i32 to index
      %get3A_834 = tpu.vector_load %arg5[%get3A_832, %get3A_833] {strides = array<i32>} : memref<10x1024xf32, #tpu.memory_space<vmem>>, vector<16xf32>,
      %add3A_835 = arith.addf %add3A_827, %get3A_834 : vector<16xf32>
      %max3A_836 = arith.maximumf %max3A_828, %get3A_834 : vector<16xf32>
      %mul3A_837 = arith.mulf %get3A_834, %get3A_834 : vector<16xf32>
      %add3A_838 = arith.addf %add3A_830, %mul3A_837 : vector<16xf32>
      %get3A_839 = arith.constant 4 : i32
      %get3A_840 = arith.index_cast %get3A_839 : i32 to index
      %get3A_841 = arith.index_cast %add3A_805 : i32 to index
      %get3A_842 = tpu.vector_load %arg5[%get3A_840, %get3A_841] {strides = array<i32>} : memref<10x1024xf32, #tpu.memory_space<vmem>>, vector<16xf32>,
      %add3A_843 = arith.addf %add3A_835, %get3A_842 : vector<16xf32>
      %max3A_844 = arith.maximumf %max3A_836, %get3A_842 : vector<16xf32>
      %mul3A_845 = arith.mulf %get3A_842, %get3A_842 : vector<16xf32>
      %add3A_846 = arith.addf %add3A_838, %mul3A_845 : vector<16xf32>
      %get3A_847 = arith.constant 5 : i32
      %get3A_848 = arith.index_cast %get3A_847 : i32 to index
      %get3A_849 = arith.index_cast %add3A_805 : i32 to index
      %get3A_850 = tpu.vector_load %arg5[%get3A_848, %get3A_849] {strides = array<i32>} : memref<10x1024xf32, #tpu.memory_space<vmem>>, vector<16xf32>,
      %add3A_851 = arith.addf %add3A_843, %get3A_850 : vector<16xf32>
      %max3A_852 = arith.maximumf %max3A_844, %get3A_850 : vector<16xf32>
      %mul3A_853 = arith.mulf %get3A_850, %get3A_850 : vector<16xf32>
      %add3A_854 = arith.addf %add3A_846, %mul3A_853 : vector<16xf32>
      %get3A_855 = arith.constant 6 : i32
      %get3A_856 = arith.index_cast %get3A_855 : i32 to index
      %get3A_857 = arith.index_cast %add3A_805 : i32 to index
      %get3A_858 = tpu.vector_load %arg5[%get3A_856, %get3A_857] {strides = array<i32>} : memref<10x1024xf32, #tpu.memory_space<vmem>>, vector<16xf32>,
      %add3A_859 = arith.addf %add3A_851, %get3A_858 : vector<16xf32>
      %max3A_860 = arith.maximumf %max3A_852, %get3A_858 : vector<16xf32>
      %mul3A_861 = arith.mulf %get3A_858, %get3A_858 : vector<16xf32>
      %add3A_862 = arith.addf %add3A_854, %mul3A_861 : vector<16xf32>
      %get3A_863 = arith.constant 7 : i32
      %get3A_864 = arith.index_cast %get3A_863 : i32 to index
      %get3A_865 = arith.index_cast %add3A_805 : i32 to index
      %get3A_866 = tpu.vector_load %arg5[%get3A_864, %get3A_865] {strides = array<i32>} : memref<10x1024xf32, #tpu.memory_space<vmem>>, vector<16xf32>,
      %add3A_867 = arith.addf %add3A_859, %get3A_866 : vector<16xf32>
      %max3A_868 = arith.maximumf %max3A_860, %get3A_866 : vector<16xf32>
      %mul3A_869 = arith.mulf %get3A_866, %get3A_866 : vector<16xf32>
      %add3A_870 = arith.addf %add3A_862, %mul3A_869 : vector<16xf32>
      %get3A_871 = arith.constant 8 : i32
      %get3A_872 = arith.index_cast %get3A_871 : i32 to index
      %get3A_873 = arith.index_cast %add3A_805 : i32 to index
      %get3A_874 = tpu.vector_load %arg5[%get3A_872, %get3A_873] {strides = array<i32>} : memref<10x1024xf32, #tpu.memory_space<vmem>>, vector<16xf32>,
      %add3A_875 = arith.addf %add3A_867, %get3A_874 : vector<16xf32>
      %max3A_876 = arith.maximumf %max3A_868, %get3A_874 : vector<16xf32>
      %mul3A_877 = arith.mulf %get3A_874, %get3A_874 : vector<16xf32>
      %add3A_878 = arith.addf %add3A_870, %mul3A_877 : vector<16xf32>
      %get3A_879 = arith.constant 9 : i32
      %get3A_880 = arith.index_cast %get3A_879 : i32 to index
      %get3A_881 = arith.index_cast %add3A_805 : i32 to index
      %get3A_882 = tpu.vector_load %arg5[%get3A_880, %get3A_881] {strides = array<i32>} : memref<10x1024xf32, #tpu.memory_space<vmem>>, vector<16xf32>,
      %add3A_883 = arith.addf %add3A_875, %get3A_882 : vector<16xf32>
      %max3A_884 = arith.maximumf %max3A_876, %get3A_882 : vector<16xf32>
      %mul3A_885 = arith.mulf %get3A_882, %get3A_882 : vector<16xf32>
      %add3A_886 = arith.addf %add3A_878, %mul3A_885 : vector<16xf32>
      %gather3A_887 = tpu.vector_load_idx %arg5[%get3A_809, %add3A_807] : memref<10x1024xf32, #tpu.memory_space<vmem>>[vector<16xi32>, vector<16xi32>], vector<16xf32>,
      %div3A_888 = arith.constant 1.000000e+00 : f32
      %div3A_889 = vector.broadcast %div3A_888 : f32 to vector<16xf32>
      %div3A_890 = arith.divf %div3A_889, %add3A_883 : vector<16xf32>
      %mul3A_891 = arith.mulf %max3A_884, %div3A_890 : vector<16xf32>
      %eq3A_892 = arith.cmpf oeq, %gather3A_887, %max3A_884 : vector<16xf32>
      %convert_element_type3A_893 = arith.extui %eq3A_892 : vector<16xi1> to vector<16xi32>
      %convert_element_type3A_894 = arith.sitofp %convert_element_type3A_893 : vector<16xi32> to vector<16xf32>
      %mul3A_895 = arith.mulf %add3A_886, %div3A_890 : vector<16xf32>
      %mul3A_896 = arith.mulf %mul3A_895, %div3A_890 : vector<16xf32>
      %mul3A_897 = arith.constant 2.000000e+00 : f32
      %mul3A_898 = vector.broadcast %mul3A_897 : f32 to vector<16xf32>
      %mul3A_899 = arith.mulf %mul3A_898, %gather3A_887 : vector<16xf32>
      %mul3A_900 = arith.mulf %mul3A_899, %div3A_890 : vector<16xf32>
      %sub3A_901 = arith.subf %mul3A_896, %mul3A_900 : vector<16xf32>
      %add3A_902 = arith.constant 1.000000e+00 : f32
      %add3A_903 = vector.broadcast %add3A_902 : f32 to vector<16xf32>
      %add3A_904 = arith.addf %sub3A_901, %add3A_903 : vector<16xf32>
      %gt3A_905 = arith.constant 0.0666666701 : f32
      %gt3A_906 = vector.broadcast %gt3A_905 : f32 to vector<16xf32>
      %gt3A_907 = arith.cmpf ogt, %mul3A_891, %gt3A_906 : vector<16xf32>
      %convert_element_type3A_908 = arith.extui %gt3A_907 : vector<16xi1> to vector<16xi32>
      %gt3A_909 = arith.constant 0.13333334 : f32
      %gt3A_910 = vector.broadcast %gt3A_909 : f32 to vector<16xf32>
      %gt3A_911 = arith.cmpf ogt, %mul3A_891, %gt3A_910 : vector<16xf32>
      %convert_element_type3A_912 = arith.extui %gt3A_911 : vector<16xi1> to vector<16xi32>
      %add3A_913 = arith.addi %convert_element_type3A_908, %convert_element_type3A_912 : vector<16xi32>
      %gt3A_914 = arith.constant 0.200000018 : f32
      %gt3A_915 = vector.broadcast %gt3A_914 : f32 to vector<16xf32>
      %gt3A_916 = arith.cmpf ogt, %mul3A_891, %gt3A_915 : vector<16xf32>
      %convert_element_type3A_917 = arith.extui %gt3A_916 : vector<16xi1> to vector<16xi32>
      %add3A_918 = arith.addi %add3A_913, %convert_element_type3A_917 : vector<16xi32>
      %gt3A_919 = arith.constant 0.266666681 : f32
      %gt3A_920 = vector.broadcast %gt3A_919 : f32 to vector<16xf32>
      %gt3A_921 = arith.cmpf ogt, %mul3A_891, %gt3A_920 : vector<16xf32>
      %convert_element_type3A_922 = arith.extui %gt3A_921 : vector<16xi1> to vector<16xi32>
      %add3A_923 = arith.addi %add3A_918, %convert_element_type3A_922 : vector<16xi32>
      %gt3A_924 = arith.constant 0.333333343 : f32
      %gt3A_925 = vector.broadcast %gt3A_924 : f32 to vector<16xf32>
      %gt3A_926 = arith.cmpf ogt, %mul3A_891, %gt3A_925 : vector<16xf32>
      %convert_element_type3A_927 = arith.extui %gt3A_926 : vector<16xi1> to vector<16xi32>
      %add3A_928 = arith.addi %add3A_923, %convert_element_type3A_927 : vector<16xi32>
      %gt3A_929 = arith.constant 0.400000036 : f32
      %gt3A_930 = vector.broadcast %gt3A_929 : f32 to vector<16xf32>
      %gt3A_931 = arith.cmpf ogt, %mul3A_891, %gt3A_930 : vector<16xf32>
      %convert_element_type3A_932 = arith.extui %gt3A_931 : vector<16xi1> to vector<16xi32>
      %add3A_933 = arith.addi %add3A_928, %convert_element_type3A_932 : vector<16xi32>
      %gt3A_934 = arith.constant 0.466666698 : f32
      %gt3A_935 = vector.broadcast %gt3A_934 : f32 to vector<16xf32>
      %gt3A_936 = arith.cmpf ogt, %mul3A_891, %gt3A_935 : vector<16xf32>
      %convert_element_type3A_937 = arith.extui %gt3A_936 : vector<16xi1> to vector<16xi32>
      %add3A_938 = arith.addi %add3A_933, %convert_element_type3A_937 : vector<16xi32>
      %gt3A_939 = arith.constant 0.533333361 : f32
      %gt3A_940 = vector.broadcast %gt3A_939 : f32 to vector<16xf32>
      %gt3A_941 = arith.cmpf ogt, %mul3A_891, %gt3A_940 : vector<16xf32>
      %convert_element_type3A_942 = arith.extui %gt3A_941 : vector<16xi1> to vector<16xi32>
      %add3A_943 = arith.addi %add3A_938, %convert_element_type3A_942 : vector<16xi32>
      %gt3A_944 = arith.constant 6.000000e-01 : f32
      %gt3A_945 = vector.broadcast %gt3A_944 : f32 to vector<16xf32>
      %gt3A_946 = arith.cmpf ogt, %mul3A_891, %gt3A_945 : vector<16xf32>
      %convert_element_type3A_947 = arith.extui %gt3A_946 : vector<16xi1> to vector<16xi32>
      %add3A_948 = arith.addi %add3A_943, %convert_element_type3A_947 : vector<16xi32>
      %gt3A_949 = arith.constant 0.666666686 : f32
      %gt3A_950 = vector.broadcast %gt3A_949 : f32 to vector<16xf32>
      %gt3A_951 = arith.cmpf ogt, %mul3A_891, %gt3A_950 : vector<16xf32>
      %convert_element_type3A_952 = arith.extui %gt3A_951 : vector<16xi1> to vector<16xi32>
      %add3A_953 = arith.addi %add3A_948, %convert_element_type3A_952 : vector<16xi32>
      %gt3A_954 = arith.constant 0.733333349 : f32
      %gt3A_955 = vector.broadcast %gt3A_954 : f32 to vector<16xf32>
      %gt3A_956 = arith.cmpf ogt, %mul3A_891, %gt3A_955 : vector<16xf32>
      %convert_element_type3A_957 = arith.extui %gt3A_956 : vector<16xi1> to vector<16xi32>
      %add3A_958 = arith.addi %add3A_953, %convert_element_type3A_957 : vector<16xi32>
      %gt3A_959 = arith.constant 0.800000071 : f32
      %gt3A_960 = vector.broadcast %gt3A_959 : f32 to vector<16xf32>
      %gt3A_961 = arith.cmpf ogt, %mul3A_891, %gt3A_960 : vector<16xf32>
      %convert_element_type3A_962 = arith.extui %gt3A_961 : vector<16xi1> to vector<16xi32>
      %add3A_963 = arith.addi %add3A_958, %convert_element_type3A_962 : vector<16xi32>
      %gt3A_964 = arith.constant 0.866666734 : f32
      %gt3A_965 = vector.broadcast %gt3A_964 : f32 to vector<16xf32>
      %gt3A_966 = arith.cmpf ogt, %mul3A_891, %gt3A_965 : vector<16xf32>
      %convert_element_type3A_967 = arith.extui %gt3A_966 : vector<16xi1> to vector<16xi32>
      %add3A_968 = arith.addi %add3A_963, %convert_element_type3A_967 : vector<16xi32>
      %gt3A_969 = arith.constant 0.933333396 : f32
      %gt3A_970 = vector.broadcast %gt3A_969 : f32 to vector<16xf32>
      %gt3A_971 = arith.cmpf ogt, %mul3A_891, %gt3A_970 : vector<16xf32>
      %convert_element_type3A_972 = arith.extui %gt3A_971 : vector<16xi1> to vector<16xi32>
      %add3A_973 = arith.addi %add3A_968, %convert_element_type3A_972 : vector<16xi32>
      %mul3A_974 = arith.constant 16 : i32
      %mul3A_975 = vector.broadcast %mul3A_974 : i32 to vector<16xi32>
      %mul3A_976 = arith.muli %iota3A, %mul3A_975 : vector<16xi32>
      %add3A_977 = arith.addi %mul3A_976, %add3A_973 : vector<16xi32>
      %get3A_978 = arith.constant 0 : index
      %get3A_979 = tpu.vector_load %arg14[%get3A_978] {strides = array<i32>} : memref<16xf32, #tpu.memory_space<vmem>>, vector<16xf32>,
      %add3A_980 = arith.addf %add3A_383, %add3A_556 : vector<16xf32>
      %add3A_981 = arith.addf %add3A_730, %add3A_904 : vector<16xf32>
      %add3A_982 = arith.addf %add3A_980, %add3A_981 : vector<16xf32>
      %add3A_983 = arith.addf %get3A_979, %add3A_982 : vector<16xf32>
      %swap3A_984 = arith.constant 0 : index
      %swap3A_985 = tpu.vector_load %arg14[%swap3A_984] {strides = array<i32>} : memref<16xf32, #tpu.memory_space<vmem>>, vector<16xf32>,
      tpu.vector_store %arg14[%swap3A_984], %add3A_983 {strides = array<i32>} : memref<16xf32, #tpu.memory_space<vmem>>, vector<16xf32>,
      tpu.vector_store_idx %arg11[%add3A_455], %broadcast_in_dim3A_5 {add = true} : memref<256xf32, #tpu.memory_space<vmem>>[vector<16xi32>], vector<16xf32>,
      tpu.vector_store_idx %arg12[%add3A_455], %mul3A_372 {add = true} : memref<256xf32, #tpu.memory_space<vmem>>[vector<16xi32>], vector<16xf32>,
      tpu.vector_store_idx %arg13[%add3A_455], %convert_element_type3A_374 {add = true} : memref<256xf32, #tpu.memory_space<vmem>>[vector<16xi32>], vector<16xf32>,
      tpu.vector_store_idx %arg11[%add3A_629], %broadcast_in_dim3A_5 {add = true} : memref<256xf32, #tpu.memory_space<vmem>>[vector<16xi32>], vector<16xf32>,
      tpu.vector_store_idx %arg12[%add3A_629], %mul3A_543 {add = true} : memref<256xf32, #tpu.memory_space<vmem>>[vector<16xi32>], vector<16xf32>,
      tpu.vector_store_idx %arg13[%add3A_629], %convert_element_type3A_546 {add = true} : memref<256xf32, #tpu.memory_space<vmem>>[vector<16xi32>], vector<16xf32>,
      tpu.vector_store_idx %arg11[%add3A_803], %broadcast_in_dim3A_5 {add = true} : memref<256xf32, #tpu.memory_space<vmem>>[vector<16xi32>], vector<16xf32>,
      tpu.vector_store_idx %arg12[%add3A_803], %mul3A_717 {add = true} : memref<256xf32, #tpu.memory_space<vmem>>[vector<16xi32>], vector<16xf32>,
      tpu.vector_store_idx %arg13[%add3A_803], %convert_element_type3A_720 {add = true} : memref<256xf32, #tpu.memory_space<vmem>>[vector<16xi32>], vector<16xf32>,
      tpu.vector_store_idx %arg11[%add3A_977], %broadcast_in_dim3A_5 {add = true} : memref<256xf32, #tpu.memory_space<vmem>>[vector<16xi32>], vector<16xf32>,
      tpu.vector_store_idx %arg12[%add3A_977], %mul3A_891 {add = true} : memref<256xf32, #tpu.memory_space<vmem>>[vector<16xi32>], vector<16xf32>,
      tpu.vector_store_idx %arg13[%add3A_977], %convert_element_type3A_894 {add = true} : memref<256xf32, #tpu.memory_space<vmem>>[vector<16xi32>], vector<16xf32>,
    }
    %scan3A_128 = arith.constant 16 : i32
    %lt3A = arith.constant 9 : i32
    %lt3A_129 = arith.cmpi slt, %add3A, %lt3A : i32
    %convert_element_type3A = arith.extui %lt3A_129 : i1 to i32
    %cond3A = arith.constant 0 : i32
    %cond3A_130 = arith.cmpi ne, %convert_element_type3A, %cond3A : i32
    scf.if %cond3A_130 {
      %mul3A_284 = arith.constant 128 : i32
      %mul3A_285 = arith.muli %add3A, %mul3A_284 : i32
      %add3A_286 = arith.constant 1998848 : i32
      %add3A_287 = arith.addi %add3A_286, %mul3A_285 : i32
      %multiple_of3A_288 = tpu.assume_multiple %add3A_287, 128 : i32
      %dma_start3A_289 = arith.constant 0 : i32
      %dma_start3A_290 = tpu.memref_slice %arg2[%dma_start3A_289, %multiple_of3A_288] : memref<10x2000000xf32, #tpu.memory_space<hbm>> -> memref<10x128xf32, #tpu.memory_space<hbm>>
      %dma_start3A_291 = arith.constant 0 : i32
      %dma_start3A_292 = tpu.memref_slice %arg2[%dma_start3A_291, %multiple_of3A_288] : memref<10x2000000xf32, #tpu.memory_space<hbm>> -> memref<10x128xf32, #tpu.memory_space<hbm>>
      tpu.enqueue_dma source(%dma_start3A_292 : memref<10x128xf32, #tpu.memory_space<hbm>>) target(%arg9 : memref<10x128xf32, #tpu.memory_space<vmem>>) target_semaphore(%arg17 : memref<!tpu.dma_semaphore, #tpu.memory_space<semaphore_mem>>)
      %dma_start3A_293 = tpu.memref_slice %arg3[%multiple_of3A_288] : memref<2000000xi32, #tpu.memory_space<hbm>> -> memref<128xi32, #tpu.memory_space<hbm>>
      %dma_start3A_294 = tpu.memref_slice %arg3[%multiple_of3A_288] : memref<2000000xi32, #tpu.memory_space<hbm>> -> memref<128xi32, #tpu.memory_space<hbm>>
      tpu.enqueue_dma source(%dma_start3A_294 : memref<128xi32, #tpu.memory_space<hbm>>) target(%arg10 : memref<128xi32, #tpu.memory_space<vmem>>) target_semaphore(%arg19 : memref<!tpu.dma_semaphore, #tpu.memory_space<semaphore_mem>>)
      %dma_wait3A_295 = arith.constant 0 : i32
      %dma_wait3A_296 = tpu.memref_slice %arg2[%dma_wait3A_295, %multiple_of3A_288] : memref<10x2000000xf32, #tpu.memory_space<hbm>> -> memref<10x128xf32, #tpu.memory_space<hbm>>
      %dma_wait3A_297 = arith.constant 0 : i32
      %dma_wait3A_298 = tpu.memref_slice %arg2[%dma_wait3A_297, %multiple_of3A_288] : memref<10x2000000xf32, #tpu.memory_space<hbm>> -> memref<10x128xf32, #tpu.memory_space<hbm>>
      tpu.wait_dma2 semaphore(%arg17 : memref<!tpu.dma_semaphore, #tpu.memory_space<semaphore_mem>>) src(%dma_wait3A_298 : memref<10x128xf32, #tpu.memory_space<hbm>>) dst(%arg9 : memref<10x128xf32, #tpu.memory_space<vmem>>)
      %dma_wait3A_299 = tpu.memref_slice %arg3[%multiple_of3A_288] : memref<2000000xi32, #tpu.memory_space<hbm>> -> memref<128xi32, #tpu.memory_space<hbm>>
      %dma_wait3A_300 = tpu.memref_slice %arg3[%multiple_of3A_288] : memref<2000000xi32, #tpu.memory_space<hbm>> -> memref<128xi32, #tpu.memory_space<hbm>>
      tpu.wait_dma2 semaphore(%arg19 : memref<!tpu.dma_semaphore, #tpu.memory_space<semaphore_mem>>) src(%dma_wait3A_300 : memref<128xi32, #tpu.memory_space<hbm>>) dst(%arg10 : memref<128xi32, #tpu.memory_space<vmem>>)
      %scan3A_301 = arith.constant 0 : i32
      %scan3A_302 = arith.constant 0 : i32
      %scan3A_303 = arith.constant 2 : i32
      %scan3A_304 = arith.addi %scan3A_302, %scan3A_303 : i32
      %scan3A_305 = arith.constant 1 : i32
      scf.for %scan3A_307 = %scan3A_302 to %scan3A_304 step %scan3A_305  : i32 {
        %mul3A_308 = arith.constant 64 : i32
        %mul3A_309 = arith.muli %scan3A_307, %mul3A_308 : i32
        %multiple_of3A_310 = tpu.assume_multiple %mul3A_309, 64 : i32
        %add3A_311 = arith.constant 0 : i32
        %add3A_312 = arith.addi %multiple_of3A_310, %add3A_311 : i32
        %add3A_313 = vector.broadcast %add3A_312 : i32 to vector<16xi32>
        %add3A_314 = arith.addi %add3A_313, %iota3A : vector<16xi32>
        %get3A_315 = arith.index_cast %add3A_312 : i32 to index
        %get3A_316 = tpu.vector_load %arg10[%get3A_315] {strides = array<i32>} : memref<128xi32, #tpu.memory_space<vmem>>, vector<16xi32>,
        %get3A_317 = arith.constant 0 : i32
        %get3A_318 = arith.index_cast %get3A_317 : i32 to index
        %get3A_319 = arith.index_cast %add3A_312 : i32 to index
        %get3A_320 = tpu.vector_load %arg9[%get3A_318, %get3A_319] {strides = array<i32>} : memref<10x128xf32, #tpu.memory_space<vmem>>, vector<16xf32>,
        %mul3A_321 = arith.mulf %get3A_320, %get3A_320 : vector<16xf32>
        %get3A_322 = arith.constant 1 : i32
        %get3A_323 = arith.index_cast %get3A_322 : i32 to index
        %get3A_324 = arith.index_cast %add3A_312 : i32 to index
        %get3A_325 = tpu.vector_load %arg9[%get3A_323, %get3A_324] {strides = array<i32>} : memref<10x128xf32, #tpu.memory_space<vmem>>, vector<16xf32>,
        %add3A_326 = arith.addf %get3A_320, %get3A_325 : vector<16xf32>
        %max3A = arith.maximumf %get3A_320, %get3A_325 : vector<16xf32>
        %mul3A_327 = arith.mulf %get3A_325, %get3A_325 : vector<16xf32>
        %add3A_328 = arith.addf %mul3A_321, %mul3A_327 : vector<16xf32>
        %get3A_329 = arith.constant 2 : i32
        %get3A_330 = arith.index_cast %get3A_329 : i32 to index
        %get3A_331 = arith.index_cast %add3A_312 : i32 to index
        %get3A_332 = tpu.vector_load %arg9[%get3A_330, %get3A_331] {strides = array<i32>} : memref<10x128xf32, #tpu.memory_space<vmem>>, vector<16xf32>,
        %add3A_333 = arith.addf %add3A_326, %get3A_332 : vector<16xf32>
        %max3A_334 = arith.maximumf %max3A, %get3A_332 : vector<16xf32>
        %mul3A_335 = arith.mulf %get3A_332, %get3A_332 : vector<16xf32>
        %add3A_336 = arith.addf %add3A_328, %mul3A_335 : vector<16xf32>
        %get3A_337 = arith.constant 3 : i32
        %get3A_338 = arith.index_cast %get3A_337 : i32 to index
        %get3A_339 = arith.index_cast %add3A_312 : i32 to index
        %get3A_340 = tpu.vector_load %arg9[%get3A_338, %get3A_339] {strides = array<i32>} : memref<10x128xf32, #tpu.memory_space<vmem>>, vector<16xf32>,
        %add3A_341 = arith.addf %add3A_333, %get3A_340 : vector<16xf32>
        %max3A_342 = arith.maximumf %max3A_334, %get3A_340 : vector<16xf32>
        %mul3A_343 = arith.mulf %get3A_340, %get3A_340 : vector<16xf32>
        %add3A_344 = arith.addf %add3A_336, %mul3A_343 : vector<16xf32>
        %get3A_345 = arith.constant 4 : i32
        %get3A_346 = arith.index_cast %get3A_345 : i32 to index
        %get3A_347 = arith.index_cast %add3A_312 : i32 to index
        %get3A_348 = tpu.vector_load %arg9[%get3A_346, %get3A_347] {strides = array<i32>} : memref<10x128xf32, #tpu.memory_space<vmem>>, vector<16xf32>,
        %add3A_349 = arith.addf %add3A_341, %get3A_348 : vector<16xf32>
        %max3A_350 = arith.maximumf %max3A_342, %get3A_348 : vector<16xf32>
        %mul3A_351 = arith.mulf %get3A_348, %get3A_348 : vector<16xf32>
        %add3A_352 = arith.addf %add3A_344, %mul3A_351 : vector<16xf32>
        %get3A_353 = arith.constant 5 : i32
        %get3A_354 = arith.index_cast %get3A_353 : i32 to index
        %get3A_355 = arith.index_cast %add3A_312 : i32 to index
        %get3A_356 = tpu.vector_load %arg9[%get3A_354, %get3A_355] {strides = array<i32>} : memref<10x128xf32, #tpu.memory_space<vmem>>, vector<16xf32>,
        %add3A_357 = arith.addf %add3A_349, %get3A_356 : vector<16xf32>
        %max3A_358 = arith.maximumf %max3A_350, %get3A_356 : vector<16xf32>
        %mul3A_359 = arith.mulf %get3A_356, %get3A_356 : vector<16xf32>
        %add3A_360 = arith.addf %add3A_352, %mul3A_359 : vector<16xf32>
        %get3A_361 = arith.constant 6 : i32
        %get3A_362 = arith.index_cast %get3A_361 : i32 to index
        %get3A_363 = arith.index_cast %add3A_312 : i32 to index
        %get3A_364 = tpu.vector_load %arg9[%get3A_362, %get3A_363] {strides = array<i32>} : memref<10x128xf32, #tpu.memory_space<vmem>>, vector<16xf32>,
        %add3A_365 = arith.addf %add3A_357, %get3A_364 : vector<16xf32>
        %max3A_366 = arith.maximumf %max3A_358, %get3A_364 : vector<16xf32>
        %mul3A_367 = arith.mulf %get3A_364, %get3A_364 : vector<16xf32>
        %add3A_368 = arith.addf %add3A_360, %mul3A_367 : vector<16xf32>
        %get3A_369 = arith.constant 7 : i32
        %get3A_370 = arith.index_cast %get3A_369 : i32 to index
        %get3A_371 = arith.index_cast %add3A_312 : i32 to index
        %get3A_372 = tpu.vector_load %arg9[%get3A_370, %get3A_371] {strides = array<i32>} : memref<10x128xf32, #tpu.memory_space<vmem>>, vector<16xf32>,
        %add3A_373 = arith.addf %add3A_365, %get3A_372 : vector<16xf32>
        %max3A_374 = arith.maximumf %max3A_366, %get3A_372 : vector<16xf32>
        %mul3A_375 = arith.mulf %get3A_372, %get3A_372 : vector<16xf32>
        %add3A_376 = arith.addf %add3A_368, %mul3A_375 : vector<16xf32>
        %get3A_377 = arith.constant 8 : i32
        %get3A_378 = arith.index_cast %get3A_377 : i32 to index
        %get3A_379 = arith.index_cast %add3A_312 : i32 to index
        %get3A_380 = tpu.vector_load %arg9[%get3A_378, %get3A_379] {strides = array<i32>} : memref<10x128xf32, #tpu.memory_space<vmem>>, vector<16xf32>,
        %add3A_381 = arith.addf %add3A_373, %get3A_380 : vector<16xf32>
        %max3A_382 = arith.maximumf %max3A_374, %get3A_380 : vector<16xf32>
        %mul3A_383 = arith.mulf %get3A_380, %get3A_380 : vector<16xf32>
        %add3A_384 = arith.addf %add3A_376, %mul3A_383 : vector<16xf32>
        %get3A_385 = arith.constant 9 : i32
        %get3A_386 = arith.index_cast %get3A_385 : i32 to index
        %get3A_387 = arith.index_cast %add3A_312 : i32 to index
        %get3A_388 = tpu.vector_load %arg9[%get3A_386, %get3A_387] {strides = array<i32>} : memref<10x128xf32, #tpu.memory_space<vmem>>, vector<16xf32>,
        %add3A_389 = arith.addf %add3A_381, %get3A_388 : vector<16xf32>
        %max3A_390 = arith.maximumf %max3A_382, %get3A_388 : vector<16xf32>
        %mul3A_391 = arith.mulf %get3A_388, %get3A_388 : vector<16xf32>
        %add3A_392 = arith.addf %add3A_384, %mul3A_391 : vector<16xf32>
        %gather3A = tpu.vector_load_idx %arg9[%get3A_316, %add3A_314] : memref<10x128xf32, #tpu.memory_space<vmem>>[vector<16xi32>, vector<16xi32>], vector<16xf32>,
        %div3A = arith.constant 1.000000e+00 : f32
        %div3A_393 = vector.broadcast %div3A : f32 to vector<16xf32>
        %div3A_394 = arith.divf %div3A_393, %add3A_389 : vector<16xf32>
        %mul3A_395 = arith.mulf %max3A_390, %div3A_394 : vector<16xf32>
        %eq3A = arith.cmpf oeq, %gather3A, %max3A_390 : vector<16xf32>
        %convert_element_type3A_396 = arith.extui %eq3A : vector<16xi1> to vector<16xi32>
        %convert_element_type3A_397 = arith.sitofp %convert_element_type3A_396 : vector<16xi32> to vector<16xf32>
        %mul3A_398 = arith.mulf %add3A_392, %div3A_394 : vector<16xf32>
        %mul3A_399 = arith.mulf %mul3A_398, %div3A_394 : vector<16xf32>
        %mul3A_400 = arith.constant 2.000000e+00 : f32
        %mul3A_401 = vector.broadcast %mul3A_400 : f32 to vector<16xf32>
        %mul3A_402 = arith.mulf %mul3A_401, %gather3A : vector<16xf32>
        %mul3A_403 = arith.mulf %mul3A_402, %div3A_394 : vector<16xf32>
        %sub3A = arith.subf %mul3A_399, %mul3A_403 : vector<16xf32>
        %add3A_404 = arith.constant 1.000000e+00 : f32
        %add3A_405 = vector.broadcast %add3A_404 : f32 to vector<16xf32>
        %add3A_406 = arith.addf %sub3A, %add3A_405 : vector<16xf32>
        %gt3A = arith.constant 0.0666666701 : f32
        %gt3A_407 = vector.broadcast %gt3A : f32 to vector<16xf32>
        %gt3A_408 = arith.cmpf ogt, %mul3A_395, %gt3A_407 : vector<16xf32>
        %convert_element_type3A_409 = arith.extui %gt3A_408 : vector<16xi1> to vector<16xi32>
        %gt3A_410 = arith.constant 0.13333334 : f32
        %gt3A_411 = vector.broadcast %gt3A_410 : f32 to vector<16xf32>
        %gt3A_412 = arith.cmpf ogt, %mul3A_395, %gt3A_411 : vector<16xf32>
        %convert_element_type3A_413 = arith.extui %gt3A_412 : vector<16xi1> to vector<16xi32>
        %add3A_414 = arith.addi %convert_element_type3A_409, %convert_element_type3A_413 : vector<16xi32>
        %gt3A_415 = arith.constant 0.200000018 : f32
        %gt3A_416 = vector.broadcast %gt3A_415 : f32 to vector<16xf32>
        %gt3A_417 = arith.cmpf ogt, %mul3A_395, %gt3A_416 : vector<16xf32>
        %convert_element_type3A_418 = arith.extui %gt3A_417 : vector<16xi1> to vector<16xi32>
        %add3A_419 = arith.addi %add3A_414, %convert_element_type3A_418 : vector<16xi32>
        %gt3A_420 = arith.constant 0.266666681 : f32
        %gt3A_421 = vector.broadcast %gt3A_420 : f32 to vector<16xf32>
        %gt3A_422 = arith.cmpf ogt, %mul3A_395, %gt3A_421 : vector<16xf32>
        %convert_element_type3A_423 = arith.extui %gt3A_422 : vector<16xi1> to vector<16xi32>
        %add3A_424 = arith.addi %add3A_419, %convert_element_type3A_423 : vector<16xi32>
        %gt3A_425 = arith.constant 0.333333343 : f32
        %gt3A_426 = vector.broadcast %gt3A_425 : f32 to vector<16xf32>
        %gt3A_427 = arith.cmpf ogt, %mul3A_395, %gt3A_426 : vector<16xf32>
        %convert_element_type3A_428 = arith.extui %gt3A_427 : vector<16xi1> to vector<16xi32>
        %add3A_429 = arith.addi %add3A_424, %convert_element_type3A_428 : vector<16xi32>
        %gt3A_430 = arith.constant 0.400000036 : f32
        %gt3A_431 = vector.broadcast %gt3A_430 : f32 to vector<16xf32>
        %gt3A_432 = arith.cmpf ogt, %mul3A_395, %gt3A_431 : vector<16xf32>
        %convert_element_type3A_433 = arith.extui %gt3A_432 : vector<16xi1> to vector<16xi32>
        %add3A_434 = arith.addi %add3A_429, %convert_element_type3A_433 : vector<16xi32>
        %gt3A_435 = arith.constant 0.466666698 : f32
        %gt3A_436 = vector.broadcast %gt3A_435 : f32 to vector<16xf32>
        %gt3A_437 = arith.cmpf ogt, %mul3A_395, %gt3A_436 : vector<16xf32>
        %convert_element_type3A_438 = arith.extui %gt3A_437 : vector<16xi1> to vector<16xi32>
        %add3A_439 = arith.addi %add3A_434, %convert_element_type3A_438 : vector<16xi32>
        %gt3A_440 = arith.constant 0.533333361 : f32
        %gt3A_441 = vector.broadcast %gt3A_440 : f32 to vector<16xf32>
        %gt3A_442 = arith.cmpf ogt, %mul3A_395, %gt3A_441 : vector<16xf32>
        %convert_element_type3A_443 = arith.extui %gt3A_442 : vector<16xi1> to vector<16xi32>
        %add3A_444 = arith.addi %add3A_439, %convert_element_type3A_443 : vector<16xi32>
        %gt3A_445 = arith.constant 6.000000e-01 : f32
        %gt3A_446 = vector.broadcast %gt3A_445 : f32 to vector<16xf32>
        %gt3A_447 = arith.cmpf ogt, %mul3A_395, %gt3A_446 : vector<16xf32>
        %convert_element_type3A_448 = arith.extui %gt3A_447 : vector<16xi1> to vector<16xi32>
        %add3A_449 = arith.addi %add3A_444, %convert_element_type3A_448 : vector<16xi32>
        %gt3A_450 = arith.constant 0.666666686 : f32
        %gt3A_451 = vector.broadcast %gt3A_450 : f32 to vector<16xf32>
        %gt3A_452 = arith.cmpf ogt, %mul3A_395, %gt3A_451 : vector<16xf32>
        %convert_element_type3A_453 = arith.extui %gt3A_452 : vector<16xi1> to vector<16xi32>
        %add3A_454 = arith.addi %add3A_449, %convert_element_type3A_453 : vector<16xi32>
        %gt3A_455 = arith.constant 0.733333349 : f32
        %gt3A_456 = vector.broadcast %gt3A_455 : f32 to vector<16xf32>
        %gt3A_457 = arith.cmpf ogt, %mul3A_395, %gt3A_456 : vector<16xf32>
        %convert_element_type3A_458 = arith.extui %gt3A_457 : vector<16xi1> to vector<16xi32>
        %add3A_459 = arith.addi %add3A_454, %convert_element_type3A_458 : vector<16xi32>
        %gt3A_460 = arith.constant 0.800000071 : f32
        %gt3A_461 = vector.broadcast %gt3A_460 : f32 to vector<16xf32>
        %gt3A_462 = arith.cmpf ogt, %mul3A_395, %gt3A_461 : vector<16xf32>
        %convert_element_type3A_463 = arith.extui %gt3A_462 : vector<16xi1> to vector<16xi32>
        %add3A_464 = arith.addi %add3A_459, %convert_element_type3A_463 : vector<16xi32>
        %gt3A_465 = arith.constant 0.866666734 : f32
        %gt3A_466 = vector.broadcast %gt3A_465 : f32 to vector<16xf32>
        %gt3A_467 = arith.cmpf ogt, %mul3A_395, %gt3A_466 : vector<16xf32>
        %convert_element_type3A_468 = arith.extui %gt3A_467 : vector<16xi1> to vector<16xi32>
        %add3A_469 = arith.addi %add3A_464, %convert_element_type3A_468 : vector<16xi32>
        %gt3A_470 = arith.constant 0.933333396 : f32
        %gt3A_471 = vector.broadcast %gt3A_470 : f32 to vector<16xf32>
        %gt3A_472 = arith.cmpf ogt, %mul3A_395, %gt3A_471 : vector<16xf32>
        %convert_element_type3A_473 = arith.extui %gt3A_472 : vector<16xi1> to vector<16xi32>
        %add3A_474 = arith.addi %add3A_469, %convert_element_type3A_473 : vector<16xi32>
        %mul3A_475 = arith.constant 16 : i32
        %mul3A_476 = vector.broadcast %mul3A_475 : i32 to vector<16xi32>
        %mul3A_477 = arith.muli %iota3A, %mul3A_476 : vector<16xi32>
        %add3A_478 = arith.addi %mul3A_477, %add3A_474 : vector<16xi32>
        %add3A_479 = arith.constant 16 : i32
        %add3A_480 = arith.addi %multiple_of3A_310, %add3A_479 : i32
        %add3A_481 = vector.broadcast %add3A_480 : i32 to vector<16xi32>
        %add3A_482 = arith.addi %add3A_481, %iota3A : vector<16xi32>
        %get3A_483 = arith.index_cast %add3A_480 : i32 to index
        %get3A_484 = tpu.vector_load %arg10[%get3A_483] {strides = array<i32>} : memref<128xi32, #tpu.memory_space<vmem>>, vector<16xi32>,
        %get3A_485 = arith.constant 0 : i32
        %get3A_486 = arith.index_cast %get3A_485 : i32 to index
        %get3A_487 = arith.index_cast %add3A_480 : i32 to index
        %get3A_488 = tpu.vector_load %arg9[%get3A_486, %get3A_487] {strides = array<i32>} : memref<10x128xf32, #tpu.memory_space<vmem>>, vector<16xf32>,
        %mul3A_489 = arith.mulf %get3A_488, %get3A_488 : vector<16xf32>
        %get3A_490 = arith.constant 1 : i32
        %get3A_491 = arith.index_cast %get3A_490 : i32 to index
        %get3A_492 = arith.index_cast %add3A_480 : i32 to index
        %get3A_493 = tpu.vector_load %arg9[%get3A_491, %get3A_492] {strides = array<i32>} : memref<10x128xf32, #tpu.memory_space<vmem>>, vector<16xf32>,
        %add3A_494 = arith.addf %get3A_488, %get3A_493 : vector<16xf32>
        %max3A_495 = arith.maximumf %get3A_488, %get3A_493 : vector<16xf32>
        %mul3A_496 = arith.mulf %get3A_493, %get3A_493 : vector<16xf32>
        %add3A_497 = arith.addf %mul3A_489, %mul3A_496 : vector<16xf32>
        %get3A_498 = arith.constant 2 : i32
        %get3A_499 = arith.index_cast %get3A_498 : i32 to index
        %get3A_500 = arith.index_cast %add3A_480 : i32 to index
        %get3A_501 = tpu.vector_load %arg9[%get3A_499, %get3A_500] {strides = array<i32>} : memref<10x128xf32, #tpu.memory_space<vmem>>, vector<16xf32>,
        %add3A_502 = arith.addf %add3A_494, %get3A_501 : vector<16xf32>
        %max3A_503 = arith.maximumf %max3A_495, %get3A_501 : vector<16xf32>
        %mul3A_504 = arith.mulf %get3A_501, %get3A_501 : vector<16xf32>
        %add3A_505 = arith.addf %add3A_497, %mul3A_504 : vector<16xf32>
        %get3A_506 = arith.constant 3 : i32
        %get3A_507 = arith.index_cast %get3A_506 : i32 to index
        %get3A_508 = arith.index_cast %add3A_480 : i32 to index
        %get3A_509 = tpu.vector_load %arg9[%get3A_507, %get3A_508] {strides = array<i32>} : memref<10x128xf32, #tpu.memory_space<vmem>>, vector<16xf32>,
        %add3A_510 = arith.addf %add3A_502, %get3A_509 : vector<16xf32>
        %max3A_511 = arith.maximumf %max3A_503, %get3A_509 : vector<16xf32>
        %mul3A_512 = arith.mulf %get3A_509, %get3A_509 : vector<16xf32>
        %add3A_513 = arith.addf %add3A_505, %mul3A_512 : vector<16xf32>
        %get3A_514 = arith.constant 4 : i32
        %get3A_515 = arith.index_cast %get3A_514 : i32 to index
        %get3A_516 = arith.index_cast %add3A_480 : i32 to index
        %get3A_517 = tpu.vector_load %arg9[%get3A_515, %get3A_516] {strides = array<i32>} : memref<10x128xf32, #tpu.memory_space<vmem>>, vector<16xf32>,
        %add3A_518 = arith.addf %add3A_510, %get3A_517 : vector<16xf32>
        %max3A_519 = arith.maximumf %max3A_511, %get3A_517 : vector<16xf32>
        %mul3A_520 = arith.mulf %get3A_517, %get3A_517 : vector<16xf32>
        %add3A_521 = arith.addf %add3A_513, %mul3A_520 : vector<16xf32>
        %get3A_522 = arith.constant 5 : i32
        %get3A_523 = arith.index_cast %get3A_522 : i32 to index
        %get3A_524 = arith.index_cast %add3A_480 : i32 to index
        %get3A_525 = tpu.vector_load %arg9[%get3A_523, %get3A_524] {strides = array<i32>} : memref<10x128xf32, #tpu.memory_space<vmem>>, vector<16xf32>,
        %add3A_526 = arith.addf %add3A_518, %get3A_525 : vector<16xf32>
        %max3A_527 = arith.maximumf %max3A_519, %get3A_525 : vector<16xf32>
        %mul3A_528 = arith.mulf %get3A_525, %get3A_525 : vector<16xf32>
        %add3A_529 = arith.addf %add3A_521, %mul3A_528 : vector<16xf32>
        %get3A_530 = arith.constant 6 : i32
        %get3A_531 = arith.index_cast %get3A_530 : i32 to index
        %get3A_532 = arith.index_cast %add3A_480 : i32 to index
        %get3A_533 = tpu.vector_load %arg9[%get3A_531, %get3A_532] {strides = array<i32>} : memref<10x128xf32, #tpu.memory_space<vmem>>, vector<16xf32>,
        %add3A_534 = arith.addf %add3A_526, %get3A_533 : vector<16xf32>
        %max3A_535 = arith.maximumf %max3A_527, %get3A_533 : vector<16xf32>
        %mul3A_536 = arith.mulf %get3A_533, %get3A_533 : vector<16xf32>
        %add3A_537 = arith.addf %add3A_529, %mul3A_536 : vector<16xf32>
        %get3A_538 = arith.constant 7 : i32
        %get3A_539 = arith.index_cast %get3A_538 : i32 to index
        %get3A_540 = arith.index_cast %add3A_480 : i32 to index
        %get3A_541 = tpu.vector_load %arg9[%get3A_539, %get3A_540] {strides = array<i32>} : memref<10x128xf32, #tpu.memory_space<vmem>>, vector<16xf32>,
        %add3A_542 = arith.addf %add3A_534, %get3A_541 : vector<16xf32>
        %max3A_543 = arith.maximumf %max3A_535, %get3A_541 : vector<16xf32>
        %mul3A_544 = arith.mulf %get3A_541, %get3A_541 : vector<16xf32>
        %add3A_545 = arith.addf %add3A_537, %mul3A_544 : vector<16xf32>
        %get3A_546 = arith.constant 8 : i32
        %get3A_547 = arith.index_cast %get3A_546 : i32 to index
        %get3A_548 = arith.index_cast %add3A_480 : i32 to index
        %get3A_549 = tpu.vector_load %arg9[%get3A_547, %get3A_548] {strides = array<i32>} : memref<10x128xf32, #tpu.memory_space<vmem>>, vector<16xf32>,
        %add3A_550 = arith.addf %add3A_542, %get3A_549 : vector<16xf32>
        %max3A_551 = arith.maximumf %max3A_543, %get3A_549 : vector<16xf32>
        %mul3A_552 = arith.mulf %get3A_549, %get3A_549 : vector<16xf32>
        %add3A_553 = arith.addf %add3A_545, %mul3A_552 : vector<16xf32>
        %get3A_554 = arith.constant 9 : i32
        %get3A_555 = arith.index_cast %get3A_554 : i32 to index
        %get3A_556 = arith.index_cast %add3A_480 : i32 to index
        %get3A_557 = tpu.vector_load %arg9[%get3A_555, %get3A_556] {strides = array<i32>} : memref<10x128xf32, #tpu.memory_space<vmem>>, vector<16xf32>,
        %add3A_558 = arith.addf %add3A_550, %get3A_557 : vector<16xf32>
        %max3A_559 = arith.maximumf %max3A_551, %get3A_557 : vector<16xf32>
        %mul3A_560 = arith.mulf %get3A_557, %get3A_557 : vector<16xf32>
        %add3A_561 = arith.addf %add3A_553, %mul3A_560 : vector<16xf32>
        %gather3A_562 = tpu.vector_load_idx %arg9[%get3A_484, %add3A_482] : memref<10x128xf32, #tpu.memory_space<vmem>>[vector<16xi32>, vector<16xi32>], vector<16xf32>,
        %div3A_563 = arith.constant 1.000000e+00 : f32
        %div3A_564 = vector.broadcast %div3A_563 : f32 to vector<16xf32>
        %div3A_565 = arith.divf %div3A_564, %add3A_558 : vector<16xf32>
        %mul3A_566 = arith.mulf %max3A_559, %div3A_565 : vector<16xf32>
        %eq3A_567 = arith.cmpf oeq, %gather3A_562, %max3A_559 : vector<16xf32>
        %convert_element_type3A_568 = arith.extui %eq3A_567 : vector<16xi1> to vector<16xi32>
        %convert_element_type3A_569 = arith.sitofp %convert_element_type3A_568 : vector<16xi32> to vector<16xf32>
        %mul3A_570 = arith.mulf %add3A_561, %div3A_565 : vector<16xf32>
        %mul3A_571 = arith.mulf %mul3A_570, %div3A_565 : vector<16xf32>
        %mul3A_572 = arith.constant 2.000000e+00 : f32
        %mul3A_573 = vector.broadcast %mul3A_572 : f32 to vector<16xf32>
        %mul3A_574 = arith.mulf %mul3A_573, %gather3A_562 : vector<16xf32>
        %mul3A_575 = arith.mulf %mul3A_574, %div3A_565 : vector<16xf32>
        %sub3A_576 = arith.subf %mul3A_571, %mul3A_575 : vector<16xf32>
        %add3A_577 = arith.constant 1.000000e+00 : f32
        %add3A_578 = vector.broadcast %add3A_577 : f32 to vector<16xf32>
        %add3A_579 = arith.addf %sub3A_576, %add3A_578 : vector<16xf32>
        %gt3A_580 = arith.constant 0.0666666701 : f32
        %gt3A_581 = vector.broadcast %gt3A_580 : f32 to vector<16xf32>
        %gt3A_582 = arith.cmpf ogt, %mul3A_566, %gt3A_581 : vector<16xf32>
        %convert_element_type3A_583 = arith.extui %gt3A_582 : vector<16xi1> to vector<16xi32>
        %gt3A_584 = arith.constant 0.13333334 : f32
        %gt3A_585 = vector.broadcast %gt3A_584 : f32 to vector<16xf32>
        %gt3A_586 = arith.cmpf ogt, %mul3A_566, %gt3A_585 : vector<16xf32>
        %convert_element_type3A_587 = arith.extui %gt3A_586 : vector<16xi1> to vector<16xi32>
        %add3A_588 = arith.addi %convert_element_type3A_583, %convert_element_type3A_587 : vector<16xi32>
        %gt3A_589 = arith.constant 0.200000018 : f32
        %gt3A_590 = vector.broadcast %gt3A_589 : f32 to vector<16xf32>
        %gt3A_591 = arith.cmpf ogt, %mul3A_566, %gt3A_590 : vector<16xf32>
        %convert_element_type3A_592 = arith.extui %gt3A_591 : vector<16xi1> to vector<16xi32>
        %add3A_593 = arith.addi %add3A_588, %convert_element_type3A_592 : vector<16xi32>
        %gt3A_594 = arith.constant 0.266666681 : f32
        %gt3A_595 = vector.broadcast %gt3A_594 : f32 to vector<16xf32>
        %gt3A_596 = arith.cmpf ogt, %mul3A_566, %gt3A_595 : vector<16xf32>
        %convert_element_type3A_597 = arith.extui %gt3A_596 : vector<16xi1> to vector<16xi32>
        %add3A_598 = arith.addi %add3A_593, %convert_element_type3A_597 : vector<16xi32>
        %gt3A_599 = arith.constant 0.333333343 : f32
        %gt3A_600 = vector.broadcast %gt3A_599 : f32 to vector<16xf32>
        %gt3A_601 = arith.cmpf ogt, %mul3A_566, %gt3A_600 : vector<16xf32>
        %convert_element_type3A_602 = arith.extui %gt3A_601 : vector<16xi1> to vector<16xi32>
        %add3A_603 = arith.addi %add3A_598, %convert_element_type3A_602 : vector<16xi32>
        %gt3A_604 = arith.constant 0.400000036 : f32
        %gt3A_605 = vector.broadcast %gt3A_604 : f32 to vector<16xf32>
        %gt3A_606 = arith.cmpf ogt, %mul3A_566, %gt3A_605 : vector<16xf32>
        %convert_element_type3A_607 = arith.extui %gt3A_606 : vector<16xi1> to vector<16xi32>
        %add3A_608 = arith.addi %add3A_603, %convert_element_type3A_607 : vector<16xi32>
        %gt3A_609 = arith.constant 0.466666698 : f32
        %gt3A_610 = vector.broadcast %gt3A_609 : f32 to vector<16xf32>
        %gt3A_611 = arith.cmpf ogt, %mul3A_566, %gt3A_610 : vector<16xf32>
        %convert_element_type3A_612 = arith.extui %gt3A_611 : vector<16xi1> to vector<16xi32>
        %add3A_613 = arith.addi %add3A_608, %convert_element_type3A_612 : vector<16xi32>
        %gt3A_614 = arith.constant 0.533333361 : f32
        %gt3A_615 = vector.broadcast %gt3A_614 : f32 to vector<16xf32>
        %gt3A_616 = arith.cmpf ogt, %mul3A_566, %gt3A_615 : vector<16xf32>
        %convert_element_type3A_617 = arith.extui %gt3A_616 : vector<16xi1> to vector<16xi32>
        %add3A_618 = arith.addi %add3A_613, %convert_element_type3A_617 : vector<16xi32>
        %gt3A_619 = arith.constant 6.000000e-01 : f32
        %gt3A_620 = vector.broadcast %gt3A_619 : f32 to vector<16xf32>
        %gt3A_621 = arith.cmpf ogt, %mul3A_566, %gt3A_620 : vector<16xf32>
        %convert_element_type3A_622 = arith.extui %gt3A_621 : vector<16xi1> to vector<16xi32>
        %add3A_623 = arith.addi %add3A_618, %convert_element_type3A_622 : vector<16xi32>
        %gt3A_624 = arith.constant 0.666666686 : f32
        %gt3A_625 = vector.broadcast %gt3A_624 : f32 to vector<16xf32>
        %gt3A_626 = arith.cmpf ogt, %mul3A_566, %gt3A_625 : vector<16xf32>
        %convert_element_type3A_627 = arith.extui %gt3A_626 : vector<16xi1> to vector<16xi32>
        %add3A_628 = arith.addi %add3A_623, %convert_element_type3A_627 : vector<16xi32>
        %gt3A_629 = arith.constant 0.733333349 : f32
        %gt3A_630 = vector.broadcast %gt3A_629 : f32 to vector<16xf32>
        %gt3A_631 = arith.cmpf ogt, %mul3A_566, %gt3A_630 : vector<16xf32>
        %convert_element_type3A_632 = arith.extui %gt3A_631 : vector<16xi1> to vector<16xi32>
        %add3A_633 = arith.addi %add3A_628, %convert_element_type3A_632 : vector<16xi32>
        %gt3A_634 = arith.constant 0.800000071 : f32
        %gt3A_635 = vector.broadcast %gt3A_634 : f32 to vector<16xf32>
        %gt3A_636 = arith.cmpf ogt, %mul3A_566, %gt3A_635 : vector<16xf32>
        %convert_element_type3A_637 = arith.extui %gt3A_636 : vector<16xi1> to vector<16xi32>
        %add3A_638 = arith.addi %add3A_633, %convert_element_type3A_637 : vector<16xi32>
        %gt3A_639 = arith.constant 0.866666734 : f32
        %gt3A_640 = vector.broadcast %gt3A_639 : f32 to vector<16xf32>
        %gt3A_641 = arith.cmpf ogt, %mul3A_566, %gt3A_640 : vector<16xf32>
        %convert_element_type3A_642 = arith.extui %gt3A_641 : vector<16xi1> to vector<16xi32>
        %add3A_643 = arith.addi %add3A_638, %convert_element_type3A_642 : vector<16xi32>
        %gt3A_644 = arith.constant 0.933333396 : f32
        %gt3A_645 = vector.broadcast %gt3A_644 : f32 to vector<16xf32>
        %gt3A_646 = arith.cmpf ogt, %mul3A_566, %gt3A_645 : vector<16xf32>
        %convert_element_type3A_647 = arith.extui %gt3A_646 : vector<16xi1> to vector<16xi32>
        %add3A_648 = arith.addi %add3A_643, %convert_element_type3A_647 : vector<16xi32>
        %mul3A_649 = arith.constant 16 : i32
        %mul3A_650 = vector.broadcast %mul3A_649 : i32 to vector<16xi32>
        %mul3A_651 = arith.muli %iota3A, %mul3A_650 : vector<16xi32>
        %add3A_652 = arith.addi %mul3A_651, %add3A_648 : vector<16xi32>
        %add3A_653 = arith.constant 32 : i32
        %add3A_654 = arith.addi %multiple_of3A_310, %add3A_653 : i32
        %add3A_655 = vector.broadcast %add3A_654 : i32 to vector<16xi32>
        %add3A_656 = arith.addi %add3A_655, %iota3A : vector<16xi32>
        %get3A_657 = arith.index_cast %add3A_654 : i32 to index
        %get3A_658 = tpu.vector_load %arg10[%get3A_657] {strides = array<i32>} : memref<128xi32, #tpu.memory_space<vmem>>, vector<16xi32>,
        %get3A_659 = arith.constant 0 : i32
        %get3A_660 = arith.index_cast %get3A_659 : i32 to index
        %get3A_661 = arith.index_cast %add3A_654 : i32 to index
        %get3A_662 = tpu.vector_load %arg9[%get3A_660, %get3A_661] {strides = array<i32>} : memref<10x128xf32, #tpu.memory_space<vmem>>, vector<16xf32>,
        %mul3A_663 = arith.mulf %get3A_662, %get3A_662 : vector<16xf32>
        %get3A_664 = arith.constant 1 : i32
        %get3A_665 = arith.index_cast %get3A_664 : i32 to index
        %get3A_666 = arith.index_cast %add3A_654 : i32 to index
        %get3A_667 = tpu.vector_load %arg9[%get3A_665, %get3A_666] {strides = array<i32>} : memref<10x128xf32, #tpu.memory_space<vmem>>, vector<16xf32>,
        %add3A_668 = arith.addf %get3A_662, %get3A_667 : vector<16xf32>
        %max3A_669 = arith.maximumf %get3A_662, %get3A_667 : vector<16xf32>
        %mul3A_670 = arith.mulf %get3A_667, %get3A_667 : vector<16xf32>
        %add3A_671 = arith.addf %mul3A_663, %mul3A_670 : vector<16xf32>
        %get3A_672 = arith.constant 2 : i32
        %get3A_673 = arith.index_cast %get3A_672 : i32 to index
        %get3A_674 = arith.index_cast %add3A_654 : i32 to index
        %get3A_675 = tpu.vector_load %arg9[%get3A_673, %get3A_674] {strides = array<i32>} : memref<10x128xf32, #tpu.memory_space<vmem>>, vector<16xf32>,
        %add3A_676 = arith.addf %add3A_668, %get3A_675 : vector<16xf32>
        %max3A_677 = arith.maximumf %max3A_669, %get3A_675 : vector<16xf32>
        %mul3A_678 = arith.mulf %get3A_675, %get3A_675 : vector<16xf32>
        %add3A_679 = arith.addf %add3A_671, %mul3A_678 : vector<16xf32>
        %get3A_680 = arith.constant 3 : i32
        %get3A_681 = arith.index_cast %get3A_680 : i32 to index
        %get3A_682 = arith.index_cast %add3A_654 : i32 to index
        %get3A_683 = tpu.vector_load %arg9[%get3A_681, %get3A_682] {strides = array<i32>} : memref<10x128xf32, #tpu.memory_space<vmem>>, vector<16xf32>,
        %add3A_684 = arith.addf %add3A_676, %get3A_683 : vector<16xf32>
        %max3A_685 = arith.maximumf %max3A_677, %get3A_683 : vector<16xf32>
        %mul3A_686 = arith.mulf %get3A_683, %get3A_683 : vector<16xf32>
        %add3A_687 = arith.addf %add3A_679, %mul3A_686 : vector<16xf32>
        %get3A_688 = arith.constant 4 : i32
        %get3A_689 = arith.index_cast %get3A_688 : i32 to index
        %get3A_690 = arith.index_cast %add3A_654 : i32 to index
        %get3A_691 = tpu.vector_load %arg9[%get3A_689, %get3A_690] {strides = array<i32>} : memref<10x128xf32, #tpu.memory_space<vmem>>, vector<16xf32>,
        %add3A_692 = arith.addf %add3A_684, %get3A_691 : vector<16xf32>
        %max3A_693 = arith.maximumf %max3A_685, %get3A_691 : vector<16xf32>
        %mul3A_694 = arith.mulf %get3A_691, %get3A_691 : vector<16xf32>
        %add3A_695 = arith.addf %add3A_687, %mul3A_694 : vector<16xf32>
        %get3A_696 = arith.constant 5 : i32
        %get3A_697 = arith.index_cast %get3A_696 : i32 to index
        %get3A_698 = arith.index_cast %add3A_654 : i32 to index
        %get3A_699 = tpu.vector_load %arg9[%get3A_697, %get3A_698] {strides = array<i32>} : memref<10x128xf32, #tpu.memory_space<vmem>>, vector<16xf32>,
        %add3A_700 = arith.addf %add3A_692, %get3A_699 : vector<16xf32>
        %max3A_701 = arith.maximumf %max3A_693, %get3A_699 : vector<16xf32>
        %mul3A_702 = arith.mulf %get3A_699, %get3A_699 : vector<16xf32>
        %add3A_703 = arith.addf %add3A_695, %mul3A_702 : vector<16xf32>
        %get3A_704 = arith.constant 6 : i32
        %get3A_705 = arith.index_cast %get3A_704 : i32 to index
        %get3A_706 = arith.index_cast %add3A_654 : i32 to index
        %get3A_707 = tpu.vector_load %arg9[%get3A_705, %get3A_706] {strides = array<i32>} : memref<10x128xf32, #tpu.memory_space<vmem>>, vector<16xf32>,
        %add3A_708 = arith.addf %add3A_700, %get3A_707 : vector<16xf32>
        %max3A_709 = arith.maximumf %max3A_701, %get3A_707 : vector<16xf32>
        %mul3A_710 = arith.mulf %get3A_707, %get3A_707 : vector<16xf32>
        %add3A_711 = arith.addf %add3A_703, %mul3A_710 : vector<16xf32>
        %get3A_712 = arith.constant 7 : i32
        %get3A_713 = arith.index_cast %get3A_712 : i32 to index
        %get3A_714 = arith.index_cast %add3A_654 : i32 to index
        %get3A_715 = tpu.vector_load %arg9[%get3A_713, %get3A_714] {strides = array<i32>} : memref<10x128xf32, #tpu.memory_space<vmem>>, vector<16xf32>,
        %add3A_716 = arith.addf %add3A_708, %get3A_715 : vector<16xf32>
        %max3A_717 = arith.maximumf %max3A_709, %get3A_715 : vector<16xf32>
        %mul3A_718 = arith.mulf %get3A_715, %get3A_715 : vector<16xf32>
        %add3A_719 = arith.addf %add3A_711, %mul3A_718 : vector<16xf32>
        %get3A_720 = arith.constant 8 : i32
        %get3A_721 = arith.index_cast %get3A_720 : i32 to index
        %get3A_722 = arith.index_cast %add3A_654 : i32 to index
        %get3A_723 = tpu.vector_load %arg9[%get3A_721, %get3A_722] {strides = array<i32>} : memref<10x128xf32, #tpu.memory_space<vmem>>, vector<16xf32>,
        %add3A_724 = arith.addf %add3A_716, %get3A_723 : vector<16xf32>
        %max3A_725 = arith.maximumf %max3A_717, %get3A_723 : vector<16xf32>
        %mul3A_726 = arith.mulf %get3A_723, %get3A_723 : vector<16xf32>
        %add3A_727 = arith.addf %add3A_719, %mul3A_726 : vector<16xf32>
        %get3A_728 = arith.constant 9 : i32
        %get3A_729 = arith.index_cast %get3A_728 : i32 to index
        %get3A_730 = arith.index_cast %add3A_654 : i32 to index
        %get3A_731 = tpu.vector_load %arg9[%get3A_729, %get3A_730] {strides = array<i32>} : memref<10x128xf32, #tpu.memory_space<vmem>>, vector<16xf32>,
        %add3A_732 = arith.addf %add3A_724, %get3A_731 : vector<16xf32>
        %max3A_733 = arith.maximumf %max3A_725, %get3A_731 : vector<16xf32>
        %mul3A_734 = arith.mulf %get3A_731, %get3A_731 : vector<16xf32>
        %add3A_735 = arith.addf %add3A_727, %mul3A_734 : vector<16xf32>
        %gather3A_736 = tpu.vector_load_idx %arg9[%get3A_658, %add3A_656] : memref<10x128xf32, #tpu.memory_space<vmem>>[vector<16xi32>, vector<16xi32>], vector<16xf32>,
        %div3A_737 = arith.constant 1.000000e+00 : f32
        %div3A_738 = vector.broadcast %div3A_737 : f32 to vector<16xf32>
        %div3A_739 = arith.divf %div3A_738, %add3A_732 : vector<16xf32>
        %mul3A_740 = arith.mulf %max3A_733, %div3A_739 : vector<16xf32>
        %eq3A_741 = arith.cmpf oeq, %gather3A_736, %max3A_733 : vector<16xf32>
        %convert_element_type3A_742 = arith.extui %eq3A_741 : vector<16xi1> to vector<16xi32>
        %convert_element_type3A_743 = arith.sitofp %convert_element_type3A_742 : vector<16xi32> to vector<16xf32>
        %mul3A_744 = arith.mulf %add3A_735, %div3A_739 : vector<16xf32>
        %mul3A_745 = arith.mulf %mul3A_744, %div3A_739 : vector<16xf32>
        %mul3A_746 = arith.constant 2.000000e+00 : f32
        %mul3A_747 = vector.broadcast %mul3A_746 : f32 to vector<16xf32>
        %mul3A_748 = arith.mulf %mul3A_747, %gather3A_736 : vector<16xf32>
        %mul3A_749 = arith.mulf %mul3A_748, %div3A_739 : vector<16xf32>
        %sub3A_750 = arith.subf %mul3A_745, %mul3A_749 : vector<16xf32>
        %add3A_751 = arith.constant 1.000000e+00 : f32
        %add3A_752 = vector.broadcast %add3A_751 : f32 to vector<16xf32>
        %add3A_753 = arith.addf %sub3A_750, %add3A_752 : vector<16xf32>
        %gt3A_754 = arith.constant 0.0666666701 : f32
        %gt3A_755 = vector.broadcast %gt3A_754 : f32 to vector<16xf32>
        %gt3A_756 = arith.cmpf ogt, %mul3A_740, %gt3A_755 : vector<16xf32>
        %convert_element_type3A_757 = arith.extui %gt3A_756 : vector<16xi1> to vector<16xi32>
        %gt3A_758 = arith.constant 0.13333334 : f32
        %gt3A_759 = vector.broadcast %gt3A_758 : f32 to vector<16xf32>
        %gt3A_760 = arith.cmpf ogt, %mul3A_740, %gt3A_759 : vector<16xf32>
        %convert_element_type3A_761 = arith.extui %gt3A_760 : vector<16xi1> to vector<16xi32>
        %add3A_762 = arith.addi %convert_element_type3A_757, %convert_element_type3A_761 : vector<16xi32>
        %gt3A_763 = arith.constant 0.200000018 : f32
        %gt3A_764 = vector.broadcast %gt3A_763 : f32 to vector<16xf32>
        %gt3A_765 = arith.cmpf ogt, %mul3A_740, %gt3A_764 : vector<16xf32>
        %convert_element_type3A_766 = arith.extui %gt3A_765 : vector<16xi1> to vector<16xi32>
        %add3A_767 = arith.addi %add3A_762, %convert_element_type3A_766 : vector<16xi32>
        %gt3A_768 = arith.constant 0.266666681 : f32
        %gt3A_769 = vector.broadcast %gt3A_768 : f32 to vector<16xf32>
        %gt3A_770 = arith.cmpf ogt, %mul3A_740, %gt3A_769 : vector<16xf32>
        %convert_element_type3A_771 = arith.extui %gt3A_770 : vector<16xi1> to vector<16xi32>
        %add3A_772 = arith.addi %add3A_767, %convert_element_type3A_771 : vector<16xi32>
        %gt3A_773 = arith.constant 0.333333343 : f32
        %gt3A_774 = vector.broadcast %gt3A_773 : f32 to vector<16xf32>
        %gt3A_775 = arith.cmpf ogt, %mul3A_740, %gt3A_774 : vector<16xf32>
        %convert_element_type3A_776 = arith.extui %gt3A_775 : vector<16xi1> to vector<16xi32>
        %add3A_777 = arith.addi %add3A_772, %convert_element_type3A_776 : vector<16xi32>
        %gt3A_778 = arith.constant 0.400000036 : f32
        %gt3A_779 = vector.broadcast %gt3A_778 : f32 to vector<16xf32>
        %gt3A_780 = arith.cmpf ogt, %mul3A_740, %gt3A_779 : vector<16xf32>
        %convert_element_type3A_781 = arith.extui %gt3A_780 : vector<16xi1> to vector<16xi32>
        %add3A_782 = arith.addi %add3A_777, %convert_element_type3A_781 : vector<16xi32>
        %gt3A_783 = arith.constant 0.466666698 : f32
        %gt3A_784 = vector.broadcast %gt3A_783 : f32 to vector<16xf32>
        %gt3A_785 = arith.cmpf ogt, %mul3A_740, %gt3A_784 : vector<16xf32>
        %convert_element_type3A_786 = arith.extui %gt3A_785 : vector<16xi1> to vector<16xi32>
        %add3A_787 = arith.addi %add3A_782, %convert_element_type3A_786 : vector<16xi32>
        %gt3A_788 = arith.constant 0.533333361 : f32
        %gt3A_789 = vector.broadcast %gt3A_788 : f32 to vector<16xf32>
        %gt3A_790 = arith.cmpf ogt, %mul3A_740, %gt3A_789 : vector<16xf32>
        %convert_element_type3A_791 = arith.extui %gt3A_790 : vector<16xi1> to vector<16xi32>
        %add3A_792 = arith.addi %add3A_787, %convert_element_type3A_791 : vector<16xi32>
        %gt3A_793 = arith.constant 6.000000e-01 : f32
        %gt3A_794 = vector.broadcast %gt3A_793 : f32 to vector<16xf32>
        %gt3A_795 = arith.cmpf ogt, %mul3A_740, %gt3A_794 : vector<16xf32>
        %convert_element_type3A_796 = arith.extui %gt3A_795 : vector<16xi1> to vector<16xi32>
        %add3A_797 = arith.addi %add3A_792, %convert_element_type3A_796 : vector<16xi32>
        %gt3A_798 = arith.constant 0.666666686 : f32
        %gt3A_799 = vector.broadcast %gt3A_798 : f32 to vector<16xf32>
        %gt3A_800 = arith.cmpf ogt, %mul3A_740, %gt3A_799 : vector<16xf32>
        %convert_element_type3A_801 = arith.extui %gt3A_800 : vector<16xi1> to vector<16xi32>
        %add3A_802 = arith.addi %add3A_797, %convert_element_type3A_801 : vector<16xi32>
        %gt3A_803 = arith.constant 0.733333349 : f32
        %gt3A_804 = vector.broadcast %gt3A_803 : f32 to vector<16xf32>
        %gt3A_805 = arith.cmpf ogt, %mul3A_740, %gt3A_804 : vector<16xf32>
        %convert_element_type3A_806 = arith.extui %gt3A_805 : vector<16xi1> to vector<16xi32>
        %add3A_807 = arith.addi %add3A_802, %convert_element_type3A_806 : vector<16xi32>
        %gt3A_808 = arith.constant 0.800000071 : f32
        %gt3A_809 = vector.broadcast %gt3A_808 : f32 to vector<16xf32>
        %gt3A_810 = arith.cmpf ogt, %mul3A_740, %gt3A_809 : vector<16xf32>
        %convert_element_type3A_811 = arith.extui %gt3A_810 : vector<16xi1> to vector<16xi32>
        %add3A_812 = arith.addi %add3A_807, %convert_element_type3A_811 : vector<16xi32>
        %gt3A_813 = arith.constant 0.866666734 : f32
        %gt3A_814 = vector.broadcast %gt3A_813 : f32 to vector<16xf32>
        %gt3A_815 = arith.cmpf ogt, %mul3A_740, %gt3A_814 : vector<16xf32>
        %convert_element_type3A_816 = arith.extui %gt3A_815 : vector<16xi1> to vector<16xi32>
        %add3A_817 = arith.addi %add3A_812, %convert_element_type3A_816 : vector<16xi32>
        %gt3A_818 = arith.constant 0.933333396 : f32
        %gt3A_819 = vector.broadcast %gt3A_818 : f32 to vector<16xf32>
        %gt3A_820 = arith.cmpf ogt, %mul3A_740, %gt3A_819 : vector<16xf32>
        %convert_element_type3A_821 = arith.extui %gt3A_820 : vector<16xi1> to vector<16xi32>
        %add3A_822 = arith.addi %add3A_817, %convert_element_type3A_821 : vector<16xi32>
        %mul3A_823 = arith.constant 16 : i32
        %mul3A_824 = vector.broadcast %mul3A_823 : i32 to vector<16xi32>
        %mul3A_825 = arith.muli %iota3A, %mul3A_824 : vector<16xi32>
        %add3A_826 = arith.addi %mul3A_825, %add3A_822 : vector<16xi32>
        %add3A_827 = arith.constant 48 : i32
        %add3A_828 = arith.addi %multiple_of3A_310, %add3A_827 : i32
        %add3A_829 = vector.broadcast %add3A_828 : i32 to vector<16xi32>
        %add3A_830 = arith.addi %add3A_829, %iota3A : vector<16xi32>
        %get3A_831 = arith.index_cast %add3A_828 : i32 to index
        %get3A_832 = tpu.vector_load %arg10[%get3A_831] {strides = array<i32>} : memref<128xi32, #tpu.memory_space<vmem>>, vector<16xi32>,
        %get3A_833 = arith.constant 0 : i32
        %get3A_834 = arith.index_cast %get3A_833 : i32 to index
        %get3A_835 = arith.index_cast %add3A_828 : i32 to index
        %get3A_836 = tpu.vector_load %arg9[%get3A_834, %get3A_835] {strides = array<i32>} : memref<10x128xf32, #tpu.memory_space<vmem>>, vector<16xf32>,
        %mul3A_837 = arith.mulf %get3A_836, %get3A_836 : vector<16xf32>
        %get3A_838 = arith.constant 1 : i32
        %get3A_839 = arith.index_cast %get3A_838 : i32 to index
        %get3A_840 = arith.index_cast %add3A_828 : i32 to index
        %get3A_841 = tpu.vector_load %arg9[%get3A_839, %get3A_840] {strides = array<i32>} : memref<10x128xf32, #tpu.memory_space<vmem>>, vector<16xf32>,
        %add3A_842 = arith.addf %get3A_836, %get3A_841 : vector<16xf32>
        %max3A_843 = arith.maximumf %get3A_836, %get3A_841 : vector<16xf32>
        %mul3A_844 = arith.mulf %get3A_841, %get3A_841 : vector<16xf32>
        %add3A_845 = arith.addf %mul3A_837, %mul3A_844 : vector<16xf32>
        %get3A_846 = arith.constant 2 : i32
        %get3A_847 = arith.index_cast %get3A_846 : i32 to index
        %get3A_848 = arith.index_cast %add3A_828 : i32 to index
        %get3A_849 = tpu.vector_load %arg9[%get3A_847, %get3A_848] {strides = array<i32>} : memref<10x128xf32, #tpu.memory_space<vmem>>, vector<16xf32>,
        %add3A_850 = arith.addf %add3A_842, %get3A_849 : vector<16xf32>
        %max3A_851 = arith.maximumf %max3A_843, %get3A_849 : vector<16xf32>
        %mul3A_852 = arith.mulf %get3A_849, %get3A_849 : vector<16xf32>
        %add3A_853 = arith.addf %add3A_845, %mul3A_852 : vector<16xf32>
        %get3A_854 = arith.constant 3 : i32
        %get3A_855 = arith.index_cast %get3A_854 : i32 to index
        %get3A_856 = arith.index_cast %add3A_828 : i32 to index
        %get3A_857 = tpu.vector_load %arg9[%get3A_855, %get3A_856] {strides = array<i32>} : memref<10x128xf32, #tpu.memory_space<vmem>>, vector<16xf32>,
        %add3A_858 = arith.addf %add3A_850, %get3A_857 : vector<16xf32>
        %max3A_859 = arith.maximumf %max3A_851, %get3A_857 : vector<16xf32>
        %mul3A_860 = arith.mulf %get3A_857, %get3A_857 : vector<16xf32>
        %add3A_861 = arith.addf %add3A_853, %mul3A_860 : vector<16xf32>
        %get3A_862 = arith.constant 4 : i32
        %get3A_863 = arith.index_cast %get3A_862 : i32 to index
        %get3A_864 = arith.index_cast %add3A_828 : i32 to index
        %get3A_865 = tpu.vector_load %arg9[%get3A_863, %get3A_864] {strides = array<i32>} : memref<10x128xf32, #tpu.memory_space<vmem>>, vector<16xf32>,
        %add3A_866 = arith.addf %add3A_858, %get3A_865 : vector<16xf32>
        %max3A_867 = arith.maximumf %max3A_859, %get3A_865 : vector<16xf32>
        %mul3A_868 = arith.mulf %get3A_865, %get3A_865 : vector<16xf32>
        %add3A_869 = arith.addf %add3A_861, %mul3A_868 : vector<16xf32>
        %get3A_870 = arith.constant 5 : i32
        %get3A_871 = arith.index_cast %get3A_870 : i32 to index
        %get3A_872 = arith.index_cast %add3A_828 : i32 to index
        %get3A_873 = tpu.vector_load %arg9[%get3A_871, %get3A_872] {strides = array<i32>} : memref<10x128xf32, #tpu.memory_space<vmem>>, vector<16xf32>,
        %add3A_874 = arith.addf %add3A_866, %get3A_873 : vector<16xf32>
        %max3A_875 = arith.maximumf %max3A_867, %get3A_873 : vector<16xf32>
        %mul3A_876 = arith.mulf %get3A_873, %get3A_873 : vector<16xf32>
        %add3A_877 = arith.addf %add3A_869, %mul3A_876 : vector<16xf32>
        %get3A_878 = arith.constant 6 : i32
        %get3A_879 = arith.index_cast %get3A_878 : i32 to index
        %get3A_880 = arith.index_cast %add3A_828 : i32 to index
        %get3A_881 = tpu.vector_load %arg9[%get3A_879, %get3A_880] {strides = array<i32>} : memref<10x128xf32, #tpu.memory_space<vmem>>, vector<16xf32>,
        %add3A_882 = arith.addf %add3A_874, %get3A_881 : vector<16xf32>
        %max3A_883 = arith.maximumf %max3A_875, %get3A_881 : vector<16xf32>
        %mul3A_884 = arith.mulf %get3A_881, %get3A_881 : vector<16xf32>
        %add3A_885 = arith.addf %add3A_877, %mul3A_884 : vector<16xf32>
        %get3A_886 = arith.constant 7 : i32
        %get3A_887 = arith.index_cast %get3A_886 : i32 to index
        %get3A_888 = arith.index_cast %add3A_828 : i32 to index
        %get3A_889 = tpu.vector_load %arg9[%get3A_887, %get3A_888] {strides = array<i32>} : memref<10x128xf32, #tpu.memory_space<vmem>>, vector<16xf32>,
        %add3A_890 = arith.addf %add3A_882, %get3A_889 : vector<16xf32>
        %max3A_891 = arith.maximumf %max3A_883, %get3A_889 : vector<16xf32>
        %mul3A_892 = arith.mulf %get3A_889, %get3A_889 : vector<16xf32>
        %add3A_893 = arith.addf %add3A_885, %mul3A_892 : vector<16xf32>
        %get3A_894 = arith.constant 8 : i32
        %get3A_895 = arith.index_cast %get3A_894 : i32 to index
        %get3A_896 = arith.index_cast %add3A_828 : i32 to index
        %get3A_897 = tpu.vector_load %arg9[%get3A_895, %get3A_896] {strides = array<i32>} : memref<10x128xf32, #tpu.memory_space<vmem>>, vector<16xf32>,
        %add3A_898 = arith.addf %add3A_890, %get3A_897 : vector<16xf32>
        %max3A_899 = arith.maximumf %max3A_891, %get3A_897 : vector<16xf32>
        %mul3A_900 = arith.mulf %get3A_897, %get3A_897 : vector<16xf32>
        %add3A_901 = arith.addf %add3A_893, %mul3A_900 : vector<16xf32>
        %get3A_902 = arith.constant 9 : i32
        %get3A_903 = arith.index_cast %get3A_902 : i32 to index
        %get3A_904 = arith.index_cast %add3A_828 : i32 to index
        %get3A_905 = tpu.vector_load %arg9[%get3A_903, %get3A_904] {strides = array<i32>} : memref<10x128xf32, #tpu.memory_space<vmem>>, vector<16xf32>,
        %add3A_906 = arith.addf %add3A_898, %get3A_905 : vector<16xf32>
        %max3A_907 = arith.maximumf %max3A_899, %get3A_905 : vector<16xf32>
        %mul3A_908 = arith.mulf %get3A_905, %get3A_905 : vector<16xf32>
        %add3A_909 = arith.addf %add3A_901, %mul3A_908 : vector<16xf32>
        %gather3A_910 = tpu.vector_load_idx %arg9[%get3A_832, %add3A_830] : memref<10x128xf32, #tpu.memory_space<vmem>>[vector<16xi32>, vector<16xi32>], vector<16xf32>,
        %div3A_911 = arith.constant 1.000000e+00 : f32
        %div3A_912 = vector.broadcast %div3A_911 : f32 to vector<16xf32>
        %div3A_913 = arith.divf %div3A_912, %add3A_906 : vector<16xf32>
        %mul3A_914 = arith.mulf %max3A_907, %div3A_913 : vector<16xf32>
        %eq3A_915 = arith.cmpf oeq, %gather3A_910, %max3A_907 : vector<16xf32>
        %convert_element_type3A_916 = arith.extui %eq3A_915 : vector<16xi1> to vector<16xi32>
        %convert_element_type3A_917 = arith.sitofp %convert_element_type3A_916 : vector<16xi32> to vector<16xf32>
        %mul3A_918 = arith.mulf %add3A_909, %div3A_913 : vector<16xf32>
        %mul3A_919 = arith.mulf %mul3A_918, %div3A_913 : vector<16xf32>
        %mul3A_920 = arith.constant 2.000000e+00 : f32
        %mul3A_921 = vector.broadcast %mul3A_920 : f32 to vector<16xf32>
        %mul3A_922 = arith.mulf %mul3A_921, %gather3A_910 : vector<16xf32>
        %mul3A_923 = arith.mulf %mul3A_922, %div3A_913 : vector<16xf32>
        %sub3A_924 = arith.subf %mul3A_919, %mul3A_923 : vector<16xf32>
        %add3A_925 = arith.constant 1.000000e+00 : f32
        %add3A_926 = vector.broadcast %add3A_925 : f32 to vector<16xf32>
        %add3A_927 = arith.addf %sub3A_924, %add3A_926 : vector<16xf32>
        %gt3A_928 = arith.constant 0.0666666701 : f32
        %gt3A_929 = vector.broadcast %gt3A_928 : f32 to vector<16xf32>
        %gt3A_930 = arith.cmpf ogt, %mul3A_914, %gt3A_929 : vector<16xf32>
        %convert_element_type3A_931 = arith.extui %gt3A_930 : vector<16xi1> to vector<16xi32>
        %gt3A_932 = arith.constant 0.13333334 : f32
        %gt3A_933 = vector.broadcast %gt3A_932 : f32 to vector<16xf32>
        %gt3A_934 = arith.cmpf ogt, %mul3A_914, %gt3A_933 : vector<16xf32>
        %convert_element_type3A_935 = arith.extui %gt3A_934 : vector<16xi1> to vector<16xi32>
        %add3A_936 = arith.addi %convert_element_type3A_931, %convert_element_type3A_935 : vector<16xi32>
        %gt3A_937 = arith.constant 0.200000018 : f32
        %gt3A_938 = vector.broadcast %gt3A_937 : f32 to vector<16xf32>
        %gt3A_939 = arith.cmpf ogt, %mul3A_914, %gt3A_938 : vector<16xf32>
        %convert_element_type3A_940 = arith.extui %gt3A_939 : vector<16xi1> to vector<16xi32>
        %add3A_941 = arith.addi %add3A_936, %convert_element_type3A_940 : vector<16xi32>
        %gt3A_942 = arith.constant 0.266666681 : f32
        %gt3A_943 = vector.broadcast %gt3A_942 : f32 to vector<16xf32>
        %gt3A_944 = arith.cmpf ogt, %mul3A_914, %gt3A_943 : vector<16xf32>
        %convert_element_type3A_945 = arith.extui %gt3A_944 : vector<16xi1> to vector<16xi32>
        %add3A_946 = arith.addi %add3A_941, %convert_element_type3A_945 : vector<16xi32>
        %gt3A_947 = arith.constant 0.333333343 : f32
        %gt3A_948 = vector.broadcast %gt3A_947 : f32 to vector<16xf32>
        %gt3A_949 = arith.cmpf ogt, %mul3A_914, %gt3A_948 : vector<16xf32>
        %convert_element_type3A_950 = arith.extui %gt3A_949 : vector<16xi1> to vector<16xi32>
        %add3A_951 = arith.addi %add3A_946, %convert_element_type3A_950 : vector<16xi32>
        %gt3A_952 = arith.constant 0.400000036 : f32
        %gt3A_953 = vector.broadcast %gt3A_952 : f32 to vector<16xf32>
        %gt3A_954 = arith.cmpf ogt, %mul3A_914, %gt3A_953 : vector<16xf32>
        %convert_element_type3A_955 = arith.extui %gt3A_954 : vector<16xi1> to vector<16xi32>
        %add3A_956 = arith.addi %add3A_951, %convert_element_type3A_955 : vector<16xi32>
        %gt3A_957 = arith.constant 0.466666698 : f32
        %gt3A_958 = vector.broadcast %gt3A_957 : f32 to vector<16xf32>
        %gt3A_959 = arith.cmpf ogt, %mul3A_914, %gt3A_958 : vector<16xf32>
        %convert_element_type3A_960 = arith.extui %gt3A_959 : vector<16xi1> to vector<16xi32>
        %add3A_961 = arith.addi %add3A_956, %convert_element_type3A_960 : vector<16xi32>
        %gt3A_962 = arith.constant 0.533333361 : f32
        %gt3A_963 = vector.broadcast %gt3A_962 : f32 to vector<16xf32>
        %gt3A_964 = arith.cmpf ogt, %mul3A_914, %gt3A_963 : vector<16xf32>
        %convert_element_type3A_965 = arith.extui %gt3A_964 : vector<16xi1> to vector<16xi32>
        %add3A_966 = arith.addi %add3A_961, %convert_element_type3A_965 : vector<16xi32>
        %gt3A_967 = arith.constant 6.000000e-01 : f32
        %gt3A_968 = vector.broadcast %gt3A_967 : f32 to vector<16xf32>
        %gt3A_969 = arith.cmpf ogt, %mul3A_914, %gt3A_968 : vector<16xf32>
        %convert_element_type3A_970 = arith.extui %gt3A_969 : vector<16xi1> to vector<16xi32>
        %add3A_971 = arith.addi %add3A_966, %convert_element_type3A_970 : vector<16xi32>
        %gt3A_972 = arith.constant 0.666666686 : f32
        %gt3A_973 = vector.broadcast %gt3A_972 : f32 to vector<16xf32>
        %gt3A_974 = arith.cmpf ogt, %mul3A_914, %gt3A_973 : vector<16xf32>
        %convert_element_type3A_975 = arith.extui %gt3A_974 : vector<16xi1> to vector<16xi32>
        %add3A_976 = arith.addi %add3A_971, %convert_element_type3A_975 : vector<16xi32>
        %gt3A_977 = arith.constant 0.733333349 : f32
        %gt3A_978 = vector.broadcast %gt3A_977 : f32 to vector<16xf32>
        %gt3A_979 = arith.cmpf ogt, %mul3A_914, %gt3A_978 : vector<16xf32>
        %convert_element_type3A_980 = arith.extui %gt3A_979 : vector<16xi1> to vector<16xi32>
        %add3A_981 = arith.addi %add3A_976, %convert_element_type3A_980 : vector<16xi32>
        %gt3A_982 = arith.constant 0.800000071 : f32
        %gt3A_983 = vector.broadcast %gt3A_982 : f32 to vector<16xf32>
        %gt3A_984 = arith.cmpf ogt, %mul3A_914, %gt3A_983 : vector<16xf32>
        %convert_element_type3A_985 = arith.extui %gt3A_984 : vector<16xi1> to vector<16xi32>
        %add3A_986 = arith.addi %add3A_981, %convert_element_type3A_985 : vector<16xi32>
        %gt3A_987 = arith.constant 0.866666734 : f32
        %gt3A_988 = vector.broadcast %gt3A_987 : f32 to vector<16xf32>
        %gt3A_989 = arith.cmpf ogt, %mul3A_914, %gt3A_988 : vector<16xf32>
        %convert_element_type3A_990 = arith.extui %gt3A_989 : vector<16xi1> to vector<16xi32>
        %add3A_991 = arith.addi %add3A_986, %convert_element_type3A_990 : vector<16xi32>
        %gt3A_992 = arith.constant 0.933333396 : f32
        %gt3A_993 = vector.broadcast %gt3A_992 : f32 to vector<16xf32>
        %gt3A_994 = arith.cmpf ogt, %mul3A_914, %gt3A_993 : vector<16xf32>
        %convert_element_type3A_995 = arith.extui %gt3A_994 : vector<16xi1> to vector<16xi32>
        %add3A_996 = arith.addi %add3A_991, %convert_element_type3A_995 : vector<16xi32>
        %mul3A_997 = arith.constant 16 : i32
        %mul3A_998 = vector.broadcast %mul3A_997 : i32 to vector<16xi32>
        %mul3A_999 = arith.muli %iota3A, %mul3A_998 : vector<16xi32>
        %add3A_1000 = arith.addi %mul3A_999, %add3A_996 : vector<16xi32>
        %get3A_1001 = arith.constant 0 : index
        %get3A_1002 = tpu.vector_load %arg14[%get3A_1001] {strides = array<i32>} : memref<16xf32, #tpu.memory_space<vmem>>, vector<16xf32>,
        %add3A_1003 = arith.addf %add3A_406, %add3A_579 : vector<16xf32>
        %add3A_1004 = arith.addf %add3A_753, %add3A_927 : vector<16xf32>
        %add3A_1005 = arith.addf %add3A_1003, %add3A_1004 : vector<16xf32>
        %add3A_1006 = arith.addf %get3A_1002, %add3A_1005 : vector<16xf32>
        %swap3A_1007 = arith.constant 0 : index
        %swap3A_1008 = tpu.vector_load %arg14[%swap3A_1007] {strides = array<i32>} : memref<16xf32, #tpu.memory_space<vmem>>, vector<16xf32>,
        tpu.vector_store %arg14[%swap3A_1007], %add3A_1006 {strides = array<i32>} : memref<16xf32, #tpu.memory_space<vmem>>, vector<16xf32>,
        tpu.vector_store_idx %arg11[%add3A_478], %broadcast_in_dim3A_5 {add = true} : memref<256xf32, #tpu.memory_space<vmem>>[vector<16xi32>], vector<16xf32>,
        tpu.vector_store_idx %arg12[%add3A_478], %mul3A_395 {add = true} : memref<256xf32, #tpu.memory_space<vmem>>[vector<16xi32>], vector<16xf32>,
        tpu.vector_store_idx %arg13[%add3A_478], %convert_element_type3A_397 {add = true} : memref<256xf32, #tpu.memory_space<vmem>>[vector<16xi32>], vector<16xf32>,
        tpu.vector_store_idx %arg11[%add3A_652], %broadcast_in_dim3A_5 {add = true} : memref<256xf32, #tpu.memory_space<vmem>>[vector<16xi32>], vector<16xf32>,
        tpu.vector_store_idx %arg12[%add3A_652], %mul3A_566 {add = true} : memref<256xf32, #tpu.memory_space<vmem>>[vector<16xi32>], vector<16xf32>,
        tpu.vector_store_idx %arg13[%add3A_652], %convert_element_type3A_569 {add = true} : memref<256xf32, #tpu.memory_space<vmem>>[vector<16xi32>], vector<16xf32>,
        tpu.vector_store_idx %arg11[%add3A_826], %broadcast_in_dim3A_5 {add = true} : memref<256xf32, #tpu.memory_space<vmem>>[vector<16xi32>], vector<16xf32>,
        tpu.vector_store_idx %arg12[%add3A_826], %mul3A_740 {add = true} : memref<256xf32, #tpu.memory_space<vmem>>[vector<16xi32>], vector<16xf32>,
        tpu.vector_store_idx %arg13[%add3A_826], %convert_element_type3A_743 {add = true} : memref<256xf32, #tpu.memory_space<vmem>>[vector<16xi32>], vector<16xf32>,
        tpu.vector_store_idx %arg11[%add3A_1000], %broadcast_in_dim3A_5 {add = true} : memref<256xf32, #tpu.memory_space<vmem>>[vector<16xi32>], vector<16xf32>,
        tpu.vector_store_idx %arg12[%add3A_1000], %mul3A_914 {add = true} : memref<256xf32, #tpu.memory_space<vmem>>[vector<16xi32>], vector<16xf32>,
        tpu.vector_store_idx %arg13[%add3A_1000], %convert_element_type3A_917 {add = true} : memref<256xf32, #tpu.memory_space<vmem>>[vector<16xi32>], vector<16xf32>,
      }
      %scan3A_306 = arith.constant 2 : i32
    } else {
    }
    %get3A = arith.constant 0 : index
    %get3A_131 = tpu.vector_load %arg11[%get3A] {strides = array<i32>} : memref<256xf32, #tpu.memory_space<vmem>>, vector<16xf32>,
    %get3A_132 = arith.constant 0 : index
    %get3A_133 = tpu.vector_load %arg12[%get3A_132] {strides = array<i32>} : memref<256xf32, #tpu.memory_space<vmem>>, vector<16xf32>,
    %get3A_134 = arith.constant 0 : index
    %get3A_135 = tpu.vector_load %arg13[%get3A_134] {strides = array<i32>} : memref<256xf32, #tpu.memory_space<vmem>>, vector<16xf32>,
    %get3A_136 = arith.constant 16 : index
    %get3A_137 = tpu.vector_load %arg11[%get3A_136] {strides = array<i32>} : memref<256xf32, #tpu.memory_space<vmem>>, vector<16xf32>,
    %add3A_138 = arith.addf %get3A_131, %get3A_137 : vector<16xf32>
    %get3A_139 = arith.constant 16 : index
    %get3A_140 = tpu.vector_load %arg12[%get3A_139] {strides = array<i32>} : memref<256xf32, #tpu.memory_space<vmem>>, vector<16xf32>,
    %add3A_141 = arith.addf %get3A_133, %get3A_140 : vector<16xf32>
    %get3A_142 = arith.constant 16 : index
    %get3A_143 = tpu.vector_load %arg13[%get3A_142] {strides = array<i32>} : memref<256xf32, #tpu.memory_space<vmem>>, vector<16xf32>,
    %add3A_144 = arith.addf %get3A_135, %get3A_143 : vector<16xf32>
    %get3A_145 = arith.constant 32 : index
    %get3A_146 = tpu.vector_load %arg11[%get3A_145] {strides = array<i32>} : memref<256xf32, #tpu.memory_space<vmem>>, vector<16xf32>,
    %add3A_147 = arith.addf %add3A_138, %get3A_146 : vector<16xf32>
    %get3A_148 = arith.constant 32 : index
    %get3A_149 = tpu.vector_load %arg12[%get3A_148] {strides = array<i32>} : memref<256xf32, #tpu.memory_space<vmem>>, vector<16xf32>,
    %add3A_150 = arith.addf %add3A_141, %get3A_149 : vector<16xf32>
    %get3A_151 = arith.constant 32 : index
    %get3A_152 = tpu.vector_load %arg13[%get3A_151] {strides = array<i32>} : memref<256xf32, #tpu.memory_space<vmem>>, vector<16xf32>,
    %add3A_153 = arith.addf %add3A_144, %get3A_152 : vector<16xf32>
    %get3A_154 = arith.constant 48 : index
    %get3A_155 = tpu.vector_load %arg11[%get3A_154] {strides = array<i32>} : memref<256xf32, #tpu.memory_space<vmem>>, vector<16xf32>,
    %add3A_156 = arith.addf %add3A_147, %get3A_155 : vector<16xf32>
    %get3A_157 = arith.constant 48 : index
    %get3A_158 = tpu.vector_load %arg12[%get3A_157] {strides = array<i32>} : memref<256xf32, #tpu.memory_space<vmem>>, vector<16xf32>,
    %add3A_159 = arith.addf %add3A_150, %get3A_158 : vector<16xf32>
    %get3A_160 = arith.constant 48 : index
    %get3A_161 = tpu.vector_load %arg13[%get3A_160] {strides = array<i32>} : memref<256xf32, #tpu.memory_space<vmem>>, vector<16xf32>,
    %add3A_162 = arith.addf %add3A_153, %get3A_161 : vector<16xf32>
    %get3A_163 = arith.constant 64 : index
    %get3A_164 = tpu.vector_load %arg11[%get3A_163] {strides = array<i32>} : memref<256xf32, #tpu.memory_space<vmem>>, vector<16xf32>,
    %add3A_165 = arith.addf %add3A_156, %get3A_164 : vector<16xf32>
    %get3A_166 = arith.constant 64 : index
    %get3A_167 = tpu.vector_load %arg12[%get3A_166] {strides = array<i32>} : memref<256xf32, #tpu.memory_space<vmem>>, vector<16xf32>,
    %add3A_168 = arith.addf %add3A_159, %get3A_167 : vector<16xf32>
    %get3A_169 = arith.constant 64 : index
    %get3A_170 = tpu.vector_load %arg13[%get3A_169] {strides = array<i32>} : memref<256xf32, #tpu.memory_space<vmem>>, vector<16xf32>,
    %add3A_171 = arith.addf %add3A_162, %get3A_170 : vector<16xf32>
    %get3A_172 = arith.constant 80 : index
    %get3A_173 = tpu.vector_load %arg11[%get3A_172] {strides = array<i32>} : memref<256xf32, #tpu.memory_space<vmem>>, vector<16xf32>,
    %add3A_174 = arith.addf %add3A_165, %get3A_173 : vector<16xf32>
    %get3A_175 = arith.constant 80 : index
    %get3A_176 = tpu.vector_load %arg12[%get3A_175] {strides = array<i32>} : memref<256xf32, #tpu.memory_space<vmem>>, vector<16xf32>,
    %add3A_177 = arith.addf %add3A_168, %get3A_176 : vector<16xf32>
    %get3A_178 = arith.constant 80 : index
    %get3A_179 = tpu.vector_load %arg13[%get3A_178] {strides = array<i32>} : memref<256xf32, #tpu.memory_space<vmem>>, vector<16xf32>,
    %add3A_180 = arith.addf %add3A_171, %get3A_179 : vector<16xf32>
    %get3A_181 = arith.constant 96 : index
    %get3A_182 = tpu.vector_load %arg11[%get3A_181] {strides = array<i32>} : memref<256xf32, #tpu.memory_space<vmem>>, vector<16xf32>,
    %add3A_183 = arith.addf %add3A_174, %get3A_182 : vector<16xf32>
    %get3A_184 = arith.constant 96 : index
    %get3A_185 = tpu.vector_load %arg12[%get3A_184] {strides = array<i32>} : memref<256xf32, #tpu.memory_space<vmem>>, vector<16xf32>,
    %add3A_186 = arith.addf %add3A_177, %get3A_185 : vector<16xf32>
    %get3A_187 = arith.constant 96 : index
    %get3A_188 = tpu.vector_load %arg13[%get3A_187] {strides = array<i32>} : memref<256xf32, #tpu.memory_space<vmem>>, vector<16xf32>,
    %add3A_189 = arith.addf %add3A_180, %get3A_188 : vector<16xf32>
    %get3A_190 = arith.constant 112 : index
    %get3A_191 = tpu.vector_load %arg11[%get3A_190] {strides = array<i32>} : memref<256xf32, #tpu.memory_space<vmem>>, vector<16xf32>,
    %add3A_192 = arith.addf %add3A_183, %get3A_191 : vector<16xf32>
    %get3A_193 = arith.constant 112 : index
    %get3A_194 = tpu.vector_load %arg12[%get3A_193] {strides = array<i32>} : memref<256xf32, #tpu.memory_space<vmem>>, vector<16xf32>,
    %add3A_195 = arith.addf %add3A_186, %get3A_194 : vector<16xf32>
    %get3A_196 = arith.constant 112 : index
    %get3A_197 = tpu.vector_load %arg13[%get3A_196] {strides = array<i32>} : memref<256xf32, #tpu.memory_space<vmem>>, vector<16xf32>,
    %add3A_198 = arith.addf %add3A_189, %get3A_197 : vector<16xf32>
    %get3A_199 = arith.constant 128 : index
    %get3A_200 = tpu.vector_load %arg11[%get3A_199] {strides = array<i32>} : memref<256xf32, #tpu.memory_space<vmem>>, vector<16xf32>,
    %add3A_201 = arith.addf %add3A_192, %get3A_200 : vector<16xf32>
    %get3A_202 = arith.constant 128 : index
    %get3A_203 = tpu.vector_load %arg12[%get3A_202] {strides = array<i32>} : memref<256xf32, #tpu.memory_space<vmem>>, vector<16xf32>,
    %add3A_204 = arith.addf %add3A_195, %get3A_203 : vector<16xf32>
    %get3A_205 = arith.constant 128 : index
    %get3A_206 = tpu.vector_load %arg13[%get3A_205] {strides = array<i32>} : memref<256xf32, #tpu.memory_space<vmem>>, vector<16xf32>,
    %add3A_207 = arith.addf %add3A_198, %get3A_206 : vector<16xf32>
    %get3A_208 = arith.constant 144 : index
    %get3A_209 = tpu.vector_load %arg11[%get3A_208] {strides = array<i32>} : memref<256xf32, #tpu.memory_space<vmem>>, vector<16xf32>,
    %add3A_210 = arith.addf %add3A_201, %get3A_209 : vector<16xf32>
    %get3A_211 = arith.constant 144 : index
    %get3A_212 = tpu.vector_load %arg12[%get3A_211] {strides = array<i32>} : memref<256xf32, #tpu.memory_space<vmem>>, vector<16xf32>,
    %add3A_213 = arith.addf %add3A_204, %get3A_212 : vector<16xf32>
    %get3A_214 = arith.constant 144 : index
    %get3A_215 = tpu.vector_load %arg13[%get3A_214] {strides = array<i32>} : memref<256xf32, #tpu.memory_space<vmem>>, vector<16xf32>,
    %add3A_216 = arith.addf %add3A_207, %get3A_215 : vector<16xf32>
    %get3A_217 = arith.constant 160 : index
    %get3A_218 = tpu.vector_load %arg11[%get3A_217] {strides = array<i32>} : memref<256xf32, #tpu.memory_space<vmem>>, vector<16xf32>,
    %add3A_219 = arith.addf %add3A_210, %get3A_218 : vector<16xf32>
    %get3A_220 = arith.constant 160 : index
    %get3A_221 = tpu.vector_load %arg12[%get3A_220] {strides = array<i32>} : memref<256xf32, #tpu.memory_space<vmem>>, vector<16xf32>,
    %add3A_222 = arith.addf %add3A_213, %get3A_221 : vector<16xf32>
    %get3A_223 = arith.constant 160 : index
    %get3A_224 = tpu.vector_load %arg13[%get3A_223] {strides = array<i32>} : memref<256xf32, #tpu.memory_space<vmem>>, vector<16xf32>,
    %add3A_225 = arith.addf %add3A_216, %get3A_224 : vector<16xf32>
    %get3A_226 = arith.constant 176 : index
    %get3A_227 = tpu.vector_load %arg11[%get3A_226] {strides = array<i32>} : memref<256xf32, #tpu.memory_space<vmem>>, vector<16xf32>,
    %add3A_228 = arith.addf %add3A_219, %get3A_227 : vector<16xf32>
    %get3A_229 = arith.constant 176 : index
    %get3A_230 = tpu.vector_load %arg12[%get3A_229] {strides = array<i32>} : memref<256xf32, #tpu.memory_space<vmem>>, vector<16xf32>,
    %add3A_231 = arith.addf %add3A_222, %get3A_230 : vector<16xf32>
    %get3A_232 = arith.constant 176 : index
    %get3A_233 = tpu.vector_load %arg13[%get3A_232] {strides = array<i32>} : memref<256xf32, #tpu.memory_space<vmem>>, vector<16xf32>,
    %add3A_234 = arith.addf %add3A_225, %get3A_233 : vector<16xf32>
    %get3A_235 = arith.constant 192 : index
    %get3A_236 = tpu.vector_load %arg11[%get3A_235] {strides = array<i32>} : memref<256xf32, #tpu.memory_space<vmem>>, vector<16xf32>,
    %add3A_237 = arith.addf %add3A_228, %get3A_236 : vector<16xf32>
    %get3A_238 = arith.constant 192 : index
    %get3A_239 = tpu.vector_load %arg12[%get3A_238] {strides = array<i32>} : memref<256xf32, #tpu.memory_space<vmem>>, vector<16xf32>,
    %add3A_240 = arith.addf %add3A_231, %get3A_239 : vector<16xf32>
    %get3A_241 = arith.constant 192 : index
    %get3A_242 = tpu.vector_load %arg13[%get3A_241] {strides = array<i32>} : memref<256xf32, #tpu.memory_space<vmem>>, vector<16xf32>,
    %add3A_243 = arith.addf %add3A_234, %get3A_242 : vector<16xf32>
    %get3A_244 = arith.constant 208 : index
    %get3A_245 = tpu.vector_load %arg11[%get3A_244] {strides = array<i32>} : memref<256xf32, #tpu.memory_space<vmem>>, vector<16xf32>,
    %add3A_246 = arith.addf %add3A_237, %get3A_245 : vector<16xf32>
    %get3A_247 = arith.constant 208 : index
    %get3A_248 = tpu.vector_load %arg12[%get3A_247] {strides = array<i32>} : memref<256xf32, #tpu.memory_space<vmem>>, vector<16xf32>,
    %add3A_249 = arith.addf %add3A_240, %get3A_248 : vector<16xf32>
    %get3A_250 = arith.constant 208 : index
    %get3A_251 = tpu.vector_load %arg13[%get3A_250] {strides = array<i32>} : memref<256xf32, #tpu.memory_space<vmem>>, vector<16xf32>,
    %add3A_252 = arith.addf %add3A_243, %get3A_251 : vector<16xf32>
    %get3A_253 = arith.constant 224 : index
    %get3A_254 = tpu.vector_load %arg11[%get3A_253] {strides = array<i32>} : memref<256xf32, #tpu.memory_space<vmem>>, vector<16xf32>,
    %add3A_255 = arith.addf %add3A_246, %get3A_254 : vector<16xf32>
    %get3A_256 = arith.constant 224 : index
    %get3A_257 = tpu.vector_load %arg12[%get3A_256] {strides = array<i32>} : memref<256xf32, #tpu.memory_space<vmem>>, vector<16xf32>,
    %add3A_258 = arith.addf %add3A_249, %get3A_257 : vector<16xf32>
    %get3A_259 = arith.constant 224 : index
    %get3A_260 = tpu.vector_load %arg13[%get3A_259] {strides = array<i32>} : memref<256xf32, #tpu.memory_space<vmem>>, vector<16xf32>,
    %add3A_261 = arith.addf %add3A_252, %get3A_260 : vector<16xf32>
    %get3A_262 = arith.constant 240 : index
    %get3A_263 = tpu.vector_load %arg11[%get3A_262] {strides = array<i32>} : memref<256xf32, #tpu.memory_space<vmem>>, vector<16xf32>,
    %add3A_264 = arith.addf %add3A_255, %get3A_263 : vector<16xf32>
    %get3A_265 = arith.constant 240 : index
    %get3A_266 = tpu.vector_load %arg12[%get3A_265] {strides = array<i32>} : memref<256xf32, #tpu.memory_space<vmem>>, vector<16xf32>,
    %add3A_267 = arith.addf %add3A_258, %get3A_266 : vector<16xf32>
    %get3A_268 = arith.constant 240 : index
    %get3A_269 = tpu.vector_load %arg13[%get3A_268] {strides = array<i32>} : memref<256xf32, #tpu.memory_space<vmem>>, vector<16xf32>,
    %add3A_270 = arith.addf %add3A_261, %get3A_269 : vector<16xf32>
    %swap3A_271 = arith.constant 0 : index
    %swap3A_272 = tpu.vector_load %arg15[%swap3A_271] {strides = array<i32>} : memref<64xf32, #tpu.memory_space<vmem>>, vector<16xf32>,
    tpu.vector_store %arg15[%swap3A_271], %add3A_264 {strides = array<i32>} : memref<64xf32, #tpu.memory_space<vmem>>, vector<16xf32>,
    %swap3A_273 = arith.constant 16 : index
    %swap3A_274 = tpu.vector_load %arg15[%swap3A_273] {strides = array<i32>} : memref<64xf32, #tpu.memory_space<vmem>>, vector<16xf32>,
    tpu.vector_store %arg15[%swap3A_273], %add3A_267 {strides = array<i32>} : memref<64xf32, #tpu.memory_space<vmem>>, vector<16xf32>,
    %swap3A_275 = arith.constant 32 : index
    %swap3A_276 = tpu.vector_load %arg15[%swap3A_275] {strides = array<i32>} : memref<64xf32, #tpu.memory_space<vmem>>, vector<16xf32>,
    tpu.vector_store %arg15[%swap3A_275], %add3A_270 {strides = array<i32>} : memref<64xf32, #tpu.memory_space<vmem>>, vector<16xf32>,
    %get3A_277 = arith.constant 0 : index
    %get3A_278 = tpu.vector_load %arg14[%get3A_277] {strides = array<i32>} : memref<16xf32, #tpu.memory_space<vmem>>, vector<16xf32>,
    %swap3A_279 = arith.constant 48 : index
    %swap3A_280 = tpu.vector_load %arg15[%swap3A_279] {strides = array<i32>} : memref<64xf32, #tpu.memory_space<vmem>>, vector<16xf32>,
    tpu.vector_store %arg15[%swap3A_279], %get3A_278 {strides = array<i32>} : memref<64xf32, #tpu.memory_space<vmem>>, vector<16xf32>,
    %mul3A_281 = arith.constant 64 : i32
    %mul3A_282 = arith.muli %add3A, %mul3A_281 : i32
    %multiple_of3A_283 = tpu.assume_multiple %mul3A_282, 8 : i32
    "tpu.region"() ({
      %run_scoped3A = tpu.sem_alloc : memref<!tpu.dma_semaphore, #tpu.memory_space<semaphore_mem>>
      %dma_start3A_284 = tpu.memref_slice %arg4[%multiple_of3A_283] : memref<2048xf32, #tpu.memory_space<hbm>> -> memref<64xf32, #tpu.memory_space<hbm>>
      %dma_start3A_285 = tpu.memref_slice %arg4[%multiple_of3A_283] : memref<2048xf32, #tpu.memory_space<hbm>> -> memref<64xf32, #tpu.memory_space<hbm>>
      tpu.enqueue_dma source(%arg15 : memref<64xf32, #tpu.memory_space<vmem>>) target(%dma_start3A_285 : memref<64xf32, #tpu.memory_space<hbm>>) target_semaphore(%run_scoped3A : memref<!tpu.dma_semaphore, #tpu.memory_space<semaphore_mem>>)
      %dma_wait3A_286 = tpu.memref_slice %arg4[%multiple_of3A_283] : memref<2048xf32, #tpu.memory_space<hbm>> -> memref<64xf32, #tpu.memory_space<hbm>>
      %dma_wait3A_287 = tpu.memref_slice %arg4[%multiple_of3A_283] : memref<2048xf32, #tpu.memory_space<hbm>> -> memref<64xf32, #tpu.memory_space<hbm>>
      tpu.wait_dma2 semaphore(%run_scoped3A : memref<!tpu.dma_semaphore, #tpu.memory_space<semaphore_mem>>) src(%arg15 : memref<64xf32, #tpu.memory_space<vmem>>) dst(%dma_wait3A_287 : memref<64xf32, #tpu.memory_space<hbm>>)
      tpu.yield
    }) : () -> ()
    return
  }
}

#map = affine_map<(d0, d1) -> (0)>
module attributes {stable_mosaic.version = 14 : i64} {
  func.func @_finalize_kernel(%arg0: i32, %arg1: i32, %arg2: memref<2048xf32, #tpu.memory_space<hbm>>, %arg3: memref<16xf32, #tpu.memory_space<hbm>>, %arg4: memref<2048xf32, #tpu.memory_space<vmem>>, %arg5: memref<16xf32, #tpu.memory_space<vmem>>) attributes {dimension_semantics = [#tpu.dimension_semantics<core_parallel>, #tpu.dimension_semantics<subcore_parallel>], iteration_bounds = array<i64: 2, 16>, scalar_prefetch = 0 : i64, scratch_operands = 2 : i64, tpu.core_type = #tpu.core_type<sc_vector_subcore>, window_params = [{transform_indices = #map}, {transform_indices = #map}]} {
    %mul3A = arith.constant 2 : i32
    %mul3A_0 = arith.muli %arg1, %mul3A : i32
    %add3A = arith.addi %mul3A_0, %arg0 : i32
    %eq3A = arith.constant 0 : i32
    %eq3A_1 = arith.cmpi eq, %add3A, %eq3A : i32
    %convert_element_type3A = arith.extui %eq3A_1 : i1 to i32
    %cond3A = arith.constant 0 : i32
    %cond3A_2 = arith.cmpi ne, %convert_element_type3A, %cond3A : i32
    scf.if %cond3A_2 {
      "tpu.region"() ({
        %run_scoped3A = tpu.sem_alloc : memref<!tpu.dma_semaphore, #tpu.memory_space<semaphore_mem>>
        tpu.enqueue_dma source(%arg2 : memref<2048xf32, #tpu.memory_space<hbm>>) target(%arg4 : memref<2048xf32, #tpu.memory_space<vmem>>) target_semaphore(%run_scoped3A : memref<!tpu.dma_semaphore, #tpu.memory_space<semaphore_mem>>)
        tpu.wait_dma2 semaphore(%run_scoped3A : memref<!tpu.dma_semaphore, #tpu.memory_space<semaphore_mem>>) src(%arg2 : memref<2048xf32, #tpu.memory_space<hbm>>) dst(%arg4 : memref<2048xf32, #tpu.memory_space<vmem>>)
        tpu.yield
      }) : () -> ()
      %get3A = arith.constant 0 : index
      %get3A_3 = tpu.vector_load %arg4[%get3A] {strides = array<i32>} : memref<2048xf32, #tpu.memory_space<vmem>>, vector<16xf32>,
      %get3A_4 = arith.constant 16 : index
      %get3A_5 = tpu.vector_load %arg4[%get3A_4] {strides = array<i32>} : memref<2048xf32, #tpu.memory_space<vmem>>, vector<16xf32>,
      %get3A_6 = arith.constant 32 : index
      %get3A_7 = tpu.vector_load %arg4[%get3A_6] {strides = array<i32>} : memref<2048xf32, #tpu.memory_space<vmem>>, vector<16xf32>,
      %get3A_8 = arith.constant 48 : index
      %get3A_9 = tpu.vector_load %arg4[%get3A_8] {strides = array<i32>} : memref<2048xf32, #tpu.memory_space<vmem>>, vector<16xf32>,
      %get3A_10 = arith.constant 64 : index
      %get3A_11 = tpu.vector_load %arg4[%get3A_10] {strides = array<i32>} : memref<2048xf32, #tpu.memory_space<vmem>>, vector<16xf32>,
      %add3A_12 = arith.addf %get3A_3, %get3A_11 : vector<16xf32>
      %get3A_13 = arith.constant 80 : index
      %get3A_14 = tpu.vector_load %arg4[%get3A_13] {strides = array<i32>} : memref<2048xf32, #tpu.memory_space<vmem>>, vector<16xf32>,
      %add3A_15 = arith.addf %get3A_5, %get3A_14 : vector<16xf32>
      %get3A_16 = arith.constant 96 : index
      %get3A_17 = tpu.vector_load %arg4[%get3A_16] {strides = array<i32>} : memref<2048xf32, #tpu.memory_space<vmem>>, vector<16xf32>,
      %add3A_18 = arith.addf %get3A_7, %get3A_17 : vector<16xf32>
      %get3A_19 = arith.constant 112 : index
      %get3A_20 = tpu.vector_load %arg4[%get3A_19] {strides = array<i32>} : memref<2048xf32, #tpu.memory_space<vmem>>, vector<16xf32>,
      %add3A_21 = arith.addf %get3A_9, %get3A_20 : vector<16xf32>
      %get3A_22 = arith.constant 128 : index
      %get3A_23 = tpu.vector_load %arg4[%get3A_22] {strides = array<i32>} : memref<2048xf32, #tpu.memory_space<vmem>>, vector<16xf32>,
      %add3A_24 = arith.addf %add3A_12, %get3A_23 : vector<16xf32>
      %get3A_25 = arith.constant 144 : index
      %get3A_26 = tpu.vector_load %arg4[%get3A_25] {strides = array<i32>} : memref<2048xf32, #tpu.memory_space<vmem>>, vector<16xf32>,
      %add3A_27 = arith.addf %add3A_15, %get3A_26 : vector<16xf32>
      %get3A_28 = arith.constant 160 : index
      %get3A_29 = tpu.vector_load %arg4[%get3A_28] {strides = array<i32>} : memref<2048xf32, #tpu.memory_space<vmem>>, vector<16xf32>,
      %add3A_30 = arith.addf %add3A_18, %get3A_29 : vector<16xf32>
      %get3A_31 = arith.constant 176 : index
      %get3A_32 = tpu.vector_load %arg4[%get3A_31] {strides = array<i32>} : memref<2048xf32, #tpu.memory_space<vmem>>, vector<16xf32>,
      %add3A_33 = arith.addf %add3A_21, %get3A_32 : vector<16xf32>
      %get3A_34 = arith.constant 192 : index
      %get3A_35 = tpu.vector_load %arg4[%get3A_34] {strides = array<i32>} : memref<2048xf32, #tpu.memory_space<vmem>>, vector<16xf32>,
      %add3A_36 = arith.addf %add3A_24, %get3A_35 : vector<16xf32>
      %get3A_37 = arith.constant 208 : index
      %get3A_38 = tpu.vector_load %arg4[%get3A_37] {strides = array<i32>} : memref<2048xf32, #tpu.memory_space<vmem>>, vector<16xf32>,
      %add3A_39 = arith.addf %add3A_27, %get3A_38 : vector<16xf32>
      %get3A_40 = arith.constant 224 : index
      %get3A_41 = tpu.vector_load %arg4[%get3A_40] {strides = array<i32>} : memref<2048xf32, #tpu.memory_space<vmem>>, vector<16xf32>,
      %add3A_42 = arith.addf %add3A_30, %get3A_41 : vector<16xf32>
      %get3A_43 = arith.constant 240 : index
      %get3A_44 = tpu.vector_load %arg4[%get3A_43] {strides = array<i32>} : memref<2048xf32, #tpu.memory_space<vmem>>, vector<16xf32>,
      %add3A_45 = arith.addf %add3A_33, %get3A_44 : vector<16xf32>
      %get3A_46 = arith.constant 256 : index
      %get3A_47 = tpu.vector_load %arg4[%get3A_46] {strides = array<i32>} : memref<2048xf32, #tpu.memory_space<vmem>>, vector<16xf32>,
      %add3A_48 = arith.addf %add3A_36, %get3A_47 : vector<16xf32>
      %get3A_49 = arith.constant 272 : index
      %get3A_50 = tpu.vector_load %arg4[%get3A_49] {strides = array<i32>} : memref<2048xf32, #tpu.memory_space<vmem>>, vector<16xf32>,
      %add3A_51 = arith.addf %add3A_39, %get3A_50 : vector<16xf32>
      %get3A_52 = arith.constant 288 : index
      %get3A_53 = tpu.vector_load %arg4[%get3A_52] {strides = array<i32>} : memref<2048xf32, #tpu.memory_space<vmem>>, vector<16xf32>,
      %add3A_54 = arith.addf %add3A_42, %get3A_53 : vector<16xf32>
      %get3A_55 = arith.constant 304 : index
      %get3A_56 = tpu.vector_load %arg4[%get3A_55] {strides = array<i32>} : memref<2048xf32, #tpu.memory_space<vmem>>, vector<16xf32>,
      %add3A_57 = arith.addf %add3A_45, %get3A_56 : vector<16xf32>
      %get3A_58 = arith.constant 320 : index
      %get3A_59 = tpu.vector_load %arg4[%get3A_58] {strides = array<i32>} : memref<2048xf32, #tpu.memory_space<vmem>>, vector<16xf32>,
      %add3A_60 = arith.addf %add3A_48, %get3A_59 : vector<16xf32>
      %get3A_61 = arith.constant 336 : index
      %get3A_62 = tpu.vector_load %arg4[%get3A_61] {strides = array<i32>} : memref<2048xf32, #tpu.memory_space<vmem>>, vector<16xf32>,
      %add3A_63 = arith.addf %add3A_51, %get3A_62 : vector<16xf32>
      %get3A_64 = arith.constant 352 : index
      %get3A_65 = tpu.vector_load %arg4[%get3A_64] {strides = array<i32>} : memref<2048xf32, #tpu.memory_space<vmem>>, vector<16xf32>,
      %add3A_66 = arith.addf %add3A_54, %get3A_65 : vector<16xf32>
      %get3A_67 = arith.constant 368 : index
      %get3A_68 = tpu.vector_load %arg4[%get3A_67] {strides = array<i32>} : memref<2048xf32, #tpu.memory_space<vmem>>, vector<16xf32>,
      %add3A_69 = arith.addf %add3A_57, %get3A_68 : vector<16xf32>
      %get3A_70 = arith.constant 384 : index
      %get3A_71 = tpu.vector_load %arg4[%get3A_70] {strides = array<i32>} : memref<2048xf32, #tpu.memory_space<vmem>>, vector<16xf32>,
      %add3A_72 = arith.addf %add3A_60, %get3A_71 : vector<16xf32>
      %get3A_73 = arith.constant 400 : index
      %get3A_74 = tpu.vector_load %arg4[%get3A_73] {strides = array<i32>} : memref<2048xf32, #tpu.memory_space<vmem>>, vector<16xf32>,
      %add3A_75 = arith.addf %add3A_63, %get3A_74 : vector<16xf32>
      %get3A_76 = arith.constant 416 : index
      %get3A_77 = tpu.vector_load %arg4[%get3A_76] {strides = array<i32>} : memref<2048xf32, #tpu.memory_space<vmem>>, vector<16xf32>,
      %add3A_78 = arith.addf %add3A_66, %get3A_77 : vector<16xf32>
      %get3A_79 = arith.constant 432 : index
      %get3A_80 = tpu.vector_load %arg4[%get3A_79] {strides = array<i32>} : memref<2048xf32, #tpu.memory_space<vmem>>, vector<16xf32>,
      %add3A_81 = arith.addf %add3A_69, %get3A_80 : vector<16xf32>
      %get3A_82 = arith.constant 448 : index
      %get3A_83 = tpu.vector_load %arg4[%get3A_82] {strides = array<i32>} : memref<2048xf32, #tpu.memory_space<vmem>>, vector<16xf32>,
      %add3A_84 = arith.addf %add3A_72, %get3A_83 : vector<16xf32>
      %get3A_85 = arith.constant 464 : index
      %get3A_86 = tpu.vector_load %arg4[%get3A_85] {strides = array<i32>} : memref<2048xf32, #tpu.memory_space<vmem>>, vector<16xf32>,
      %add3A_87 = arith.addf %add3A_75, %get3A_86 : vector<16xf32>
      %get3A_88 = arith.constant 480 : index
      %get3A_89 = tpu.vector_load %arg4[%get3A_88] {strides = array<i32>} : memref<2048xf32, #tpu.memory_space<vmem>>, vector<16xf32>,
      %add3A_90 = arith.addf %add3A_78, %get3A_89 : vector<16xf32>
      %get3A_91 = arith.constant 496 : index
      %get3A_92 = tpu.vector_load %arg4[%get3A_91] {strides = array<i32>} : memref<2048xf32, #tpu.memory_space<vmem>>, vector<16xf32>,
      %add3A_93 = arith.addf %add3A_81, %get3A_92 : vector<16xf32>
      %get3A_94 = arith.constant 512 : index
      %get3A_95 = tpu.vector_load %arg4[%get3A_94] {strides = array<i32>} : memref<2048xf32, #tpu.memory_space<vmem>>, vector<16xf32>,
      %add3A_96 = arith.addf %add3A_84, %get3A_95 : vector<16xf32>
      %get3A_97 = arith.constant 528 : index
      %get3A_98 = tpu.vector_load %arg4[%get3A_97] {strides = array<i32>} : memref<2048xf32, #tpu.memory_space<vmem>>, vector<16xf32>,
      %add3A_99 = arith.addf %add3A_87, %get3A_98 : vector<16xf32>
      %get3A_100 = arith.constant 544 : index
      %get3A_101 = tpu.vector_load %arg4[%get3A_100] {strides = array<i32>} : memref<2048xf32, #tpu.memory_space<vmem>>, vector<16xf32>,
      %add3A_102 = arith.addf %add3A_90, %get3A_101 : vector<16xf32>
      %get3A_103 = arith.constant 560 : index
      %get3A_104 = tpu.vector_load %arg4[%get3A_103] {strides = array<i32>} : memref<2048xf32, #tpu.memory_space<vmem>>, vector<16xf32>,
      %add3A_105 = arith.addf %add3A_93, %get3A_104 : vector<16xf32>
      %get3A_106 = arith.constant 576 : index
      %get3A_107 = tpu.vector_load %arg4[%get3A_106] {strides = array<i32>} : memref<2048xf32, #tpu.memory_space<vmem>>, vector<16xf32>,
      %add3A_108 = arith.addf %add3A_96, %get3A_107 : vector<16xf32>
      %get3A_109 = arith.constant 592 : index
      %get3A_110 = tpu.vector_load %arg4[%get3A_109] {strides = array<i32>} : memref<2048xf32, #tpu.memory_space<vmem>>, vector<16xf32>,
      %add3A_111 = arith.addf %add3A_99, %get3A_110 : vector<16xf32>
      %get3A_112 = arith.constant 608 : index
      %get3A_113 = tpu.vector_load %arg4[%get3A_112] {strides = array<i32>} : memref<2048xf32, #tpu.memory_space<vmem>>, vector<16xf32>,
      %add3A_114 = arith.addf %add3A_102, %get3A_113 : vector<16xf32>
      %get3A_115 = arith.constant 624 : index
      %get3A_116 = tpu.vector_load %arg4[%get3A_115] {strides = array<i32>} : memref<2048xf32, #tpu.memory_space<vmem>>, vector<16xf32>,
      %add3A_117 = arith.addf %add3A_105, %get3A_116 : vector<16xf32>
      %get3A_118 = arith.constant 640 : index
      %get3A_119 = tpu.vector_load %arg4[%get3A_118] {strides = array<i32>} : memref<2048xf32, #tpu.memory_space<vmem>>, vector<16xf32>,
      %add3A_120 = arith.addf %add3A_108, %get3A_119 : vector<16xf32>
      %get3A_121 = arith.constant 656 : index
      %get3A_122 = tpu.vector_load %arg4[%get3A_121] {strides = array<i32>} : memref<2048xf32, #tpu.memory_space<vmem>>, vector<16xf32>,
      %add3A_123 = arith.addf %add3A_111, %get3A_122 : vector<16xf32>
      %get3A_124 = arith.constant 672 : index
      %get3A_125 = tpu.vector_load %arg4[%get3A_124] {strides = array<i32>} : memref<2048xf32, #tpu.memory_space<vmem>>, vector<16xf32>,
      %add3A_126 = arith.addf %add3A_114, %get3A_125 : vector<16xf32>
      %get3A_127 = arith.constant 688 : index
      %get3A_128 = tpu.vector_load %arg4[%get3A_127] {strides = array<i32>} : memref<2048xf32, #tpu.memory_space<vmem>>, vector<16xf32>,
      %add3A_129 = arith.addf %add3A_117, %get3A_128 : vector<16xf32>
      %get3A_130 = arith.constant 704 : index
      %get3A_131 = tpu.vector_load %arg4[%get3A_130] {strides = array<i32>} : memref<2048xf32, #tpu.memory_space<vmem>>, vector<16xf32>,
      %add3A_132 = arith.addf %add3A_120, %get3A_131 : vector<16xf32>
      %get3A_133 = arith.constant 720 : index
      %get3A_134 = tpu.vector_load %arg4[%get3A_133] {strides = array<i32>} : memref<2048xf32, #tpu.memory_space<vmem>>, vector<16xf32>,
      %add3A_135 = arith.addf %add3A_123, %get3A_134 : vector<16xf32>
      %get3A_136 = arith.constant 736 : index
      %get3A_137 = tpu.vector_load %arg4[%get3A_136] {strides = array<i32>} : memref<2048xf32, #tpu.memory_space<vmem>>, vector<16xf32>,
      %add3A_138 = arith.addf %add3A_126, %get3A_137 : vector<16xf32>
      %get3A_139 = arith.constant 752 : index
      %get3A_140 = tpu.vector_load %arg4[%get3A_139] {strides = array<i32>} : memref<2048xf32, #tpu.memory_space<vmem>>, vector<16xf32>,
      %add3A_141 = arith.addf %add3A_129, %get3A_140 : vector<16xf32>
      %get3A_142 = arith.constant 768 : index
      %get3A_143 = tpu.vector_load %arg4[%get3A_142] {strides = array<i32>} : memref<2048xf32, #tpu.memory_space<vmem>>, vector<16xf32>,
      %add3A_144 = arith.addf %add3A_132, %get3A_143 : vector<16xf32>
      %get3A_145 = arith.constant 784 : index
      %get3A_146 = tpu.vector_load %arg4[%get3A_145] {strides = array<i32>} : memref<2048xf32, #tpu.memory_space<vmem>>, vector<16xf32>,
      %add3A_147 = arith.addf %add3A_135, %get3A_146 : vector<16xf32>
      %get3A_148 = arith.constant 800 : index
      %get3A_149 = tpu.vector_load %arg4[%get3A_148] {strides = array<i32>} : memref<2048xf32, #tpu.memory_space<vmem>>, vector<16xf32>,
      %add3A_150 = arith.addf %add3A_138, %get3A_149 : vector<16xf32>
      %get3A_151 = arith.constant 816 : index
      %get3A_152 = tpu.vector_load %arg4[%get3A_151] {strides = array<i32>} : memref<2048xf32, #tpu.memory_space<vmem>>, vector<16xf32>,
      %add3A_153 = arith.addf %add3A_141, %get3A_152 : vector<16xf32>
      %get3A_154 = arith.constant 832 : index
      %get3A_155 = tpu.vector_load %arg4[%get3A_154] {strides = array<i32>} : memref<2048xf32, #tpu.memory_space<vmem>>, vector<16xf32>,
      %add3A_156 = arith.addf %add3A_144, %get3A_155 : vector<16xf32>
      %get3A_157 = arith.constant 848 : index
      %get3A_158 = tpu.vector_load %arg4[%get3A_157] {strides = array<i32>} : memref<2048xf32, #tpu.memory_space<vmem>>, vector<16xf32>,
      %add3A_159 = arith.addf %add3A_147, %get3A_158 : vector<16xf32>
      %get3A_160 = arith.constant 864 : index
      %get3A_161 = tpu.vector_load %arg4[%get3A_160] {strides = array<i32>} : memref<2048xf32, #tpu.memory_space<vmem>>, vector<16xf32>,
      %add3A_162 = arith.addf %add3A_150, %get3A_161 : vector<16xf32>
      %get3A_163 = arith.constant 880 : index
      %get3A_164 = tpu.vector_load %arg4[%get3A_163] {strides = array<i32>} : memref<2048xf32, #tpu.memory_space<vmem>>, vector<16xf32>,
      %add3A_165 = arith.addf %add3A_153, %get3A_164 : vector<16xf32>
      %get3A_166 = arith.constant 896 : index
      %get3A_167 = tpu.vector_load %arg4[%get3A_166] {strides = array<i32>} : memref<2048xf32, #tpu.memory_space<vmem>>, vector<16xf32>,
      %add3A_168 = arith.addf %add3A_156, %get3A_167 : vector<16xf32>
      %get3A_169 = arith.constant 912 : index
      %get3A_170 = tpu.vector_load %arg4[%get3A_169] {strides = array<i32>} : memref<2048xf32, #tpu.memory_space<vmem>>, vector<16xf32>,
      %add3A_171 = arith.addf %add3A_159, %get3A_170 : vector<16xf32>
      %get3A_172 = arith.constant 928 : index
      %get3A_173 = tpu.vector_load %arg4[%get3A_172] {strides = array<i32>} : memref<2048xf32, #tpu.memory_space<vmem>>, vector<16xf32>,
      %add3A_174 = arith.addf %add3A_162, %get3A_173 : vector<16xf32>
      %get3A_175 = arith.constant 944 : index
      %get3A_176 = tpu.vector_load %arg4[%get3A_175] {strides = array<i32>} : memref<2048xf32, #tpu.memory_space<vmem>>, vector<16xf32>,
      %add3A_177 = arith.addf %add3A_165, %get3A_176 : vector<16xf32>
      %get3A_178 = arith.constant 960 : index
      %get3A_179 = tpu.vector_load %arg4[%get3A_178] {strides = array<i32>} : memref<2048xf32, #tpu.memory_space<vmem>>, vector<16xf32>,
      %add3A_180 = arith.addf %add3A_168, %get3A_179 : vector<16xf32>
      %get3A_181 = arith.constant 976 : index
      %get3A_182 = tpu.vector_load %arg4[%get3A_181] {strides = array<i32>} : memref<2048xf32, #tpu.memory_space<vmem>>, vector<16xf32>,
      %add3A_183 = arith.addf %add3A_171, %get3A_182 : vector<16xf32>
      %get3A_184 = arith.constant 992 : index
      %get3A_185 = tpu.vector_load %arg4[%get3A_184] {strides = array<i32>} : memref<2048xf32, #tpu.memory_space<vmem>>, vector<16xf32>,
      %add3A_186 = arith.addf %add3A_174, %get3A_185 : vector<16xf32>
      %get3A_187 = arith.constant 1008 : index
      %get3A_188 = tpu.vector_load %arg4[%get3A_187] {strides = array<i32>} : memref<2048xf32, #tpu.memory_space<vmem>>, vector<16xf32>,
      %add3A_189 = arith.addf %add3A_177, %get3A_188 : vector<16xf32>
      %get3A_190 = arith.constant 1024 : index
      %get3A_191 = tpu.vector_load %arg4[%get3A_190] {strides = array<i32>} : memref<2048xf32, #tpu.memory_space<vmem>>, vector<16xf32>,
      %add3A_192 = arith.addf %add3A_180, %get3A_191 : vector<16xf32>
      %get3A_193 = arith.constant 1040 : index
      %get3A_194 = tpu.vector_load %arg4[%get3A_193] {strides = array<i32>} : memref<2048xf32, #tpu.memory_space<vmem>>, vector<16xf32>,
      %add3A_195 = arith.addf %add3A_183, %get3A_194 : vector<16xf32>
      %get3A_196 = arith.constant 1056 : index
      %get3A_197 = tpu.vector_load %arg4[%get3A_196] {strides = array<i32>} : memref<2048xf32, #tpu.memory_space<vmem>>, vector<16xf32>,
      %add3A_198 = arith.addf %add3A_186, %get3A_197 : vector<16xf32>
      %get3A_199 = arith.constant 1072 : index
      %get3A_200 = tpu.vector_load %arg4[%get3A_199] {strides = array<i32>} : memref<2048xf32, #tpu.memory_space<vmem>>, vector<16xf32>,
      %add3A_201 = arith.addf %add3A_189, %get3A_200 : vector<16xf32>
      %get3A_202 = arith.constant 1088 : index
      %get3A_203 = tpu.vector_load %arg4[%get3A_202] {strides = array<i32>} : memref<2048xf32, #tpu.memory_space<vmem>>, vector<16xf32>,
      %add3A_204 = arith.addf %add3A_192, %get3A_203 : vector<16xf32>
      %get3A_205 = arith.constant 1104 : index
      %get3A_206 = tpu.vector_load %arg4[%get3A_205] {strides = array<i32>} : memref<2048xf32, #tpu.memory_space<vmem>>, vector<16xf32>,
      %add3A_207 = arith.addf %add3A_195, %get3A_206 : vector<16xf32>
      %get3A_208 = arith.constant 1120 : index
      %get3A_209 = tpu.vector_load %arg4[%get3A_208] {strides = array<i32>} : memref<2048xf32, #tpu.memory_space<vmem>>, vector<16xf32>,
      %add3A_210 = arith.addf %add3A_198, %get3A_209 : vector<16xf32>
      %get3A_211 = arith.constant 1136 : index
      %get3A_212 = tpu.vector_load %arg4[%get3A_211] {strides = array<i32>} : memref<2048xf32, #tpu.memory_space<vmem>>, vector<16xf32>,
      %add3A_213 = arith.addf %add3A_201, %get3A_212 : vector<16xf32>
      %get3A_214 = arith.constant 1152 : index
      %get3A_215 = tpu.vector_load %arg4[%get3A_214] {strides = array<i32>} : memref<2048xf32, #tpu.memory_space<vmem>>, vector<16xf32>,
      %add3A_216 = arith.addf %add3A_204, %get3A_215 : vector<16xf32>
      %get3A_217 = arith.constant 1168 : index
      %get3A_218 = tpu.vector_load %arg4[%get3A_217] {strides = array<i32>} : memref<2048xf32, #tpu.memory_space<vmem>>, vector<16xf32>,
      %add3A_219 = arith.addf %add3A_207, %get3A_218 : vector<16xf32>
      %get3A_220 = arith.constant 1184 : index
      %get3A_221 = tpu.vector_load %arg4[%get3A_220] {strides = array<i32>} : memref<2048xf32, #tpu.memory_space<vmem>>, vector<16xf32>,
      %add3A_222 = arith.addf %add3A_210, %get3A_221 : vector<16xf32>
      %get3A_223 = arith.constant 1200 : index
      %get3A_224 = tpu.vector_load %arg4[%get3A_223] {strides = array<i32>} : memref<2048xf32, #tpu.memory_space<vmem>>, vector<16xf32>,
      %add3A_225 = arith.addf %add3A_213, %get3A_224 : vector<16xf32>
      %get3A_226 = arith.constant 1216 : index
      %get3A_227 = tpu.vector_load %arg4[%get3A_226] {strides = array<i32>} : memref<2048xf32, #tpu.memory_space<vmem>>, vector<16xf32>,
      %add3A_228 = arith.addf %add3A_216, %get3A_227 : vector<16xf32>
      %get3A_229 = arith.constant 1232 : index
      %get3A_230 = tpu.vector_load %arg4[%get3A_229] {strides = array<i32>} : memref<2048xf32, #tpu.memory_space<vmem>>, vector<16xf32>,
      %add3A_231 = arith.addf %add3A_219, %get3A_230 : vector<16xf32>
      %get3A_232 = arith.constant 1248 : index
      %get3A_233 = tpu.vector_load %arg4[%get3A_232] {strides = array<i32>} : memref<2048xf32, #tpu.memory_space<vmem>>, vector<16xf32>,
      %add3A_234 = arith.addf %add3A_222, %get3A_233 : vector<16xf32>
      %get3A_235 = arith.constant 1264 : index
      %get3A_236 = tpu.vector_load %arg4[%get3A_235] {strides = array<i32>} : memref<2048xf32, #tpu.memory_space<vmem>>, vector<16xf32>,
      %add3A_237 = arith.addf %add3A_225, %get3A_236 : vector<16xf32>
      %get3A_238 = arith.constant 1280 : index
      %get3A_239 = tpu.vector_load %arg4[%get3A_238] {strides = array<i32>} : memref<2048xf32, #tpu.memory_space<vmem>>, vector<16xf32>,
      %add3A_240 = arith.addf %add3A_228, %get3A_239 : vector<16xf32>
      %get3A_241 = arith.constant 1296 : index
      %get3A_242 = tpu.vector_load %arg4[%get3A_241] {strides = array<i32>} : memref<2048xf32, #tpu.memory_space<vmem>>, vector<16xf32>,
      %add3A_243 = arith.addf %add3A_231, %get3A_242 : vector<16xf32>
      %get3A_244 = arith.constant 1312 : index
      %get3A_245 = tpu.vector_load %arg4[%get3A_244] {strides = array<i32>} : memref<2048xf32, #tpu.memory_space<vmem>>, vector<16xf32>,
      %add3A_246 = arith.addf %add3A_234, %get3A_245 : vector<16xf32>
      %get3A_247 = arith.constant 1328 : index
      %get3A_248 = tpu.vector_load %arg4[%get3A_247] {strides = array<i32>} : memref<2048xf32, #tpu.memory_space<vmem>>, vector<16xf32>,
      %add3A_249 = arith.addf %add3A_237, %get3A_248 : vector<16xf32>
      %get3A_250 = arith.constant 1344 : index
      %get3A_251 = tpu.vector_load %arg4[%get3A_250] {strides = array<i32>} : memref<2048xf32, #tpu.memory_space<vmem>>, vector<16xf32>,
      %add3A_252 = arith.addf %add3A_240, %get3A_251 : vector<16xf32>
      %get3A_253 = arith.constant 1360 : index
      %get3A_254 = tpu.vector_load %arg4[%get3A_253] {strides = array<i32>} : memref<2048xf32, #tpu.memory_space<vmem>>, vector<16xf32>,
      %add3A_255 = arith.addf %add3A_243, %get3A_254 : vector<16xf32>
      %get3A_256 = arith.constant 1376 : index
      %get3A_257 = tpu.vector_load %arg4[%get3A_256] {strides = array<i32>} : memref<2048xf32, #tpu.memory_space<vmem>>, vector<16xf32>,
      %add3A_258 = arith.addf %add3A_246, %get3A_257 : vector<16xf32>
      %get3A_259 = arith.constant 1392 : index
      %get3A_260 = tpu.vector_load %arg4[%get3A_259] {strides = array<i32>} : memref<2048xf32, #tpu.memory_space<vmem>>, vector<16xf32>,
      %add3A_261 = arith.addf %add3A_249, %get3A_260 : vector<16xf32>
      %get3A_262 = arith.constant 1408 : index
      %get3A_263 = tpu.vector_load %arg4[%get3A_262] {strides = array<i32>} : memref<2048xf32, #tpu.memory_space<vmem>>, vector<16xf32>,
      %add3A_264 = arith.addf %add3A_252, %get3A_263 : vector<16xf32>
      %get3A_265 = arith.constant 1424 : index
      %get3A_266 = tpu.vector_load %arg4[%get3A_265] {strides = array<i32>} : memref<2048xf32, #tpu.memory_space<vmem>>, vector<16xf32>,
      %add3A_267 = arith.addf %add3A_255, %get3A_266 : vector<16xf32>
      %get3A_268 = arith.constant 1440 : index
      %get3A_269 = tpu.vector_load %arg4[%get3A_268] {strides = array<i32>} : memref<2048xf32, #tpu.memory_space<vmem>>, vector<16xf32>,
      %add3A_270 = arith.addf %add3A_258, %get3A_269 : vector<16xf32>
      %get3A_271 = arith.constant 1456 : index
      %get3A_272 = tpu.vector_load %arg4[%get3A_271] {strides = array<i32>} : memref<2048xf32, #tpu.memory_space<vmem>>, vector<16xf32>,
      %add3A_273 = arith.addf %add3A_261, %get3A_272 : vector<16xf32>
      %get3A_274 = arith.constant 1472 : index
      %get3A_275 = tpu.vector_load %arg4[%get3A_274] {strides = array<i32>} : memref<2048xf32, #tpu.memory_space<vmem>>, vector<16xf32>,
      %add3A_276 = arith.addf %add3A_264, %get3A_275 : vector<16xf32>
      %get3A_277 = arith.constant 1488 : index
      %get3A_278 = tpu.vector_load %arg4[%get3A_277] {strides = array<i32>} : memref<2048xf32, #tpu.memory_space<vmem>>, vector<16xf32>,
      %add3A_279 = arith.addf %add3A_267, %get3A_278 : vector<16xf32>
      %get3A_280 = arith.constant 1504 : index
      %get3A_281 = tpu.vector_load %arg4[%get3A_280] {strides = array<i32>} : memref<2048xf32, #tpu.memory_space<vmem>>, vector<16xf32>,
      %add3A_282 = arith.addf %add3A_270, %get3A_281 : vector<16xf32>
      %get3A_283 = arith.constant 1520 : index
      %get3A_284 = tpu.vector_load %arg4[%get3A_283] {strides = array<i32>} : memref<2048xf32, #tpu.memory_space<vmem>>, vector<16xf32>,
      %add3A_285 = arith.addf %add3A_273, %get3A_284 : vector<16xf32>
      %get3A_286 = arith.constant 1536 : index
      %get3A_287 = tpu.vector_load %arg4[%get3A_286] {strides = array<i32>} : memref<2048xf32, #tpu.memory_space<vmem>>, vector<16xf32>,
      %add3A_288 = arith.addf %add3A_276, %get3A_287 : vector<16xf32>
      %get3A_289 = arith.constant 1552 : index
      %get3A_290 = tpu.vector_load %arg4[%get3A_289] {strides = array<i32>} : memref<2048xf32, #tpu.memory_space<vmem>>, vector<16xf32>,
      %add3A_291 = arith.addf %add3A_279, %get3A_290 : vector<16xf32>
      %get3A_292 = arith.constant 1568 : index
      %get3A_293 = tpu.vector_load %arg4[%get3A_292] {strides = array<i32>} : memref<2048xf32, #tpu.memory_space<vmem>>, vector<16xf32>,
      %add3A_294 = arith.addf %add3A_282, %get3A_293 : vector<16xf32>
      %get3A_295 = arith.constant 1584 : index
      %get3A_296 = tpu.vector_load %arg4[%get3A_295] {strides = array<i32>} : memref<2048xf32, #tpu.memory_space<vmem>>, vector<16xf32>,
      %add3A_297 = arith.addf %add3A_285, %get3A_296 : vector<16xf32>
      %get3A_298 = arith.constant 1600 : index
      %get3A_299 = tpu.vector_load %arg4[%get3A_298] {strides = array<i32>} : memref<2048xf32, #tpu.memory_space<vmem>>, vector<16xf32>,
      %add3A_300 = arith.addf %add3A_288, %get3A_299 : vector<16xf32>
      %get3A_301 = arith.constant 1616 : index
      %get3A_302 = tpu.vector_load %arg4[%get3A_301] {strides = array<i32>} : memref<2048xf32, #tpu.memory_space<vmem>>, vector<16xf32>,
      %add3A_303 = arith.addf %add3A_291, %get3A_302 : vector<16xf32>
      %get3A_304 = arith.constant 1632 : index
      %get3A_305 = tpu.vector_load %arg4[%get3A_304] {strides = array<i32>} : memref<2048xf32, #tpu.memory_space<vmem>>, vector<16xf32>,
      %add3A_306 = arith.addf %add3A_294, %get3A_305 : vector<16xf32>
      %get3A_307 = arith.constant 1648 : index
      %get3A_308 = tpu.vector_load %arg4[%get3A_307] {strides = array<i32>} : memref<2048xf32, #tpu.memory_space<vmem>>, vector<16xf32>,
      %add3A_309 = arith.addf %add3A_297, %get3A_308 : vector<16xf32>
      %get3A_310 = arith.constant 1664 : index
      %get3A_311 = tpu.vector_load %arg4[%get3A_310] {strides = array<i32>} : memref<2048xf32, #tpu.memory_space<vmem>>, vector<16xf32>,
      %add3A_312 = arith.addf %add3A_300, %get3A_311 : vector<16xf32>
      %get3A_313 = arith.constant 1680 : index
      %get3A_314 = tpu.vector_load %arg4[%get3A_313] {strides = array<i32>} : memref<2048xf32, #tpu.memory_space<vmem>>, vector<16xf32>,
      %add3A_315 = arith.addf %add3A_303, %get3A_314 : vector<16xf32>
      %get3A_316 = arith.constant 1696 : index
      %get3A_317 = tpu.vector_load %arg4[%get3A_316] {strides = array<i32>} : memref<2048xf32, #tpu.memory_space<vmem>>, vector<16xf32>,
      %add3A_318 = arith.addf %add3A_306, %get3A_317 : vector<16xf32>
      %get3A_319 = arith.constant 1712 : index
      %get3A_320 = tpu.vector_load %arg4[%get3A_319] {strides = array<i32>} : memref<2048xf32, #tpu.memory_space<vmem>>, vector<16xf32>,
      %add3A_321 = arith.addf %add3A_309, %get3A_320 : vector<16xf32>
      %get3A_322 = arith.constant 1728 : index
      %get3A_323 = tpu.vector_load %arg4[%get3A_322] {strides = array<i32>} : memref<2048xf32, #tpu.memory_space<vmem>>, vector<16xf32>,
      %add3A_324 = arith.addf %add3A_312, %get3A_323 : vector<16xf32>
      %get3A_325 = arith.constant 1744 : index
      %get3A_326 = tpu.vector_load %arg4[%get3A_325] {strides = array<i32>} : memref<2048xf32, #tpu.memory_space<vmem>>, vector<16xf32>,
      %add3A_327 = arith.addf %add3A_315, %get3A_326 : vector<16xf32>
      %get3A_328 = arith.constant 1760 : index
      %get3A_329 = tpu.vector_load %arg4[%get3A_328] {strides = array<i32>} : memref<2048xf32, #tpu.memory_space<vmem>>, vector<16xf32>,
      %add3A_330 = arith.addf %add3A_318, %get3A_329 : vector<16xf32>
      %get3A_331 = arith.constant 1776 : index
      %get3A_332 = tpu.vector_load %arg4[%get3A_331] {strides = array<i32>} : memref<2048xf32, #tpu.memory_space<vmem>>, vector<16xf32>,
      %add3A_333 = arith.addf %add3A_321, %get3A_332 : vector<16xf32>
      %get3A_334 = arith.constant 1792 : index
      %get3A_335 = tpu.vector_load %arg4[%get3A_334] {strides = array<i32>} : memref<2048xf32, #tpu.memory_space<vmem>>, vector<16xf32>,
      %add3A_336 = arith.addf %add3A_324, %get3A_335 : vector<16xf32>
      %get3A_337 = arith.constant 1808 : index
      %get3A_338 = tpu.vector_load %arg4[%get3A_337] {strides = array<i32>} : memref<2048xf32, #tpu.memory_space<vmem>>, vector<16xf32>,
      %add3A_339 = arith.addf %add3A_327, %get3A_338 : vector<16xf32>
      %get3A_340 = arith.constant 1824 : index
      %get3A_341 = tpu.vector_load %arg4[%get3A_340] {strides = array<i32>} : memref<2048xf32, #tpu.memory_space<vmem>>, vector<16xf32>,
      %add3A_342 = arith.addf %add3A_330, %get3A_341 : vector<16xf32>
      %get3A_343 = arith.constant 1840 : index
      %get3A_344 = tpu.vector_load %arg4[%get3A_343] {strides = array<i32>} : memref<2048xf32, #tpu.memory_space<vmem>>, vector<16xf32>,
      %add3A_345 = arith.addf %add3A_333, %get3A_344 : vector<16xf32>
      %get3A_346 = arith.constant 1856 : index
      %get3A_347 = tpu.vector_load %arg4[%get3A_346] {strides = array<i32>} : memref<2048xf32, #tpu.memory_space<vmem>>, vector<16xf32>,
      %add3A_348 = arith.addf %add3A_336, %get3A_347 : vector<16xf32>
      %get3A_349 = arith.constant 1872 : index
      %get3A_350 = tpu.vector_load %arg4[%get3A_349] {strides = array<i32>} : memref<2048xf32, #tpu.memory_space<vmem>>, vector<16xf32>,
      %add3A_351 = arith.addf %add3A_339, %get3A_350 : vector<16xf32>
      %get3A_352 = arith.constant 1888 : index
      %get3A_353 = tpu.vector_load %arg4[%get3A_352] {strides = array<i32>} : memref<2048xf32, #tpu.memory_space<vmem>>, vector<16xf32>,
      %add3A_354 = arith.addf %add3A_342, %get3A_353 : vector<16xf32>
      %get3A_355 = arith.constant 1904 : index
      %get3A_356 = tpu.vector_load %arg4[%get3A_355] {strides = array<i32>} : memref<2048xf32, #tpu.memory_space<vmem>>, vector<16xf32>,
      %add3A_357 = arith.addf %add3A_345, %get3A_356 : vector<16xf32>
      %get3A_358 = arith.constant 1920 : index
      %get3A_359 = tpu.vector_load %arg4[%get3A_358] {strides = array<i32>} : memref<2048xf32, #tpu.memory_space<vmem>>, vector<16xf32>,
      %add3A_360 = arith.addf %add3A_348, %get3A_359 : vector<16xf32>
      %get3A_361 = arith.constant 1936 : index
      %get3A_362 = tpu.vector_load %arg4[%get3A_361] {strides = array<i32>} : memref<2048xf32, #tpu.memory_space<vmem>>, vector<16xf32>,
      %add3A_363 = arith.addf %add3A_351, %get3A_362 : vector<16xf32>
      %get3A_364 = arith.constant 1952 : index
      %get3A_365 = tpu.vector_load %arg4[%get3A_364] {strides = array<i32>} : memref<2048xf32, #tpu.memory_space<vmem>>, vector<16xf32>,
      %add3A_366 = arith.addf %add3A_354, %get3A_365 : vector<16xf32>
      %get3A_367 = arith.constant 1968 : index
      %get3A_368 = tpu.vector_load %arg4[%get3A_367] {strides = array<i32>} : memref<2048xf32, #tpu.memory_space<vmem>>, vector<16xf32>,
      %add3A_369 = arith.addf %add3A_357, %get3A_368 : vector<16xf32>
      %get3A_370 = arith.constant 1984 : index
      %get3A_371 = tpu.vector_load %arg4[%get3A_370] {strides = array<i32>} : memref<2048xf32, #tpu.memory_space<vmem>>, vector<16xf32>,
      %add3A_372 = arith.addf %add3A_360, %get3A_371 : vector<16xf32>
      %get3A_373 = arith.constant 2000 : index
      %get3A_374 = tpu.vector_load %arg4[%get3A_373] {strides = array<i32>} : memref<2048xf32, #tpu.memory_space<vmem>>, vector<16xf32>,
      %add3A_375 = arith.addf %add3A_363, %get3A_374 : vector<16xf32>
      %get3A_376 = arith.constant 2016 : index
      %get3A_377 = tpu.vector_load %arg4[%get3A_376] {strides = array<i32>} : memref<2048xf32, #tpu.memory_space<vmem>>, vector<16xf32>,
      %add3A_378 = arith.addf %add3A_366, %get3A_377 : vector<16xf32>
      %get3A_379 = arith.constant 2032 : index
      %get3A_380 = tpu.vector_load %arg4[%get3A_379] {strides = array<i32>} : memref<2048xf32, #tpu.memory_space<vmem>>, vector<16xf32>,
      %add3A_381 = arith.addf %add3A_369, %get3A_380 : vector<16xf32>
      %div3A = arith.constant 2.000000e+06 : f32
      %div3A_382 = vector.broadcast %div3A : f32 to vector<16xf32>
      %div3A_383 = arith.divf %add3A_372, %div3A_382 : vector<16xf32>
      %max3A = arith.constant 1.000000e+00 : f32
      %max3A_384 = vector.broadcast %max3A : f32 to vector<16xf32>
      %max3A_385 = arith.maximumf %add3A_372, %max3A_384 : vector<16xf32>
      %div3A_386 = arith.divf %add3A_375, %max3A_385 : vector<16xf32>
      %div3A_387 = arith.divf %add3A_378, %max3A_385 : vector<16xf32>
      %sub3A = arith.subf %div3A_386, %div3A_387 : vector<16xf32>
      %abs3A = math.absf %sub3A : vector<16xf32>
      %gt3A = arith.constant 0.000000e+00 : f32
      %gt3A_388 = vector.broadcast %gt3A : f32 to vector<16xf32>
      %gt3A_389 = arith.cmpf ogt, %add3A_372, %gt3A_388 : vector<16xf32>
      %jit3A = arith.constant 0.000000e+00 : f32
      %broadcast_in_dim3A = vector.broadcast %jit3A : f32 to vector<16xf32>
      %select_n3A = arith.select %gt3A_389, %abs3A, %broadcast_in_dim3A : vector<16xi1>, vector<16xf32>
      %mul3A_390 = arith.mulf %select_n3A, %div3A_383 : vector<16xf32>
      %reduce_sum3A = arith.constant true
      %reduce_sum3A_391 = vector.broadcast %reduce_sum3A : i1 to vector<16xi1>
      %reduce_sum3A_392 = tpu.scan <sum>, %mul3A_390 masked %reduce_sum3A_391 : vector<16xf32>, vector<16xi1> -> vector<16xf32>
      %reduce_sum3A_393 = vector.extract %reduce_sum3A_392[15] : f32 from vector<16xf32>
      %reduce_max3A = arith.constant true
      %reduce_max3A_394 = vector.broadcast %reduce_max3A : i1 to vector<16xi1>
      %reduce_max3A_395 = tpu.scan <max>, %select_n3A masked %reduce_max3A_394 : vector<16xf32>, vector<16xi1> -> vector<16xf32>
      %reduce_max3A_396 = vector.extract %reduce_max3A_395[15] : f32 from vector<16xf32>
      %div3A_397 = arith.constant 2.000000e+06 : f32
      %div3A_398 = vector.broadcast %div3A_397 : f32 to vector<16xf32>
      %div3A_399 = arith.divf %add3A_381, %div3A_398 : vector<16xf32>
      %reduce_sum3A_400 = arith.constant true
      %reduce_sum3A_401 = vector.broadcast %reduce_sum3A_400 : i1 to vector<16xi1>
      %reduce_sum3A_402 = tpu.scan <sum>, %div3A_399 masked %reduce_sum3A_401 : vector<16xf32>, vector<16xi1> -> vector<16xf32>
      %reduce_sum3A_403 = vector.extract %reduce_sum3A_402[15] : f32 from vector<16xf32>
      %iota3A = tpu.iota {dimensions = array<i32: 0>} : vector<16xi32>
      %eq3A_404 = arith.constant 0 : i32
      %eq3A_405 = vector.broadcast %eq3A_404 : i32 to vector<16xi32>
      %eq3A_406 = arith.cmpi eq, %iota3A, %eq3A_405 : vector<16xi32>
      %jit3A_407 = arith.constant 0.000000e+00 : f32
      %broadcast_in_dim3A_408 = vector.broadcast %reduce_sum3A_393 : f32 to vector<16xf32>
      %broadcast_in_dim3A_409 = vector.broadcast %jit3A_407 : f32 to vector<16xf32>
      %select_n3A_410 = arith.select %eq3A_406, %broadcast_in_dim3A_408, %broadcast_in_dim3A_409 : vector<16xi1>, vector<16xf32>
      %eq3A_411 = arith.constant 1 : i32
      %eq3A_412 = vector.broadcast %eq3A_411 : i32 to vector<16xi32>
      %eq3A_413 = arith.cmpi eq, %iota3A, %eq3A_412 : vector<16xi32>
      %jit3A_414 = arith.constant 0.000000e+00 : f32
      %broadcast_in_dim3A_415 = vector.broadcast %reduce_max3A_396 : f32 to vector<16xf32>
      %broadcast_in_dim3A_416 = vector.broadcast %jit3A_414 : f32 to vector<16xf32>
      %select_n3A_417 = arith.select %eq3A_413, %broadcast_in_dim3A_415, %broadcast_in_dim3A_416 : vector<16xi1>, vector<16xf32>
      %add3A_418 = arith.addf %select_n3A_410, %select_n3A_417 : vector<16xf32>
      %eq3A_419 = arith.constant 2 : i32
      %eq3A_420 = vector.broadcast %eq3A_419 : i32 to vector<16xi32>
      %eq3A_421 = arith.cmpi eq, %iota3A, %eq3A_420 : vector<16xi32>
      %jit3A_422 = arith.constant 0.000000e+00 : f32
      %broadcast_in_dim3A_423 = vector.broadcast %reduce_sum3A_403 : f32 to vector<16xf32>
      %broadcast_in_dim3A_424 = vector.broadcast %jit3A_422 : f32 to vector<16xf32>
      %select_n3A_425 = arith.select %eq3A_421, %broadcast_in_dim3A_423, %broadcast_in_dim3A_424 : vector<16xi1>, vector<16xf32>
      %add3A_426 = arith.addf %add3A_418, %select_n3A_425 : vector<16xf32>
      %swap3A = arith.constant 0 : index
      %swap3A_427 = tpu.vector_load %arg5[%swap3A] {strides = array<i32>} : memref<16xf32, #tpu.memory_space<vmem>>, vector<16xf32>,
      tpu.vector_store %arg5[%swap3A], %add3A_426 {strides = array<i32>} : memref<16xf32, #tpu.memory_space<vmem>>, vector<16xf32>,
      "tpu.region"() ({
        %run_scoped3A = tpu.sem_alloc : memref<!tpu.dma_semaphore, #tpu.memory_space<semaphore_mem>>
        tpu.enqueue_dma source(%arg5 : memref<16xf32, #tpu.memory_space<vmem>>) target(%arg3 : memref<16xf32, #tpu.memory_space<hbm>>) target_semaphore(%run_scoped3A : memref<!tpu.dma_semaphore, #tpu.memory_space<semaphore_mem>>)
        tpu.wait_dma2 semaphore(%run_scoped3A : memref<!tpu.dma_semaphore, #tpu.memory_space<semaphore_mem>>) src(%arg5 : memref<16xf32, #tpu.memory_space<vmem>>) dst(%arg3 : memref<16xf32, #tpu.memory_space<hbm>>)
        tpu.yield
      }) : () -> ()
    } else {
    }
    return
  }
}

</mosaic_0001>

<sc_bundles>
// kernel: kernel.4.cloned.1.call-start
scs
__scs_entry_jumppad:
0x0: {  	(pc) =	sbr.rel $0x88, $3  }
0x1: {  	(tag) =	ssettag $0x0;
	lr =	simm.s32 $0x1  }
0x2: {  	[smem:$0x3F9F] =	sst lr;
	_ =	strace $0xD0000000  }
0x3: {  	_ = 	snop  }
0x4: {  	_ = 	snop  }
0x5: {  	_ = 	snop  }
0x6: {  	_ = 	snop  }
0x7: {  	_ = 	snop  }
__scs_overlays_trampoline_lowered:
0x8: {  	[smem:$0x3FAE] =	sst s0  }
0x9: {  	[smem:$0x3FAF] =	sst s1  }
0xa: {  	[smem:$0x3FB0] =	sst s2  }
0xb: {  	[smem:$0x3FB1] =	sst s3  }
0xc: {  	[smem:$0x3FB2] =	sst s4  }
0xd: {  	[smem:$0x3FB3] =	sst s5  }
0xe: {  	[smem:$0x3FB4] =	sst s6  }
0xf: {  	[smem:$0x3FB5] =	sst s7  }
0x10: {  	[smem:$0x3FB6] =	sst s8  }
0x11: {  	[smem:$0x3FB7] =	sst s9;
	s0 =	simm.s32 @!p0 $0x0  }
0x12: {  	s1 =	sld [smem:$0x3F9D];
	s0 =	simm.s32 @p0 $0x1  }
0x13: {  	[smem:$0x3FB8] =	sst s0;
	s0 =	simm.s32 @!p1 $0x0  }
0x14: {  	s2 =	sld [smem:$0x3F9C];
	s0 =	simm.s32 @p1 $0x1  }
0x15: {  	[smem:$0x3FB9] =	sst s0;
	s0 =	simm.s32 @!p2 $0x0  }
0x16: {  	s3 =	sld [smem:$0x3FDB];
	s0 =	simm.s32 @p2 $0x1  }
0x17: {  	s4 =	simm.s32 $0x1BF5;
	[smem:$0x3FBB] =	sst s0  }
0x18: {  	s0 =	sld [smem:$0x3F9E];
	_ =	swait.ge [sflag:s4], $0x0  }
0x19: {  	s7 =	sld [smem:$0x3F9F]  }
0x1a: {  	s8 =	sadd.s32 $0xFFFFE003, lr  }
0x1b: {  	s9 =	sadd.s32 $0xFFFFFEF7, lr;
	s5 =	simm.s32 $0xFFFFFFFF;
	p2 =	slt.u32 s8, $0xFFFFF086  }
0x1c: {  	p1 =	slt.u32 s9, $0xF7A;
	s5 =	simm.s32 @!p2 $0x0  }
0x1d: {  	s5 =	simm.s32 @p1 $0x1;
	p0 =	seq.s32 s7, s2  }
0x1e: {  	s7 =	smul.u32 @!p0 $0xF7A, s2;
	p2 =	seq.s32 @!p0 s5, $0x0  }
0x1f: {  	s9 =	smul.u32 $0xF7A, s1;
	s8 =	simm.s32 @!p0 $0x1BF5;
	p2 =	por !p2, p0  }
0x20: {  	[sflag:s8] =	ssyncset.s32 @!p0 $0xFFFFF086;
	s6 =	sadd.s32 @!p0 s3, s7;
	s7 =	simm.s32 @!p0 $0x108  }
0x21: {  	s3 =	sadd.s32 s3, s9;
	s6 =	sadd.s32 @!p0 $0x88, s6;
	s7 =	simm.s32 @p2 $0x1082  }
0x22: {  	[simem:s7], [sflag:s8] =	dma.local @!p0 [hbm:s6], $0xF7A  }
0x23: {  	s9 =	sor.u32 $0xD0000000, s2;
	s6 =	simm.s32 $0x108;
	_ =	swait.ge @!p0 [sflag:s8], $0x0  }
0x24: {  	s3 =	sadd.s32 $0x88, s3;
	s6 =	simm.s32 @!p1 $0x1082;
	[sflag:s4] =	ssyncset.s32 $0xFFFFF086  }
0x25: {  	[simem:s6], [sflag:s4] =	dma.local [hbm:s3], $0xF7A  }
0x26: {  	[smem:$0x3F9F] =	sst s1;
	(tag) =	ssettag s2;
	_ =	strace s9  }
0x27: {  	s1 =	sld [smem:$0x3FAF]  }
0x28: {  	s2 =	sld [smem:$0x3FB0]  }
0x29: {  	s4 =	sld [smem:$0x3FB2]  }
0x2a: {  	p0 =	seq.s32 s5, $0x0;
	s5 =	sld [smem:$0x3FB3]  }
0x2b: {  	s6 =	sld [smem:$0x3FB4]  }
0x2c: {  	s7 =	sld [smem:$0x3FB5]  }
0x2d: {  	s3 =	simm.s32 $0x108;
	s8 =	sld [smem:$0x3FB6]  }
0x2e: {  	s3 =	simm.s32 @!p0 $0x1082;
	s9 =	sld [smem:$0x3FB7]  }
0x2f: {  	lr =	sadd.s32 s0, s3;
	s0 =	sld [smem:$0x3FAE]  }
0x30: {  	s3 =	sld [smem:$0x3FB1]  }
0x31: {  	[smem:$0x3FBA] =	sst s10  }
0x32: {  	s10 =	sld [smem:$0x3FB8];
	_ =	sdelay $0x3  }
0x33: {  	p0 =	seq.s32 s10, $0x1;
	s10 =	sld [smem:$0x3FBA];
	_ =	sdelay $0x3  }
0x34: {  	[smem:$0x3FBA] =	sst s10  }
0x35: {  	s10 =	sld [smem:$0x3FB9];
	_ =	sdelay $0x3  }
0x36: {  	p1 =	seq.s32 s10, $0x1;
	s10 =	sld [smem:$0x3FBA];
	_ =	sdelay $0x3  }
0x37: {  	[smem:$0x3FBA] =	sst s10  }
0x38: {  	s10 =	sld [smem:$0x3FBB]  }
0x39: {  	_ = 	snop;
	(pc) =	sbr.ind lr, $3  }
0x3a: {  	_ = 	snop  }
0x3b: {  	_ = 	snop  }
0x3c: {  	p2 =	seq.s32 s10, $0x1;
	s10 =	sld [smem:$0x3FBA]  }
0x3d: {  	_ =	shalt  }
0x3e: {  	_ =	shalt  }
0x3f: {  	_ =	shalt  }
0x40: {  	_ =	shalt  }
0x41: {  	_ =	shalt  }
0x42: {  	_ =	shalt  }
0x43: {  	_ =	shalt  }
0x44: {  	_ =	shalt  }
0x45: {  	_ =	shalt  }
0x46: {  	_ =	shalt  }
0x47: {  	_ =	shalt  }
0x48: {  	_ =	shalt  }
0x49: {  	_ =	shalt  }
0x4a: {  	_ =	shalt  }
0x4b: {  	_ =	shalt  }
0x4c: {  	_ =	shalt  }
0x4d: {  	_ =	shalt  }
0x4e: {  	_ =	shalt  }
0x4f: {  	_ =	shalt  }
0x50: {  	_ =	shalt  }
0x51: {  	_ =	shalt  }
0x52: {  	_ =	shalt  }
0x53: {  	_ =	shalt  }
0x54: {  	_ =	shalt  }
0x55: {  	_ =	shalt  }
0x56: {  	_ =	shalt  }
0x57: {  	_ =	shalt  }
0x58: {  	_ =	shalt  }
0x59: {  	_ =	shalt  }
0x5a: {  	_ =	shalt  }
0x5b: {  	_ =	shalt  }
0x5c: {  	_ =	shalt  }
0x5d: {  	_ =	shalt  }
0x5e: {  	_ =	shalt  }
0x5f: {  	_ =	shalt  }
0x60: {  	_ =	shalt  }
0x61: {  	_ =	shalt  }
0x62: {  	_ =	shalt  }
0x63: {  	_ =	shalt  }
0x64: {  	_ =	shalt  }
0x65: {  	_ =	shalt  }
0x66: {  	_ =	shalt  }
0x67: {  	_ =	shalt  }
0x68: {  	_ =	shalt  }
0x69: {  	_ =	shalt  }
0x6a: {  	_ =	shalt  }
0x6b: {  	_ =	shalt  }
0x6c: {  	_ =	shalt  }
0x6d: {  	_ =	shalt  }
0x6e: {  	_ =	shalt  }
0x6f: {  	_ =	shalt  }
0x70: {  	_ =	shalt  }
0x71: {  	_ =	shalt  }
0x72: {  	_ =	shalt  }
0x73: {  	_ =	shalt  }
0x74: {  	_ =	shalt  }
0x75: {  	_ =	shalt  }
0x76: {  	_ =	shalt  }
0x77: {  	_ =	shalt  }
0x78: {  	_ =	shalt  }
0x79: {  	_ =	shalt  }
0x7a: {  	_ =	shalt  }
0x7b: {  	_ =	shalt  }
0x7c: {  	_ =	shalt  }
0x7d: {  	_ =	shalt  }
0x7e: {  	_ =	shalt  }
0x7f: {  	_ =	shalt  }
0x80: {  	_ =	shalt  }
0x81: {  	_ =	shalt  }
0x82: {  	_ =	shalt  }
0x83: {  	_ =	shalt  }
0x84: {  	_ =	shalt  }
0x85: {  	_ =	shalt  }
0x86: {  	_ =	shalt  }
0x87: {  	_ =	shalt  }
.Lfunc_end0:
.L_simem_size_0:
called_computation_lowered:
.L_overlay_start_0:
0x88: {  	s2 =	sld [smem:$0x3FD9]  }
0x89: {  	s3 =	sld [smem:$0x3FFE];
	_ =	sdelay $0x1  }
0x8a: {  	s1 =	srdreg.scid  }
0x8b: {  	s0 =	sand.u32 $0x1, s1  }
0x8c: {  	s17 =	sshll.u32 s0, $0xA;
	s2 =	sadd.s32 s3, s2  }
0x8d: {  	s2 =	sadd.s32 s2, s17  }
0x8e: {  	[smem:$0x3FC6] =	sst s2  }
0x8f: {  	_ = 	snop  }
0x90: {  	s2 =	sld [smem:$0x3FC9]  }
0x91: {  	s18 =	sld [smem:$0x3FC8];
	(tm) =	ssettm $0x1  }
0x92: {  	s4 =	sld [smem:$0x3FFB];
	_ =	sdelay $0x3  }
0x93: {  	_ =	strace s4  }
0x94: {  	s4 =	sld [smem:$0x3FFC];
	_ =	sdelay $0x3  }
0x95: {  	_ =	strace s4  }
0x96: {  	s4 =	sld [smem:$0x3FFD];
	_ =	sdelay $0x3  }
0x97: {  	_ =	strace s4  }
0x98: {  	_ =	strace $0x8FFFFFFF  }
0x99: {  	s19 =	sld [smem:$0x3FDB];
	_ =	sdelay $0x1  }
0x9a: {  	s5 =	simm.s32 $_scs_section_size  }
0x9b: {  	s6 =	simm.s32 $_size__tile_overlayer_lowered;
	s7 =	simm.s32 $_tile_overlayer_lowered  }
0x9c: {  	s22 =	simm.s32 $0x1BFF;
	s21 =	sshll.u32 s7, $0x1;
	s4 =	sadd.s32 s5, s19  }
0x9d: {  	s8 =	simm.s32 $0x0;
	s20 =	sshll.u32 s6, $0x1;
	s6 =	sadd.s32 s21, s4  }
0x9e: {  	[timem:s8], [sflag:s22] =	dma.local [hbm:s6], s20  }
0x9f: {  	_ =	swait.ge [sflag:s22], s20  }
0xa0: {  	s5 =	ssub.s32 $0x0, s20;
	[sflag:s22] =	ssyncset.done $0x0  }
0xa1: {  	[sflag:s22] =	ssyncadd.s32 s5;
	_ =	sdelay $0x1  }
0xa2: {  	s23 =	simm.s32 $0x1B8B  }
0xa3: {  	_ =	swait.ge [sflag:s23], $0x1  }
0xa4: {  	[sflag:s23] =	ssyncset.done $0x0  }
0xa5: {  	s25 =	simm.s32 $0x1B8E;
	s24 =	sld [smem:$0x3FFE];
	[sflag:s23] =	ssyncadd.s32 $0xFFFFFFFF  }
0xa6: {  	s26 =	simm.s32 $execute0_lowered;
	[smem:$0x3FD2] =	sst s25  }
0xa7: {  	s6 =	sshll.u32 s26, $0x1;
	_ =	strace $0x80000046;
	[dreg:$0x1] =	wrdreg $0xFFFFFFFF  }
0xa8: {  	s28 =	simm.s32 $_size_execute0_lowered;
	s4 =	sadd.s32 s4, s6;
	[dreg:$0x0] =	wrdreg $0x0  }
0xa9: {  	s6 =	sshll.u32 s28, $0x1;
	[dreg:$0x2] =	wrdreg s4  }
0xaa: {  	[dreg:$0x3] =	wrdreg s6  }
0xab: {  	[dreg:$0x4] =	wrdreg $0xC0  }
0xac: {  	_ =	task [dreg:s8], $0x5FFFF  }
0xad: {  	[dreg:$0x1] =	wrdreg $0xFFFFFFFF  }
0xae: {  	[dreg:$0x0] =	wrdreg $0x60  }
0xaf: {  	[dreg:$0x2] =	wrdreg s2  }
0xb0: {  	[dreg:$0x3] =	wrdreg s18  }
0xb1: {  	[dreg:$0x4] =	wrdreg s24  }
0xb2: {  	[dreg:$0x5] =	wrdreg $0x9  }
0xb3: {  	_ =	task.clear_ibuf [dreg:s8], $0x6FFFF;
	_ =	strace $0x90000046  }
0xb4: {  	s29 =	simm.s32 $0x9;
	_ =	strace $0x80000048  }
0xb5: {  	_ =	swait.ge [sflag:s29], $0x1  }
0xb6: {  	[sflag:s29] =	ssyncadd.s32 $0xFFFFFFFF  }
0xb7: {  	_ =	strace $0x90000048  }
0xb8: {  	_ =	sfence  }
0xb9: {  	s30 =	sld [smem:$0x0];
	_ =	sdelay $0x2  }
0xba: {  	s31 =	sshll.u32 s1, $0xD;
	s1 =	sshrl.u32 s1, $0x2  }
0xbb: {  	s3 =	sand.u32 $0x4000, s31;
	s1 =	sadd.s32 s1, s30  }
0xbc: {  	s0 =	sor.u32 s3, s0;
	s1 =	sshll.u32 s1, $0x11  }
0xbd: {  	s0 =	sor.u32 s1, s0  }
0xbe: {  	s0 =	sadd.s32 $0x8F2B, s0  }
0xbf: {  	[sflag:s0] =	ssyncadd.remote.s32 $0x1  }
0xc0: {  	_ =	sfence.sel $0xFFFF  }
0xc1: {  	[dreg:$0x0] =	wrdreg $0xFFFFFFFF;
	(pc) =	sbr.abs _section_cstart, $3  }
0xc2: {  	[dreg:$0x1] =	wrdreg $0xFFFFFFFF  }
0xc3: {  	_ =	task.clear_ibuf [dreg:s8], $0x2FFFF;
	_ =	strace $0x9FFFFFFF  }
0xc4: {  	(tm) =	ssettm $0x7FFFFFFF  }
0xc5: {  	_ =	shalt  }
tec
execute0_lowered:
.L_overlay_start_1:
0x0: {  	(tag) =	ssettag $0x1  }
0x1: {  	s1 =	rddreg [dreg:$0x0]  }
0x2: {  	s3 =	rddreg [dreg:$0x1]  }
0x3: {  	s0 =	rddreg [dreg:$0x2]  }
0x4: {  	s2 =	srdreg.scid;
	s5 =	stileid.u32;
	s4 =	simm.s32 $0x0  }
0x5: {  	s13 =	simm.s32 $0x2000;
	s14 =	simm.s32 $0xF42400;
	s16 =	simm.s32 $0x4000  }
0x6: {  	s18 =	simm.s32 $0x1;
	s19 =	simm.s32 $0x3;
	s20 =	simm.s32 $0x9080  }
0x7: {  	s21 =	simm.s32 $0x9180;
	s22 =	simm.s32 $0x9280;
	s23 =	simm.s32 $0x2  }
0x8: {  	s24 =	simm.s32 $0x4;
	s2 =	sand.u32 $0x1, s2;
	s5 =	sshll.u32 s5, $0x1  }
0x9: {  	[smem:$0x7FF] =	sst s4;
	s6 =	sor.u32 s2, s5;
	s2 =	ssub.s32 $0x2, s2  }
0xa: {  	_ =	strace $0x80000047;
	s7 =	sshll.u32 s6, $0x3;
	s5 =	smul.u32 $0xF400, s6  }
0xb: {  	s8 =	sshrl.u32 s2, $0x1;
	s28 =	sor.u32 $0x3D00, s6;
	p0 =	sgt.u32 s6, $0x8  }
0xc: {  	s0 =	sadd.s32 s7, s0;
	s9 =	sshll.u32 s28, $0x4;
	s25 =	sadd.s32 s1, s5  }
0xd: {  	s2 =	ssub.s32 s2, s8;
	s30 =	sadd.s32 s3, s9;
	[dreg:$0x4] =	wrdreg s25  }
.Ltmp0:
0xe: {  	s0 =	sadd.s32 $0xA00, s0;
	[dreg:$0x7] =	wrdreg s30;
	(pc) =	sbr.rel .LBB2_1-.Ltmp0, $4  }
0xf: {  	v0 =	vlaneseq.u32;
	s26 =	sshrl.u32 s5, $0x3;
	s31 =	smax.u32 s2, $0x1;
	[dreg:$0x8] =	wrdreg s0  }
0x10: {  	v1 =	vmul.u32 $0x10, v0;
	s29 =	sshll.u32 s28, $0x7;
	s7 =	sadd.s32 s3, s26;
	[dreg:$0x9] =	wrdreg s31  }
0x11: {  	v2 =	vimm.f32 $0.0e+00;
	s6 =	simm.s32 $0x0;
	[dreg:$0x5] =	wrdreg s7;
	s7 =	sadd.s32 s1, s29  }
0x12: {  	v3 =	vimm.s32 $0x0;
	v4 =	vimm.f32 $1.000000000e+00;
	v5 =	vor.u32 $0x1, v1;
	s8 =	sadd.s32 $0x800, s5;
	s25 =	simm.s32 $0x8800;
	[dreg:$0x6] =	wrdreg s7  }
.LBB2_12:
0x13: {  	v6 =	vld [tilespmem:$0x9080]  }
0x14: {  	v7 =	vld [tilespmem:$0x9180]  }
0x15: {  	v8 =	vld [tilespmem:$0x9280]  }
0x16: {  	v9 =	vld [tilespmem:$0x9090]  }
0x17: {  	v10 =	vld [tilespmem:$0x9190]  }
0x18: {  	v11 =	vld [tilespmem:$0x9290]  }
0x19: {  	v12 =	vld [tilespmem:$0x90A0]  }
0x1a: {  	v13 =	vld [tilespmem:$0x91A0]  }
0x1b: {  	v14 =	vld [tilespmem:$0x92A0]  }
0x1c: {  	v15 =	vld [tilespmem:$0x90B0]  }
0x1d: {  	v16 =	vld [tilespmem:$0x91B0]  }
0x1e: {  	v17 =	vld [tilespmem:$0x92B0]  }
0x1f: {  	v18 =	vld [tilespmem:$0x90C0]  }
0x20: {  	v19 =	vld [tilespmem:$0x91C0]  }
0x21: {  	v20 =	vld [tilespmem:$0x92C0]  }
0x22: {  	v21 =	vld [tilespmem:$0x90D0]  }
0x23: {  	v22 =	vld [tilespmem:$0x91D0]  }
0x24: {  	v23 =	vld [tilespmem:$0x92D0]  }
0x25: {  	v24 =	vld [tilespmem:$0x90E0]  }
0x26: {  	v25 =	vld [tilespmem:$0x91E0]  }
0x27: {  	v26 =	vld [tilespmem:$0x92E0]  }
0x28: {  	v27 =	vld [tilespmem:$0x90F0]  }
0x29: {  	v37 =	vld [tilespmem:$0x91F0]  }
0x2a: {  	v38 =	vld [tilespmem:$0x92F0];
	v6 =	vadd.f32 v9, v6  }
0x2b: {  	v39 =	vld [tilespmem:$0x9100];
	v7 =	vadd.f32 v10, v7  }
0x2c: {  	v40 =	vld [tilespmem:$0x9200];
	v8 =	vadd.f32 v11, v8;
	v6 =	vadd.f32 v12, v6  }
0x2d: {  	v41 =	vld [tilespmem:$0x9300];
	v7 =	vadd.f32 v13, v7  }
0x2e: {  	v42 =	vld [tilespmem:$0x9110];
	v8 =	vadd.f32 v14, v8;
	v6 =	vadd.f32 v15, v6  }
0x2f: {  	v43 =	vld [tilespmem:$0x9210];
	v7 =	vadd.f32 v16, v7  }
0x30: {  	v44 =	vld [tilespmem:$0x9310];
	v8 =	vadd.f32 v17, v8;
	v6 =	vadd.f32 v18, v6  }
0x31: {  	v45 =	vld [tilespmem:$0x9120];
	v7 =	vadd.f32 v19, v7  }
0x32: {  	v46 =	vld [tilespmem:$0x9220];
	v8 =	vadd.f32 v20, v8;
	v6 =	vadd.f32 v21, v6  }
0x33: {  	v47 =	vld [tilespmem:$0x9320];
	v7 =	vadd.f32 v22, v7  }
0x34: {  	v48 =	vld [tilespmem:$0x9130];
	v8 =	vadd.f32 v23, v8;
	v6 =	vadd.f32 v24, v6  }
0x35: {  	v49 =	vld [tilespmem:$0x9230];
	v7 =	vadd.f32 v25, v7  }
0x36: {  	v50 =	vld [tilespmem:$0x9330];
	v8 =	vadd.f32 v26, v8;
	v6 =	vadd.f32 v27, v6  }
0x37: {  	v51 =	vld [tilespmem:$0x9140];
	v7 =	vadd.f32 v37, v7  }
0x38: {  	v52 =	vld [tilespmem:$0x9240];
	v8 =	vadd.f32 v38, v8;
	v6 =	vadd.f32 v39, v6  }
0x39: {  	v53 =	vld [tilespmem:$0x9340];
	v7 =	vadd.f32 v40, v7  }
0x3a: {  	v54 =	vld [tilespmem:$0x9150];
	v8 =	vadd.f32 v41, v8;
	v6 =	vadd.f32 v42, v6  }
0x3b: {  	v55 =	vld [tilespmem:$0x9250];
	v7 =	vadd.f32 v43, v7  }
0x3c: {  	v56 =	vld [tilespmem:$0x9350];
	v8 =	vadd.f32 v44, v8;
	v6 =	vadd.f32 v45, v6  }
0x3d: {  	v57 =	vld [tilespmem:$0x9160];
	v7 =	vadd.f32 v46, v7  }
0x3e: {  	v58 =	vld [tilespmem:$0x9260];
	v8 =	vadd.f32 v47, v8;
	v6 =	vadd.f32 v48, v6  }
0x3f: {  	v59 =	vld [tilespmem:$0x9360];
	v7 =	vadd.f32 v49, v7  }
0x40: {  	v60 =	vld [tilespmem:$0x9170];
	v8 =	vadd.f32 v50, v8;
	v6 =	vadd.f32 v51, v6  }
0x41: {  	v61 =	vld [tilespmem:$0x9270];
	v7 =	vadd.f32 v52, v7  }
0x42: {  	v63 =	vld [tilespmem:$0x9380];
	v8 =	vadd.f32 v53, v8;
	v6 =	vadd.f32 v54, v6  }
0x43: {  	v62 =	vld [tilespmem:$0x9370];
	v7 =	vadd.f32 v55, v7  }
0x44: {  	v8 =	vadd.f32 v56, v8;
	v6 =	vadd.f32 v57, v6  }
0x45: {  	v7 =	vadd.f32 v58, v7  }
0x46: {  	v8 =	vadd.f32 v59, v8;
	v6 =	vadd.f32 v60, v6  }
0x47: {  	[tilespmem:$0x9430] =	vst v63;
	v7 =	vadd.f32 v61, v7  }
0x48: {  	v8 =	vadd.f32 v62, v8;
	[tilespmem:$0x9400] =	vst v6  }
0x49: {  	[tilespmem:$0x9410] =	vst v7  }
0x4a: {  	s0 =	rddreg [dreg:$0x8];
	s2 =	simm.s32 $0x9400;
	s30 =	simm.s32 $0x5;
	[tilespmem:$0x9420] =	vst v8  }
0x4b: {  	[hbm4b:s0+s4] =	stream.linear.scatter [tilespmem:s2], [sflag:$0x5], $0x40, $0x38;
	[tilespmem:$0x9480] =	vst v63  }
0x4c: {  	_ =	swait.ge [sflag:s30], $0x40  }
0x4d: {  	s6 =	rddreg [dreg:$0xa]  }
0x4e: {  	s31 =	rddreg [dreg:$0x9];
	s6 =	sadd.s32 $0x1, s6  }
0x4f: {  	p1 =	sne.s32 s6, s31  }
.Ltmp1:
0x50: {  	_ = 	snop;
	(pc) =	sbr.rel @!p1 .LBB2_13-.Ltmp1, $3  }
0x51: {  	_ =	sdelay $0x1  }
0x52: {  	[sflag:s30] =	ssyncset.done $0x0  }
0x53: {  	[sflag:s30] =	ssyncadd.s32 $0xFFFFFFC0  }
.LBB2_1:
0x54: {  	[tilespmem:$0x9080] =	vst v2  }
0x55: {  	[tilespmem:$0x9180] =	vst v2  }
0x56: {  	[tilespmem:$0x9280] =	vst v2  }
0x57: {  	[tilespmem:$0x9090] =	vst v2  }
0x58: {  	[tilespmem:$0x9190] =	vst v2  }
0x59: {  	[tilespmem:$0x9290] =	vst v2  }
0x5a: {  	[tilespmem:$0x90A0] =	vst v2  }
0x5b: {  	[tilespmem:$0x91A0] =	vst v2  }
0x5c: {  	[tilespmem:$0x92A0] =	vst v2  }
0x5d: {  	[tilespmem:$0x90B0] =	vst v2  }
0x5e: {  	[tilespmem:$0x91B0] =	vst v2  }
0x5f: {  	[tilespmem:$0x92B0] =	vst v2  }
0x60: {  	[tilespmem:$0x90C0] =	vst v2  }
0x61: {  	[tilespmem:$0x91C0] =	vst v2  }
0x62: {  	[tilespmem:$0x92C0] =	vst v2  }
0x63: {  	[tilespmem:$0x90D0] =	vst v2  }
0x64: {  	[tilespmem:$0x91D0] =	vst v2  }
0x65: {  	[tilespmem:$0x92D0] =	vst v2  }
0x66: {  	[tilespmem:$0x90E0] =	vst v2  }
0x67: {  	[tilespmem:$0x91E0] =	vst v2  }
0x68: {  	[tilespmem:$0x92E0] =	vst v2  }
0x69: {  	[tilespmem:$0x90F0] =	vst v2  }
0x6a: {  	[tilespmem:$0x91F0] =	vst v2  }
0x6b: {  	[tilespmem:$0x92F0] =	vst v2  }
0x6c: {  	[tilespmem:$0x9100] =	vst v2  }
0x6d: {  	[tilespmem:$0x9200] =	vst v2  }
0x6e: {  	[tilespmem:$0x9300] =	vst v2  }
0x6f: {  	[tilespmem:$0x9110] =	vst v2  }
0x70: {  	[tilespmem:$0x9210] =	vst v2  }
0x71: {  	[tilespmem:$0x9310] =	vst v2  }
0x72: {  	[tilespmem:$0x9120] =	vst v2  }
0x73: {  	[tilespmem:$0x9220] =	vst v2  }
0x74: {  	[tilespmem:$0x9320] =	vst v2  }
0x75: {  	[tilespmem:$0x9130] =	vst v2  }
0x76: {  	[tilespmem:$0x9230] =	vst v2  }
0x77: {  	[tilespmem:$0x9330] =	vst v2  }
0x78: {  	[tilespmem:$0x9140] =	vst v2  }
0x79: {  	[tilespmem:$0x9240] =	vst v2  }
0x7a: {  	[tilespmem:$0x9340] =	vst v2  }
0x7b: {  	[tilespmem:$0x9150] =	vst v2  }
0x7c: {  	[tilespmem:$0x9250] =	vst v2  }
0x7d: {  	[tilespmem:$0x9350] =	vst v2  }
0x7e: {  	[tilespmem:$0x9160] =	vst v2  }
0x7f: {  	[tilespmem:$0x9260] =	vst v2  }
0x80: {  	[tilespmem:$0x9360] =	vst v2  }
0x81: {  	[tilespmem:$0x9170] =	vst v2  }
0x82: {  	[tilespmem:$0x9270] =	vst v2  }
0x83: {  	[dreg:$0xa] =	wrdreg s6;
	[tilespmem:$0x9370] =	vst v2  }
0x84: {  	[tilespmem:$0x9380] =	vst v2;
	s0 =	rddreg [dreg:$0x4]  }
0x85: {  	[tilespmem:s4], [sflag:$0x1] =	stream.strided.gather [hbm4b:s0+s13], $0x4000, s14, s13, $0x38;
	[tilespmem:$0x9480] =	vst v63  }
0x86: {  	s31 =	rddreg [dreg:$0x5];
	s2 =	simm.s32 $0x8000;
	s0 =	simm.s32 $0x0  }
0x87: {  	[tilespmem:s2], [sflag:$0x3] =	stream.linear.gather [hbm4b:s31+s4], $0x400, $0x38;
	[tilespmem:$0x9480] =	vst v63  }
.LBB2_2:
0x88: {  	s2 =	sshll.u32 s0, $0xB  }
0x89: {  	s6 =	sadd.s32 s2, s5  }
0x8a: {  	s6 =	sadd.s32 $0x400, s6  }
0x8b: {  	s7 =	sadd.s32 s1, s6;
	s6 =	sshrl.u32 s6, $0x3  }
0x8c: {  	[tilespmem:s16], [sflag:$0x2] =	stream.strided.gather [hbm4b:s7+s13], $0x4000, s14, s13, $0x38;
	[tilespmem:$0x9480] =	vst v63  }
0x8d: {  	s26 =	simm.s32 $0x0;
	s31 =	simm.s32 $0x8400;
	s6 =	sadd.s32 s3, s6  }
0x8e: {  	[tilespmem:s31], [sflag:$0x4] =	stream.linear.gather [hbm4b:s6+s26], $0x400, $0x38;
	[tilespmem:$0x9480] =	vst v63  }
0x8f: {  	_ =	swait.ge [sflag:s18], $0x4000  }
0x90: {  	[sflag:s18] =	ssyncset.done $0x0  }
0x91: {  	[sflag:s18] =	ssyncadd.s32 $0xFFFFC000  }
0x92: {  	p1 =	por $0x0, $0x0;
	_ =	swait.ge [sflag:s19], $0x400  }
0x93: {  	s28 =	simm.s32 $0x8020;
	s29 =	simm.s32 $0x0;
	[sflag:s19] =	ssyncset.done $0x0  }
0x94: {  	s10 =	simm.s32 $0x0;
	s6 =	simm.s32 $0x0;
	[sflag:s19] =	ssyncadd.s32 $0xFFFFFC00  }
.LBB2_3:
0x95: {  	s12 =	sand.u32 $0x40, s26;
	s11 =	sand.u32 $0x1C00, s6  }
0x96: {  	s7 =	sor.u32 s12, s11  }
0x97: {  	s9 =	simm.s32 $0x1;
	v6 =	vld [tilespmem:s7+$0x0]  }
0x98: {  	s9 =	simm.s32 @!p1 $0x0;
	v7 =	vld [tilespmem:s7+$0x80]  }
0x99: {  	v19 =	vld [tilespmem:s28+$0xFFFFFFE0];
	s9 =	sshll.u32 s9, $0x6  }
0x9a: {  	v8 =	vld [tilespmem:s7+$0x100];
	s15 =	sadd.s32 s9, s6  }
0x9b: {  	v9 =	vld [tilespmem:s7+$0x180];
	s9 =	sor.u32 $0x200, s15  }
0x9c: {  	s17 =	sor.u32 $0x280, s15;
	v11 =	vld [tilespmem:s9+$0x0]  }
0x9d: {  	s30 =	sor.u32 s26, s6;
	v20 =	vmov s26;
	v34 =	vor.u32 s26, v0;
	s7 =	sor.u32 $0x300, s15;
	v12 =	vld [tilespmem:s17+$0x0];
	v10 =	vadd.f32 v7, v6  }
0x9e: {  	v35 =	vshll.u32 v20, $0x3;
	v36 =	vand.u32 $0x4F, v34;
	v13 =	vld [tilespmem:s7+$0x0];
	s7 =	sor.u32 $0x380, s30;
	s9 =	sor.u32 $0x2000, s11  }
0x9f: {  	v37 =	vshll.u32 v19, $0xA;
	v38 =	vshll.u32 v19, $0x7;
	s30 =	sadd.s32 $0x10, s26;
	v14 =	vld [tilespmem:s7+$0x0];
	s31 =	sor.u32 s12, s9;
	s7 =	sor.u32 $0x2080, s11;
	v10 =	vadd.f32 v8, v10  }
0xa0: {  	v15 =	vmul.f32 v6, v6;
	v16 =	vmul.f32 v7, v7;
	v17 =	vld [tilespmem:s31+$0x0];
	s12 =	sor.u32 s12, s7;
	v6 =	vmax.f32 v6, v7;
	s31 =	sand.u32 $0x50, s30  }
0xa1: {  	v29 =	vmul.f32 v8, v8;
	v18 =	vld [tilespmem:s12+$0x0];
	v6 =	vmax.f32 v6, v8;
	s17 =	sor.u32 s31, s11;
	v10 =	vadd.f32 v9, v10  }
0xa2: {  	s15 =	sand.u32 $0x7, s10;
	v30 =	vmul.f32 v9, v9;
	v15 =	vadd.f32 v16, v15;
	v6 =	vmax.f32 v6, v9;
	v42 =	vld [tilespmem:s17+$0x0]  }
0xa3: {  	s12 =	sshll.u32 s15, $0x4;
	v8 =	vand.u32 $0x1C00, v35;
	v45 =	vld [tilespmem:s17+$0x80];
	v31 =	vmul.f32 v11, v11;
	v10 =	vadd.f32 v11, v10  }
0xa4: {  	v47 =	vld [tilespmem:s17+$0x100];
	s12 =	sadd.s32 s6, s12;
	v33 =	vmul.f32 v12, v12;
	v6 =	vmax.f32 v6, v11;
	v8 =	vor.u32 v8, v36  }
0xa5: {  	v50 =	vld [tilespmem:s17+$0x180];
	s17 =	sadd.s32 $0x10, s12;
	v15 =	vadd.f32 v29, v15;
	v6 =	vmax.f32 v6, v12;
	v10 =	vadd.f32 v12, v10  }
0xa6: {  	v39 =	vmul.f32 v13, v13;
	v40 =	vmul.f32 v14, v14;
	s15 =	sor.u32 $0x200, s17;
	v6 =	vmax.f32 v6, v13  }
0xa7: {  	v41 =	vmul.f32 v17, v17;
	v54 =	vld [tilespmem:s15+$0x0];
	s15 =	sor.u32 $0x280, s17;
	v15 =	vadd.f32 v30, v15;
	v10 =	vadd.f32 v13, v10  }
0xa8: {  	s17 =	sor.u32 $0x300, s17;
	v11 =	vand.u32 $0x380, v38;
	v6 =	vmax.f32 v6, v14;
	v46 =	vmul.f32 v18, v18;
	v22 =	vld [tilespmem:s15+$0x0]  }
0xa9: {  	v25 =	vld [tilespmem:s17+$0x0];
	v29 =	vmul.f32 v42, v42;
	v30 =	vmul.f32 v45, v45;
	v10 =	vadd.f32 v14, v10  }
0xaa: {  	v38 =	vor.u32 s30, v0;
	v6 =	vmax.f32 v6, v17;
	v52 =	vadd.f32 v45, v42  }
0xab: {  	s17 =	sor.u32 s30, s6;
	v59 =	vmul.f32 v47, v47;
	v58 =	vadd.f32 v30, v29;
	v10 =	vadd.f32 v17, v10  }
0xac: {  	s15 =	sor.u32 $0x380, s17;
	s17 =	sor.u32 s31, s9;
	v62 =	vmul.f32 v50, v50;
	v32 =	vadd.f32 v31, v15;
	v43 =	vmax.f32 v6, v18  }
0xad: {  	v31 =	vld [tilespmem:s17+$0x0];
	v15 =	vand.u32 $0x5F, v38;
	v61 =	vadd.f32 v59, v58;
	v7 =	vadd.f32 v18, v10  }
0xae: {  	v30 =	vmul.f32 v22, v22;
	v36 =	vmul.f32 v25, v25;
	v18 =	vadd.f32 v47, v52  }
0xaf: {  	v10 =	vand.u32 $0xFFFFE000, v37;
	(erf) = vrcp.f32 v7;
	v7 =	vadd.f32 v33, v32;
	v33 =	vld [tilespmem:s28+$0xFFFFFFF0]  }
0xb0: {  	s31 =	sor.u32 s31, s7;
	v37 =	vmov s30;
	s30 =	sadd.s32 $0x20, s26;
	v8 =	vor.u32 v10, v8;
	v18 =	vadd.f32 v50, v18  }
0xb1: {  	v60 =	vld [tilespmem:s31+$0x0];
	v10 =	vmax.f32 v42, v45;
	v13 =	vshll.u32 v37, $0x3;
	s31 =	sand.u32 $0x60, s30;
	v7 =	vadd.f32 v39, v7  }
0xb2: {  	v28 =	vld [tilespmem:s15+$0x0];
	v42 =	vmul.f32 v31, v31;
	v8 =	vor.u32 v11, v8;
	s15 =	sor.u32 s31, s11;
	v18 =	vadd.f32 v54, v18  }
0xb3: {  	v11 =	vadd.f32 v62, v61;
	v10 =	vmax.f32 v10, v47;
	v19 =	vld [tilespmem:s15+$0x100];
	v7 =	vadd.f32 v40, v7  }
0xb4: {  	v13 =	vand.u32 $0x1C00, v13;
	v18 =	vadd.f32 v22, v18;
	v14 =	vshll.u32 v33, $0x7  }
0xb5: {  	v10 =	vmax.f32 v10, v50;
	v7 =	vadd.f32 v41, v7;
	v41 =	vand.u32 $0x380, v14;
	v14 =	vld [tilespmem:s15+$0x80]  }
0xb6: {  	v13 =	vor.u32 v13, v15;
	v40 =	vshll.u32 v33, $0xA;
	v57 =	vadd.f32 v25, v18  }
0xb7: {  	v34 =	vmax.f32 v10, v54;
	v39 =	vmul.f32 v28, v28;
	v16 =	vand.u32 $0xFFFFE000, v40  }
0xb8: {  	v38 =	vmul.f32 v19, v19;
	v7 =	vadd.f32 v46, v7;
	v9 =	vadd.f32 v28, v57;
	v44 =	vpop (erf)  }
0xb9: {  	v13 =	vor.u32 v16, v13;
	v46 =	vmul.f32 v60, v60;
	v6 =	vmul.f32 v44, v43  }
0xba: {  	v7 =	vmul.f32 v44, v7;
	v9 =	vadd.f32 v31, v9;
	v33 =	vmul.f32 v14, v14  }
0xbb: {  	vm0 =	vgt.f32 v6, $6.666667010e-02;
	vm1 =	vgt.f32 v6, $2.000000180e-01;
	vm7 =	vgt.f32 v6, $2.666666810e-01  }
0xbc: {  	v8 =	vld.idx.msk [tilespmem:v8+s4+$0x0], $0xffff;
	vm8 =	vgt.f32 v6, $3.333333430e-01;
	vm9 =	vgt.f32 v6, $4.000000360e-01;
	vm10 =	vgt.f32 v6, $4.666666980e-01  }
0xbd: {  	vm11 =	vgt.f32 v6, $5.333333610e-01;
	vm12 =	vgt.f32 v6, $6.000000240e-01;
	vm13 =	vgt.f32 v6, $6.666666860e-01  }
0xbe: {  	vm14 =	vgt.f32 v6, $7.333333490e-01;
	v27 =	vmul.f32 v7, v44;
	vm15 =	vgt.f32 v6, $1.333333400e-01  }
0xbf: {  	vm4 =	vgt.f32 v6, $8.000000710e-01;
	vm5 =	vgt.f32 v6, $8.666667340e-01;
	v9 =	vadd.f32 v60, v9  }
0xc0: {  	vm6 =	vgt.f32 v6, $9.333333960e-01;
	v48 =	vsel vm0, $0x1, v3;
	v49 =	vsel vm1, $0x1, v3  }
0xc1: {  	v51 =	vsel vm7, $0x1, v3;
	vm0 =	veq.f32 v8, v43;
	v53 =	vsel vm8, $0x1, v3  }
0xc2: {  	v55 =	vsel vm9, $0x1, v3;
	v21 =	vsel vm10, $0x1, v3;
	v8 =	vadd.f32 v8, v8  }
0xc3: {  	v23 =	vsel vm11, $0x1, v3;
	v24 =	vsel vm12, $0x1, v3;
	v56 =	vsel vm15, v5, v1  }
0xc4: {  	v26 =	vsel vm13, $0x1, v3;
	v12 =	vmul.f32 v44, v8;
	v8 =	vadd.s32 v48, v56  }
0xc5: {  	v16 =	vld [tilespmem:s15+$0x0];
	v7 =	vsel vm14, $0x1, v3;
	(erf) = vrcp.f32 v9;
	v8 =	vadd.s32 v49, v8  }
0xc6: {  	v32 =	vsel vm4, $0x1, v3;
	v9 =	vmax.f32 v34, v22;
	v8 =	vadd.s32 v51, v8  }
0xc7: {  	s17 =	sand.u32 $0x3, s29;
	v18 =	vld [tilespmem:s15+$0x180];
	v63 =	vsel vm5, $0x1, v3;
	v9 =	vmax.f32 v9, v25;
	v8 =	vadd.s32 v53, v8  }
0xc8: {  	s17 =	sshll.u32 s17, $0x5;
	v47 =	vsel vm6, $0x1, v3;
	v9 =	vmax.f32 v9, v28;
	v8 =	vadd.s32 v55, v8  }
0xc9: {  	s17 =	sadd.s32 s6, s17;
	v9 =	vmax.f32 v9, v31;
	v8 =	vadd.s32 v21, v8;
	v21 =	vmul.f32 v54, v54  }
0xca: {  	s15 =	sadd.s32 $0x20, s17;
	v12 =	vsub.f32 v27, v12;
	v53 =	vadd.f32 v14, v16;
	v14 =	vmax.f32 v16, v14  }
0xcb: {  	s17 =	sor.u32 $0x200, s15;
	v14 =	vmax.f32 v14, v19;
	v8 =	vadd.s32 v23, v8;
	v11 =	vadd.f32 v21, v11  }
0xcc: {  	v12 =	vadd.f32 $1.000000000e+00, v12;
	v14 =	vmax.f32 v14, v18;
	v23 =	vld [tilespmem:s17+$0x0];
	v8 =	vadd.s32 v24, v8  }
0xcd: {  	v21 =	vadd.f32 v19, v53;
	v8 =	vadd.s32 v26, v8;
	v35 =	vadd.f32 v30, v11  }
0xce: {  	v44 =	vpop (erf);
	v11 =	vor.u32 v41, v13;
	v43 =	vadd.s32 v7, v8;
	v8 =	vmax.f32 v9, v60  }
0xcf: {  	v21 =	vadd.f32 v18, v21;
	v7 =	vmul.f32 v44, v8;
	v13 =	vadd.s32 v32, v43  }
0xd0: {  	s17 =	sor.u32 $0x280, s15;
	v43 =	vmul.f32 v18, v18;
	v10 =	vadd.f32 v36, v35;
	v13 =	vadd.s32 v63, v13  }
0xd1: {  	v58 =	vld [tilespmem:s17+$0x0];
	v21 =	vadd.f32 v23, v21;
	v36 =	vmul.f32 v16, v16;
	v14 =	vmax.f32 v14, v23  }
0xd2: {  	s15 =	sor.u32 $0x300, s15;
	vm7 =	vgt.f32 v7, $6.666667010e-02;
	v9 =	vadd.s32 v47, v13;
	vm8 =	vgt.f32 v7, $2.000000180e-01  }
0xd3: {  	vm9 =	vgt.f32 v7, $2.666666810e-01;
	vm10 =	vgt.f32 v7, $3.333333430e-01;
	vm11 =	vgt.f32 v7, $4.000000360e-01  }
0xd4: {  	vm12 =	vgt.f32 v7, $4.666666980e-01;
	vm13 =	vgt.f32 v7, $5.333333610e-01;
	vm14 =	vgt.f32 v7, $6.000000240e-01  }
0xd5: {  	s17 =	sor.u32 s30, s6;
	vm15 =	vgt.f32 v7, $6.666666860e-01;
	vm4 =	vgt.f32 v7, $1.333333400e-01;
	vm5 =	vgt.f32 v7, $7.333333490e-01  }
0xd6: {  	v61 =	vld [tilespmem:s15+$0x0];
	s15 =	sor.u32 $0x380, s17;
	vm6 =	vgt.f32 v7, $8.000000710e-01;
	v47 =	vmov s30;
	v14 =	vmax.f32 v14, v58  }
0xd7: {  	v34 =	vld [tilespmem:s15+$0x0];
	v10 =	vadd.f32 v39, v10;
	v49 =	vsel vm7, $0x1, v3;
	v51 =	vsel vm8, $0x1, v3  }
0xd8: {  	v52 =	vsel vm9, $0x1, v3;
	v54 =	vsel vm10, $0x1, v3;
	v55 =	vsel vm11, $0x1, v3  }
0xd9: {  	v57 =	vsel vm12, $0x1, v3;
	v59 =	vsel vm13, $0x1, v3;
	v60 =	vsel vm14, $0x1, v3  }
0xda: {  	v62 =	vsel vm15, $0x1, v3;
	v63 =	vsel vm4, v5, v1;
	v21 =	vadd.f32 v58, v21  }
0xdb: {  	s17 =	sor.u32 s31, s9;
	v37 =	vadd.f32 v33, v36;
	v40 =	vsel vm5, $0x1, v3;
	v14 =	vmax.f32 v14, v61  }
0xdc: {  	v39 =	vld [tilespmem:s17+$0x0];
	vm7 =	vgt.f32 v7, $8.666667340e-01;
	vm8 =	vgt.f32 v7, $9.333333960e-01;
	v14 =	vmax.f32 v14, v34  }
0xdd: {  	v35 =	vsel vm8, $0x1, v3;
	v45 =	vadd.f32 v42, v10;
	v10 =	vld.idx.msk [tilespmem:v11+s4+$0x0], $0xffff;
	v11 =	vadd.s32 v49, v63  }
0xde: {  	v41 =	vadd.f32 v61, v21;
	v42 =	vadd.f32 v38, v37;
	v49 =	vor.u32 s30, v0  }
0xdf: {  	v11 =	vadd.s32 v51, v11;
	v51 =	vmul.f32 v58, v58;
	v58 =	vsel vm7, $0x1, v3  }
0xe0: {  	v48 =	vadd.f32 v46, v45;
	v11 =	vadd.s32 v52, v11;
	v20 =	vadd.f32 v34, v41  }
0xe1: {  	v13 =	vadd.f32 v43, v42;
	v46 =	vmul.f32 v23, v23;
	v11 =	vadd.s32 v54, v11  }
0xe2: {  	v45 =	vld [tilespmem:s28+$0x0];
	v54 =	vmul.f32 v61, v61;
	v14 =	vmax.f32 v14, v39;
	v50 =	vmul.f32 v44, v48  }
0xe3: {  	v11 =	vadd.s32 v55, v11;
	v48 =	vadd.f32 v39, v20;
	v13 =	vadd.f32 v46, v13  }
0xe4: {  	s17 =	sadd.s32 $0x30, s12;
	v20 =	vand.u32 $0x6F, v49;
	v55 =	vsel vm6, $0x1, v3;
	v56 =	vadd.f32 v10, v10  }
0xe5: {  	s12 =	sor.u32 $0x200, s17;
	v11 =	vadd.s32 v57, v11;
	v57 =	vmul.f32 v39, v39;
	v22 =	vmul.f32 v50, v44  }
0xe6: {  	v28 =	vld [tilespmem:s12+$0x0];
	v50 =	vshll.u32 v47, $0x3;
	v13 =	vadd.f32 v51, v13;
	v11 =	vadd.s32 v59, v11  }
0xe7: {  	s31 =	sor.u32 s31, s7;
	s30 =	sadd.s32 $0x30, s26;
	v15 =	vmul.f32 v44, v56;
	v17 =	vand.u32 $0x1C00, v50;
	v52 =	vshll.u32 v45, $0xA  }
0xe8: {  	v44 =	vld [tilespmem:s31+$0x0];
	v24 =	vshll.u32 v45, $0x7;
	v56 =	vmul.f32 v34, v34;
	v11 =	vadd.s32 v60, v11;
	s31 =	sand.u32 $0x70, s30  }
0xe9: {  	v17 =	vor.u32 v17, v20;
	v20 =	vand.u32 $0xFFFFE000, v52;
	v13 =	vadd.f32 v54, v13;
	s11 =	sor.u32 s31, s11  }
0xea: {  	v53 =	vand.u32 $0x380, v24;
	v59 =	vadd.s32 v62, v11;
	v23 =	vld [tilespmem:s11+$0x0];
	v63 =	vsub.f32 v22, v15  }
0xeb: {  	v54 =	vmul.f32 v28, v28;
	v17 =	vor.u32 v20, v17;
	v24 =	vld [tilespmem:s11+$0x80];
	v13 =	vadd.f32 v56, v13  }
0xec: {  	v20 =	vadd.s32 v40, v59;
	v19 =	vld [tilespmem:s11+$0x100];
	v56 =	vmov s30;
	v18 =	vadd.f32 $1.000000000e+00, v63  }
0xed: {  	s7 =	sor.u32 s31, s7;
	v22 =	vld [tilespmem:s11+$0x180];
	v32 =	vshll.u32 v56, $0x3;
	v16 =	vadd.f32 v44, v48;
	v60 =	vadd.f32 v57, v13  }
0xee: {  	s15 =	sor.u32 $0x280, s17;
	v59 =	vld [tilespmem:s7+$0x0];
	v61 =	vmul.f32 v44, v44;
	v13 =	vmax.f32 v14, v44;
	v57 =	vor.u32 s30, v0  }
0xef: {  	s11 =	sor.u32 $0x300, s17;
	v44 =	vld [tilespmem:s15+$0x0];
	v32 =	vand.u32 $0x1C00, v32;
	v33 =	vand.u32 $0x7F, v57;
	v12 =	vadd.f32 v18, v12  }
0xf0: {  	v48 =	vld [tilespmem:s11+$0x0];
	(erf) = vrcp.f32 v16;
	v16 =	vor.u32 v53, v17;
	v17 =	vadd.s32 v55, v20  }
0xf1: {  	v39 =	vadd.f32 v24, v23;
	v42 =	vmul.f32 v23, v23;
	v43 =	vmul.f32 v24, v24  }
0xf2: {  	s9 =	sor.u32 s31, s9;
	v47 =	vmul.f32 v19, v19;
	v50 =	vmul.f32 v22, v22;
	v53 =	vld [tilespmem:s28+$0x10];
	v17 =	vadd.s32 v58, v17  }
0xf3: {  	v55 =	vld [tilespmem:s9+$0x0];
	v23 =	vmax.f32 v23, v24;
	v15 =	vadd.s32 v35, v17;
	v26 =	vadd.f32 v19, v39  }
0xf4: {  	s17 =	sor.u32 s30, s6;
	v46 =	vadd.f32 v43, v42;
	v19 =	vmax.f32 v23, v19;
	v42 =	vmul.f32 v59, v59  }
0xf5: {  	s11 =	sor.u32 $0x380, s17;
	v58 =	vmul.f32 v44, v44;
	v35 =	vmul.f32 v48, v48;
	v19 =	vmax.f32 v19, v22  }
0xf6: {  	v51 =	vld [tilespmem:s11+$0x0];
	v26 =	vadd.f32 v22, v26;
	v20 =	vadd.f32 v47, v46;
	v19 =	vmax.f32 v19, v28  }
0xf7: {  	v11 =	vld.idx.msk [tilespmem:v16+s4+$0x0], $0xffff;
	v16 =	vadd.f32 v61, v60;
	v60 =	vor.u32 v32, v33;
	v61 =	vshll.u32 v53, $0xA  }
0xf8: {  	v21 =	vshll.u32 v53, $0x7;
	v39 =	vmul.f32 v55, v55;
	v19 =	vmax.f32 v19, v44  }
0xf9: {  	v49 =	vadd.f32 v28, v26;
	v20 =	vadd.f32 v50, v20;
	v32 =	vand.u32 $0xFFFFE000, v61  }
0xfa: {  	v21 =	vand.u32 $0x380, v21;
	v19 =	vmax.f32 v19, v48;
	v26 =	vor.u32 v32, v60  }
0xfb: {  	v19 =	vmax.f32 v19, v51;
	v25 =	vadd.f32 v44, v49;
	v20 =	vadd.f32 v54, v20;
	v62 =	vpop (erf)  }
0xfc: {  	v21 =	vor.u32 v21, v26;
	v19 =	vmax.f32 v19, v55;
	v14 =	vmul.f32 v62, v13  }
0xfd: {  	v19 =	vmax.f32 v19, v59;
	v16 =	vmul.f32 v62, v16;
	v25 =	vadd.f32 v48, v25  }
0xfe: {  	v36 =	vadd.f32 v11, v11;
	v20 =	vadd.f32 v58, v20;
	vm9 =	vgt.f32 v14, $6.666667010e-02  }
0xff: {  	vm10 =	vgt.f32 v14, $2.000000180e-01;
	vm11 =	vgt.f32 v14, $2.666666810e-01;
	v25 =	vadd.f32 v51, v25  }
0x100: {  	v16 =	vmul.f32 v16, v62;
	vm12 =	vgt.f32 v14, $3.333333430e-01;
	v17 =	vmul.f32 v62, v36  }
0x101: {  	vm13 =	vgt.f32 v14, $1.333333400e-01;
	vm14 =	vgt.f32 v14, $4.000000360e-01;
	v25 =	vadd.f32 v55, v25  }
0x102: {  	v62 =	vsel vm0, $0x3F800000, v3;
	vm15 =	vgt.f32 v14, $4.666666980e-01;
	vm4 =	vgt.f32 v14, $5.333333610e-01  }
0x103: {  	vm5 =	vgt.f32 v14, $6.000000240e-01;
	v20 =	vadd.f32 v35, v20;
	v25 =	vadd.f32 v59, v25  }
0x104: {  	vm6 =	vgt.f32 v14, $6.666666860e-01;
	vm7 =	vgt.f32 v14, $7.333333490e-01;
	vm8 =	vgt.f32 v14, $8.000000710e-01  }
0x105: {  	v37 =	vsel vm9, $0x1, v3;
	v45 =	vsel vm13, v5, v1;
	(erf) = vrcp.f32 v25  }
0x106: {  	v38 =	vsel vm10, $0x1, v3;
	v16 =	vsub.f32 v16, v17;
	v17 =	vadd.s32 v37, v45  }
0x107: {  	v40 =	vsel vm11, $0x1, v3;
	v17 =	vadd.s32 v38, v17;
	v38 =	vmul.f32 v51, v51  }
0x108: {  	v41 =	vsel vm12, $0x1, v3;
	v52 =	vsel vm14, $0x1, v3;
	v17 =	vadd.s32 v40, v17  }
0x109: {  	v63 =	vsel vm15, $0x1, v3;
	v17 =	vadd.s32 v41, v17;
	v20 =	vadd.f32 v38, v20  }
0x10a: {  	v36 =	vsel vm4, $0x1, v3;
	v21 =	vld.idx.msk [tilespmem:v21+s4+$0x0], $0xffff;
	v43 =	vsel vm8, $0x1, v3;
	v17 =	vadd.s32 v52, v17  }
0x10b: {  	vm9 =	vgt.f32 v14, $8.666667340e-01;
	v17 =	vadd.s32 v63, v17;
	v20 =	vadd.f32 v39, v20  }
0x10c: {  	vm10 =	vgt.f32 v14, $9.333333960e-01;
	v37 =	vsel vm5, $0x1, v3;
	v17 =	vadd.s32 v36, v17  }
0x10d: {  	v40 =	vsel vm6, $0x1, v3;
	v17 =	vadd.s32 v37, v17;
	v20 =	vadd.f32 v42, v20  }
0x10e: {  	v46 =	vsel vm9, $0x1, v3;
	v41 =	vsel vm7, $0x1, v3;
	v17 =	vadd.s32 v40, v17;
	v44 =	vpop (erf)  }
0x10f: {  	v45 =	vadd.f32 v21, v21;
	v17 =	vadd.s32 v41, v17;
	v20 =	vmul.f32 v44, v20  }
0x110: {  	v47 =	vsel vm10, $0x1, v3;
	v17 =	vadd.s32 v43, v17;
	v22 =	vmul.f32 v44, v19  }
0x111: {  	v17 =	vadd.s32 v46, v17;
	v24 =	vmul.f32 v44, v45;
	v20 =	vmul.f32 v20, v44  }
0x112: {  	v16 =	vadd.f32 $1.000000000e+00, v16;
	v17 =	vadd.s32 v47, v17;
	vm11 =	vgt.f32 v22, $6.666667010e-02  }
0x113: {  	vm12 =	vgt.f32 v22, $2.000000180e-01;
	vm13 =	vgt.f32 v22, $1.333333400e-01;
	v20 =	vsub.f32 v20, v24  }
0x114: {  	vm14 =	vgt.f32 v22, $2.666666810e-01;
	vm15 =	vgt.f32 v22, $3.333333430e-01;
	vm4 =	vgt.f32 v22, $4.000000360e-01  }
0x115: {  	v48 =	vsel vm11, $0x1, v3;
	v51 =	vsel vm13, v5, v1;
	v20 =	vadd.f32 $1.000000000e+00, v20  }
0x116: {  	v53 =	vld [tilespmem:$0x9380];
	vm5 =	vgt.f32 v22, $4.666666980e-01;
	v49 =	vsel vm12, $0x1, v3;
	v23 =	vadd.s32 v48, v51  }
0x117: {  	v50 =	vsel vm14, $0x1, v3;
	v23 =	vadd.s32 v49, v23;
	v16 =	vadd.f32 v20, v16  }
0x118: {  	vm6 =	vgt.f32 v22, $5.333333610e-01;
	v52 =	vsel vm15, $0x1, v3;
	v55 =	vadd.s32 v50, v23  }
0x119: {  	v54 =	vsel vm4, $0x1, v3;
	v20 =	vadd.s32 v52, v55;
	v12 =	vadd.f32 v16, v12  }
0x11a: {  	vm7 =	vgt.f32 v22, $6.000000240e-01;
	v56 =	vsel vm5, $0x1, v3;
	v18 =	vadd.s32 v54, v20  }
0x11b: {  	v57 =	vsel vm6, $0x1, v3;
	v16 =	vadd.s32 v56, v18;
	v12 =	vadd.f32 v12, v53  }
0x11c: {  	vm8 =	vgt.f32 v22, $6.666666860e-01;
	v58 =	vsel vm7, $0x1, v3;
	v16 =	vadd.s32 v57, v16  }
0x11d: {  	vm9 =	vgt.f32 v22, $7.333333490e-01;
	v59 =	vsel vm8, $0x1, v3;
	v16 =	vadd.s32 v58, v16;
	[tilespmem:$0x9380] =	vst v12  }
0x11e: {  	vm10 =	vgt.f32 v22, $8.000000710e-01;
	v60 =	vsel vm9, $0x1, v3;
	v16 =	vadd.s32 v59, v16;
	[tilespmem:v9+s20+$0x0] =	vst.idx.add.f32.msk $0xffff, v4  }
0x11f: {  	v61 =	vsel vm10, $0x1, v3;
	vm11 =	vgt.f32 v22, $8.666667340e-01;
	v12 =	vadd.s32 v60, v16;
	[tilespmem:v9+s21+$0x0] =	vst.idx.add.f32.msk $0xffff, v6  }
0x120: {  	vm12 =	vgt.f32 v22, $9.333333960e-01;
	v12 =	vadd.s32 v61, v12;
	v6 =	vsel vm11, $0x1, v3;
	[tilespmem:v9+s22+$0x0] =	vst.idx.add.f32.msk $0xffff, v62  }
0x121: {  	vm13 =	veq.f32 v10, v8;
	v62 =	vsel vm12, $0x1, v3;
	v6 =	vadd.s32 v6, v12;
	[tilespmem:v15+s20+$0x0] =	vst.idx.add.f32.msk $0xffff, v4  }
0x122: {  	v63 =	vsel vm13, $0x3F800000, v3;
	v6 =	vadd.s32 v62, v6;
	[tilespmem:v15+s21+$0x0] =	vst.idx.add.f32.msk $0xffff, v7  }
0x123: {  	[tilespmem:v15+s22+$0x0] =	vst.idx.add.f32.msk $0xffff, v63  }
0x124: {  	p2 =	sne.s32 s6, $0x1E00;
	vm14 =	veq.f32 v11, v13;
	[tilespmem:v17+s20+$0x0] =	vst.idx.add.f32.msk $0xffff, v4  }
.Ltmp2:
0x125: {  	v7 =	vsel vm14, $0x3F800000, v3;
	[tilespmem:v17+s21+$0x0] =	vst.idx.add.f32.msk $0xffff, v14;
	(pc) =	sbr.rel @p2 .LBB2_3-.Ltmp2, $4  }
0x126: {  	[tilespmem:v17+s22+$0x0] =	vst.idx.add.f32.msk $0xffff, v7  }
0x127: {  	vm15 =	veq.f32 v21, v19;
	[tilespmem:v6+s20+$0x0] =	vst.idx.add.f32.msk $0xffff, v4  }
0x128: {  	p1 =	por !p1, !p1;
	s10 =	sadd.s32 $0x4, s10;
	s29 =	sadd.s32 $0x2, s29;
	v7 =	vsel vm15, $0x3F800000, v3;
	[tilespmem:v6+s21+$0x0] =	vst.idx.add.f32.msk $0xffff, v22  }
0x129: {  	s26 =	sadd.s32 $0x40, s26;
	s6 =	sadd.s32 $0x200, s6;
	s28 =	sadd.s32 $0x40, s28;
	[tilespmem:v6+s22+$0x0] =	vst.idx.add.f32.msk $0xffff, v7  }
0x12a: {  	s6 =	sadd.s32 s2, s8  }
0x12b: {  	s2 =	simm.s32 $0x0;
	s7 =	sadd.s32 s1, s6;
	s6 =	sshrl.u32 s6, $0x3  }
0x12c: {  	[tilespmem:s2], [sflag:$0x1] =	stream.strided.gather [hbm4b:s7+s13], $0x4000, s14, s13, $0x38;
	[tilespmem:$0x9480] =	vst v63  }
0x12d: {  	s31 =	simm.s32 $0x8000;
	s6 =	sadd.s32 s3, s6  }
0x12e: {  	[tilespmem:s31], [sflag:$0x3] =	stream.linear.gather [hbm4b:s6+s2], $0x400, $0x38;
	[tilespmem:$0x9480] =	vst v63  }
0x12f: {  	_ =	swait.ge [sflag:s23], $0x4000  }
0x130: {  	[sflag:s23] =	ssyncset.done $0x0  }
0x131: {  	[sflag:s23] =	ssyncadd.s32 $0xFFFFC000  }
0x132: {  	p1 =	por $0x0, $0x0;
	_ =	swait.ge [sflag:s24], $0x400  }
0x133: {  	s26 =	simm.s32 $0x8420;
	s28 =	simm.s32 $0x0;
	[sflag:s24] =	ssyncset.done $0x0  }
0x134: {  	s29 =	simm.s32 $0x0;
	s10 =	simm.s32 $0x0;
	[sflag:s24] =	ssyncadd.s32 $0xFFFFFC00  }
.LBB2_5:
0x135: {  	s6 =	sand.u32 $0x1C00, s10  }
0x136: {  	s11 =	sand.u32 $0x40, s2;
	s9 =	sor.u32 $0x4000, s6  }
0x137: {  	s7 =	sor.u32 s11, s9  }
0x138: {  	s12 =	simm.s32 $0x1;
	v6 =	vld [tilespmem:s7+$0x0]  }
0x139: {  	s12 =	simm.s32 @!p1 $0x0;
	v7 =	vld [tilespmem:s7+$0x80]  }
0x13a: {  	v19 =	vld [tilespmem:s26+$0xFFFFFFE0];
	s12 =	sshll.u32 s12, $0x6  }
0x13b: {  	v8 =	vld [tilespmem:s7+$0x100];
	s30 =	sadd.s32 s12, s10  }
0x13c: {  	v9 =	vld [tilespmem:s7+$0x180];
	s12 =	sor.u32 $0x200, s30  }
0x13d: {  	s31 =	sor.u32 $0x280, s30;
	v11 =	vld [tilespmem:s12+$0x4000]  }
0x13e: {  	v20 =	vmov s2;
	v34 =	vor.u32 s2, v0;
	s7 =	sor.u32 $0x300, s30;
	v12 =	vld [tilespmem:s31+$0x4000];
	s12 =	sor.u32 s2, s10;
	v10 =	vadd.f32 v7, v6  }
0x13f: {  	v35 =	vshll.u32 v20, $0x3;
	v36 =	vand.u32 $0x4F, v34;
	v13 =	vld [tilespmem:s7+$0x4000];
	s7 =	sor.u32 $0x380, s12  }
0x140: {  	v37 =	vshll.u32 v19, $0xA;
	v14 =	vld [tilespmem:s7+$0x4000];
	s7 =	sor.u32 $0x6000, s6;
	v15 =	vmul.f32 v6, v6;
	v10 =	vadd.f32 v8, v10  }
0x141: {  	v38 =	vshll.u32 v19, $0x7;
	s12 =	sadd.s32 $0x10, s2;
	s6 =	sor.u32 $0x6080, s6;
	s15 =	sor.u32 s11, s7;
	v16 =	vmul.f32 v7, v7;
	v29 =	vmul.f32 v8, v8  }
0x142: {  	s30 =	sand.u32 $0x50, s12;
	s11 =	sor.u32 s11, s6;
	v30 =	vmul.f32 v9, v9;
	v6 =	vmax.f32 v6, v7;
	v17 =	vld [tilespmem:s15+$0x0];
	v10 =	vadd.f32 v9, v10  }
0x143: {  	v18 =	vld [tilespmem:s11+$0x0];
	v6 =	vmax.f32 v6, v8;
	s15 =	sor.u32 s30, s9;
	v15 =	vadd.f32 v16, v15;
	v31 =	vmul.f32 v11, v11  }
0x144: {  	s17 =	sand.u32 $0x7, s29;
	v33 =	vmul.f32 v12, v12;
	v6 =	vmax.f32 v6, v9;
	v42 =	vld [tilespmem:s15+$0x0];
	v10 =	vadd.f32 v11, v10  }
0x145: {  	s11 =	sshll.u32 s17, $0x4;
	v8 =	vand.u32 $0x1C00, v35;
	v39 =	vmul.f32 v13, v13;
	v45 =	vld [tilespmem:s15+$0x80];
	v6 =	vmax.f32 v6, v11  }
0x146: {  	v47 =	vld [tilespmem:s15+$0x100];
	s11 =	sadd.s32 s10, s11;
	v15 =	vadd.f32 v29, v15;
	v6 =	vmax.f32 v6, v12;
	v10 =	vadd.f32 v12, v10  }
0x147: {  	v50 =	vld [tilespmem:s15+$0x180];
	v8 =	vor.u32 v8, v36;
	s15 =	sadd.s32 $0x10, s11;
	v40 =	vmul.f32 v14, v14;
	v6 =	vmax.f32 v6, v13  }
0x148: {  	s31 =	sor.u32 $0x280, s15;
	v15 =	vadd.f32 v30, v15;
	v11 =	vand.u32 $0x380, v38;
	v10 =	vadd.f32 v13, v10  }
0x149: {  	s17 =	sor.u32 $0x200, s15;
	s15 =	sor.u32 $0x300, s15;
	v22 =	vld [tilespmem:s31+$0x4000];
	v6 =	vmax.f32 v6, v14;
	v41 =	vmul.f32 v17, v17;
	v46 =	vmul.f32 v18, v18  }
0x14a: {  	v25 =	vld [tilespmem:s15+$0x4000];
	v38 =	vor.u32 s12, v0;
	v6 =	vmax.f32 v6, v17;
	v10 =	vadd.f32 v14, v10  }
0x14b: {  	v52 =	vadd.f32 v45, v42;
	v29 =	vmul.f32 v42, v42;
	v30 =	vmul.f32 v45, v45  }
0x14c: {  	v59 =	vmul.f32 v47, v47;
	v62 =	vmul.f32 v50, v50;
	v10 =	vadd.f32 v17, v10  }
0x14d: {  	v54 =	vld [tilespmem:s17+$0x4000];
	s17 =	sor.u32 s30, s7;
	v32 =	vadd.f32 v31, v15;
	v43 =	vmax.f32 v6, v18;
	v58 =	vadd.f32 v30, v29  }
0x14e: {  	v31 =	vld [tilespmem:s17+$0x0];
	v15 =	vand.u32 $0x5F, v38;
	v30 =	vmul.f32 v22, v22;
	v7 =	vadd.f32 v18, v10  }
0x14f: {  	v36 =	vmul.f32 v25, v25;
	v61 =	vadd.f32 v59, v58;
	v18 =	vadd.f32 v47, v52  }
0x150: {  	v10 =	vand.u32 $0xFFFFE000, v37;
	(erf) = vrcp.f32 v7;
	v7 =	vadd.f32 v33, v32;
	v33 =	vld [tilespmem:s26+$0xFFFFFFF0]  }
0x151: {  	s31 =	sor.u32 s12, s10;
	s30 =	sor.u32 s30, s6;
	v37 =	vmov s12;
	s12 =	sadd.s32 $0x20, s2;
	v8 =	vor.u32 v10, v8;
	v18 =	vadd.f32 v50, v18  }
0x152: {  	s15 =	sor.u32 $0x380, s31;
	v60 =	vld [tilespmem:s30+$0x0];
	v10 =	vmax.f32 v42, v45;
	v13 =	vshll.u32 v37, $0x3;
	s30 =	sand.u32 $0x60, s12;
	v7 =	vadd.f32 v39, v7  }
0x153: {  	v28 =	vld [tilespmem:s15+$0x4000];
	v42 =	vmul.f32 v31, v31;
	v8 =	vor.u32 v11, v8;
	s15 =	sor.u32 s30, s9;
	v18 =	vadd.f32 v54, v18  }
0x154: {  	v11 =	vadd.f32 v62, v61;
	v10 =	vmax.f32 v10, v47;
	v19 =	vld [tilespmem:s15+$0x100];
	v7 =	vadd.f32 v40, v7  }
0x155: {  	v13 =	vand.u32 $0x1C00, v13;
	v18 =	vadd.f32 v22, v18;
	v14 =	vshll.u32 v33, $0x7  }
0x156: {  	v10 =	vmax.f32 v10, v50;
	v7 =	vadd.f32 v41, v7;
	v41 =	vand.u32 $0x380, v14;
	v14 =	vld [tilespmem:s15+$0x80]  }
0x157: {  	v13 =	vor.u32 v13, v15;
	v40 =	vshll.u32 v33, $0xA;
	v57 =	vadd.f32 v25, v18  }
0x158: {  	v34 =	vmax.f32 v10, v54;
	v39 =	vmul.f32 v28, v28;
	v16 =	vand.u32 $0xFFFFE000, v40  }
0x159: {  	v38 =	vmul.f32 v19, v19;
	v7 =	vadd.f32 v46, v7;
	v9 =	vadd.f32 v28, v57;
	v44 =	vpop (erf)  }
0x15a: {  	v13 =	vor.u32 v16, v13;
	v46 =	vmul.f32 v60, v60;
	v6 =	vmul.f32 v44, v43  }
0x15b: {  	v7 =	vmul.f32 v44, v7;
	v9 =	vadd.f32 v31, v9;
	v33 =	vmul.f32 v14, v14  }
0x15c: {  	vm0 =	vgt.f32 v6, $6.666667010e-02;
	vm1 =	vgt.f32 v6, $2.000000180e-01;
	vm7 =	vgt.f32 v6, $2.666666810e-01  }
0x15d: {  	v8 =	vld.idx.msk [tilespmem:v8+s16+$0x0], $0xffff;
	vm8 =	vgt.f32 v6, $3.333333430e-01;
	vm9 =	vgt.f32 v6, $4.000000360e-01;
	vm10 =	vgt.f32 v6, $4.666666980e-01  }
0x15e: {  	vm11 =	vgt.f32 v6, $5.333333610e-01;
	vm12 =	vgt.f32 v6, $6.000000240e-01;
	vm13 =	vgt.f32 v6, $6.666666860e-01  }
0x15f: {  	vm14 =	vgt.f32 v6, $7.333333490e-01;
	v27 =	vmul.f32 v7, v44;
	vm15 =	vgt.f32 v6, $1.333333400e-01  }
0x160: {  	vm4 =	vgt.f32 v6, $8.000000710e-01;
	vm5 =	vgt.f32 v6, $8.666667340e-01;
	v9 =	vadd.f32 v60, v9  }
0x161: {  	vm6 =	vgt.f32 v6, $9.333333960e-01;
	v48 =	vsel vm0, $0x1, v3;
	v49 =	vsel vm1, $0x1, v3  }
0x162: {  	v51 =	vsel vm7, $0x1, v3;
	vm0 =	veq.f32 v8, v43;
	v53 =	vsel vm8, $0x1, v3  }
0x163: {  	v55 =	vsel vm9, $0x1, v3;
	v21 =	vsel vm10, $0x1, v3;
	v8 =	vadd.f32 v8, v8  }
0x164: {  	v23 =	vsel vm11, $0x1, v3;
	v24 =	vsel vm12, $0x1, v3;
	v56 =	vsel vm15, v5, v1  }
0x165: {  	v26 =	vsel vm13, $0x1, v3;
	v12 =	vmul.f32 v44, v8;
	v8 =	vadd.s32 v48, v56  }
0x166: {  	v16 =	vld [tilespmem:s15+$0x0];
	v7 =	vsel vm14, $0x1, v3;
	(erf) = vrcp.f32 v9;
	v8 =	vadd.s32 v49, v8  }
0x167: {  	v32 =	vsel vm4, $0x1, v3;
	v9 =	vmax.f32 v34, v22;
	v8 =	vadd.s32 v51, v8  }
0x168: {  	s31 =	sand.u32 $0x3, s28;
	v18 =	vld [tilespmem:s15+$0x180];
	v63 =	vsel vm5, $0x1, v3;
	v9 =	vmax.f32 v9, v25;
	v8 =	vadd.s32 v53, v8  }
0x169: {  	s17 =	sshll.u32 s31, $0x5;
	v47 =	vsel vm6, $0x1, v3;
	v9 =	vmax.f32 v9, v28;
	v8 =	vadd.s32 v55, v8  }
0x16a: {  	s17 =	sadd.s32 s10, s17;
	v9 =	vmax.f32 v9, v31;
	v8 =	vadd.s32 v21, v8;
	v21 =	vmul.f32 v54, v54  }
0x16b: {  	s15 =	sadd.s32 $0x20, s17;
	v12 =	vsub.f32 v27, v12;
	v53 =	vadd.f32 v14, v16;
	v14 =	vmax.f32 v16, v14  }
0x16c: {  	s17 =	sor.u32 $0x200, s15;
	v14 =	vmax.f32 v14, v19;
	v8 =	vadd.s32 v23, v8;
	v11 =	vadd.f32 v21, v11  }
0x16d: {  	v12 =	vadd.f32 $1.000000000e+00, v12;
	v14 =	vmax.f32 v14, v18;
	v23 =	vld [tilespmem:s17+$0x4000];
	v8 =	vadd.s32 v24, v8  }
0x16e: {  	v21 =	vadd.f32 v19, v53;
	v8 =	vadd.s32 v26, v8;
	v35 =	vadd.f32 v30, v11  }
0x16f: {  	v44 =	vpop (erf);
	v11 =	vor.u32 v41, v13;
	v43 =	vadd.s32 v7, v8;
	v8 =	vmax.f32 v9, v60  }
0x170: {  	v21 =	vadd.f32 v18, v21;
	v7 =	vmul.f32 v44, v8;
	v13 =	vadd.s32 v32, v43  }
0x171: {  	s31 =	sor.u32 $0x280, s15;
	v43 =	vmul.f32 v18, v18;
	v10 =	vadd.f32 v36, v35;
	v13 =	vadd.s32 v63, v13  }
0x172: {  	v58 =	vld [tilespmem:s31+$0x4000];
	v21 =	vadd.f32 v23, v21;
	v36 =	vmul.f32 v16, v16;
	v14 =	vmax.f32 v14, v23  }
0x173: {  	s15 =	sor.u32 $0x300, s15;
	vm7 =	vgt.f32 v7, $6.666667010e-02;
	v9 =	vadd.s32 v47, v13;
	vm8 =	vgt.f32 v7, $2.000000180e-01  }
0x174: {  	vm9 =	vgt.f32 v7, $2.666666810e-01;
	vm10 =	vgt.f32 v7, $3.333333430e-01;
	vm11 =	vgt.f32 v7, $4.000000360e-01  }
0x175: {  	vm12 =	vgt.f32 v7, $4.666666980e-01;
	vm13 =	vgt.f32 v7, $5.333333610e-01;
	vm14 =	vgt.f32 v7, $6.000000240e-01  }
0x176: {  	s31 =	sor.u32 s12, s10;
	vm15 =	vgt.f32 v7, $6.666666860e-01;
	vm4 =	vgt.f32 v7, $1.333333400e-01;
	vm5 =	vgt.f32 v7, $7.333333490e-01  }
0x177: {  	v61 =	vld [tilespmem:s15+$0x4000];
	s15 =	sor.u32 $0x380, s31;
	vm6 =	vgt.f32 v7, $8.000000710e-01;
	v47 =	vmov s12;
	v14 =	vmax.f32 v14, v58  }
0x178: {  	v34 =	vld [tilespmem:s15+$0x4000];
	v10 =	vadd.f32 v39, v10;
	v49 =	vsel vm7, $0x1, v3;
	v51 =	vsel vm8, $0x1, v3  }
0x179: {  	v52 =	vsel vm9, $0x1, v3;
	v54 =	vsel vm10, $0x1, v3;
	v55 =	vsel vm11, $0x1, v3  }
0x17a: {  	v57 =	vsel vm12, $0x1, v3;
	v59 =	vsel vm13, $0x1, v3;
	v60 =	vsel vm14, $0x1, v3  }
0x17b: {  	v62 =	vsel vm15, $0x1, v3;
	v63 =	vsel vm4, v5, v1;
	v21 =	vadd.f32 v58, v21  }
0x17c: {  	s17 =	sor.u32 s30, s7;
	v37 =	vadd.f32 v33, v36;
	v40 =	vsel vm5, $0x1, v3;
	v14 =	vmax.f32 v14, v61  }
0x17d: {  	v39 =	vld [tilespmem:s17+$0x0];
	vm7 =	vgt.f32 v7, $8.666667340e-01;
	vm8 =	vgt.f32 v7, $9.333333960e-01;
	v14 =	vmax.f32 v14, v34  }
0x17e: {  	v35 =	vsel vm8, $0x1, v3;
	v45 =	vadd.f32 v42, v10;
	v10 =	vld.idx.msk [tilespmem:v11+s16+$0x0], $0xffff;
	v11 =	vadd.s32 v49, v63  }
0x17f: {  	v41 =	vadd.f32 v61, v21;
	v42 =	vadd.f32 v38, v37;
	v49 =	vor.u32 s12, v0  }
0x180: {  	v11 =	vadd.s32 v51, v11;
	v51 =	vmul.f32 v58, v58;
	v58 =	vsel vm7, $0x1, v3  }
0x181: {  	v48 =	vadd.f32 v46, v45;
	v11 =	vadd.s32 v52, v11;
	v20 =	vadd.f32 v34, v41  }
0x182: {  	v13 =	vadd.f32 v43, v42;
	v46 =	vmul.f32 v23, v23;
	v11 =	vadd.s32 v54, v11  }
0x183: {  	s15 =	sadd.s32 $0x30, s11;
	s12 =	sadd.s32 $0x30, s2;
	v45 =	vld [tilespmem:s26+$0x0];
	v54 =	vmul.f32 v61, v61;
	v14 =	vmax.f32 v14, v39;
	v50 =	vmul.f32 v44, v48  }
0x184: {  	s31 =	sor.u32 s30, s6;
	s11 =	sor.u32 $0x200, s15;
	s30 =	sand.u32 $0x70, s12;
	v11 =	vadd.s32 v55, v11;
	v48 =	vadd.f32 v39, v20;
	v13 =	vadd.f32 v46, v13  }
0x185: {  	v28 =	vld [tilespmem:s11+$0x4000];
	s9 =	sor.u32 s30, s9;
	v20 =	vand.u32 $0x6F, v49;
	v55 =	vsel vm6, $0x1, v3;
	v56 =	vadd.f32 v10, v10  }
0x186: {  	v23 =	vld [tilespmem:s9+$0x0];
	v11 =	vadd.s32 v57, v11;
	v57 =	vmul.f32 v39, v39;
	v22 =	vmul.f32 v50, v44  }
0x187: {  	v19 =	vld [tilespmem:s9+$0x100];
	v50 =	vshll.u32 v47, $0x3;
	v13 =	vadd.f32 v51, v13;
	v11 =	vadd.s32 v59, v11  }
0x188: {  	v15 =	vmul.f32 v44, v56;
	v17 =	vand.u32 $0x1C00, v50;
	v52 =	vshll.u32 v45, $0xA  }
0x189: {  	v24 =	vshll.u32 v45, $0x7;
	v56 =	vmul.f32 v34, v34;
	v11 =	vadd.s32 v60, v11  }
0x18a: {  	v44 =	vld [tilespmem:s31+$0x0];
	v17 =	vor.u32 v17, v20;
	v20 =	vand.u32 $0xFFFFE000, v52;
	v53 =	vand.u32 $0x380, v24  }
0x18b: {  	v13 =	vadd.f32 v54, v13;
	v59 =	vadd.s32 v62, v11;
	v42 =	vmul.f32 v23, v23  }
0x18c: {  	v24 =	vld [tilespmem:s9+$0x80];
	v47 =	vmul.f32 v19, v19;
	v54 =	vmul.f32 v28, v28;
	v63 =	vsub.f32 v22, v15  }
0x18d: {  	v17 =	vor.u32 v20, v17;
	v13 =	vadd.f32 v56, v13;
	v56 =	vmov s12  }
0x18e: {  	v20 =	vadd.s32 v40, v59;
	v22 =	vld [tilespmem:s9+$0x180];
	v32 =	vshll.u32 v56, $0x3;
	v18 =	vadd.f32 $1.000000000e+00, v63  }
0x18f: {  	s6 =	sor.u32 s30, s6;
	v16 =	vadd.f32 v44, v48;
	v60 =	vadd.f32 v57, v13;
	v61 =	vmul.f32 v44, v44  }
0x190: {  	s17 =	sor.u32 $0x280, s15;
	v59 =	vld [tilespmem:s6+$0x0];
	v13 =	vmax.f32 v14, v44;
	v57 =	vor.u32 s12, v0;
	v32 =	vand.u32 $0x1C00, v32  }
0x191: {  	s9 =	sor.u32 $0x300, s15;
	v44 =	vld [tilespmem:s17+$0x4000];
	v39 =	vadd.f32 v24, v23;
	v43 =	vmul.f32 v24, v24;
	v33 =	vand.u32 $0x7F, v57  }
0x192: {  	v48 =	vld [tilespmem:s9+$0x4000];
	v23 =	vmax.f32 v23, v24;
	v12 =	vadd.f32 v18, v12;
	(erf) = vrcp.f32 v16  }
0x193: {  	v16 =	vor.u32 v53, v17;
	v17 =	vadd.s32 v55, v20;
	v50 =	vmul.f32 v22, v22  }
0x194: {  	s7 =	sor.u32 s30, s7;
	v53 =	vld [tilespmem:s26+$0x10];
	v17 =	vadd.s32 v58, v17;
	v26 =	vadd.f32 v19, v39;
	v46 =	vadd.f32 v43, v42  }
0x195: {  	s31 =	sor.u32 s12, s10;
	v55 =	vld [tilespmem:s7+$0x0];
	v19 =	vmax.f32 v23, v19;
	v42 =	vmul.f32 v59, v59;
	v15 =	vadd.s32 v35, v17  }
0x196: {  	s9 =	sor.u32 $0x380, s31;
	v19 =	vmax.f32 v19, v22;
	v26 =	vadd.f32 v22, v26;
	v20 =	vadd.f32 v47, v46  }
0x197: {  	v51 =	vld [tilespmem:s9+$0x4000];
	v58 =	vmul.f32 v44, v44;
	v35 =	vmul.f32 v48, v48;
	v19 =	vmax.f32 v19, v28  }
0x198: {  	v19 =	vmax.f32 v19, v44;
	v11 =	vld.idx.msk [tilespmem:v16+s16+$0x0], $0xffff;
	v16 =	vadd.f32 v61, v60;
	v49 =	vadd.f32 v28, v26  }
0x199: {  	v20 =	vadd.f32 v50, v20;
	v60 =	vor.u32 v32, v33;
	v61 =	vshll.u32 v53, $0xA  }
0x19a: {  	v21 =	vshll.u32 v53, $0x7;
	v39 =	vmul.f32 v55, v55;
	v19 =	vmax.f32 v19, v48  }
0x19b: {  	v32 =	vand.u32 $0xFFFFE000, v61;
	v21 =	vand.u32 $0x380, v21;
	v25 =	vadd.f32 v44, v49  }
0x19c: {  	v19 =	vmax.f32 v19, v51;
	v20 =	vadd.f32 v54, v20;
	v26 =	vor.u32 v32, v60  }
0x19d: {  	v19 =	vmax.f32 v19, v55;
	v21 =	vor.u32 v21, v26;
	v62 =	vpop (erf);
	v25 =	vadd.f32 v48, v25  }
0x19e: {  	v19 =	vmax.f32 v19, v59;
	v20 =	vadd.f32 v58, v20;
	v14 =	vmul.f32 v62, v13  }
0x19f: {  	v16 =	vmul.f32 v62, v16;
	v36 =	vadd.f32 v11, v11;
	v25 =	vadd.f32 v51, v25  }
0x1a0: {  	v20 =	vadd.f32 v35, v20;
	vm9 =	vgt.f32 v14, $6.666667010e-02;
	vm10 =	vgt.f32 v14, $2.000000180e-01  }
0x1a1: {  	vm11 =	vgt.f32 v14, $2.666666810e-01;
	v16 =	vmul.f32 v16, v62;
	vm12 =	vgt.f32 v14, $3.333333430e-01  }
0x1a2: {  	v17 =	vmul.f32 v62, v36;
	vm13 =	vgt.f32 v14, $1.333333400e-01;
	v25 =	vadd.f32 v55, v25  }
0x1a3: {  	vm14 =	vgt.f32 v14, $4.000000360e-01;
	v62 =	vsel vm0, $0x3F800000, v3;
	vm15 =	vgt.f32 v14, $4.666666980e-01  }
0x1a4: {  	vm4 =	vgt.f32 v14, $5.333333610e-01;
	vm5 =	vgt.f32 v14, $6.000000240e-01;
	v25 =	vadd.f32 v59, v25  }
0x1a5: {  	vm6 =	vgt.f32 v14, $6.666666860e-01;
	vm7 =	vgt.f32 v14, $7.333333490e-01;
	vm8 =	vgt.f32 v14, $8.000000710e-01  }
0x1a6: {  	v37 =	vsel vm9, $0x1, v3;
	v45 =	vsel vm13, v5, v1;
	(erf) = vrcp.f32 v25  }
0x1a7: {  	v38 =	vsel vm10, $0x1, v3;
	v16 =	vsub.f32 v16, v17;
	v17 =	vadd.s32 v37, v45  }
0x1a8: {  	v40 =	vsel vm11, $0x1, v3;
	v17 =	vadd.s32 v38, v17;
	v38 =	vmul.f32 v51, v51  }
0x1a9: {  	v41 =	vsel vm12, $0x1, v3;
	v52 =	vsel vm14, $0x1, v3;
	v17 =	vadd.s32 v40, v17  }
0x1aa: {  	v63 =	vsel vm15, $0x1, v3;
	v17 =	vadd.s32 v41, v17;
	v20 =	vadd.f32 v38, v20  }
0x1ab: {  	v36 =	vsel vm4, $0x1, v3;
	v21 =	vld.idx.msk [tilespmem:v21+s16+$0x0], $0xffff;
	v43 =	vsel vm8, $0x1, v3;
	v17 =	vadd.s32 v52, v17  }
0x1ac: {  	vm9 =	vgt.f32 v14, $8.666667340e-01;
	v17 =	vadd.s32 v63, v17;
	v20 =	vadd.f32 v39, v20  }
0x1ad: {  	vm10 =	vgt.f32 v14, $9.333333960e-01;
	v37 =	vsel vm5, $0x1, v3;
	v17 =	vadd.s32 v36, v17  }
0x1ae: {  	v40 =	vsel vm6, $0x1, v3;
	v17 =	vadd.s32 v37, v17;
	v20 =	vadd.f32 v42, v20  }
0x1af: {  	v46 =	vsel vm9, $0x1, v3;
	v41 =	vsel vm7, $0x1, v3;
	v17 =	vadd.s32 v40, v17;
	v44 =	vpop (erf)  }
0x1b0: {  	v45 =	vadd.f32 v21, v21;
	v17 =	vadd.s32 v41, v17;
	v20 =	vmul.f32 v44, v20  }
0x1b1: {  	v47 =	vsel vm10, $0x1, v3;
	v17 =	vadd.s32 v43, v17;
	v22 =	vmul.f32 v44, v19  }
0x1b2: {  	v17 =	vadd.s32 v46, v17;
	v24 =	vmul.f32 v44, v45;
	v20 =	vmul.f32 v20, v44  }
0x1b3: {  	v16 =	vadd.f32 $1.000000000e+00, v16;
	v17 =	vadd.s32 v47, v17;
	vm11 =	vgt.f32 v22, $6.666667010e-02  }
0x1b4: {  	vm12 =	vgt.f32 v22, $2.000000180e-01;
	vm13 =	vgt.f32 v22, $1.333333400e-01;
	v20 =	vsub.f32 v20, v24  }
0x1b5: {  	vm14 =	vgt.f32 v22, $2.666666810e-01;
	vm15 =	vgt.f32 v22, $3.333333430e-01;
	vm4 =	vgt.f32 v22, $4.000000360e-01  }
0x1b6: {  	v48 =	vsel vm11, $0x1, v3;
	v51 =	vsel vm13, v5, v1;
	v20 =	vadd.f32 $1.000000000e+00, v20  }
0x1b7: {  	v53 =	vld [tilespmem:$0x9380];
	vm5 =	vgt.f32 v22, $4.666666980e-01;
	v49 =	vsel vm12, $0x1, v3;
	v23 =	vadd.s32 v48, v51  }
0x1b8: {  	v50 =	vsel vm14, $0x1, v3;
	v23 =	vadd.s32 v49, v23;
	v16 =	vadd.f32 v20, v16  }
0x1b9: {  	vm6 =	vgt.f32 v22, $5.333333610e-01;
	v52 =	vsel vm15, $0x1, v3;
	v55 =	vadd.s32 v50, v23  }
0x1ba: {  	v54 =	vsel vm4, $0x1, v3;
	v20 =	vadd.s32 v52, v55;
	v12 =	vadd.f32 v16, v12  }
0x1bb: {  	vm7 =	vgt.f32 v22, $6.000000240e-01;
	v56 =	vsel vm5, $0x1, v3;
	v18 =	vadd.s32 v54, v20  }
0x1bc: {  	v57 =	vsel vm6, $0x1, v3;
	v16 =	vadd.s32 v56, v18;
	v12 =	vadd.f32 v12, v53  }
0x1bd: {  	vm8 =	vgt.f32 v22, $6.666666860e-01;
	v58 =	vsel vm7, $0x1, v3;
	v16 =	vadd.s32 v57, v16  }
0x1be: {  	vm9 =	vgt.f32 v22, $7.333333490e-01;
	v59 =	vsel vm8, $0x1, v3;
	v16 =	vadd.s32 v58, v16;
	[tilespmem:$0x9380] =	vst v12  }
0x1bf: {  	vm10 =	vgt.f32 v22, $8.000000710e-01;
	v60 =	vsel vm9, $0x1, v3;
	v16 =	vadd.s32 v59, v16;
	[tilespmem:v9+s20+$0x0] =	vst.idx.add.f32.msk $0xffff, v4  }
0x1c0: {  	v61 =	vsel vm10, $0x1, v3;
	vm11 =	vgt.f32 v22, $8.666667340e-01;
	v12 =	vadd.s32 v60, v16;
	[tilespmem:v9+s21+$0x0] =	vst.idx.add.f32.msk $0xffff, v6  }
0x1c1: {  	vm12 =	vgt.f32 v22, $9.333333960e-01;
	v12 =	vadd.s32 v61, v12;
	v6 =	vsel vm11, $0x1, v3;
	[tilespmem:v9+s22+$0x0] =	vst.idx.add.f32.msk $0xffff, v62  }
0x1c2: {  	vm13 =	veq.f32 v10, v8;
	v62 =	vsel vm12, $0x1, v3;
	v6 =	vadd.s32 v6, v12;
	[tilespmem:v15+s20+$0x0] =	vst.idx.add.f32.msk $0xffff, v4  }
0x1c3: {  	v63 =	vsel vm13, $0x3F800000, v3;
	v6 =	vadd.s32 v62, v6;
	[tilespmem:v15+s21+$0x0] =	vst.idx.add.f32.msk $0xffff, v7  }
0x1c4: {  	[tilespmem:v15+s22+$0x0] =	vst.idx.add.f32.msk $0xffff, v63  }
0x1c5: {  	p2 =	sne.s32 s10, $0x1E00;
	vm14 =	veq.f32 v11, v13;
	[tilespmem:v17+s20+$0x0] =	vst.idx.add.f32.msk $0xffff, v4  }
.Ltmp3:
0x1c6: {  	v7 =	vsel vm14, $0x3F800000, v3;
	[tilespmem:v17+s21+$0x0] =	vst.idx.add.f32.msk $0xffff, v14;
	(pc) =	sbr.rel @p2 .LBB2_5-.Ltmp3, $4  }
0x1c7: {  	[tilespmem:v17+s22+$0x0] =	vst.idx.add.f32.msk $0xffff, v7  }
0x1c8: {  	vm15 =	veq.f32 v21, v19;
	[tilespmem:v6+s20+$0x0] =	vst.idx.add.f32.msk $0xffff, v4  }
0x1c9: {  	s29 =	sadd.s32 $0x4, s29;
	p1 =	por !p1, !p1;
	s28 =	sadd.s32 $0x2, s28;
	v7 =	vsel vm15, $0x3F800000, v3;
	[tilespmem:v6+s21+$0x0] =	vst.idx.add.f32.msk $0xffff, v22  }
0x1ca: {  	s2 =	sadd.s32 $0x40, s2;
	s10 =	sadd.s32 $0x200, s10;
	s26 =	sadd.s32 $0x40, s26;
	[tilespmem:v6+s22+$0x0] =	vst.idx.add.f32.msk $0xffff, v7  }
0x1cb: {  	s0 =	sadd.s32 $0x1, s0  }
0x1cc: {  	p1 =	sne.s32 s0, $0x1E  }
.Ltmp4:
0x1cd: {  	_ = 	snop;
	(pc) =	sbr.rel @p1 .LBB2_2-.Ltmp4, $1  }
0x1ce: {  	_ =	sdelay $0x3  }
0x1cf: {  	_ =	swait.ge [sflag:s18], $0x4000  }
0x1d0: {  	[sflag:s18] =	ssyncset.done $0x0  }
0x1d1: {  	[sflag:s18] =	ssyncadd.s32 $0xFFFFC000  }
0x1d2: {  	s0 =	simm.s32 $0x0;
	p1 =	por $0x0, $0x0;
	_ =	swait.ge [sflag:s19], $0x400  }
0x1d3: {  	s2 =	simm.s32 $0x8020;
	s26 =	simm.s32 $0x0;
	[sflag:s19] =	ssyncset.done $0x0  }
0x1d4: {  	s10 =	simm.s32 $0x0;
	s6 =	simm.s32 $0x0;
	[sflag:s19] =	ssyncadd.s32 $0xFFFFFC00  }
.LBB2_8:
0x1d5: {  	s12 =	sand.u32 $0x40, s0;
	s11 =	sand.u32 $0x1C00, s6  }
0x1d6: {  	s7 =	sor.u32 s12, s11  }
0x1d7: {  	v6 =	vld [tilespmem:s7+$0x0]  }
0x1d8: {  	s9 =	simm.s32 $0x1;
	v7 =	vld [tilespmem:s7+$0x80]  }
0x1d9: {  	v19 =	vld [tilespmem:s2+$0xFFFFFFE0];
	s9 =	simm.s32 @!p1 $0x0  }
0x1da: {  	v8 =	vld [tilespmem:s7+$0x100];
	s9 =	sshll.u32 s9, $0x6  }
0x1db: {  	s15 =	sadd.s32 s9, s6  }
0x1dc: {  	v9 =	vld [tilespmem:s7+$0x180];
	s9 =	sor.u32 $0x200, s15  }
0x1dd: {  	v20 =	vmov s0;
	v34 =	vor.u32 s0, v0;
	s17 =	sor.u32 $0x280, s15;
	v11 =	vld [tilespmem:s9+$0x0];
	v10 =	vadd.f32 v7, v6  }
0x1de: {  	s28 =	sor.u32 s0, s6;
	v35 =	vshll.u32 v20, $0x3;
	v36 =	vand.u32 $0x4F, v34;
	s7 =	sor.u32 $0x300, s15;
	v12 =	vld [tilespmem:s17+$0x0]  }
0x1df: {  	v13 =	vld [tilespmem:s7+$0x0];
	s7 =	sor.u32 $0x380, s28;
	s9 =	sor.u32 $0x2000, s11;
	v37 =	vshll.u32 v19, $0xA;
	v38 =	vshll.u32 v19, $0x7;
	v10 =	vadd.f32 v8, v10  }
0x1e0: {  	s28 =	sadd.s32 $0x10, s0;
	v14 =	vld [tilespmem:s7+$0x0];
	s29 =	sor.u32 s12, s9;
	s7 =	sor.u32 $0x2080, s11;
	v15 =	vmul.f32 v6, v6;
	v16 =	vmul.f32 v7, v7;
	v6 =	vmax.f32 v6, v7  }
0x1e1: {  	v17 =	vld [tilespmem:s29+$0x0];
	s12 =	sor.u32 s12, s7;
	v29 =	vmul.f32 v8, v8;
	s29 =	sand.u32 $0x50, s28;
	v6 =	vmax.f32 v6, v8;
	v10 =	vadd.f32 v9, v10  }
0x1e2: {  	v30 =	vmul.f32 v9, v9;
	v18 =	vld [tilespmem:s12+$0x0];
	s15 =	sor.u32 s29, s11;
	v15 =	vadd.f32 v16, v15;
	v6 =	vmax.f32 v6, v9  }
0x1e3: {  	s30 =	sand.u32 $0x7, s10;
	v8 =	vand.u32 $0x1C00, v35;
	v42 =	vld [tilespmem:s15+$0x0];
	v31 =	vmul.f32 v11, v11;
	v10 =	vadd.f32 v11, v10  }
0x1e4: {  	s12 =	sshll.u32 s30, $0x4;
	v45 =	vld [tilespmem:s15+$0x80];
	v33 =	vmul.f32 v12, v12;
	v6 =	vmax.f32 v6, v11;
	v8 =	vor.u32 v8, v36  }
0x1e5: {  	v47 =	vld [tilespmem:s15+$0x100];
	s12 =	sadd.s32 s6, s12;
	v15 =	vadd.f32 v29, v15;
	v6 =	vmax.f32 v6, v12;
	v10 =	vadd.f32 v12, v10  }
0x1e6: {  	v50 =	vld [tilespmem:s15+$0x180];
	v39 =	vmul.f32 v13, v13;
	s31 =	sadd.s32 $0x10, s12;
	v40 =	vmul.f32 v14, v14;
	v6 =	vmax.f32 v6, v13  }
0x1e7: {  	s30 =	sor.u32 $0x280, s31;
	v41 =	vmul.f32 v17, v17;
	v15 =	vadd.f32 v30, v15;
	v10 =	vadd.f32 v13, v10  }
0x1e8: {  	s15 =	sor.u32 $0x300, s31;
	v22 =	vld [tilespmem:s30+$0x0];
	v11 =	vand.u32 $0x380, v38;
	v6 =	vmax.f32 v6, v14;
	v46 =	vmul.f32 v18, v18  }
0x1e9: {  	v25 =	vld [tilespmem:s15+$0x0];
	v38 =	vor.u32 s28, v0;
	v6 =	vmax.f32 v6, v17;
	v10 =	vadd.f32 v14, v10  }
0x1ea: {  	v52 =	vadd.f32 v45, v42;
	v29 =	vmul.f32 v42, v42;
	v30 =	vmul.f32 v45, v45  }
0x1eb: {  	s17 =	sor.u32 $0x200, s31;
	v59 =	vmul.f32 v47, v47;
	v62 =	vmul.f32 v50, v50;
	v10 =	vadd.f32 v17, v10  }
0x1ec: {  	v54 =	vld [tilespmem:s17+$0x0];
	s17 =	sor.u32 s29, s9;
	v32 =	vadd.f32 v31, v15;
	v43 =	vmax.f32 v6, v18;
	v58 =	vadd.f32 v30, v29  }
0x1ed: {  	v31 =	vld [tilespmem:s17+$0x0];
	v15 =	vand.u32 $0x5F, v38;
	v30 =	vmul.f32 v22, v22;
	v7 =	vadd.f32 v18, v10  }
0x1ee: {  	v36 =	vmul.f32 v25, v25;
	v61 =	vadd.f32 v59, v58;
	v18 =	vadd.f32 v47, v52  }
0x1ef: {  	v10 =	vand.u32 $0xFFFFE000, v37;
	(erf) = vrcp.f32 v7;
	v7 =	vadd.f32 v33, v32;
	v33 =	vld [tilespmem:s2+$0xFFFFFFF0]  }
0x1f0: {  	s31 =	sor.u32 s28, s6;
	s29 =	sor.u32 s29, s7;
	v37 =	vmov s28;
	s28 =	sadd.s32 $0x20, s0;
	v8 =	vor.u32 v10, v8;
	v18 =	vadd.f32 v50, v18  }
0x1f1: {  	s15 =	sor.u32 $0x380, s31;
	v60 =	vld [tilespmem:s29+$0x0];
	v10 =	vmax.f32 v42, v45;
	v13 =	vshll.u32 v37, $0x3;
	s29 =	sand.u32 $0x60, s28;
	v7 =	vadd.f32 v39, v7  }
0x1f2: {  	v28 =	vld [tilespmem:s15+$0x0];
	v42 =	vmul.f32 v31, v31;
	v8 =	vor.u32 v11, v8;
	s30 =	sor.u32 s29, s11;
	v18 =	vadd.f32 v54, v18  }
0x1f3: {  	v11 =	vadd.f32 v62, v61;
	v10 =	vmax.f32 v10, v47;
	v19 =	vld [tilespmem:s30+$0x100];
	v7 =	vadd.f32 v40, v7  }
0x1f4: {  	v13 =	vand.u32 $0x1C00, v13;
	v18 =	vadd.f32 v22, v18;
	v14 =	vshll.u32 v33, $0x7  }
0x1f5: {  	v10 =	vmax.f32 v10, v50;
	v7 =	vadd.f32 v41, v7;
	v41 =	vand.u32 $0x380, v14;
	v14 =	vld [tilespmem:s30+$0x80]  }
0x1f6: {  	v13 =	vor.u32 v13, v15;
	v40 =	vshll.u32 v33, $0xA;
	v57 =	vadd.f32 v25, v18  }
0x1f7: {  	v34 =	vmax.f32 v10, v54;
	v39 =	vmul.f32 v28, v28;
	v16 =	vand.u32 $0xFFFFE000, v40  }
0x1f8: {  	v38 =	vmul.f32 v19, v19;
	v7 =	vadd.f32 v46, v7;
	v9 =	vadd.f32 v28, v57;
	v44 =	vpop (erf)  }
0x1f9: {  	v13 =	vor.u32 v16, v13;
	v46 =	vmul.f32 v60, v60;
	v6 =	vmul.f32 v44, v43  }
0x1fa: {  	v7 =	vmul.f32 v44, v7;
	v9 =	vadd.f32 v31, v9;
	v33 =	vmul.f32 v14, v14  }
0x1fb: {  	vm0 =	vgt.f32 v6, $6.666667010e-02;
	vm1 =	vgt.f32 v6, $2.000000180e-01;
	vm7 =	vgt.f32 v6, $2.666666810e-01  }
0x1fc: {  	v8 =	vld.idx.msk [tilespmem:v8+s4+$0x0], $0xffff;
	vm8 =	vgt.f32 v6, $3.333333430e-01;
	vm9 =	vgt.f32 v6, $4.000000360e-01;
	vm10 =	vgt.f32 v6, $4.666666980e-01  }
0x1fd: {  	vm11 =	vgt.f32 v6, $5.333333610e-01;
	vm12 =	vgt.f32 v6, $6.000000240e-01;
	vm13 =	vgt.f32 v6, $6.666666860e-01  }
0x1fe: {  	vm14 =	vgt.f32 v6, $7.333333490e-01;
	v27 =	vmul.f32 v7, v44;
	vm15 =	vgt.f32 v6, $1.333333400e-01  }
0x1ff: {  	vm4 =	vgt.f32 v6, $8.000000710e-01;
	vm5 =	vgt.f32 v6, $8.666667340e-01;
	v9 =	vadd.f32 v60, v9  }
0x200: {  	vm6 =	vgt.f32 v6, $9.333333960e-01;
	v48 =	vsel vm0, $0x1, v3;
	v49 =	vsel vm1, $0x1, v3  }
0x201: {  	v51 =	vsel vm7, $0x1, v3;
	vm0 =	veq.f32 v8, v43;
	v53 =	vsel vm8, $0x1, v3  }
0x202: {  	v55 =	vsel vm9, $0x1, v3;
	v21 =	vsel vm10, $0x1, v3;
	v8 =	vadd.f32 v8, v8  }
0x203: {  	v23 =	vsel vm11, $0x1, v3;
	v24 =	vsel vm12, $0x1, v3;
	v56 =	vsel vm15, v5, v1  }
0x204: {  	v26 =	vsel vm13, $0x1, v3;
	v12 =	vmul.f32 v44, v8;
	v8 =	vadd.s32 v48, v56  }
0x205: {  	v16 =	vld [tilespmem:s30+$0x0];
	v7 =	vsel vm14, $0x1, v3;
	(erf) = vrcp.f32 v9;
	v8 =	vadd.s32 v49, v8  }
0x206: {  	v32 =	vsel vm4, $0x1, v3;
	v9 =	vmax.f32 v34, v22;
	v8 =	vadd.s32 v51, v8  }
0x207: {  	s31 =	sand.u32 $0x3, s26;
	v18 =	vld [tilespmem:s30+$0x180];
	v63 =	vsel vm5, $0x1, v3;
	v9 =	vmax.f32 v9, v25;
	v8 =	vadd.s32 v53, v8  }
0x208: {  	s17 =	sshll.u32 s31, $0x5;
	v47 =	vsel vm6, $0x1, v3;
	v9 =	vmax.f32 v9, v28;
	v8 =	vadd.s32 v55, v8  }
0x209: {  	s17 =	sadd.s32 s6, s17;
	v9 =	vmax.f32 v9, v31;
	v8 =	vadd.s32 v21, v8;
	v21 =	vmul.f32 v54, v54  }
0x20a: {  	s30 =	sadd.s32 $0x20, s17;
	v12 =	vsub.f32 v27, v12;
	v53 =	vadd.f32 v14, v16;
	v14 =	vmax.f32 v16, v14  }
0x20b: {  	s17 =	sor.u32 $0x200, s30;
	v14 =	vmax.f32 v14, v19;
	v8 =	vadd.s32 v23, v8;
	v11 =	vadd.f32 v21, v11  }
0x20c: {  	v12 =	vadd.f32 $1.000000000e+00, v12;
	v14 =	vmax.f32 v14, v18;
	v23 =	vld [tilespmem:s17+$0x0];
	v8 =	vadd.s32 v24, v8  }
0x20d: {  	v21 =	vadd.f32 v19, v53;
	v8 =	vadd.s32 v26, v8;
	v35 =	vadd.f32 v30, v11  }
0x20e: {  	v44 =	vpop (erf);
	v11 =	vor.u32 v41, v13;
	v43 =	vadd.s32 v7, v8;
	v8 =	vmax.f32 v9, v60  }
0x20f: {  	v21 =	vadd.f32 v18, v21;
	v7 =	vmul.f32 v44, v8;
	v13 =	vadd.s32 v32, v43  }
0x210: {  	s31 =	sor.u32 $0x280, s30;
	v43 =	vmul.f32 v18, v18;
	v10 =	vadd.f32 v36, v35;
	v13 =	vadd.s32 v63, v13  }
0x211: {  	v58 =	vld [tilespmem:s31+$0x0];
	v21 =	vadd.f32 v23, v21;
	v36 =	vmul.f32 v16, v16;
	v14 =	vmax.f32 v14, v23  }
0x212: {  	s15 =	sor.u32 $0x300, s30;
	vm7 =	vgt.f32 v7, $6.666667010e-02;
	v9 =	vadd.s32 v47, v13;
	vm8 =	vgt.f32 v7, $2.000000180e-01  }
0x213: {  	vm9 =	vgt.f32 v7, $2.666666810e-01;
	vm10 =	vgt.f32 v7, $3.333333430e-01;
	vm11 =	vgt.f32 v7, $4.000000360e-01  }
0x214: {  	vm12 =	vgt.f32 v7, $4.666666980e-01;
	vm13 =	vgt.f32 v7, $5.333333610e-01;
	vm14 =	vgt.f32 v7, $6.000000240e-01  }
0x215: {  	s17 =	sor.u32 s28, s6;
	vm15 =	vgt.f32 v7, $6.666666860e-01;
	vm4 =	vgt.f32 v7, $1.333333400e-01;
	vm5 =	vgt.f32 v7, $7.333333490e-01  }
0x216: {  	v61 =	vld [tilespmem:s15+$0x0];
	s15 =	sor.u32 $0x380, s17;
	vm6 =	vgt.f32 v7, $8.000000710e-01;
	v47 =	vmov s28;
	v14 =	vmax.f32 v14, v58  }
0x217: {  	v34 =	vld [tilespmem:s15+$0x0];
	v10 =	vadd.f32 v39, v10;
	v49 =	vsel vm7, $0x1, v3;
	v51 =	vsel vm8, $0x1, v3  }
0x218: {  	v52 =	vsel vm9, $0x1, v3;
	v54 =	vsel vm10, $0x1, v3;
	v55 =	vsel vm11, $0x1, v3  }
0x219: {  	v57 =	vsel vm12, $0x1, v3;
	v59 =	vsel vm13, $0x1, v3;
	v60 =	vsel vm14, $0x1, v3  }
0x21a: {  	v62 =	vsel vm15, $0x1, v3;
	v63 =	vsel vm4, v5, v1;
	v21 =	vadd.f32 v58, v21  }
0x21b: {  	s30 =	sor.u32 s29, s9;
	v37 =	vadd.f32 v33, v36;
	v40 =	vsel vm5, $0x1, v3;
	v14 =	vmax.f32 v14, v61  }
0x21c: {  	v39 =	vld [tilespmem:s30+$0x0];
	vm7 =	vgt.f32 v7, $8.666667340e-01;
	vm8 =	vgt.f32 v7, $9.333333960e-01;
	v14 =	vmax.f32 v14, v34  }
0x21d: {  	v35 =	vsel vm8, $0x1, v3;
	v45 =	vadd.f32 v42, v10;
	v10 =	vld.idx.msk [tilespmem:v11+s4+$0x0], $0xffff;
	v11 =	vadd.s32 v49, v63  }
0x21e: {  	v41 =	vadd.f32 v61, v21;
	v42 =	vadd.f32 v38, v37;
	v49 =	vor.u32 s28, v0  }
0x21f: {  	v11 =	vadd.s32 v51, v11;
	v51 =	vmul.f32 v58, v58;
	v58 =	vsel vm7, $0x1, v3  }
0x220: {  	v48 =	vadd.f32 v46, v45;
	v11 =	vadd.s32 v52, v11;
	v20 =	vadd.f32 v34, v41  }
0x221: {  	v13 =	vadd.f32 v43, v42;
	v46 =	vmul.f32 v23, v23;
	v11 =	vadd.s32 v54, v11  }
0x222: {  	s17 =	sadd.s32 $0x30, s12;
	s28 =	sadd.s32 $0x30, s0;
	v45 =	vld [tilespmem:s2+$0x0];
	v54 =	vmul.f32 v61, v61;
	v14 =	vmax.f32 v14, v39;
	v50 =	vmul.f32 v44, v48  }
0x223: {  	s12 =	sor.u32 $0x200, s17;
	s15 =	sand.u32 $0x70, s28;
	v11 =	vadd.s32 v55, v11;
	v48 =	vadd.f32 v39, v20;
	v13 =	vadd.f32 v46, v13  }
0x224: {  	v28 =	vld [tilespmem:s12+$0x0];
	s11 =	sor.u32 s15, s11;
	v20 =	vand.u32 $0x6F, v49;
	v55 =	vsel vm6, $0x1, v3;
	v56 =	vadd.f32 v10, v10  }
0x225: {  	v23 =	vld [tilespmem:s11+$0x0];
	v11 =	vadd.s32 v57, v11;
	v57 =	vmul.f32 v39, v39;
	v22 =	vmul.f32 v50, v44  }
0x226: {  	v19 =	vld [tilespmem:s11+$0x100];
	v50 =	vshll.u32 v47, $0x3;
	v13 =	vadd.f32 v51, v13;
	v11 =	vadd.s32 v59, v11  }
0x227: {  	v15 =	vmul.f32 v44, v56;
	v17 =	vand.u32 $0x1C00, v50;
	v52 =	vshll.u32 v45, $0xA  }
0x228: {  	s31 =	sor.u32 s29, s7;
	v24 =	vshll.u32 v45, $0x7;
	v56 =	vmul.f32 v34, v34;
	v11 =	vadd.s32 v60, v11  }
0x229: {  	v44 =	vld [tilespmem:s31+$0x0];
	v17 =	vor.u32 v17, v20;
	v20 =	vand.u32 $0xFFFFE000, v52;
	v53 =	vand.u32 $0x380, v24  }
0x22a: {  	v13 =	vadd.f32 v54, v13;
	v59 =	vadd.s32 v62, v11;
	v42 =	vmul.f32 v23, v23  }
0x22b: {  	v24 =	vld [tilespmem:s11+$0x80];
	v47 =	vmul.f32 v19, v19;
	v54 =	vmul.f32 v28, v28;
	v63 =	vsub.f32 v22, v15  }
0x22c: {  	v17 =	vor.u32 v20, v17;
	v13 =	vadd.f32 v56, v13;
	v56 =	vmov s28  }
0x22d: {  	v20 =	vadd.s32 v40, v59;
	v22 =	vld [tilespmem:s11+$0x180];
	v32 =	vshll.u32 v56, $0x3;
	v18 =	vadd.f32 $1.000000000e+00, v63  }
0x22e: {  	s7 =	sor.u32 s15, s7;
	v16 =	vadd.f32 v44, v48;
	v60 =	vadd.f32 v57, v13;
	v61 =	vmul.f32 v44, v44  }
0x22f: {  	s30 =	sor.u32 $0x280, s17;
	v59 =	vld [tilespmem:s7+$0x0];
	v13 =	vmax.f32 v14, v44;
	v57 =	vor.u32 s28, v0;
	v32 =	vand.u32 $0x1C00, v32  }
0x230: {  	s11 =	sor.u32 $0x300, s17;
	v44 =	vld [tilespmem:s30+$0x0];
	v39 =	vadd.f32 v24, v23;
	v43 =	vmul.f32 v24, v24;
	v33 =	vand.u32 $0x7F, v57  }
0x231: {  	v48 =	vld [tilespmem:s11+$0x0];
	v23 =	vmax.f32 v23, v24;
	v12 =	vadd.f32 v18, v12;
	(erf) = vrcp.f32 v16  }
0x232: {  	v16 =	vor.u32 v53, v17;
	v17 =	vadd.s32 v55, v20;
	v50 =	vmul.f32 v22, v22  }
0x233: {  	s9 =	sor.u32 s15, s9;
	v53 =	vld [tilespmem:s2+$0x10];
	v17 =	vadd.s32 v58, v17;
	v26 =	vadd.f32 v19, v39;
	v46 =	vadd.f32 v43, v42  }
0x234: {  	s31 =	sor.u32 s28, s6;
	v55 =	vld [tilespmem:s9+$0x0];
	v19 =	vmax.f32 v23, v19;
	v42 =	vmul.f32 v59, v59;
	v15 =	vadd.s32 v35, v17  }
0x235: {  	s11 =	sor.u32 $0x380, s31;
	v19 =	vmax.f32 v19, v22;
	v26 =	vadd.f32 v22, v26;
	v20 =	vadd.f32 v47, v46  }
0x236: {  	v51 =	vld [tilespmem:s11+$0x0];
	v58 =	vmul.f32 v44, v44;
	v35 =	vmul.f32 v48, v48;
	v19 =	vmax.f32 v19, v28  }
0x237: {  	v19 =	vmax.f32 v19, v44;
	v11 =	vld.idx.msk [tilespmem:v16+s4+$0x0], $0xffff;
	v16 =	vadd.f32 v61, v60;
	v49 =	vadd.f32 v28, v26  }
0x238: {  	v20 =	vadd.f32 v50, v20;
	v60 =	vor.u32 v32, v33;
	v61 =	vshll.u32 v53, $0xA  }
0x239: {  	v21 =	vshll.u32 v53, $0x7;
	v39 =	vmul.f32 v55, v55;
	v19 =	vmax.f32 v19, v48  }
0x23a: {  	v32 =	vand.u32 $0xFFFFE000, v61;
	v21 =	vand.u32 $0x380, v21;
	v25 =	vadd.f32 v44, v49  }
0x23b: {  	v19 =	vmax.f32 v19, v51;
	v20 =	vadd.f32 v54, v20;
	v26 =	vor.u32 v32, v60  }
0x23c: {  	v19 =	vmax.f32 v19, v55;
	v21 =	vor.u32 v21, v26;
	v62 =	vpop (erf);
	v25 =	vadd.f32 v48, v25  }
0x23d: {  	v19 =	vmax.f32 v19, v59;
	v20 =	vadd.f32 v58, v20;
	v14 =	vmul.f32 v62, v13  }
0x23e: {  	v16 =	vmul.f32 v62, v16;
	v36 =	vadd.f32 v11, v11;
	v25 =	vadd.f32 v51, v25  }
0x23f: {  	v20 =	vadd.f32 v35, v20;
	vm9 =	vgt.f32 v14, $6.666667010e-02;
	vm10 =	vgt.f32 v14, $2.000000180e-01  }
0x240: {  	vm11 =	vgt.f32 v14, $2.666666810e-01;
	v16 =	vmul.f32 v16, v62;
	vm12 =	vgt.f32 v14, $3.333333430e-01  }
0x241: {  	v17 =	vmul.f32 v62, v36;
	vm13 =	vgt.f32 v14, $1.333333400e-01;
	v25 =	vadd.f32 v55, v25  }
0x242: {  	vm14 =	vgt.f32 v14, $4.000000360e-01;
	v62 =	vsel vm0, $0x3F800000, v3;
	vm15 =	vgt.f32 v14, $4.666666980e-01  }
0x243: {  	vm4 =	vgt.f32 v14, $5.333333610e-01;
	vm5 =	vgt.f32 v14, $6.000000240e-01;
	v25 =	vadd.f32 v59, v25  }
0x244: {  	vm6 =	vgt.f32 v14, $6.666666860e-01;
	vm7 =	vgt.f32 v14, $7.333333490e-01;
	vm8 =	vgt.f32 v14, $8.000000710e-01  }
0x245: {  	v37 =	vsel vm9, $0x1, v3;
	v45 =	vsel vm13, v5, v1;
	(erf) = vrcp.f32 v25  }
0x246: {  	v38 =	vsel vm10, $0x1, v3;
	v16 =	vsub.f32 v16, v17;
	v17 =	vadd.s32 v37, v45  }
0x247: {  	v40 =	vsel vm11, $0x1, v3;
	v17 =	vadd.s32 v38, v17;
	v38 =	vmul.f32 v51, v51  }
0x248: {  	v41 =	vsel vm12, $0x1, v3;
	v52 =	vsel vm14, $0x1, v3;
	v17 =	vadd.s32 v40, v17  }
0x249: {  	v63 =	vsel vm15, $0x1, v3;
	v17 =	vadd.s32 v41, v17;
	v20 =	vadd.f32 v38, v20  }
0x24a: {  	v36 =	vsel vm4, $0x1, v3;
	v21 =	vld.idx.msk [tilespmem:v21+s4+$0x0], $0xffff;
	v43 =	vsel vm8, $0x1, v3;
	v17 =	vadd.s32 v52, v17  }
0x24b: {  	vm9 =	vgt.f32 v14, $8.666667340e-01;
	v17 =	vadd.s32 v63, v17;
	v20 =	vadd.f32 v39, v20  }
0x24c: {  	vm10 =	vgt.f32 v14, $9.333333960e-01;
	v37 =	vsel vm5, $0x1, v3;
	v17 =	vadd.s32 v36, v17  }
0x24d: {  	v40 =	vsel vm6, $0x1, v3;
	v17 =	vadd.s32 v37, v17;
	v20 =	vadd.f32 v42, v20  }
0x24e: {  	v46 =	vsel vm9, $0x1, v3;
	v41 =	vsel vm7, $0x1, v3;
	v17 =	vadd.s32 v40, v17;
	v44 =	vpop (erf)  }
0x24f: {  	v45 =	vadd.f32 v21, v21;
	v17 =	vadd.s32 v41, v17;
	v20 =	vmul.f32 v44, v20  }
0x250: {  	v47 =	vsel vm10, $0x1, v3;
	v17 =	vadd.s32 v43, v17;
	v22 =	vmul.f32 v44, v19  }
0x251: {  	v17 =	vadd.s32 v46, v17;
	v24 =	vmul.f32 v44, v45;
	v20 =	vmul.f32 v20, v44  }
0x252: {  	v16 =	vadd.f32 $1.000000000e+00, v16;
	v17 =	vadd.s32 v47, v17;
	vm11 =	vgt.f32 v22, $6.666667010e-02  }
0x253: {  	vm12 =	vgt.f32 v22, $2.000000180e-01;
	vm13 =	vgt.f32 v22, $1.333333400e-01;
	v20 =	vsub.f32 v20, v24  }
0x254: {  	vm14 =	vgt.f32 v22, $2.666666810e-01;
	vm15 =	vgt.f32 v22, $3.333333430e-01;
	vm4 =	vgt.f32 v22, $4.000000360e-01  }
0x255: {  	v48 =	vsel vm11, $0x1, v3;
	v51 =	vsel vm13, v5, v1;
	v20 =	vadd.f32 $1.000000000e+00, v20  }
0x256: {  	v53 =	vld [tilespmem:$0x9380];
	vm5 =	vgt.f32 v22, $4.666666980e-01;
	v49 =	vsel vm12, $0x1, v3;
	v23 =	vadd.s32 v48, v51  }
0x257: {  	v50 =	vsel vm14, $0x1, v3;
	v23 =	vadd.s32 v49, v23;
	v16 =	vadd.f32 v20, v16  }
0x258: {  	vm6 =	vgt.f32 v22, $5.333333610e-01;
	v52 =	vsel vm15, $0x1, v3;
	v55 =	vadd.s32 v50, v23  }
0x259: {  	v54 =	vsel vm4, $0x1, v3;
	v20 =	vadd.s32 v52, v55;
	v12 =	vadd.f32 v16, v12  }
0x25a: {  	vm7 =	vgt.f32 v22, $6.000000240e-01;
	v56 =	vsel vm5, $0x1, v3;
	v18 =	vadd.s32 v54, v20  }
0x25b: {  	v57 =	vsel vm6, $0x1, v3;
	v16 =	vadd.s32 v56, v18;
	v12 =	vadd.f32 v12, v53  }
0x25c: {  	vm8 =	vgt.f32 v22, $6.666666860e-01;
	v58 =	vsel vm7, $0x1, v3;
	v16 =	vadd.s32 v57, v16  }
0x25d: {  	vm9 =	vgt.f32 v22, $7.333333490e-01;
	v59 =	vsel vm8, $0x1, v3;
	v16 =	vadd.s32 v58, v16;
	[tilespmem:$0x9380] =	vst v12  }
0x25e: {  	vm10 =	vgt.f32 v22, $8.000000710e-01;
	v60 =	vsel vm9, $0x1, v3;
	v16 =	vadd.s32 v59, v16;
	[tilespmem:v9+s20+$0x0] =	vst.idx.add.f32.msk $0xffff, v4  }
0x25f: {  	v61 =	vsel vm10, $0x1, v3;
	vm11 =	vgt.f32 v22, $8.666667340e-01;
	v12 =	vadd.s32 v60, v16;
	[tilespmem:v9+s21+$0x0] =	vst.idx.add.f32.msk $0xffff, v6  }
0x260: {  	vm12 =	vgt.f32 v22, $9.333333960e-01;
	v12 =	vadd.s32 v61, v12;
	v6 =	vsel vm11, $0x1, v3;
	[tilespmem:v9+s22+$0x0] =	vst.idx.add.f32.msk $0xffff, v62  }
0x261: {  	vm13 =	veq.f32 v10, v8;
	v62 =	vsel vm12, $0x1, v3;
	v6 =	vadd.s32 v6, v12;
	[tilespmem:v15+s20+$0x0] =	vst.idx.add.f32.msk $0xffff, v4  }
0x262: {  	v63 =	vsel vm13, $0x3F800000, v3;
	v6 =	vadd.s32 v62, v6;
	[tilespmem:v15+s21+$0x0] =	vst.idx.add.f32.msk $0xffff, v7  }
0x263: {  	[tilespmem:v15+s22+$0x0] =	vst.idx.add.f32.msk $0xffff, v63  }
0x264: {  	p2 =	sne.s32 s6, $0x1E00;
	vm14 =	veq.f32 v11, v13;
	[tilespmem:v17+s20+$0x0] =	vst.idx.add.f32.msk $0xffff, v4  }
.Ltmp5:
0x265: {  	v7 =	vsel vm14, $0x3F800000, v3;
	[tilespmem:v17+s21+$0x0] =	vst.idx.add.f32.msk $0xffff, v14;
	(pc) =	sbr.rel @p2 .LBB2_8-.Ltmp5, $4  }
0x266: {  	[tilespmem:v17+s22+$0x0] =	vst.idx.add.f32.msk $0xffff, v7  }
0x267: {  	vm15 =	veq.f32 v21, v19;
	[tilespmem:v6+s20+$0x0] =	vst.idx.add.f32.msk $0xffff, v4  }
0x268: {  	s10 =	sadd.s32 $0x4, s10;
	p1 =	por !p1, !p1;
	s26 =	sadd.s32 $0x2, s26;
	v7 =	vsel vm15, $0x3F800000, v3;
	[tilespmem:v6+s21+$0x0] =	vst.idx.add.f32.msk $0xffff, v22  }
0x269: {  	s0 =	sadd.s32 $0x40, s0;
	s6 =	sadd.s32 $0x200, s6;
	s2 =	sadd.s32 $0x40, s2;
	[tilespmem:v6+s22+$0x0] =	vst.idx.add.f32.msk $0xffff, v7  }
.Ltmp6:
0x26a: {  	(pc) =	sbr.rel @p0 .LBB2_12-.Ltmp6, $1  }
0x26b: {  	_ =	sdelay $0x3  }
0x26c: {  	s0 =	simm.s32 $0x0;
	s2 =	rddreg [dreg:$0x6]  }
0x26d: {  	[tilespmem:s25], [sflag:$0x2] =	stream.linear.gather [hbm4b:s2+s0], $0x400, $0x38;
	[tilespmem:$0x9480] =	vst v63  }
0x26e: {  	s6 =	simm.s32 $0x8C00;
	s2 =	sadd.s32 $0x1E8480, s2  }
0x26f: {  	[tilespmem:s6], [sflag:$0x2] =	stream.linear.gather [hbm4b:s2+s0], $0x100, $0x38;
	[tilespmem:$0x9480] =	vst v63  }
0x270: {  	s30 =	rddreg [dreg:$0x7];
	s31 =	simm.s32 $0x9000  }
0x271: {  	[tilespmem:s31], [sflag:$0x4] =	stream.linear.gather [hbm4b:s30+s0], $0x80, $0x38;
	[tilespmem:$0x9480] =	vst v63  }
0x272: {  	_ =	swait.ge [sflag:s23], $0x500  }
0x273: {  	[sflag:s23] =	ssyncset.done $0x0  }
0x274: {  	[sflag:s23] =	ssyncadd.s32 $0xFFFFFB00  }
0x275: {  	_ =	swait.ge [sflag:s24], $0x80  }
0x276: {  	[sflag:s24] =	ssyncset.done $0x0  }
0x277: {  	p1 =	por $0x1, $0x1;
	[sflag:s24] =	ssyncadd.s32 $0xFFFFFF80  }
.LBB2_11:
0x278: {  	v6 =	vld [tilespmem:s0+$0x8800]  }
0x279: {  	v7 =	vld [tilespmem:s0+$0x8880]  }
0x27a: {  	v8 =	vld [tilespmem:s0+$0x8900]  }
0x27b: {  	v9 =	vld [tilespmem:s0+$0x8980]  }
0x27c: {  	v11 =	vld [tilespmem:s0+$0x8A00]  }
0x27d: {  	v12 =	vld [tilespmem:s0+$0x8A80]  }
0x27e: {  	v13 =	vld [tilespmem:s0+$0x8B00]  }
0x27f: {  	v16 =	vld [tilespmem:s0+$0x8B80]  }
0x280: {  	v17 =	vld [tilespmem:s0+$0x8C00]  }
0x281: {  	v18 =	vld [tilespmem:s0+$0x9000];
	v10 =	vadd.f32 v7, v6  }
0x282: {  	v19 =	vld [tilespmem:s0+$0x8C80]  }
0x283: {  	v54 =	vld [tilespmem:s0+$0x8810];
	v10 =	vadd.f32 v8, v10  }
0x284: {  	v55 =	vld [tilespmem:s0+$0x8890];
	v14 =	vmul.f32 v6, v6  }
0x285: {  	v58 =	vld [tilespmem:s0+$0x8910];
	v15 =	vmul.f32 v7, v7;
	v44 =	vmul.f32 v8, v8;
	v10 =	vadd.f32 v9, v10  }
0x286: {  	v60 =	vld [tilespmem:s0+$0x8990];
	v45 =	vmul.f32 v9, v9;
	v46 =	vmul.f32 v11, v11  }
0x287: {  	v24 =	vld [tilespmem:s0+$0x9010];
	v47 =	vmul.f32 v12, v12;
	v18 =	vshll.u32 v18, $0x7;
	v10 =	vadd.f32 v11, v10  }
0x288: {  	v48 =	vmul.f32 v13, v13;
	v50 =	vmul.f32 v16, v16;
	v6 =	vmax.f32 v6, v7  }
0x289: {  	v51 =	vmul.f32 v17, v17;
	v14 =	vadd.f32 v15, v14;
	v10 =	vadd.f32 v12, v10  }
0x28a: {  	v53 =	vmul.f32 v19, v19;
	v61 =	vadd.f32 v55, v54;
	v25 =	vmul.f32 v54, v54  }
0x28b: {  	v26 =	vmul.f32 v55, v55;
	v14 =	vadd.f32 v44, v14;
	v10 =	vadd.f32 v13, v10  }
0x28c: {  	v63 =	vld [tilespmem:s0+$0x8A10];
	v39 =	vmul.f32 v58, v58;
	v41 =	vmul.f32 v60, v60;
	v42 =	vshll.u32 v24, $0x7  }
0x28d: {  	v40 =	vld [tilespmem:s0+$0x8C90];
	v18 =	vor.u32 s0, v18;
	v14 =	vadd.f32 v45, v14;
	v10 =	vadd.f32 v16, v10  }
0x28e: {  	v6 =	vmax.f32 v6, v8;
	v18 =	vor.u32 v0, v18;
	v25 =	vadd.f32 v26, v25  }
0x28f: {  	v6 =	vmax.f32 v6, v9;
	v14 =	vadd.f32 v46, v14;
	v10 =	vadd.f32 v17, v10  }
0x290: {  	v33 =	vadd.f32 v58, v61;
	v6 =	vmax.f32 v6, v11;
	v25 =	vadd.f32 v39, v25  }
0x291: {  	v36 =	vld [tilespmem:s0+$0x8A90];
	v6 =	vmax.f32 v6, v12;
	v14 =	vadd.f32 v47, v14;
	v10 =	vadd.f32 v19, v10  }
0x292: {  	v20 =	vld [tilespmem:s0+$0x8B10];
	v44 =	vmul.f32 v63, v63;
	v9 =	vmax.f32 v54, v55;
	v54 =	vmul.f32 v40, v40  }
0x293: {  	v23 =	vld [tilespmem:s0+$0x8B90];
	v49 =	vadd.f32 v48, v14;
	v14 =	vadd.f32 v60, v33;
	(erf) = vrcp.f32 v10  }
0x294: {  	v29 =	vld [tilespmem:s0+$0x8C10];
	s2 =	sor.u32 $0x10, s0;
	v6 =	vmax.f32 v6, v13;
	v9 =	vmax.f32 v9, v58;
	v43 =	vadd.f32 v41, v25  }
0x295: {  	v6 =	vmax.f32 v6, v16;
	v52 =	vld.idx.msk [tilespmem:v18+s25+$0x0], $0xffff;
	v16 =	vor.u32 s2, v42;
	v14 =	vadd.f32 v63, v14  }
0x296: {  	v15 =	vld [tilespmem:s0+$0x8920];
	v45 =	vadd.f32 v44, v43;
	v46 =	vmul.f32 v36, v36;
	v16 =	vor.u32 v0, v16  }
0x297: {  	v6 =	vmax.f32 v6, v17;
	v44 =	vld [tilespmem:s0+$0x9020];
	v7 =	vadd.f32 v50, v49;
	v14 =	vadd.f32 v36, v14  }
0x298: {  	v18 =	vadd.f32 v46, v45;
	v47 =	vmul.f32 v20, v20;
	v13 =	vmax.f32 v9, v60;
	v60 =	vld [tilespmem:s0+$0x8A20]  }
0x299: {  	v6 =	vmax.f32 v6, v19;
	v17 =	vld [tilespmem:s0+$0x88A0];
	v7 =	vadd.f32 v51, v7;
	v14 =	vadd.f32 v20, v14  }
0x29a: {  	v57 =	vadd.f32 v52, v52;
	v50 =	vadd.f32 v47, v18;
	v51 =	vmul.f32 v23, v23  }
0x29b: {  	v46 =	vmul.f32 v15, v15;
	v7 =	vadd.f32 v53, v7;
	v9 =	vld.idx.msk [tilespmem:v16+s25+$0x0], $0xffff;
	v14 =	vadd.f32 v23, v14  }
0x29c: {  	vm0 =	veq.f32 v52, v6;
	v52 =	vmul.f32 v29, v29;
	v10 =	vadd.f32 v51, v50;
	v56 =	vpop (erf)  }
0x29d: {  	v51 =	vmul.f32 v60, v60;
	v14 =	vadd.f32 v29, v14;
	v7 =	vmul.f32 v56, v7  }
0x29e: {  	v43 =	vmul.f32 v17, v17;
	v10 =	vadd.f32 v52, v10;
	v52 =	vshll.u32 v44, $0x7  }
0x29f: {  	v14 =	vadd.f32 v40, v14;
	v12 =	vmul.f32 v56, v57;
	v59 =	vmul.f32 v7, v56  }
0x2a0: {  	v10 =	vadd.f32 v54, v10;
	v58 =	vadd.f32 v9, v9;
	v7 =	vmul.f32 v56, v6  }
0x2a1: {  	(erf) = vrcp.f32 v14;
	v6 =	vsel vm0, $0x3F800000, v3;
	v62 =	vsub.f32 v59, v12  }
0x2a2: {  	vm6 =	vgt.f32 v7, $6.666667010e-02;
	vm1 =	vgt.f32 v7, $2.000000180e-01;
	vm7 =	vgt.f32 v7, $2.666666810e-01  }
0x2a3: {  	vm8 =	vgt.f32 v7, $3.333333430e-01;
	vm9 =	vgt.f32 v7, $4.000000360e-01;
	vm10 =	vgt.f32 v7, $4.666666980e-01  }
0x2a4: {  	vm11 =	vgt.f32 v7, $1.333333400e-01;
	vm12 =	vgt.f32 v7, $5.333333610e-01;
	vm13 =	vgt.f32 v7, $6.000000240e-01  }
0x2a5: {  	vm14 =	vgt.f32 v7, $6.666666860e-01;
	vm15 =	vgt.f32 v7, $7.333333490e-01;
	vm4 =	vgt.f32 v7, $8.000000710e-01  }
0x2a6: {  	vm5 =	vgt.f32 v7, $8.666667340e-01;
	v12 =	vmax.f32 v13, v63;
	v34 =	vsel vm6, $0x1, v3  }
0x2a7: {  	v35 =	vsel vm1, $0x1, v3;
	v37 =	vsel vm7, $0x1, v3;
	v38 =	vsel vm8, $0x1, v3  }
0x2a8: {  	v21 =	vsel vm9, $0x1, v3;
	v22 =	vsel vm10, $0x1, v3;
	v27 =	vsel vm12, $0x1, v3  }
0x2a9: {  	v28 =	vsel vm11, v5, v1;
	v30 =	vsel vm13, $0x1, v3;
	v31 =	vsel vm14, $0x1, v3  }
0x2aa: {  	v13 =	vld [tilespmem:s0+$0x8820];
	v48 =	vsel vm15, $0x1, v3;
	v49 =	vsel vm4, $0x1, v3;
	v53 =	vsel vm5, $0x1, v3  }
0x2ab: {  	v12 =	vmax.f32 v12, v36;
	vm6 =	vgt.f32 v7, $9.333333960e-01;
	v11 =	vadd.s32 v34, v28  }
0x2ac: {  	v32 =	vld [tilespmem:s0+$0x8BA0];
	s30 =	sor.u32 $0x20, s0;
	v8 =	vadd.f32 $1.000000000e+00, v62;
	v12 =	vmax.f32 v12, v20;
	v11 =	vadd.s32 v35, v11  }
0x2ad: {  	v18 =	vsel vm6, $0x1, v3;
	v28 =	vor.u32 s30, v52;
	v11 =	vadd.s32 v37, v11  }
0x2ae: {  	v12 =	vmax.f32 v12, v23;
	v28 =	vor.u32 v0, v28;
	v11 =	vadd.s32 v38, v11  }
0x2af: {  	v56 =	vpop (erf);
	v59 =	vadd.f32 v17, v13;
	v42 =	vmul.f32 v13, v13;
	v13 =	vmax.f32 v13, v17;
	v17 =	vld [tilespmem:s0+$0x8830]  }
0x2b0: {  	v55 =	vmax.f32 v12, v29;
	v57 =	vmul.f32 v56, v10;
	v11 =	vadd.s32 v21, v11;
	v21 =	vld [tilespmem:s0+$0x89A0]  }
0x2b1: {  	v47 =	vld [tilespmem:s0+$0x8C20];
	v20 =	vmul.f32 v56, v58;
	v58 =	vmul.f32 v32, v32;
	v11 =	vadd.s32 v22, v11  }
0x2b2: {  	v39 =	vld [tilespmem:s0+$0x8B20];
	v13 =	vmax.f32 v13, v15;
	v45 =	vadd.f32 v43, v42;
	v11 =	vadd.s32 v27, v11  }
0x2b3: {  	v19 =	vmul.f32 v57, v56;
	v61 =	vadd.f32 v15, v59;
	v11 =	vadd.s32 v30, v11  }
0x2b4: {  	v36 =	vld [tilespmem:s0+$0x8AA0];
	v23 =	vadd.f32 v46, v45;
	v11 =	vadd.s32 v31, v11;
	v46 =	vmul.f32 v17, v17  }
0x2b5: {  	v14 =	vadd.s32 v48, v11;
	v11 =	vmax.f32 v55, v40;
	v12 =	vadd.f32 v21, v61  }
0x2b6: {  	v48 =	vmul.f32 v21, v21;
	v13 =	vmax.f32 v13, v21;
	v61 =	vmul.f32 v47, v47  }
0x2b7: {  	v14 =	vadd.s32 v49, v14;
	v10 =	vmul.f32 v56, v11;
	v56 =	vmul.f32 v39, v39  }
0x2b8: {  	v13 =	vmax.f32 v13, v60;
	v16 =	vadd.s32 v53, v14;
	v12 =	vadd.f32 v60, v12  }
0x2b9: {  	v23 =	vadd.f32 v48, v23;
	v53 =	vmul.f32 v36, v36;
	v13 =	vmax.f32 v13, v36  }
0x2ba: {  	vm7 =	vgt.f32 v10, $6.666667010e-02;
	vm8 =	vgt.f32 v10, $2.000000180e-01;
	vm9 =	vgt.f32 v10, $2.666666810e-01  }
0x2bb: {  	vm10 =	vgt.f32 v10, $3.333333430e-01;
	vm11 =	vgt.f32 v10, $1.333333400e-01;
	vm12 =	vgt.f32 v10, $4.000000360e-01  }
0x2bc: {  	vm13 =	vgt.f32 v10, $4.666666980e-01;
	vm14 =	vgt.f32 v10, $5.333333610e-01;
	v12 =	vadd.f32 v36, v12  }
0x2bd: {  	vm15 =	vgt.f32 v10, $6.000000240e-01;
	vm4 =	vgt.f32 v10, $6.666666860e-01;
	vm5 =	vgt.f32 v10, $7.333333490e-01  }
0x2be: {  	vm6 =	vgt.f32 v10, $8.000000710e-01;
	v13 =	vmax.f32 v13, v39;
	v12 =	vadd.f32 v39, v12  }
0x2bf: {  	v49 =	vld [tilespmem:s0+$0x8CA0];
	v16 =	vadd.s32 v18, v16;
	v62 =	vsel vm7, $0x1, v3;
	v63 =	vsel vm8, $0x1, v3  }
0x2c0: {  	v37 =	vsel vm9, $0x1, v3;
	v38 =	vsel vm10, $0x1, v3;
	v12 =	vadd.f32 v32, v12  }
0x2c1: {  	v40 =	vsel vm12, $0x1, v3;
	v41 =	vsel vm11, v5, v1;
	v33 =	vsel vm13, $0x1, v3  }
0x2c2: {  	v34 =	vsel vm14, $0x1, v3;
	v50 =	vsel vm15, $0x1, v3;
	v12 =	vadd.f32 v47, v12  }
0x2c3: {  	v23 =	vadd.f32 v51, v23;
	v54 =	vsel vm4, $0x1, v3;
	v55 =	vsel vm5, $0x1, v3  }
0x2c4: {  	v59 =	vsel vm6, $0x1, v3;
	vm7 =	vgt.f32 v10, $8.666667340e-01;
	v12 =	vadd.f32 v49, v12  }
0x2c5: {  	v13 =	vmax.f32 v13, v32;
	v22 =	vadd.s32 v62, v41;
	v41 =	vsub.f32 v19, v20  }
0x2c6: {  	v24 =	vld [tilespmem:s0+$0x8A30];
	v22 =	vadd.s32 v63, v22;
	v23 =	vadd.f32 v53, v23;
	(erf) = vrcp.f32 v12  }
0x2c7: {  	vm8 =	vgt.f32 v10, $9.333333960e-01;
	v13 =	vmax.f32 v13, v47;
	v63 =	vld [tilespmem:s0+$0x88B0];
	v22 =	vadd.s32 v37, v22  }
0x2c8: {  	v26 =	vld [tilespmem:s0+$0x8930];
	v18 =	vadd.f32 $1.000000000e+00, v41;
	v22 =	vadd.s32 v38, v22;
	v57 =	vadd.f32 v56, v23  }
0x2c9: {  	v27 =	vld [tilespmem:s0+$0x8B30];
	v13 =	vmax.f32 v13, v49;
	v39 =	vsel vm8, $0x1, v3;
	v22 =	vadd.s32 v40, v22  }
0x2ca: {  	v8 =	vadd.f32 v18, v8;
	v22 =	vadd.s32 v33, v22;
	v60 =	vadd.f32 v58, v57  }
0x2cb: {  	v33 =	vsel vm7, $0x1, v3;
	v58 =	vmul.f32 v24, v24;
	v22 =	vadd.s32 v34, v22;
	v12 =	vld.idx.msk [tilespmem:v28+s25+$0x0], $0xffff  }
0x2cc: {  	v23 =	vld [tilespmem:s0+$0x89B0];
	v38 =	vadd.f32 v63, v17;
	v14 =	vadd.f32 v61, v60;
	v28 =	vmul.f32 v49, v49  }
0x2cd: {  	v47 =	vmul.f32 v63, v63;
	v17 =	vmax.f32 v17, v63;
	v62 =	vadd.s32 v50, v22  }
0x2ce: {  	v50 =	vmul.f32 v26, v26;
	v61 =	vmul.f32 v27, v27;
	v14 =	vadd.f32 v28, v14  }
0x2cf: {  	v19 =	vld [tilespmem:s0+$0x8AB0];
	v17 =	vmax.f32 v17, v26;
	v21 =	vadd.s32 v54, v62;
	v40 =	vadd.f32 v26, v38;
	v35 =	vpop (erf)  }
0x2d0: {  	v56 =	vld [tilespmem:s0+$0x8CB0];
	v21 =	vadd.s32 v55, v21;
	v37 =	vadd.f32 v12, v12;
	v36 =	vmul.f32 v35, v14  }
0x2d1: {  	v53 =	vld [tilespmem:s0+$0x9030];
	v30 =	vadd.f32 v47, v46;
	v17 =	vmax.f32 v17, v23;
	v34 =	vadd.s32 v59, v21  }
0x2d2: {  	v42 =	vadd.f32 v23, v40;
	v21 =	vmul.f32 v35, v37;
	v25 =	vmul.f32 v36, v35  }
0x2d3: {  	v48 =	vld [tilespmem:s0+$0x8BB0];
	v55 =	vmul.f32 v23, v23;
	v17 =	vmax.f32 v17, v24;
	v54 =	vadd.f32 v50, v30  }
0x2d4: {  	v51 =	vld [tilespmem:s0+$0x8C30];
	v59 =	vmul.f32 v19, v19;
	v20 =	vsub.f32 v25, v21;
	v21 =	vadd.f32 v24, v42  }
0x2d5: {  	v40 =	vmul.f32 v56, v56;
	v17 =	vmax.f32 v17, v19;
	v15 =	vadd.s32 v33, v34  }
0x2d6: {  	s31 =	sor.u32 $0x30, s0;
	v28 =	vshll.u32 v53, $0x7;
	v29 =	vadd.f32 v55, v54;
	v21 =	vadd.f32 v19, v21  }
0x2d7: {  	v17 =	vmax.f32 v17, v27;
	v15 =	vadd.s32 v39, v15;
	v28 =	vor.u32 s31, v28  }
0x2d8: {  	v17 =	vmax.f32 v17, v48;
	v29 =	vadd.f32 v58, v29;
	v21 =	vadd.f32 v27, v21  }
0x2d9: {  	v28 =	vor.u32 v0, v28;
	v17 =	vmax.f32 v17, v51;
	v14 =	vmul.f32 v35, v13  }
0x2da: {  	v17 =	vmax.f32 v17, v56;
	v29 =	vadd.f32 v59, v29;
	v21 =	vadd.f32 v48, v21  }
0x2db: {  	vm9 =	vgt.f32 v14, $6.666667010e-02;
	vm10 =	vgt.f32 v14, $1.333333400e-01;
	vm11 =	vgt.f32 v14, $2.000000180e-01  }
0x2dc: {  	vm12 =	vgt.f32 v14, $2.666666810e-01;
	vm13 =	vgt.f32 v14, $3.333333430e-01;
	v21 =	vadd.f32 v51, v21  }
0x2dd: {  	vm14 =	vgt.f32 v14, $4.000000360e-01;
	vm15 =	vgt.f32 v14, $4.666666980e-01;
	vm4 =	vgt.f32 v14, $5.333333610e-01  }
0x2de: {  	vm5 =	vgt.f32 v14, $6.000000240e-01;
	v35 =	vmul.f32 v48, v48;
	v21 =	vadd.f32 v56, v21  }
0x2df: {  	vm6 =	vgt.f32 v14, $6.666666860e-01;
	vm7 =	vgt.f32 v14, $7.333333490e-01;
	v36 =	vmul.f32 v51, v51  }
0x2e0: {  	v43 =	vsel vm9, $0x1, v3;
	v49 =	vsel vm10, v5, v1;
	(erf) = vrcp.f32 v21  }
0x2e1: {  	vm8 =	vgt.f32 v14, $8.000000710e-01;
	v44 =	vsel vm11, $0x1, v3;
	v25 =	vadd.s32 v43, v49  }
0x2e2: {  	v45 =	vsel vm12, $0x1, v3;
	v25 =	vadd.s32 v44, v25;
	v21 =	vadd.f32 v61, v29  }
0x2e3: {  	v52 =	vsel vm13, $0x1, v3;
	v57 =	vsel vm14, $0x1, v3;
	v25 =	vadd.s32 v45, v25  }
0x2e4: {  	v60 =	vsel vm15, $0x1, v3;
	v25 =	vadd.s32 v52, v25;
	v21 =	vadd.f32 v35, v21  }
0x2e5: {  	v39 =	vld.idx.msk [tilespmem:v28+s25+$0x0], $0xffff;
	v62 =	vsel vm4, $0x1, v3;
	v63 =	vsel vm5, $0x1, v3;
	v25 =	vadd.s32 v57, v25  }
0x2e6: {  	v37 =	vsel vm6, $0x1, v3;
	v25 =	vadd.s32 v60, v25;
	v21 =	vadd.f32 v36, v21  }
0x2e7: {  	v38 =	vsel vm7, $0x1, v3;
	v41 =	vsel vm8, $0x1, v3;
	v25 =	vadd.s32 v62, v25  }
0x2e8: {  	vm9 =	vgt.f32 v14, $8.666667340e-01;
	v22 =	vadd.s32 v63, v25;
	v42 =	vadd.f32 v40, v21  }
0x2e9: {  	vm10 =	vgt.f32 v14, $9.333333960e-01;
	v46 =	vsel vm9, $0x1, v3;
	v43 =	vadd.s32 v37, v22;
	v44 =	vpop (erf)  }
0x2ea: {  	v45 =	vadd.f32 v39, v39;
	v21 =	vadd.s32 v38, v43;
	v19 =	vmul.f32 v44, v42  }
0x2eb: {  	v47 =	vsel vm10, $0x1, v3;
	v21 =	vadd.s32 v41, v21;
	v22 =	vmul.f32 v44, v17  }
0x2ec: {  	v21 =	vadd.s32 v46, v21;
	v24 =	vmul.f32 v44, v45;
	v19 =	vmul.f32 v19, v44  }
0x2ed: {  	v20 =	vadd.f32 $1.000000000e+00, v20;
	v21 =	vadd.s32 v47, v21;
	vm11 =	vgt.f32 v22, $6.666667010e-02  }
0x2ee: {  	vm12 =	vgt.f32 v22, $2.000000180e-01;
	vm13 =	vgt.f32 v22, $1.333333400e-01;
	v19 =	vsub.f32 v19, v24  }
0x2ef: {  	vm14 =	vgt.f32 v22, $2.666666810e-01;
	vm15 =	vgt.f32 v22, $3.333333430e-01;
	vm4 =	vgt.f32 v22, $4.000000360e-01  }
0x2f0: {  	v48 =	vsel vm11, $0x1, v3;
	v51 =	vsel vm13, v5, v1;
	v19 =	vadd.f32 $1.000000000e+00, v19  }
0x2f1: {  	v53 =	vld [tilespmem:$0x9380];
	vm5 =	vgt.f32 v22, $4.666666980e-01;
	v49 =	vsel vm12, $0x1, v3;
	v24 =	vadd.s32 v48, v51  }
0x2f2: {  	v50 =	vsel vm14, $0x1, v3;
	v24 =	vadd.s32 v49, v24;
	v54 =	vadd.f32 v19, v20  }
0x2f3: {  	vm6 =	vgt.f32 v22, $5.333333610e-01;
	v52 =	vsel vm15, $0x1, v3;
	v56 =	vadd.s32 v50, v24  }
0x2f4: {  	v55 =	vsel vm4, $0x1, v3;
	v20 =	vadd.s32 v52, v56;
	v8 =	vadd.f32 v54, v8  }
0x2f5: {  	vm7 =	vgt.f32 v22, $6.000000240e-01;
	v57 =	vsel vm5, $0x1, v3;
	v19 =	vadd.s32 v55, v20  }
0x2f6: {  	v58 =	vsel vm6, $0x1, v3;
	v18 =	vadd.s32 v57, v19;
	v8 =	vadd.f32 v8, v53  }
0x2f7: {  	vm8 =	vgt.f32 v22, $6.666666860e-01;
	v59 =	vsel vm7, $0x1, v3;
	v18 =	vadd.s32 v58, v18  }
0x2f8: {  	vm9 =	vgt.f32 v22, $7.333333490e-01;
	v60 =	vsel vm8, $0x1, v3;
	v18 =	vadd.s32 v59, v18;
	[tilespmem:$0x9380] =	vst v8  }
0x2f9: {  	vm10 =	vgt.f32 v22, $8.000000710e-01;
	v61 =	vsel vm9, $0x1, v3;
	v18 =	vadd.s32 v60, v18;
	[tilespmem:v16+s20+$0x0] =	vst.idx.add.f32.msk $0xffff, v4  }
0x2fa: {  	v62 =	vsel vm10, $0x1, v3;
	vm11 =	vgt.f32 v22, $8.666667340e-01;
	v8 =	vadd.s32 v61, v18;
	[tilespmem:v16+s21+$0x0] =	vst.idx.add.f32.msk $0xffff, v7  }
0x2fb: {  	vm12 =	vgt.f32 v22, $9.333333960e-01;
	v8 =	vadd.s32 v62, v8;
	v7 =	vsel vm11, $0x1, v3;
	[tilespmem:v16+s22+$0x0] =	vst.idx.add.f32.msk $0xffff, v6  }
0x2fc: {  	vm13 =	veq.f32 v9, v11;
	v6 =	vsel vm12, $0x1, v3;
	v7 =	vadd.s32 v7, v8;
	[tilespmem:v15+s20+$0x0] =	vst.idx.add.f32.msk $0xffff, v4  }
0x2fd: {  	v63 =	vsel vm13, $0x3F800000, v3;
	v6 =	vadd.s32 v6, v7;
	[tilespmem:v15+s21+$0x0] =	vst.idx.add.f32.msk $0xffff, v10  }
0x2fe: {  	[tilespmem:v15+s22+$0x0] =	vst.idx.add.f32.msk $0xffff, v63  }
0x2ff: {  	p2 =	por p1, p1;
	vm14 =	veq.f32 v12, v13;
	[tilespmem:v21+s20+$0x0] =	vst.idx.add.f32.msk $0xffff, v4  }
.Ltmp7:
0x300: {  	v7 =	vsel vm14, $0x3F800000, v3;
	[tilespmem:v21+s21+$0x0] =	vst.idx.add.f32.msk $0xffff, v14;
	(pc) =	sbr.rel @p2 .LBB2_11-.Ltmp7, $4  }
0x301: {  	[tilespmem:v21+s22+$0x0] =	vst.idx.add.f32.msk $0xffff, v7  }
0x302: {  	vm15 =	veq.f32 v39, v17;
	[tilespmem:v6+s20+$0x0] =	vst.idx.add.f32.msk $0xffff, v4  }
0x303: {  	v7 =	vsel vm15, $0x3F800000, v3;
	[tilespmem:v6+s21+$0x0] =	vst.idx.add.f32.msk $0xffff, v22  }
0x304: {  	p1 =	por $0x0, $0x0;
	s0 =	simm.s32 $0x40;
	[tilespmem:v6+s22+$0x0] =	vst.idx.add.f32.msk $0xffff, v7  }
.Ltmp8:
0x305: {  	_ = 	snop;
	(pc) =	sbr.rel .LBB2_12-.Ltmp8, $1  }
0x306: {  	_ =	sdelay $0x3  }
.LBB2_13:
0x307: {  	_ =	sfence.sel $0x180000  }
0x308: {  	[bflag:$0x0] =	sbarrier.arrive $0xFFFF  }
0x309: {  	_ =	strace $0x90000047  }
0x30a: {  	s0 =	stileid.u32;
	[bflag:$0x2] =	sbarrier.arrive $0xFFFF  }
0x30b: {  	p0 =	sne.s32 s0, $0x0;
	s0 =	rddreg [dreg:$0x3]  }
0x30c: {  	s0 =	sadd.s32 @!p0 $0x100000, s0  }
0x30d: {  	[sflag:s0] =	ssyncadd.tile.s32 @!p0 $0x1;
	_ =	shalt  }
.Lfunc_end2:
_tile_overlayer_lowered:
.L_overlay_start_2:
0x30e: {  	(tag) =	ssettag $0x2  }
0x30f: {  	s0 =	rddreg [dreg:$0x0];
	s2 =	stileid.u32  }
0x310: {  	s1 =	rddreg [dreg:$0x1];
	p0 =	sne.s32 s2, $0x0  }
0x311: {  	s3 =	rddreg [dreg:$0x2];
	[bflag:$0x3] =	sbarrier.arrive $0xFFFF;
	s2 =	simm.s32 @!p0 $0x1C05  }
0x312: {  	[timem:s3], [sflag:s2] =	dma.local @!p0 [hbm:s0], s1  }
0x313: {  	s0 =	simm.s32 @!p0 $0x5  }
0x314: {  	_ =	swait.ge @!p0 [sflag:s0], s1  }
0x315: {  	s1 =	ssub.s32 @!p0 $0x0, s1;
	[sflag:s0] =	ssyncset.done @!p0 $0x0  }
0x316: {  	[sflag:s0] =	ssyncadd.s32 @!p0 s1  }
0x317: {  	[bflag:$0x3] =	sbarrier.arrive $0xFFFF  }
0x318: {  	_ =	shalt  }

// kernel: kernel.7.cloned.1.call-start
scs
__scs_entry_jumppad:
0x0: {  	(pc) =	sbr.rel $0x88, $3  }
0x1: {  	(tag) =	ssettag $0x0;
	lr =	simm.s32 $0x1  }
0x2: {  	[smem:$0x3F9F] =	sst lr;
	_ =	strace $0xD0000000  }
0x3: {  	_ = 	snop  }
0x4: {  	_ = 	snop  }
0x5: {  	_ = 	snop  }
0x6: {  	_ = 	snop  }
0x7: {  	_ = 	snop  }
__scs_overlays_trampoline_lowered:
0x8: {  	[smem:$0x3FAE] =	sst s0  }
0x9: {  	[smem:$0x3FAF] =	sst s1  }
0xa: {  	[smem:$0x3FB0] =	sst s2  }
0xb: {  	[smem:$0x3FB1] =	sst s3  }
0xc: {  	[smem:$0x3FB2] =	sst s4  }
0xd: {  	[smem:$0x3FB3] =	sst s5  }
0xe: {  	[smem:$0x3FB4] =	sst s6  }
0xf: {  	[smem:$0x3FB5] =	sst s7  }
0x10: {  	[smem:$0x3FB6] =	sst s8  }
0x11: {  	[smem:$0x3FB7] =	sst s9;
	s0 =	simm.s32 @!p0 $0x0  }
0x12: {  	s1 =	sld [smem:$0x3F9D];
	s0 =	simm.s32 @p0 $0x1  }
0x13: {  	[smem:$0x3FB8] =	sst s0;
	s0 =	simm.s32 @!p1 $0x0  }
0x14: {  	s2 =	sld [smem:$0x3F9C];
	s0 =	simm.s32 @p1 $0x1  }
0x15: {  	[smem:$0x3FB9] =	sst s0;
	s0 =	simm.s32 @!p2 $0x0  }
0x16: {  	s3 =	sld [smem:$0x3FDB];
	s0 =	simm.s32 @p2 $0x1  }
0x17: {  	s4 =	simm.s32 $0x1BF5;
	[smem:$0x3FBB] =	sst s0  }
0x18: {  	s0 =	sld [smem:$0x3F9E];
	_ =	swait.ge [sflag:s4], $0x0  }
0x19: {  	s7 =	sld [smem:$0x3F9F]  }
0x1a: {  	s8 =	sadd.s32 $0xFFFFE003, lr  }
0x1b: {  	s9 =	sadd.s32 $0xFFFFFEF7, lr;
	s5 =	simm.s32 $0xFFFFFFFF;
	p2 =	slt.u32 s8, $0xFFFFF086  }
0x1c: {  	p1 =	slt.u32 s9, $0xF7A;
	s5 =	simm.s32 @!p2 $0x0  }
0x1d: {  	s5 =	simm.s32 @p1 $0x1;
	p0 =	seq.s32 s7, s2  }
0x1e: {  	s7 =	smul.u32 @!p0 $0xF7A, s2;
	p2 =	seq.s32 @!p0 s5, $0x0  }
0x1f: {  	s9 =	smul.u32 $0xF7A, s1;
	s8 =	simm.s32 @!p0 $0x1BF5;
	p2 =	por !p2, p0  }
0x20: {  	[sflag:s8] =	ssyncset.s32 @!p0 $0xFFFFF086;
	s6 =	sadd.s32 @!p0 s3, s7;
	s7 =	simm.s32 @!p0 $0x108  }
0x21: {  	s3 =	sadd.s32 s3, s9;
	s6 =	sadd.s32 @!p0 $0x88, s6;
	s7 =	simm.s32 @p2 $0x1082  }
0x22: {  	[simem:s7], [sflag:s8] =	dma.local @!p0 [hbm:s6], $0xF7A  }
0x23: {  	s9 =	sor.u32 $0xD0000000, s2;
	s6 =	simm.s32 $0x108;
	_ =	swait.ge @!p0 [sflag:s8], $0x0  }
0x24: {  	s3 =	sadd.s32 $0x88, s3;
	s6 =	simm.s32 @!p1 $0x1082;
	[sflag:s4] =	ssyncset.s32 $0xFFFFF086  }
0x25: {  	[simem:s6], [sflag:s4] =	dma.local [hbm:s3], $0xF7A  }
0x26: {  	[smem:$0x3F9F] =	sst s1;
	(tag) =	ssettag s2;
	_ =	strace s9  }
0x27: {  	s1 =	sld [smem:$0x3FAF]  }
0x28: {  	s2 =	sld [smem:$0x3FB0]  }
0x29: {  	s4 =	sld [smem:$0x3FB2]  }
0x2a: {  	p0 =	seq.s32 s5, $0x0;
	s5 =	sld [smem:$0x3FB3]  }
0x2b: {  	s6 =	sld [smem:$0x3FB4]  }
0x2c: {  	s7 =	sld [smem:$0x3FB5]  }
0x2d: {  	s3 =	simm.s32 $0x108;
	s8 =	sld [smem:$0x3FB6]  }
0x2e: {  	s3 =	simm.s32 @!p0 $0x1082;
	s9 =	sld [smem:$0x3FB7]  }
0x2f: {  	lr =	sadd.s32 s0, s3;
	s0 =	sld [smem:$0x3FAE]  }
0x30: {  	s3 =	sld [smem:$0x3FB1]  }
0x31: {  	[smem:$0x3FBA] =	sst s10  }
0x32: {  	s10 =	sld [smem:$0x3FB8];
	_ =	sdelay $0x3  }
0x33: {  	p0 =	seq.s32 s10, $0x1;
	s10 =	sld [smem:$0x3FBA];
	_ =	sdelay $0x3  }
0x34: {  	[smem:$0x3FBA] =	sst s10  }
0x35: {  	s10 =	sld [smem:$0x3FB9];
	_ =	sdelay $0x3  }
0x36: {  	p1 =	seq.s32 s10, $0x1;
	s10 =	sld [smem:$0x3FBA];
	_ =	sdelay $0x3  }
0x37: {  	[smem:$0x3FBA] =	sst s10  }
0x38: {  	s10 =	sld [smem:$0x3FBB]  }
0x39: {  	_ = 	snop;
	(pc) =	sbr.ind lr, $3  }
0x3a: {  	_ = 	snop  }
0x3b: {  	_ = 	snop  }
0x3c: {  	p2 =	seq.s32 s10, $0x1;
	s10 =	sld [smem:$0x3FBA]  }
0x3d: {  	_ =	shalt  }
0x3e: {  	_ =	shalt  }
0x3f: {  	_ =	shalt  }
0x40: {  	_ =	shalt  }
0x41: {  	_ =	shalt  }
0x42: {  	_ =	shalt  }
0x43: {  	_ =	shalt  }
0x44: {  	_ =	shalt  }
0x45: {  	_ =	shalt  }
0x46: {  	_ =	shalt  }
0x47: {  	_ =	shalt  }
0x48: {  	_ =	shalt  }
0x49: {  	_ =	shalt  }
0x4a: {  	_ =	shalt  }
0x4b: {  	_ =	shalt  }
0x4c: {  	_ =	shalt  }
0x4d: {  	_ =	shalt  }
0x4e: {  	_ =	shalt  }
0x4f: {  	_ =	shalt  }
0x50: {  	_ =	shalt  }
0x51: {  	_ =	shalt  }
0x52: {  	_ =	shalt  }
0x53: {  	_ =	shalt  }
0x54: {  	_ =	shalt  }
0x55: {  	_ =	shalt  }
0x56: {  	_ =	shalt  }
0x57: {  	_ =	shalt  }
0x58: {  	_ =	shalt  }
0x59: {  	_ =	shalt  }
0x5a: {  	_ =	shalt  }
0x5b: {  	_ =	shalt  }
0x5c: {  	_ =	shalt  }
0x5d: {  	_ =	shalt  }
0x5e: {  	_ =	shalt  }
0x5f: {  	_ =	shalt  }
0x60: {  	_ =	shalt  }
0x61: {  	_ =	shalt  }
0x62: {  	_ =	shalt  }
0x63: {  	_ =	shalt  }
0x64: {  	_ =	shalt  }
0x65: {  	_ =	shalt  }
0x66: {  	_ =	shalt  }
0x67: {  	_ =	shalt  }
0x68: {  	_ =	shalt  }
0x69: {  	_ =	shalt  }
0x6a: {  	_ =	shalt  }
0x6b: {  	_ =	shalt  }
0x6c: {  	_ =	shalt  }
0x6d: {  	_ =	shalt  }
0x6e: {  	_ =	shalt  }
0x6f: {  	_ =	shalt  }
0x70: {  	_ =	shalt  }
0x71: {  	_ =	shalt  }
0x72: {  	_ =	shalt  }
0x73: {  	_ =	shalt  }
0x74: {  	_ =	shalt  }
0x75: {  	_ =	shalt  }
0x76: {  	_ =	shalt  }
0x77: {  	_ =	shalt  }
0x78: {  	_ =	shalt  }
0x79: {  	_ =	shalt  }
0x7a: {  	_ =	shalt  }
0x7b: {  	_ =	shalt  }
0x7c: {  	_ =	shalt  }
0x7d: {  	_ =	shalt  }
0x7e: {  	_ =	shalt  }
0x7f: {  	_ =	shalt  }
0x80: {  	_ =	shalt  }
0x81: {  	_ =	shalt  }
0x82: {  	_ =	shalt  }
0x83: {  	_ =	shalt  }
0x84: {  	_ =	shalt  }
0x85: {  	_ =	shalt  }
0x86: {  	_ =	shalt  }
0x87: {  	_ =	shalt  }
.Lfunc_end0:
.L_simem_size_0:
called_computation.1_lowered:
.L_overlay_start_0:
0x88: {  	s2 =	sld [smem:$0x3FD9]  }
0x89: {  	s3 =	sld [smem:$0x3FFE];
	_ =	sdelay $0x1  }
0x8a: {  	s1 =	srdreg.scid  }
0x8b: {  	s0 =	sand.u32 $0x1, s1  }
0x8c: {  	s16 =	sshll.u32 s0, $0xA;
	s2 =	sadd.s32 s3, s2  }
0x8d: {  	s2 =	sadd.s32 s2, s16  }
0x8e: {  	[smem:$0x3FC6] =	sst s2  }
0x8f: {  	_ = 	snop  }
0x90: {  	(tm) =	ssettm $0x1  }
0x91: {  	s17 =	sld [smem:$0x3FFB];
	_ =	sdelay $0x3  }
0x92: {  	_ =	strace s17  }
0x93: {  	s2 =	sld [smem:$0x3FFC];
	_ =	sdelay $0x3  }
0x94: {  	_ =	strace s2  }
0x95: {  	s2 =	sld [smem:$0x3FFD];
	_ =	sdelay $0x3  }
0x96: {  	_ =	strace s2  }
0x97: {  	_ =	strace $0x8FFFFFFF  }
0x98: {  	s18 =	sld [smem:$0x3FDB];
	_ =	sdelay $0x1  }
0x99: {  	s19 =	simm.s32 $_scs_section_size  }
0x9a: {  	s4 =	simm.s32 $_size__tile_overlayer_lowered;
	s5 =	simm.s32 $_tile_overlayer_lowered  }
0x9b: {  	s22 =	simm.s32 $0x1BFF;
	s21 =	sshll.u32 s5, $0x1;
	s2 =	sadd.s32 s19, s18  }
0x9c: {  	s6 =	simm.s32 $0x0;
	s20 =	sshll.u32 s4, $0x1;
	s4 =	sadd.s32 s21, s2  }
0x9d: {  	[timem:s6], [sflag:s22] =	dma.local [hbm:s4], s20  }
0x9e: {  	_ =	swait.ge [sflag:s22], s20  }
0x9f: {  	s3 =	ssub.s32 $0x0, s20;
	[sflag:s22] =	ssyncset.done $0x0  }
0xa0: {  	[sflag:s22] =	ssyncadd.s32 s3;
	_ =	sdelay $0x1  }
0xa1: {  	s23 =	simm.s32 $0x1B8B  }
0xa2: {  	_ =	swait.ge [sflag:s23], $0x1  }
0xa3: {  	[sflag:s23] =	ssyncset.done $0x0  }
0xa4: {  	s25 =	simm.s32 $0x1B8E;
	s24 =	sld [smem:$0x3FFE];
	[sflag:s23] =	ssyncadd.s32 $0xFFFFFFFF  }
0xa5: {  	s26 =	simm.s32 $execute0_lowered;
	[smem:$0x3FD2] =	sst s25  }
0xa6: {  	s4 =	sshll.u32 s26, $0x1;
	_ =	strace $0x80000049;
	[dreg:$0x1] =	wrdreg $0xFFFFFFFF  }
0xa7: {  	s28 =	simm.s32 $_size_execute0_lowered;
	s2 =	sadd.s32 s2, s4;
	[dreg:$0x0] =	wrdreg $0x0  }
0xa8: {  	s4 =	sshll.u32 s28, $0x1;
	[dreg:$0x2] =	wrdreg s2  }
0xa9: {  	[dreg:$0x3] =	wrdreg s4  }
0xaa: {  	[dreg:$0x4] =	wrdreg $0xC0  }
0xab: {  	_ =	task [dreg:s6], $0x5FFFF  }
0xac: {  	[dreg:$0x1] =	wrdreg $0xFFFFFFFF  }
0xad: {  	[dreg:$0x0] =	wrdreg $0x60  }
0xae: {  	[dreg:$0x2] =	wrdreg s24  }
0xaf: {  	[dreg:$0x3] =	wrdreg $0x9  }
0xb0: {  	_ =	task.clear_ibuf [dreg:s6], $0x4FFFF;
	_ =	strace $0x90000049  }
0xb1: {  	s29 =	simm.s32 $0x9;
	_ =	strace $0x8000004B  }
0xb2: {  	_ =	swait.ge [sflag:s29], $0x1  }
0xb3: {  	[sflag:s29] =	ssyncadd.s32 $0xFFFFFFFF  }
0xb4: {  	_ =	strace $0x9000004B  }
0xb5: {  	_ =	sfence  }
0xb6: {  	s30 =	sld [smem:$0x0];
	_ =	sdelay $0x2  }
0xb7: {  	s31 =	sshll.u32 s1, $0xD;
	s1 =	sshrl.u32 s1, $0x2  }
0xb8: {  	s3 =	sand.u32 $0x4000, s31;
	s1 =	sadd.s32 s1, s30  }
0xb9: {  	s0 =	sor.u32 s3, s0;
	s1 =	sshll.u32 s1, $0x11  }
0xba: {  	s0 =	sor.u32 s1, s0  }
0xbb: {  	s0 =	sadd.s32 $0x8F2B, s0  }
0xbc: {  	[sflag:s0] =	ssyncadd.remote.s32 $0x1  }
0xbd: {  	_ =	sfence.sel $0xFFFF  }
0xbe: {  	[dreg:$0x0] =	wrdreg $0xFFFFFFFF;
	(pc) =	sbr.abs _section_cstart, $3  }
0xbf: {  	[dreg:$0x1] =	wrdreg $0xFFFFFFFF  }
0xc0: {  	_ =	task.clear_ibuf [dreg:s6], $0x2FFFF;
	_ =	strace $0x9FFFFFFF  }
0xc1: {  	(tm) =	ssettm $0x7FFFFFFF  }
tec
execute0_lowered:
.L_overlay_start_1:
0x0: {  	(tag) =	ssettag $0x1  }
0x1: {  	s3 =	rddreg [dreg:$0x0]  }
0x2: {  	s0 =	rddreg [dreg:$0x1];
	_ =	strace $0x8000004A;
	v0 =	vimm.f32 $2.000000000e+06  }
0x3: {  	(erf) = vrcp.f32 v0  }
0x4: {  	s1 =	srdreg.scid  }
0x5: {  	s2 =	sand.u32 $0x1, s1;
	s1 =	stileid.u32  }
0x6: {  	s4 =	sshll.u32 s1, $0x1;
	s5 =	ssub.s32 $0x0, s2  }
0x7: {  	p0 =	sne.s32 s4, s5  }
.Ltmp0:
0x8: {  	_ = 	snop;
	(pc) =	sbr.rel @p0 .LBB2_3-.Ltmp0, $2  }
0x9: {  	_ =	sdelay $0x2  }
0xa: {  	v0 =	vpop (erf)  }
0xb: {  	s2 =	ssub.s32 $0x2, s2  }
0xc: {  	s5 =	simm.s32 $0x0;
	s4 =	sshrl.u32 s2, $0x1  }
0xd: {  	s6 =	simm.s32 $0x1;
	s7 =	simm.s32 $0x800;
	s4 =	ssub.s32 s2, s4  }
0xe: {  	vm0 =	vmmov $0x1;
	vm1 =	vcmask $0x704;
	vm2 =	vcmask $0xB08;
	s2 =	sadd.s32 $0xA00, s3;
	s3 =	sadd.s32 $0xC00, s3;
	s4 =	smax.u32 s4, $0x1  }
.LBB2_2:
0xf: {  	[tilespmem:s5], [sflag:$0x1] =	stream.linear.gather [hbm4b:s2+s5], $0x800, $0x38;
	[tilespmem:$0x880] =	vst v63  }
0x10: {  	_ =	swait.ge [sflag:s6], $0x800  }
0x11: {  	[sflag:s6] =	ssyncset.done $0x0  }
0x12: {  	[sflag:s6] =	ssyncadd.s32 $0xFFFFF800  }
0x13: {  	v1 =	vld [tilespmem:$0x0]  }
0x14: {  	v2 =	vld [tilespmem:$0x10]  }
0x15: {  	v3 =	vld [tilespmem:$0x20]  }
0x16: {  	v4 =	vld [tilespmem:$0x30]  }
0x17: {  	v5 =	vld [tilespmem:$0x40]  }
0x18: {  	v6 =	vld [tilespmem:$0x50]  }
0x19: {  	v7 =	vld [tilespmem:$0x60]  }
0x1a: {  	v8 =	vld [tilespmem:$0x70]  }
0x1b: {  	v9 =	vld [tilespmem:$0x80]  }
0x1c: {  	v10 =	vld [tilespmem:$0x90]  }
0x1d: {  	v11 =	vld [tilespmem:$0xA0]  }
0x1e: {  	v12 =	vld [tilespmem:$0xB0]  }
0x1f: {  	v13 =	vld [tilespmem:$0xC0]  }
0x20: {  	v14 =	vld [tilespmem:$0xD0]  }
0x21: {  	v15 =	vld [tilespmem:$0xE0]  }
0x22: {  	v16 =	vld [tilespmem:$0xF0]  }
0x23: {  	v17 =	vld [tilespmem:$0x100]  }
0x24: {  	v18 =	vld [tilespmem:$0x110]  }
0x25: {  	v19 =	vld [tilespmem:$0x120]  }
0x26: {  	v20 =	vld [tilespmem:$0x130]  }
0x27: {  	v21 =	vld [tilespmem:$0x140]  }
0x28: {  	v22 =	vld [tilespmem:$0x150]  }
0x29: {  	v23 =	vld [tilespmem:$0x160]  }
0x2a: {  	v24 =	vld [tilespmem:$0x170]  }
0x2b: {  	v25 =	vld [tilespmem:$0x180]  }
0x2c: {  	v26 =	vld [tilespmem:$0x190]  }
0x2d: {  	v27 =	vld [tilespmem:$0x1A0]  }
0x2e: {  	v28 =	vld [tilespmem:$0x1B0]  }
0x2f: {  	v29 =	vld [tilespmem:$0x1C0]  }
0x30: {  	v30 =	vld [tilespmem:$0x1D0]  }
0x31: {  	v31 =	vld [tilespmem:$0x1E0]  }
0x32: {  	v32 =	vld [tilespmem:$0x1F0]  }
0x33: {  	v33 =	vld [tilespmem:$0x200]  }
0x34: {  	v34 =	vld [tilespmem:$0x210]  }
0x35: {  	v35 =	vld [tilespmem:$0x220]  }
0x36: {  	v36 =	vld [tilespmem:$0x230]  }
0x37: {  	v37 =	vld [tilespmem:$0x240]  }
0x38: {  	v38 =	vld [tilespmem:$0x250]  }
0x39: {  	v39 =	vld [tilespmem:$0x260]  }
0x3a: {  	v40 =	vld [tilespmem:$0x270]  }
0x3b: {  	v41 =	vld [tilespmem:$0x280]  }
0x3c: {  	v42 =	vld [tilespmem:$0x290]  }
0x3d: {  	v43 =	vld [tilespmem:$0x2A0]  }
0x3e: {  	v44 =	vld [tilespmem:$0x2B0]  }
0x3f: {  	v45 =	vld [tilespmem:$0x2C0]  }
0x40: {  	v46 =	vld [tilespmem:$0x2D0]  }
0x41: {  	v47 =	vld [tilespmem:$0x2E0]  }
0x42: {  	v48 =	vld [tilespmem:$0x2F0]  }
0x43: {  	v49 =	vld [tilespmem:$0x300]  }
0x44: {  	v50 =	vld [tilespmem:$0x310]  }
0x45: {  	v51 =	vld [tilespmem:$0x320]  }
0x46: {  	v52 =	vld [tilespmem:$0x330]  }
0x47: {  	v53 =	vld [tilespmem:$0x340]  }
0x48: {  	v54 =	vld [tilespmem:$0x350]  }
0x49: {  	v55 =	vld [tilespmem:$0x360]  }
0x4a: {  	v56 =	vld [tilespmem:$0x370]  }
0x4b: {  	v57 =	vld [tilespmem:$0x390];
	v1 =	vadd.f32 v5, v1  }
0x4c: {  	v58 =	vld [tilespmem:$0x3B0]  }
0x4d: {  	v59 =	vld [tilespmem:$0x3D0];
	v1 =	vadd.f32 v9, v1  }
0x4e: {  	v60 =	vld [tilespmem:$0x3F0]  }
0x4f: {  	v61 =	vld [tilespmem:$0x410];
	v1 =	vadd.f32 v13, v1  }
0x50: {  	v62 =	vld [tilespmem:$0x440]  }
0x51: {  	v63 =	vld [tilespmem:$0x480];
	v1 =	vadd.f32 v17, v1  }
0x52: {  	v5 =	vld [tilespmem:$0x380]  }
0x53: {  	v2 =	vadd.f32 v6, v2;
	v6 =	vld [tilespmem:$0x430];
	v1 =	vadd.f32 v21, v1  }
0x54: {  	v3 =	vadd.f32 v7, v3;
	v4 =	vadd.f32 v8, v4;
	v9 =	vld [tilespmem:$0x3A0]  }
0x55: {  	v2 =	vadd.f32 v10, v2;
	v10 =	vld [tilespmem:$0x450];
	v1 =	vadd.f32 v25, v1  }
0x56: {  	v3 =	vadd.f32 v11, v3;
	v11 =	vld [tilespmem:$0x460]  }
0x57: {  	v4 =	vadd.f32 v12, v4;
	v12 =	vld [tilespmem:$0x4E0];
	v1 =	vadd.f32 v29, v1  }
0x58: {  	v13 =	vld [tilespmem:$0x3C0]  }
0x59: {  	v2 =	vadd.f32 v14, v2;
	v14 =	vld [tilespmem:$0x470];
	v1 =	vadd.f32 v33, v1  }
0x5a: {  	v3 =	vadd.f32 v15, v3;
	v4 =	vadd.f32 v16, v4;
	v17 =	vld [tilespmem:$0x3E0]  }
0x5b: {  	v2 =	vadd.f32 v18, v2;
	v18 =	vld [tilespmem:$0x490];
	v1 =	vadd.f32 v37, v1  }
0x5c: {  	v3 =	vadd.f32 v19, v3;
	v19 =	vld [tilespmem:$0x4A0]  }
0x5d: {  	v4 =	vadd.f32 v20, v4;
	v20 =	vld [tilespmem:$0x530];
	v1 =	vadd.f32 v41, v1  }
0x5e: {  	v21 =	vld [tilespmem:$0x400];
	v2 =	vadd.f32 v22, v2;
	v3 =	vadd.f32 v23, v3  }
0x5f: {  	v22 =	vld [tilespmem:$0x4B0];
	v1 =	vadd.f32 v45, v1  }
0x60: {  	v23 =	vld [tilespmem:$0x4D0];
	v2 =	vadd.f32 v26, v2;
	v3 =	vadd.f32 v27, v3  }
0x61: {  	v4 =	vadd.f32 v24, v4;
	v25 =	vld [tilespmem:$0x420];
	v1 =	vadd.f32 v49, v1  }
0x62: {  	v26 =	vld [tilespmem:$0x4F0];
	v2 =	vadd.f32 v30, v2;
	v3 =	vadd.f32 v31, v3  }
0x63: {  	v27 =	vld [tilespmem:$0x510];
	v4 =	vadd.f32 v28, v4;
	v1 =	vadd.f32 v53, v1  }
0x64: {  	v28 =	vld [tilespmem:$0x570];
	v2 =	vadd.f32 v34, v2;
	v3 =	vadd.f32 v35, v3  }
0x65: {  	v4 =	vadd.f32 v32, v4;
	v31 =	vld [tilespmem:$0x620];
	v1 =	vadd.f32 v5, v1  }
0x66: {  	v32 =	vld [tilespmem:$0x640];
	v2 =	vadd.f32 v38, v2;
	v3 =	vadd.f32 v39, v3  }
0x67: {  	v33 =	vld [tilespmem:$0x4C0];
	v1 =	vadd.f32 v13, v1  }
0x68: {  	v34 =	vld [tilespmem:$0x680];
	v2 =	vadd.f32 v42, v2;
	v3 =	vadd.f32 v43, v3  }
0x69: {  	v4 =	vadd.f32 v36, v4;
	v35 =	vld [tilespmem:$0x650];
	v1 =	vadd.f32 v21, v1  }
0x6a: {  	v36 =	vld [tilespmem:$0x6C0];
	v2 =	vadd.f32 v46, v2;
	v3 =	vadd.f32 v47, v3  }
0x6b: {  	v37 =	vld [tilespmem:$0x500];
	v1 =	vadd.f32 v62, v1  }
0x6c: {  	v38 =	vld [tilespmem:$0x700];
	v2 =	vadd.f32 v50, v2;
	v3 =	vadd.f32 v51, v3  }
0x6d: {  	v39 =	vld [tilespmem:$0x670];
	v1 =	vadd.f32 v63, v1  }
0x6e: {  	v41 =	vld [tilespmem:$0x540];
	v2 =	vadd.f32 v54, v2;
	v3 =	vadd.f32 v55, v3  }
0x6f: {  	v4 =	vadd.f32 v40, v4;
	v40 =	vld [tilespmem:$0x740];
	v1 =	vadd.f32 v33, v1  }
0x70: {  	v49 =	vld [tilespmem:$0x580];
	v2 =	vadd.f32 v57, v2;
	v3 =	vadd.f32 v9, v3  }
0x71: {  	v43 =	vld [tilespmem:$0x550];
	v4 =	vadd.f32 v44, v4;
	v1 =	vadd.f32 v37, v1  }
0x72: {  	v54 =	vld [tilespmem:$0x5C0];
	v2 =	vadd.f32 v59, v2;
	v3 =	vadd.f32 v17, v3  }
0x73: {  	v42 =	vld [tilespmem:$0x780];
	v4 =	vadd.f32 v48, v4;
	v1 =	vadd.f32 v41, v1  }
0x74: {  	v2 =	vadd.f32 v61, v2;
	v3 =	vadd.f32 v25, v3;
	v62 =	vld [tilespmem:$0x600]  }
0x75: {  	v44 =	vld [tilespmem:$0x7C0];
	v4 =	vadd.f32 v52, v4;
	v1 =	vadd.f32 v49, v1  }
0x76: {  	v45 =	vld [tilespmem:$0x560];
	v2 =	vadd.f32 v10, v2;
	v3 =	vadd.f32 v11, v3  }
0x77: {  	v4 =	vadd.f32 v56, v4;
	v5 =	vld [tilespmem:$0x520];
	v1 =	vadd.f32 v54, v1  }
0x78: {  	v46 =	vld [tilespmem:$0x6D0];
	v2 =	vadd.f32 v18, v2;
	v3 =	vadd.f32 v19, v3  }
0x79: {  	v47 =	vld [tilespmem:$0x6E0];
	v4 =	vadd.f32 v58, v4;
	v1 =	vadd.f32 v62, v1  }
0x7a: {  	v50 =	vld [tilespmem:$0x590];
	v2 =	vadd.f32 v23, v2;
	v3 =	vadd.f32 v12, v3  }
0x7b: {  	v51 =	vld [tilespmem:$0x5A0];
	v4 =	vadd.f32 v60, v4;
	v1 =	vadd.f32 v32, v1  }
0x7c: {  	v55 =	vld [tilespmem:$0x5D0];
	v2 =	vadd.f32 v27, v2;
	v3 =	vadd.f32 v5, v3  }
0x7d: {  	v57 =	vld [tilespmem:$0x5E0];
	v4 =	vadd.f32 v6, v4;
	v1 =	vadd.f32 v34, v1  }
0x7e: {  	v48 =	vld [tilespmem:$0x710];
	v2 =	vadd.f32 v43, v2;
	v3 =	vadd.f32 v45, v3  }
0x7f: {  	v4 =	vadd.f32 v14, v4;
	v63 =	vld [tilespmem:$0x610];
	v1 =	vadd.f32 v36, v1  }
0x80: {  	v53 =	vld [tilespmem:$0x5B0];
	v2 =	vadd.f32 v50, v2;
	v3 =	vadd.f32 v51, v3  }
0x81: {  	v4 =	vadd.f32 v22, v4;
	v37 =	vld [tilespmem:$0x660];
	v1 =	vadd.f32 v38, v1  }
0x82: {  	v41 =	vld [tilespmem:$0x690];
	v2 =	vadd.f32 v55, v2;
	v3 =	vadd.f32 v57, v3  }
0x83: {  	v4 =	vadd.f32 v26, v4;
	v43 =	vld [tilespmem:$0x6A0];
	v1 =	vadd.f32 v40, v1  }
0x84: {  	v56 =	vld [tilespmem:$0x7E0];
	v2 =	vadd.f32 v63, v2;
	v3 =	vadd.f32 v31, v3  }
0x85: {  	v59 =	vld [tilespmem:$0x5F0];
	v4 =	vadd.f32 v20, v4;
	v1 =	vadd.f32 v42, v1  }
0x86: {  	v33 =	vld [tilespmem:$0x630];
	v2 =	vadd.f32 v35, v2;
	v3 =	vadd.f32 v37, v3  }
0x87: {  	v4 =	vadd.f32 v28, v4;
	v49 =	vld [tilespmem:$0x720];
	v1 =	vadd.f32 v44, v1  }
0x88: {  	v50 =	vld [tilespmem:$0x750];
	v2 =	vadd.f32 v41, v2;
	v3 =	vadd.f32 v43, v3  }
0x89: {  	v4 =	vadd.f32 v53, v4;
	v51 =	vld [tilespmem:$0x760];
	v52 =	vmax.f32 v1, $1.000000000e+00  }
0x8a: {  	v53 =	vld [tilespmem:$0x790];
	v2 =	vadd.f32 v46, v2;
	v3 =	vadd.f32 v47, v3;
	(erf) = vrcp.f32 v52  }
0x8b: {  	v4 =	vadd.f32 v59, v4;
	v54 =	vld [tilespmem:$0x7A0]  }
0x8c: {  	v45 =	vld [tilespmem:$0x6B0];
	v2 =	vadd.f32 v48, v2;
	v3 =	vadd.f32 v49, v3  }
0x8d: {  	v55 =	vld [tilespmem:$0x7D0];
	v4 =	vadd.f32 v33, v4  }
0x8e: {  	v57 =	vld [tilespmem:$0x6F0];
	v2 =	vadd.f32 v50, v2;
	v3 =	vadd.f32 v51, v3  }
0x8f: {  	v4 =	vadd.f32 v39, v4  }
0x90: {  	v58 =	vld [tilespmem:$0x730];
	v2 =	vadd.f32 v53, v2;
	v3 =	vadd.f32 v54, v3  }
0x91: {  	v4 =	vadd.f32 v45, v4  }
0x92: {  	v59 =	vld [tilespmem:$0x770];
	v2 =	vadd.f32 v55, v2;
	v3 =	vadd.f32 v56, v3  }
0x93: {  	v4 =	vadd.f32 v57, v4;
	v60 =	vpop (erf)  }
0x94: {  	v61 =	vld [tilespmem:$0x7B0];
	v2 =	vmul.f32 v60, v2;
	v3 =	vmul.f32 v60, v3  }
0x95: {  	v4 =	vadd.f32 v58, v4  }
0x96: {  	v2 =	vsub.f32 v2, v3;
	v3 =	vld [tilespmem:$0x7F0]  }
0x97: {  	v4 =	vadd.f32 v59, v4  }
0x98: {  	v62 =	vmul.f32 v1, v0  }
0x99: {  	vm3 =	vgt.f32 v1, $0.0e+00;
	v1 =	vadd.f32 v61, v4;
	v2 =	vand.u32 $0x7FFFFFFF, v2  }
0x9a: {  	v2 =	vnsel vm3, $0x0, v2  }
0x9b: {  	v63 =	vmul.f32 v2, v62;
	v1 =	vadd.f32 v3, v1;
	_ =	sdelay $0x1  }
0x9c: {  	(xrf2) =	vadd.scan.msk.f32 $0xffff, v63;
	v1 =	vmul.f32 v1, v0;
	_ =	sdelay $0x1  }
0x9d: {  	(xrf2) =	vadd.scan.msk.f32 $0xffff, v1  }
0x9e: {  	(xrf0) =	vmax.scan.msk.f32 $0xffff, v2;
	_ =	sdelay $0x5  }
0x9f: {  	v2, _, _ =	vpop (xrf0)  }
0xa0: {  	v1, _, _ =	vpop (xrf2)  }
0xa1: {  	v2 =	vbroadcast v2, $0xF;
	v1 =	vbroadcast v1, $0xF  }
0xa2: {  	v3, _, _ =	vpop (xrf2)  }
0xa3: {  	v2 =	vnsel vm1, $0x0, v2;
	v1 =	vnsel vm0, $0x0, v1;
	v3 =	vbroadcast v3, $0xF  }
0xa4: {  	v1 =	vadd.f32 v1, v2  }
0xa5: {  	v2 =	vnsel vm2, $0x0, v3  }
0xa6: {  	v1 =	vadd.f32 v1, v2  }
0xa7: {  	p0 =	sne.s32 s4, $0x1  }
.Ltmp1:
0xa8: {  	[tilespmem:$0x800] =	vst v1;
	(pc) =	sbr.rel @p0 .LBB2_2-.Ltmp1, $4  }
0xa9: {  	[hbm4b:s3+s5] =	stream.linear.scatter [tilespmem:s7], [sflag:$0x1], $0x80, $0x38;
	[tilespmem:$0x880] =	vst v63  }
0xaa: {  	_ =	swait.ge [sflag:s6], $0x80  }
0xab: {  	[sflag:s6] =	ssyncset.done $0x0  }
0xac: {  	s4 =	sadd.s32 $0xFFFFFFFF, s4;
	[sflag:s6] =	ssyncadd.s32 $0xFFFFFF80  }
.LBB2_3:
0xad: {  	_ =	sfence.sel $0x180000  }
0xae: {  	[bflag:$0x0] =	sbarrier.arrive $0xFFFF  }
0xaf: {  	p0 =	sne.s32 s1, $0x0;
	_ =	strace $0x9000004A  }
0xb0: {  	s0 =	sadd.s32 @!p0 $0x100000, s0;
	[bflag:$0x2] =	sbarrier.arrive $0xFFFF  }
0xb1: {  	[sflag:s0] =	ssyncadd.tile.s32 @!p0 $0x1;
	_ =	shalt  }
.Lfunc_end2:
_tile_overlayer_lowered:
.L_overlay_start_2:
0xb2: {  	(tag) =	ssettag $0x2  }
0xb3: {  	s0 =	rddreg [dreg:$0x0];
	s2 =	stileid.u32  }
0xb4: {  	s1 =	rddreg [dreg:$0x1];
	p0 =	sne.s32 s2, $0x0  }
0xb5: {  	s3 =	rddreg [dreg:$0x2];
	[bflag:$0x3] =	sbarrier.arrive $0xFFFF;
	s2 =	simm.s32 @!p0 $0x1C01  }
0xb6: {  	[timem:s3], [sflag:s2] =	dma.local @!p0 [hbm:s0], s1  }
0xb7: {  	s0 =	simm.s32 @!p0 $0x1  }
0xb8: {  	_ =	swait.ge @!p0 [sflag:s0], s1  }
0xb9: {  	s1 =	ssub.s32 @!p0 $0x0, s1;
	[sflag:s0] =	ssyncset.done @!p0 $0x0  }
0xba: {  	[sflag:s0] =	ssyncadd.s32 @!p0 s1  }
0xbb: {  	[bflag:$0x3] =	sbarrier.arrive $0xFFFF  }
0xbc: {  	_ =	shalt  }

</sc_bundles>
